<compile_context>
chip_gen: v7x
topology: tpu7x:2x2x1
jax: 0.10.2.dev20260603
libtpu: 0.0.44.dev20260713+nightly
codegen_flags: <defaults>
</compile_context>

<pallas_src>
import jax
import jax.numpy as jnp
from jax import lax
from jax.experimental import pallas as pl
from jax.experimental.pallas import tpu as pltpu
from jax.experimental.pallas import tpu_sc as plsc

NU = 10000
NI = 10000
E = 160000
DIN = 384
H = 256
BM = 1000

NS = 16
NC = 2
EC = 125
NCH = E // (NS * EC)
KB = 16
NBLK = NCH // KB
GRP = 4
ROWS_PER_TILE = NU // NS



def _split(p):
    return jnp.stack([p[:, :128], p[:, 128:]])


def _proj_left_body(x_ref, w_ref, b_ref, wl_ref, h_ref, p_ref):
    h = jnp.dot(x_ref[:], w_ref[:], preferred_element_type=jnp.float32) + b_ref[:]
    h_ref[:] = h
    p_ref[:] = _split(jnp.dot(h, wl_ref[:], preferred_element_type=jnp.float32))


def _proj_left(x, w, b, wl):
    n, k = x.shape
    return pl.pallas_call(
        _proj_left_body,
        grid=(n // BM,),
        in_specs=[
            pl.BlockSpec((BM, k), lambda m: (m, 0)),
            pl.BlockSpec((k, H), lambda m: (0, 0)),
            pl.BlockSpec((1, H), lambda m: (0, 0)),
            pl.BlockSpec((H, H), lambda m: (0, 0)),
        ],
        out_specs=[
            pl.BlockSpec((BM, H), lambda m: (m, 0)),
            pl.BlockSpec((2, BM, 128), lambda m: (0, m, 0)),
        ],
        out_shape=[
            jax.ShapeDtypeStruct((n, H), jnp.float32),
            jax.ShapeDtypeStruct((2, n, 128), jnp.float32),
        ],
    )(x, w, b.reshape(1, H), wl)


def _epi_body(s_ref, inv_ref, h_ref, w_ref, b_ref, o_ref):
    right = jnp.dot(h_ref[:], w_ref[:], preferred_element_type=jnp.float32) + b_ref[:]
    left = jnp.concatenate([s_ref[0], s_ref[1]], axis=1) * inv_ref[:]
    o_ref[:] = jnp.maximum(left + right, 0.0)


def _epi_left_body(s_ref, inv_ref, h_ref, w_ref, b_ref, wl_ref, o_ref, p_ref):
    right = jnp.dot(h_ref[:], w_ref[:], preferred_element_type=jnp.float32) + b_ref[:]
    left = jnp.concatenate([s_ref[0], s_ref[1]], axis=1) * inv_ref[:]
    o = jnp.maximum(left + right, 0.0)
    o_ref[:] = o
    p_ref[:] = _split(jnp.dot(o, wl_ref[:], preferred_element_type=jnp.float32))


def _epi_left(s2, inv, h, wr, b, wl):
    n = h.shape[0]
    return pl.pallas_call(
        _epi_left_body,
        grid=(n // BM,),
        in_specs=[
            pl.BlockSpec((2, BM, 128), lambda m: (0, m, 0)),
            pl.BlockSpec((BM, 1), lambda m: (m, 0)),
            pl.BlockSpec((BM, H), lambda m: (m, 0)),
            pl.BlockSpec((H, H), lambda m: (0, 0)),
            pl.BlockSpec((1, H), lambda m: (0, 0)),
            pl.BlockSpec((H, H), lambda m: (0, 0)),
        ],
        out_specs=[
            pl.BlockSpec((BM, H), lambda m: (m, 0)),
            pl.BlockSpec((2, BM, 128), lambda m: (0, m, 0)),
        ],
        out_shape=[
            jax.ShapeDtypeStruct((n, H), jnp.float32),
            jax.ShapeDtypeStruct((2, n, 128), jnp.float32),
        ],
    )(s2, inv, h, wr, b.reshape(1, H), wl)


def _epilogue(s2, inv, h, wr, b):
    n = h.shape[0]
    return pl.pallas_call(
        _epi_body,
        grid=(n // BM,),
        in_specs=[
            pl.BlockSpec((2, BM, 128), lambda m: (0, m, 0)),
            pl.BlockSpec((BM, 1), lambda m: (m, 0)),
            pl.BlockSpec((BM, H), lambda m: (m, 0)),
            pl.BlockSpec((H, H), lambda m: (0, 0)),
            pl.BlockSpec((1, H), lambda m: (0, 0)),
        ],
        out_specs=pl.BlockSpec((BM, H), lambda m: (m, 0)),
        out_shape=jax.ShapeDtypeStruct((n, H), jnp.float32),
    )(s2, inv, h, wr, b.reshape(1, H))



_MESH = plsc.VectorSubcoreMesh(core_axis_name="c", subcore_axis_name="s")


def _segsum_body(p2, srcs, dsts, zeros, out, acc, srcv, dstv, rows, gsem, ssem):
    c = lax.axis_index("c")
    s = lax.axis_index("s")
    @pl.when(s < 10)
    def _():
        pltpu.sync_copy(zeros, acc.at[pl.ds(s * 1000, 1000)])
    plsc.subcore_barrier()

    def block(kb, carry):
        pltpu.sync_copy(srcs.at[c, s, kb], srcv)
        pltpu.sync_copy(dsts.at[s, kb], dstv)

        def group(g, carry2):
            base = g * GRP
            g0 = pltpu.async_copy(p2.at[srcv.at[base]], rows.at[0], gsem)
            g1 = pltpu.async_copy(p2.at[srcv.at[base + 1]], rows.at[1], gsem)
            g0.wait()
            s0 = pltpu.async_copy(rows.at[0], acc.at[dstv.at[base]],
                                  ssem.at[0], add=True)
            g1.wait()
            s1 = pltpu.async_copy(rows.at[1], acc.at[dstv.at[base + 1]],
                                  ssem.at[1], add=True)
            s0.wait()
            g2 = pltpu.async_copy(p2.at[srcv.at[base + 2]], rows.at[0], gsem)
            s1.wait()
            g3 = pltpu.async_copy(p2.at[srcv.at[base + 3]], rows.at[1], gsem)
            g2.wait()
            s2 = pltpu.async_copy(rows.at[0], acc.at[dstv.at[base + 2]],
                                  ssem.at[0], add=True)
            g3.wait()
            s3 = pltpu.async_copy(rows.at[1], acc.at[dstv.at[base + 3]],
                                  ssem.at[1], add=True)
            s2.wait()
            s3.wait()
            return carry2

        lax.fori_loop(0, KB // GRP, group, 0)
        return carry

    lax.fori_loop(0, NBLK, block, 0)
    plsc.subcore_barrier()
    @pl.when(s < 10)
    def _():
        pltpu.sync_copy(acc.at[pl.ds(s * 1000, 1000)],
                        out.at[pl.ds(c * NU + s * 1000, 1000)])


_segsum_call = pl.kernel(
    _segsum_body,
    out_type=jax.ShapeDtypeStruct((2 * NU, 128), jnp.float32),
    mesh=_MESH,
    scratch_types=[
        pltpu.VMEM_SHARED((NU, 128), jnp.float32),
        pltpu.VMEM((KB, EC), jnp.int32),
        pltpu.VMEM((KB, EC), jnp.int32),
        pltpu.VMEM((2, EC, 128), jnp.float32),
        pltpu.SemaphoreType.DMA,
        pltpu.SemaphoreType.DMA((2,)),
    ],
)


def _segsum(p2, srcs3, dsts3, zeros):
    return _segsum_call(p2, srcs3, dsts3, zeros).reshape(2, NU, 128)


_EPT = E // NS


def _counts_body(dsts, ones_hbm, zeros, out, acc, dstv, ones_buf, csem):
    c = lax.axis_index("c")
    s = lax.axis_index("s")

    @pl.when(s < 10)
    def _():
        pltpu.sync_copy(zeros, acc.at[pl.ds(s * 1000, 1000)])
    pltpu.sync_copy(ones_hbm, ones_buf)
    pltpu.sync_copy(dsts.at[c, s], dstv)
    plsc.subcore_barrier()

    def group(g, carry):
        base = g * GRP
        descs = []
        for i in range(GRP):
            t = base + i
            descs.append(pltpu.async_copy(
                ones_buf, acc.at[dstv.at[t // KB, t % KB]], csem.at[i],
                add=True))
        for d in descs:
            d.wait()
        return carry

    lax.fori_loop(0, NCH // GRP, group, 0)
    plsc.subcore_barrier()
    @pl.when(s < 10)
    def _():
        pltpu.sync_copy(acc.at[pl.ds(s * 1000, 1000)], out.at[c, pl.ds(s * 1000, 1000)])


_counts_call = pl.kernel(
    _counts_body,
    out_type=jax.ShapeDtypeStruct((2, NU, 128), jnp.float32),
    mesh=_MESH,
    scratch_types=[
        pltpu.VMEM_SHARED((NU, 128), jnp.float32),
        pltpu.VMEM((NBLK, KB, EC), jnp.int32),
        pltpu.VMEM((EC, 128), jnp.float32),
        pltpu.SemaphoreType.DMA((GRP,)),
    ],
)



def kernel(x_user, x_item, ei_u2i, ei_i2u, Win_u, bin_u, Win_i, bin_i, Wl0_u2i, bl0_u2i, Wr0_u2i, br0_u2i, Wl0_i2u, bl0_i2u, Wr0_i2u, br0_i2u, Wl1_u2i, bl1_u2i, Wr1_u2i, br1_u2i, Wl1_i2u, bl1_i2u, Wr1_i2u, br1_i2u):
    def prep(ei, n_src):
        src = ei[0].reshape(NS, NBLK, KB, EC)
        srcs3 = jnp.stack([src, src + n_src])
        dsts3 = ei[1].reshape(NS, NBLK, KB, EC)
        return srcs3, dsts3

    srcs_u2i, dsts_u2i = prep(ei_u2i, NU)
    srcs_i2u, dsts_i2u = prep(ei_i2u, NI)
    zeros = jnp.zeros((1000, 128), jnp.float32)

    dst_both = jnp.stack([dsts_u2i, dsts_i2u])
    ones_p = jnp.ones((EC, 128), jnp.float32)
    cnts = _counts_call(dst_both, ones_p, zeros)
    inv_i = (1.0 / jnp.maximum(cnts[0, :, 0], 1.0)).reshape(NI, 1)
    inv_u = (1.0 / jnp.maximum(cnts[1, :, 0], 1.0)).reshape(NU, 1)

    hu0, pi0 = _proj_left(x_user, Win_u, bin_u, Wl0_u2i)
    hi0, pu0 = _proj_left(x_item, Win_i, bin_i, Wl0_i2u)
    si0 = _segsum(pi0.reshape(2 * NU, 128), srcs_u2i, dsts_u2i, zeros)
    su0 = _segsum(pu0.reshape(2 * NI, 128), srcs_i2u, dsts_i2u, zeros)
    hi1, pu1 = _epi_left(si0, inv_i, hi0, Wr0_u2i, bl0_u2i + br0_u2i, Wl1_i2u)
    hu1, pi1 = _epi_left(su0, inv_u, hu0, Wr0_i2u, bl0_i2u + br0_i2u, Wl1_u2i)
    si1 = _segsum(pi1.reshape(2 * NU, 128), srcs_u2i, dsts_u2i, zeros)
    su1 = _segsum(pu1.reshape(2 * NI, 128), srcs_i2u, dsts_i2u, zeros)
    hi2 = _epilogue(si1, inv_i, hi1, Wr1_u2i, bl1_u2i + br1_u2i)
    hu2 = _epilogue(su1, inv_u, hu1, Wr1_i2u, bl1_i2u + br1_i2u)
    return hu2, hi2

# --- scband reference (transcript-rebuilt; emitter-appended) ---
"""Pipeline reference for scband-hetero-sageencoder-26852135534661 (READ-ONLY COPY).

The authoritative reference and input builder live on the scoring server;
editing this copy changes nothing except your own understanding.
"""

import jax, jax.numpy as jnp
import numpy as np

NU = 10000
NI = 10000
E = 160000
DIN = 384
H = 256

def _seg_mean(data, seg, num):
    s = jax.ops.segment_sum(data, seg, num_segments=num)
    c = jax.ops.segment_sum(jnp.ones((data.shape[0],), jnp.float32), seg, num_segments=num)
    return s / jnp.maximum(c, 1.0)[:, None]

def setup_inputs(seed: int = 0):
    key = jax.random.key(seed)
    ks = jax.random.split(key, 20)
    w = lambda k, i, o: (jax.random.normal(k, (i, o), dtype=jnp.float32) * 0.05)
    inp = {}
    inp["x_user"] = jax.random.normal(ks[0], (NU, DIN), dtype=jnp.float32)
    inp["x_item"] = jax.random.normal(ks[1], (NI, DIN), dtype=jnp.float32)
    inp["ei_u2i"] = jnp.stack([jax.random.randint(ks[2], (E,), 0, NU), jax.random.randint(ks[3], (E,), 0, NI)])
    inp["ei_i2u"] = jnp.stack([jax.random.randint(ks[4], (E,), 0, NI), jax.random.randint(ks[5], (E,), 0, NU)])
    inp["Win_u"] = w(ks[6], DIN, H)
    inp["bin_u"] = jnp.zeros((H,), jnp.float32)
    inp["Win_i"] = w(ks[7], DIN, H)
    inp["bin_i"] = jnp.zeros((H,), jnp.float32)
    idx = 8
    for l in range(2):
        for et in ("u2i", "i2u"):
            inp["Wl%d_%s" % (l, et)] = w(ks[idx], H, H); idx += 1
            inp["bl%d_%s" % (l, et)] = jnp.zeros((H,), jnp.float32)
            inp["Wr%d_%s" % (l, et)] = w(ks[idx], H, H); idx += 1
            inp["br%d_%s" % (l, et)] = jnp.zeros((H,), jnp.float32)
    return inp

def reference(x_user, x_item, ei_u2i, ei_i2u, Win_u, bin_u, Win_i, bin_i, Wl0_u2i, bl0_u2i, Wr0_u2i, br0_u2i, Wl0_i2u, bl0_i2u, Wr0_i2u, br0_i2u, Wl1_u2i, bl1_u2i, Wr1_u2i, br1_u2i, Wl1_i2u, bl1_i2u, Wr1_i2u, br1_i2u):
    # per-node-type input projection (lin_dict)
    hu = x_user @ Win_u + bin_u
    hi = x_item @ Win_i + bin_i
    layers = [
        (Wl0_u2i, bl0_u2i, Wr0_u2i, br0_u2i, Wl0_i2u, bl0_i2u, Wr0_i2u, br0_i2u),
        (Wl1_u2i, bl1_u2i, Wr1_u2i, br1_u2i, Wl1_i2u, bl1_i2u, Wr1_i2u, br1_i2u),
    ]
    for (Wlu2i, blu2i, Wru2i, bru2i, Wli2u, bli2u, Wri2u, bri2u) in layers:
        # SAGEConv per edge type: out = lin_l(mean_agg(x_src)) + lin_r(x_dst)
        agg_i = _seg_mean(hu[ei_u2i[0]], ei_u2i[1], NI)
        new_i = agg_i @ Wlu2i + blu2i + hi @ Wru2i + bru2i
        agg_u = _seg_mean(hi[ei_i2u[0]], ei_i2u[1], NU)
        new_u = agg_u @ Wli2u + bli2u + hu @ Wri2u + bri2u
        # HeteroConv aggr='mean' over one edge type per dst is identity; then relu
        hu = jax.nn.relu(new_u)
        hi = jax.nn.relu(new_i)
    return hu, hi

if __name__ == "__main__":
    import jax
    _d = setup_inputs()
    print(jax.jit(kernel)(*tuple(_d.values())))

</pallas_src>

<mosaic_0001>
#map = affine_map<(d0, d1) -> (0, 0)>
#map1 = affine_map<(d0, d1) -> (0, 0, 0, 0, 0)>
#map2 = affine_map<(d0, d1) -> (0, 0, 0, 0)>
module attributes {stable_mosaic.version = 14 : i64} {
  func.func @_segsum_body(%arg0: i32, %arg1: i32, %arg2: memref<20000x128xf32, #tpu.memory_space<hbm>>, %arg3: memref<2x16x5x16x125xi32, #tpu.memory_space<hbm>>, %arg4: memref<16x5x16x125xi32, #tpu.memory_space<hbm>>, %arg5: memref<1000x128xf32, #tpu.memory_space<hbm>>, %arg6: memref<20000x128xf32, #tpu.memory_space<hbm>>, %arg7: memref<10000x128xf32, #tpu.memory_space<vmem_shared>>, %arg8: memref<16x125xi32, #tpu.memory_space<vmem>>, %arg9: memref<16x125xi32, #tpu.memory_space<vmem>>, %arg10: memref<2x125x128xf32, #tpu.memory_space<vmem>>, %arg11: memref<!tpu.dma_semaphore, #tpu.memory_space<semaphore_mem>>, %arg12: memref<2x!tpu.dma_semaphore, #tpu.memory_space<semaphore_mem>>) attributes {dimension_semantics = [#tpu.dimension_semantics<core_parallel>, #tpu.dimension_semantics<subcore_parallel>], iteration_bounds = array<i64: 2, 16>, scalar_prefetch = 0 : i64, scratch_operands = 6 : i64, tpu.core_type = #tpu.core_type<sc_vector_subcore>, window_params = [{transform_indices = #map}, {transform_indices = #map1}, {transform_indices = #map2}, {transform_indices = #map}, {transform_indices = #map}]} {
    %lt3A = arith.constant 10 : i32
    %lt3A_0 = arith.cmpi slt, %arg1, %lt3A : i32
    %convert_element_type3A = arith.extui %lt3A_0 : i1 to i32
    %cond3A = arith.constant 0 : i32
    %cond3A_1 = arith.cmpi ne, %convert_element_type3A, %cond3A : i32
    scf.if %cond3A_1 {
      %mul3A = arith.constant 1000 : i32
      %mul3A_13 = arith.muli %arg1, %mul3A : i32
      "tpu.region"() ({
        %run_scoped3A = tpu.sem_alloc : memref<!tpu.dma_semaphore, #tpu.memory_space<semaphore_mem>>
        %dma_start3A = arith.constant 0 : i32
        %dma_start3A_14 = tpu.memref_slice %arg7[%mul3A_13, %dma_start3A] : memref<10000x128xf32, #tpu.memory_space<vmem_shared>> -> memref<1000x128xf32, #tpu.memory_space<vmem_shared>>
        tpu.enqueue_dma source(%arg5 : memref<1000x128xf32, #tpu.memory_space<hbm>>) target(%dma_start3A_14 : memref<1000x128xf32, #tpu.memory_space<vmem_shared>>) target_semaphore(%run_scoped3A : memref<!tpu.dma_semaphore, #tpu.memory_space<semaphore_mem>>)
        %dma_wait3A = arith.constant 0 : i32
        %dma_wait3A_15 = tpu.memref_slice %arg7[%mul3A_13, %dma_wait3A] : memref<10000x128xf32, #tpu.memory_space<vmem_shared>> -> memref<1000x128xf32, #tpu.memory_space<vmem_shared>>
        tpu.wait_dma2 semaphore(%run_scoped3A : memref<!tpu.dma_semaphore, #tpu.memory_space<semaphore_mem>>) src(%arg5 : memref<1000x128xf32, #tpu.memory_space<hbm>>) dst(%dma_wait3A_15 : memref<1000x128xf32, #tpu.memory_space<vmem_shared>>)
        tpu.yield
      }) : () -> ()
    } else {
    }
    %barrier3A = arith.constant 0 : index
    tpu.barrier barrier_id(%barrier3A)
    %scan3A = arith.constant 0 : i32
    %scan3A_2 = arith.constant 0 : i32
    %scan3A_3 = arith.constant 5 : i32
    %scan3A_4 = arith.addi %scan3A_2, %scan3A_3 : i32
    %scan3A_5 = arith.constant 1 : i32
    scf.for %scan3A_13 = %scan3A_2 to %scan3A_4 step %scan3A_5  : i32 {
      "tpu.region"() ({
        %run_scoped3A = tpu.sem_alloc : memref<!tpu.dma_semaphore, #tpu.memory_space<semaphore_mem>>
        %dma_start3A = arith.constant 0 : i32
        %dma_start3A_20 = arith.constant 0 : i32
        %dma_start3A_21 = tpu.memref_slice %arg3[%arg0, %arg1, %scan3A_13, %dma_start3A, %dma_start3A_20] : memref<2x16x5x16x125xi32, #tpu.memory_space<hbm>> -> memref<1x1x1x16x125xi32, #tpu.memory_space<hbm>>
        %dma_start3A_22 = tpu.memref_squeeze %dma_start3A_21 : memref<1x1x1x16x125xi32, #tpu.memory_space<hbm>> -> memref<16x125xi32, #tpu.memory_space<hbm>>
        %dma_start3A_23 = arith.constant 0 : i32
        %dma_start3A_24 = arith.constant 0 : i32
        %dma_start3A_25 = tpu.memref_slice %arg3[%arg0, %arg1, %scan3A_13, %dma_start3A_23, %dma_start3A_24] : memref<2x16x5x16x125xi32, #tpu.memory_space<hbm>> -> memref<1x1x1x16x125xi32, #tpu.memory_space<hbm>>
        %dma_start3A_26 = tpu.memref_squeeze %dma_start3A_25 : memref<1x1x1x16x125xi32, #tpu.memory_space<hbm>> -> memref<16x125xi32, #tpu.memory_space<hbm>>
        tpu.enqueue_dma source(%dma_start3A_26 : memref<16x125xi32, #tpu.memory_space<hbm>>) target(%arg8 : memref<16x125xi32, #tpu.memory_space<vmem>>) target_semaphore(%run_scoped3A : memref<!tpu.dma_semaphore, #tpu.memory_space<semaphore_mem>>)
        %dma_wait3A = arith.constant 0 : i32
        %dma_wait3A_27 = arith.constant 0 : i32
        %dma_wait3A_28 = tpu.memref_slice %arg3[%arg0, %arg1, %scan3A_13, %dma_wait3A, %dma_wait3A_27] : memref<2x16x5x16x125xi32, #tpu.memory_space<hbm>> -> memref<1x1x1x16x125xi32, #tpu.memory_space<hbm>>
        %dma_wait3A_29 = tpu.memref_squeeze %dma_wait3A_28 : memref<1x1x1x16x125xi32, #tpu.memory_space<hbm>> -> memref<16x125xi32, #tpu.memory_space<hbm>>
        %dma_wait3A_30 = arith.constant 0 : i32
        %dma_wait3A_31 = arith.constant 0 : i32
        %dma_wait3A_32 = tpu.memref_slice %arg3[%arg0, %arg1, %scan3A_13, %dma_wait3A_30, %dma_wait3A_31] : memref<2x16x5x16x125xi32, #tpu.memory_space<hbm>> -> memref<1x1x1x16x125xi32, #tpu.memory_space<hbm>>
        %dma_wait3A_33 = tpu.memref_squeeze %dma_wait3A_32 : memref<1x1x1x16x125xi32, #tpu.memory_space<hbm>> -> memref<16x125xi32, #tpu.memory_space<hbm>>
        tpu.wait_dma2 semaphore(%run_scoped3A : memref<!tpu.dma_semaphore, #tpu.memory_space<semaphore_mem>>) src(%dma_wait3A_33 : memref<16x125xi32, #tpu.memory_space<hbm>>) dst(%arg8 : memref<16x125xi32, #tpu.memory_space<vmem>>)
        tpu.yield
      }) : () -> ()
      "tpu.region"() ({
        %run_scoped3A = tpu.sem_alloc : memref<!tpu.dma_semaphore, #tpu.memory_space<semaphore_mem>>
        %dma_start3A = arith.constant 0 : i32
        %dma_start3A_20 = arith.constant 0 : i32
        %dma_start3A_21 = tpu.memref_slice %arg4[%arg1, %scan3A_13, %dma_start3A, %dma_start3A_20] : memref<16x5x16x125xi32, #tpu.memory_space<hbm>> -> memref<1x1x16x125xi32, #tpu.memory_space<hbm>>
        %dma_start3A_22 = tpu.memref_squeeze %dma_start3A_21 : memref<1x1x16x125xi32, #tpu.memory_space<hbm>> -> memref<16x125xi32, #tpu.memory_space<hbm>>
        %dma_start3A_23 = arith.constant 0 : i32
        %dma_start3A_24 = arith.constant 0 : i32
        %dma_start3A_25 = tpu.memref_slice %arg4[%arg1, %scan3A_13, %dma_start3A_23, %dma_start3A_24] : memref<16x5x16x125xi32, #tpu.memory_space<hbm>> -> memref<1x1x16x125xi32, #tpu.memory_space<hbm>>
        %dma_start3A_26 = tpu.memref_squeeze %dma_start3A_25 : memref<1x1x16x125xi32, #tpu.memory_space<hbm>> -> memref<16x125xi32, #tpu.memory_space<hbm>>
        tpu.enqueue_dma source(%dma_start3A_26 : memref<16x125xi32, #tpu.memory_space<hbm>>) target(%arg9 : memref<16x125xi32, #tpu.memory_space<vmem>>) target_semaphore(%run_scoped3A : memref<!tpu.dma_semaphore, #tpu.memory_space<semaphore_mem>>)
        %dma_wait3A = arith.constant 0 : i32
        %dma_wait3A_27 = arith.constant 0 : i32
        %dma_wait3A_28 = tpu.memref_slice %arg4[%arg1, %scan3A_13, %dma_wait3A, %dma_wait3A_27] : memref<16x5x16x125xi32, #tpu.memory_space<hbm>> -> memref<1x1x16x125xi32, #tpu.memory_space<hbm>>
        %dma_wait3A_29 = tpu.memref_squeeze %dma_wait3A_28 : memref<1x1x16x125xi32, #tpu.memory_space<hbm>> -> memref<16x125xi32, #tpu.memory_space<hbm>>
        %dma_wait3A_30 = arith.constant 0 : i32
        %dma_wait3A_31 = arith.constant 0 : i32
        %dma_wait3A_32 = tpu.memref_slice %arg4[%arg1, %scan3A_13, %dma_wait3A_30, %dma_wait3A_31] : memref<16x5x16x125xi32, #tpu.memory_space<hbm>> -> memref<1x1x16x125xi32, #tpu.memory_space<hbm>>
        %dma_wait3A_33 = tpu.memref_squeeze %dma_wait3A_32 : memref<1x1x16x125xi32, #tpu.memory_space<hbm>> -> memref<16x125xi32, #tpu.memory_space<hbm>>
        tpu.wait_dma2 semaphore(%run_scoped3A : memref<!tpu.dma_semaphore, #tpu.memory_space<semaphore_mem>>) src(%dma_wait3A_33 : memref<16x125xi32, #tpu.memory_space<hbm>>) dst(%arg9 : memref<16x125xi32, #tpu.memory_space<vmem>>)
        tpu.yield
      }) : () -> ()
      %scan3A_14 = arith.constant 0 : i32
      %scan3A_15 = arith.constant 0 : i32
      %scan3A_16 = arith.constant 4 : i32
      %scan3A_17 = arith.addi %scan3A_15, %scan3A_16 : i32
      %scan3A_18 = arith.constant 1 : i32
      scf.for %scan3A_20 = %scan3A_15 to %scan3A_17 step %scan3A_18  : i32 {
        %mul3A = arith.constant 4 : i32
        %mul3A_21 = arith.muli %scan3A_20, %mul3A : i32
        %dma_start3A = arith.constant 0 : i32
        %dma_start3A_22 = arith.constant 0 : i32
        %dma_start3A_23 = arith.constant 0 : i32
        %dma_start3A_24 = tpu.memref_slice %arg10[%dma_start3A, %dma_start3A_22, %dma_start3A_23] : memref<2x125x128xf32, #tpu.memory_space<vmem>> -> memref<1x125x128xf32, #tpu.memory_space<vmem>>
        %dma_start3A_25 = tpu.memref_squeeze %dma_start3A_24 : memref<1x125x128xf32, #tpu.memory_space<vmem>> -> memref<125x128xf32, #tpu.memory_space<vmem>>
        %dma_start3A_26 = arith.constant 0 : i32
        %dma_start3A_27 = tpu.memref_slice %arg8[%mul3A_21, %dma_start3A_26] : memref<16x125xi32, #tpu.memory_space<vmem>> -> memref<1x125xi32, #tpu.memory_space<vmem>>
        %dma_start3A_28 = tpu.memref_squeeze %dma_start3A_27 : memref<1x125xi32, #tpu.memory_space<vmem>> -> memref<125xi32, #tpu.memory_space<vmem>>
        %dma_start3A_29 = arith.constant 0 : i32
        %dma_start3A_30 = arith.constant 0 : i32
        %dma_start3A_31 = tpu.memref_slice %arg2[%dma_start3A_29, %dma_start3A_30] : memref<20000x128xf32, #tpu.memory_space<hbm>> -> memref<20000x128xf32, #tpu.memory_space<hbm>>
        tpu.enqueue_indirect_dma source(%dma_start3A_31 : memref<20000x128xf32, #tpu.memory_space<hbm>>) target(%dma_start3A_25 : memref<125x128xf32, #tpu.memory_space<vmem>>) offsets(%dma_start3A_28 : memref<125xi32, #tpu.memory_space<vmem>>) semaphore(%arg11 : memref<!tpu.dma_semaphore, #tpu.memory_space<semaphore_mem>>)
        %add3A = arith.constant 1 : i32
        %add3A_32 = arith.addi %mul3A_21, %add3A : i32
        %dma_start3A_33 = arith.constant 1 : i32
        %dma_start3A_34 = arith.constant 0 : i32
        %dma_start3A_35 = arith.constant 0 : i32
        %dma_start3A_36 = tpu.memref_slice %arg10[%dma_start3A_33, %dma_start3A_34, %dma_start3A_35] : memref<2x125x128xf32, #tpu.memory_space<vmem>> -> memref<1x125x128xf32, #tpu.memory_space<vmem>>
        %dma_start3A_37 = tpu.memref_squeeze %dma_start3A_36 : memref<1x125x128xf32, #tpu.memory_space<vmem>> -> memref<125x128xf32, #tpu.memory_space<vmem>>
        %dma_start3A_38 = arith.constant 0 : i32
        %dma_start3A_39 = tpu.memref_slice %arg8[%add3A_32, %dma_start3A_38] : memref<16x125xi32, #tpu.memory_space<vmem>> -> memref<1x125xi32, #tpu.memory_space<vmem>>
        %dma_start3A_40 = tpu.memref_squeeze %dma_start3A_39 : memref<1x125xi32, #tpu.memory_space<vmem>> -> memref<125xi32, #tpu.memory_space<vmem>>
        %dma_start3A_41 = arith.constant 0 : i32
        %dma_start3A_42 = arith.constant 0 : i32
        %dma_start3A_43 = tpu.memref_slice %arg2[%dma_start3A_41, %dma_start3A_42] : memref<20000x128xf32, #tpu.memory_space<hbm>> -> memref<20000x128xf32, #tpu.memory_space<hbm>>
        tpu.enqueue_indirect_dma source(%dma_start3A_43 : memref<20000x128xf32, #tpu.memory_space<hbm>>) target(%dma_start3A_37 : memref<125x128xf32, #tpu.memory_space<vmem>>) offsets(%dma_start3A_40 : memref<125xi32, #tpu.memory_space<vmem>>) semaphore(%arg11 : memref<!tpu.dma_semaphore, #tpu.memory_space<semaphore_mem>>)
        %dma_wait3A = arith.constant 0 : i32
        %dma_wait3A_44 = arith.constant 0 : i32
        %dma_wait3A_45 = arith.constant 0 : i32
        %dma_wait3A_46 = tpu.memref_slice %arg10[%dma_wait3A, %dma_wait3A_44, %dma_wait3A_45] : memref<2x125x128xf32, #tpu.memory_space<vmem>> -> memref<1x125x128xf32, #tpu.memory_space<vmem>>
        %dma_wait3A_47 = tpu.memref_squeeze %dma_wait3A_46 : memref<1x125x128xf32, #tpu.memory_space<vmem>> -> memref<125x128xf32, #tpu.memory_space<vmem>>
        %dma_wait3A_48 = arith.constant 0 : i32
        %dma_wait3A_49 = tpu.memref_slice %arg8[%mul3A_21, %dma_wait3A_48] : memref<16x125xi32, #tpu.memory_space<vmem>> -> memref<1x125xi32, #tpu.memory_space<vmem>>
        %dma_wait3A_50 = tpu.memref_squeeze %dma_wait3A_49 : memref<1x125xi32, #tpu.memory_space<vmem>> -> memref<125xi32, #tpu.memory_space<vmem>>
        %dma_wait3A_51 = arith.constant 0 : i32
        %dma_wait3A_52 = arith.constant 0 : i32
        %dma_wait3A_53 = tpu.memref_slice %arg2[%dma_wait3A_51, %dma_wait3A_52] : memref<20000x128xf32, #tpu.memory_space<hbm>> -> memref<20000x128xf32, #tpu.memory_space<hbm>>
        tpu.wait_indirect_dma semaphore(%arg11 : memref<!tpu.dma_semaphore, #tpu.memory_space<semaphore_mem>>) src(%dma_wait3A_53 : memref<20000x128xf32, #tpu.memory_space<hbm>>) dst(%dma_wait3A_47 : memref<125x128xf32, #tpu.memory_space<vmem>>)
        %dma_start3A_54 = arith.constant 0 : i32
        %dma_start3A_55 = arith.constant 0 : i32
        %dma_start3A_56 = arith.constant 0 : i32
        %dma_start3A_57 = arith.constant 0 : i32
        %dma_start3A_58 = tpu.memref_slice %arg10[%dma_start3A_54, %dma_start3A_56, %dma_start3A_57] : memref<2x125x128xf32, #tpu.memory_space<vmem>> -> memref<1x125x128xf32, #tpu.memory_space<vmem>>
        %dma_start3A_59 = tpu.memref_squeeze %dma_start3A_58 : memref<1x125x128xf32, #tpu.memory_space<vmem>> -> memref<125x128xf32, #tpu.memory_space<vmem>>
        %dma_start3A_60 = arith.constant 0 : i32
        %dma_start3A_61 = tpu.memref_slice %arg9[%mul3A_21, %dma_start3A_60] : memref<16x125xi32, #tpu.memory_space<vmem>> -> memref<1x125xi32, #tpu.memory_space<vmem>>
        %dma_start3A_62 = tpu.memref_squeeze %dma_start3A_61 : memref<1x125xi32, #tpu.memory_space<vmem>> -> memref<125xi32, #tpu.memory_space<vmem>>
        %dma_start3A_63 = arith.constant 0 : i32
        %dma_start3A_64 = arith.constant 0 : i32
        %dma_start3A_65 = tpu.memref_slice %arg7[%dma_start3A_63, %dma_start3A_64] : memref<10000x128xf32, #tpu.memory_space<vmem_shared>> -> memref<10000x128xf32, #tpu.memory_space<vmem_shared>>
        %dma_start3A_66 = tpu.memref_slice %arg12[%dma_start3A_55] : memref<2x!tpu.dma_semaphore, #tpu.memory_space<semaphore_mem>> -> memref<1x!tpu.dma_semaphore, #tpu.memory_space<semaphore_mem>>
        %dma_start3A_67 = tpu.memref_squeeze %dma_start3A_66 : memref<1x!tpu.dma_semaphore, #tpu.memory_space<semaphore_mem>> -> memref<!tpu.dma_semaphore, #tpu.memory_space<semaphore_mem>>
        tpu.enqueue_indirect_dma source(%dma_start3A_59 : memref<125x128xf32, #tpu.memory_space<vmem>>) target(%dma_start3A_65 : memref<10000x128xf32, #tpu.memory_space<vmem_shared>>) offsets(%dma_start3A_62 : memref<125xi32, #tpu.memory_space<vmem>>) semaphore(%dma_start3A_67 : memref<!tpu.dma_semaphore, #tpu.memory_space<semaphore_mem>>) {add = true}
        %dma_wait3A_68 = arith.constant 1 : i32
        %dma_wait3A_69 = arith.constant 0 : i32
        %dma_wait3A_70 = arith.constant 0 : i32
        %dma_wait3A_71 = tpu.memref_slice %arg10[%dma_wait3A_68, %dma_wait3A_69, %dma_wait3A_70] : memref<2x125x128xf32, #tpu.memory_space<vmem>> -> memref<1x125x128xf32, #tpu.memory_space<vmem>>
        %dma_wait3A_72 = tpu.memref_squeeze %dma_wait3A_71 : memref<1x125x128xf32, #tpu.memory_space<vmem>> -> memref<125x128xf32, #tpu.memory_space<vmem>>
        %dma_wait3A_73 = arith.constant 0 : i32
        %dma_wait3A_74 = tpu.memref_slice %arg8[%add3A_32, %dma_wait3A_73] : memref<16x125xi32, #tpu.memory_space<vmem>> -> memref<1x125xi32, #tpu.memory_space<vmem>>
        %dma_wait3A_75 = tpu.memref_squeeze %dma_wait3A_74 : memref<1x125xi32, #tpu.memory_space<vmem>> -> memref<125xi32, #tpu.memory_space<vmem>>
        %dma_wait3A_76 = arith.constant 0 : i32
        %dma_wait3A_77 = arith.constant 0 : i32
        %dma_wait3A_78 = tpu.memref_slice %arg2[%dma_wait3A_76, %dma_wait3A_77] : memref<20000x128xf32, #tpu.memory_space<hbm>> -> memref<20000x128xf32, #tpu.memory_space<hbm>>
        tpu.wait_indirect_dma semaphore(%arg11 : memref<!tpu.dma_semaphore, #tpu.memory_space<semaphore_mem>>) src(%dma_wait3A_78 : memref<20000x128xf32, #tpu.memory_space<hbm>>) dst(%dma_wait3A_72 : memref<125x128xf32, #tpu.memory_space<vmem>>)
        %add3A_79 = arith.constant 1 : i32
        %add3A_80 = arith.addi %mul3A_21, %add3A_79 : i32
        %dma_start3A_81 = arith.constant 1 : i32
        %dma_start3A_82 = arith.constant 1 : i32
        %dma_start3A_83 = arith.constant 0 : i32
        %dma_start3A_84 = arith.constant 0 : i32
        %dma_start3A_85 = tpu.memref_slice %arg10[%dma_start3A_81, %dma_start3A_83, %dma_start3A_84] : memref<2x125x128xf32, #tpu.memory_space<vmem>> -> memref<1x125x128xf32, #tpu.memory_space<vmem>>
        %dma_start3A_86 = tpu.memref_squeeze %dma_start3A_85 : memref<1x125x128xf32, #tpu.memory_space<vmem>> -> memref<125x128xf32, #tpu.memory_space<vmem>>
        %dma_start3A_87 = arith.constant 0 : i32
        %dma_start3A_88 = tpu.memref_slice %arg9[%add3A_80, %dma_start3A_87] : memref<16x125xi32, #tpu.memory_space<vmem>> -> memref<1x125xi32, #tpu.memory_space<vmem>>
        %dma_start3A_89 = tpu.memref_squeeze %dma_start3A_88 : memref<1x125xi32, #tpu.memory_space<vmem>> -> memref<125xi32, #tpu.memory_space<vmem>>
        %dma_start3A_90 = arith.constant 0 : i32
        %dma_start3A_91 = arith.constant 0 : i32
        %dma_start3A_92 = tpu.memref_slice %arg7[%dma_start3A_90, %dma_start3A_91] : memref<10000x128xf32, #tpu.memory_space<vmem_shared>> -> memref<10000x128xf32, #tpu.memory_space<vmem_shared>>
        %dma_start3A_93 = tpu.memref_slice %arg12[%dma_start3A_82] : memref<2x!tpu.dma_semaphore, #tpu.memory_space<semaphore_mem>> -> memref<1x!tpu.dma_semaphore, #tpu.memory_space<semaphore_mem>>
        %dma_start3A_94 = tpu.memref_squeeze %dma_start3A_93 : memref<1x!tpu.dma_semaphore, #tpu.memory_space<semaphore_mem>> -> memref<!tpu.dma_semaphore, #tpu.memory_space<semaphore_mem>>
        tpu.enqueue_indirect_dma source(%dma_start3A_86 : memref<125x128xf32, #tpu.memory_space<vmem>>) target(%dma_start3A_92 : memref<10000x128xf32, #tpu.memory_space<vmem_shared>>) offsets(%dma_start3A_89 : memref<125xi32, #tpu.memory_space<vmem>>) semaphore(%dma_start3A_94 : memref<!tpu.dma_semaphore, #tpu.memory_space<semaphore_mem>>) {add = true}
        %dma_wait3A_95 = arith.constant 0 : i32
        %dma_wait3A_96 = arith.constant 0 : i32
        %dma_wait3A_97 = arith.constant 0 : i32
        %dma_wait3A_98 = arith.constant 0 : i32
        %dma_wait3A_99 = tpu.memref_slice %arg10[%dma_wait3A_95, %dma_wait3A_97, %dma_wait3A_98] : memref<2x125x128xf32, #tpu.memory_space<vmem>> -> memref<1x125x128xf32, #tpu.memory_space<vmem>>
        %dma_wait3A_100 = tpu.memref_squeeze %dma_wait3A_99 : memref<1x125x128xf32, #tpu.memory_space<vmem>> -> memref<125x128xf32, #tpu.memory_space<vmem>>
        %dma_wait3A_101 = arith.constant 0 : i32
        %dma_wait3A_102 = tpu.memref_slice %arg9[%mul3A_21, %dma_wait3A_101] : memref<16x125xi32, #tpu.memory_space<vmem>> -> memref<1x125xi32, #tpu.memory_space<vmem>>
        %dma_wait3A_103 = tpu.memref_squeeze %dma_wait3A_102 : memref<1x125xi32, #tpu.memory_space<vmem>> -> memref<125xi32, #tpu.memory_space<vmem>>
        %dma_wait3A_104 = arith.constant 0 : i32
        %dma_wait3A_105 = arith.constant 0 : i32
        %dma_wait3A_106 = tpu.memref_slice %arg7[%dma_wait3A_104, %dma_wait3A_105] : memref<10000x128xf32, #tpu.memory_space<vmem_shared>> -> memref<10000x128xf32, #tpu.memory_space<vmem_shared>>
        %dma_wait3A_107 = tpu.memref_slice %arg12[%dma_wait3A_96] : memref<2x!tpu.dma_semaphore, #tpu.memory_space<semaphore_mem>> -> memref<1x!tpu.dma_semaphore, #tpu.memory_space<semaphore_mem>>
        %dma_wait3A_108 = tpu.memref_squeeze %dma_wait3A_107 : memref<1x!tpu.dma_semaphore, #tpu.memory_space<semaphore_mem>> -> memref<!tpu.dma_semaphore, #tpu.memory_space<semaphore_mem>>
        tpu.wait_indirect_dma semaphore(%dma_wait3A_108 : memref<!tpu.dma_semaphore, #tpu.memory_space<semaphore_mem>>) src(%dma_wait3A_100 : memref<125x128xf32, #tpu.memory_space<vmem>>) dst(%dma_wait3A_106 : memref<10000x128xf32, #tpu.memory_space<vmem_shared>>)
        %add3A_109 = arith.constant 2 : i32
        %add3A_110 = arith.addi %mul3A_21, %add3A_109 : i32
        %dma_start3A_111 = arith.constant 0 : i32
        %dma_start3A_112 = arith.constant 0 : i32
        %dma_start3A_113 = arith.constant 0 : i32
        %dma_start3A_114 = tpu.memref_slice %arg10[%dma_start3A_111, %dma_start3A_112, %dma_start3A_113] : memref<2x125x128xf32, #tpu.memory_space<vmem>> -> memref<1x125x128xf32, #tpu.memory_space<vmem>>
        %dma_start3A_115 = tpu.memref_squeeze %dma_start3A_114 : memref<1x125x128xf32, #tpu.memory_space<vmem>> -> memref<125x128xf32, #tpu.memory_space<vmem>>
        %dma_start3A_116 = arith.constant 0 : i32
        %dma_start3A_117 = tpu.memref_slice %arg8[%add3A_110, %dma_start3A_116] : memref<16x125xi32, #tpu.memory_space<vmem>> -> memref<1x125xi32, #tpu.memory_space<vmem>>
        %dma_start3A_118 = tpu.memref_squeeze %dma_start3A_117 : memref<1x125xi32, #tpu.memory_space<vmem>> -> memref<125xi32, #tpu.memory_space<vmem>>
        %dma_start3A_119 = arith.constant 0 : i32
        %dma_start3A_120 = arith.constant 0 : i32
        %dma_start3A_121 = tpu.memref_slice %arg2[%dma_start3A_119, %dma_start3A_120] : memref<20000x128xf32, #tpu.memory_space<hbm>> -> memref<20000x128xf32, #tpu.memory_space<hbm>>
        tpu.enqueue_indirect_dma source(%dma_start3A_121 : memref<20000x128xf32, #tpu.memory_space<hbm>>) target(%dma_start3A_115 : memref<125x128xf32, #tpu.memory_space<vmem>>) offsets(%dma_start3A_118 : memref<125xi32, #tpu.memory_space<vmem>>) semaphore(%arg11 : memref<!tpu.dma_semaphore, #tpu.memory_space<semaphore_mem>>)
        %dma_wait3A_122 = arith.constant 1 : i32
        %dma_wait3A_123 = arith.constant 1 : i32
        %dma_wait3A_124 = arith.constant 0 : i32
        %dma_wait3A_125 = arith.constant 0 : i32
        %dma_wait3A_126 = tpu.memref_slice %arg10[%dma_wait3A_122, %dma_wait3A_124, %dma_wait3A_125] : memref<2x125x128xf32, #tpu.memory_space<vmem>> -> memref<1x125x128xf32, #tpu.memory_space<vmem>>
        %dma_wait3A_127 = tpu.memref_squeeze %dma_wait3A_126 : memref<1x125x128xf32, #tpu.memory_space<vmem>> -> memref<125x128xf32, #tpu.memory_space<vmem>>
        %dma_wait3A_128 = arith.constant 0 : i32
        %dma_wait3A_129 = tpu.memref_slice %arg9[%add3A_80, %dma_wait3A_128] : memref<16x125xi32, #tpu.memory_space<vmem>> -> memref<1x125xi32, #tpu.memory_space<vmem>>
        %dma_wait3A_130 = tpu.memref_squeeze %dma_wait3A_129 : memref<1x125xi32, #tpu.memory_space<vmem>> -> memref<125xi32, #tpu.memory_space<vmem>>
        %dma_wait3A_131 = arith.constant 0 : i32
        %dma_wait3A_132 = arith.constant 0 : i32
        %dma_wait3A_133 = tpu.memref_slice %arg7[%dma_wait3A_131, %dma_wait3A_132] : memref<10000x128xf32, #tpu.memory_space<vmem_shared>> -> memref<10000x128xf32, #tpu.memory_space<vmem_shared>>
        %dma_wait3A_134 = tpu.memref_slice %arg12[%dma_wait3A_123] : memref<2x!tpu.dma_semaphore, #tpu.memory_space<semaphore_mem>> -> memref<1x!tpu.dma_semaphore, #tpu.memory_space<semaphore_mem>>
        %dma_wait3A_135 = tpu.memref_squeeze %dma_wait3A_134 : memref<1x!tpu.dma_semaphore, #tpu.memory_space<semaphore_mem>> -> memref<!tpu.dma_semaphore, #tpu.memory_space<semaphore_mem>>
        tpu.wait_indirect_dma semaphore(%dma_wait3A_135 : memref<!tpu.dma_semaphore, #tpu.memory_space<semaphore_mem>>) src(%dma_wait3A_127 : memref<125x128xf32, #tpu.memory_space<vmem>>) dst(%dma_wait3A_133 : memref<10000x128xf32, #tpu.memory_space<vmem_shared>>)
        %add3A_136 = arith.constant 3 : i32
        %add3A_137 = arith.addi %mul3A_21, %add3A_136 : i32
        %dma_start3A_138 = arith.constant 1 : i32
        %dma_start3A_139 = arith.constant 0 : i32
        %dma_start3A_140 = arith.constant 0 : i32
        %dma_start3A_141 = tpu.memref_slice %arg10[%dma_start3A_138, %dma_start3A_139, %dma_start3A_140] : memref<2x125x128xf32, #tpu.memory_space<vmem>> -> memref<1x125x128xf32, #tpu.memory_space<vmem>>
        %dma_start3A_142 = tpu.memref_squeeze %dma_start3A_141 : memref<1x125x128xf32, #tpu.memory_space<vmem>> -> memref<125x128xf32, #tpu.memory_space<vmem>>
        %dma_start3A_143 = arith.constant 0 : i32
        %dma_start3A_144 = tpu.memref_slice %arg8[%add3A_137, %dma_start3A_143] : memref<16x125xi32, #tpu.memory_space<vmem>> -> memref<1x125xi32, #tpu.memory_space<vmem>>
        %dma_start3A_145 = tpu.memref_squeeze %dma_start3A_144 : memref<1x125xi32, #tpu.memory_space<vmem>> -> memref<125xi32, #tpu.memory_space<vmem>>
        %dma_start3A_146 = arith.constant 0 : i32
        %dma_start3A_147 = arith.constant 0 : i32
        %dma_start3A_148 = tpu.memref_slice %arg2[%dma_start3A_146, %dma_start3A_147] : memref<20000x128xf32, #tpu.memory_space<hbm>> -> memref<20000x128xf32, #tpu.memory_space<hbm>>
        tpu.enqueue_indirect_dma source(%dma_start3A_148 : memref<20000x128xf32, #tpu.memory_space<hbm>>) target(%dma_start3A_142 : memref<125x128xf32, #tpu.memory_space<vmem>>) offsets(%dma_start3A_145 : memref<125xi32, #tpu.memory_space<vmem>>) semaphore(%arg11 : memref<!tpu.dma_semaphore, #tpu.memory_space<semaphore_mem>>)
        %dma_wait3A_149 = arith.constant 0 : i32
        %dma_wait3A_150 = arith.constant 0 : i32
        %dma_wait3A_151 = arith.constant 0 : i32
        %dma_wait3A_152 = tpu.memref_slice %arg10[%dma_wait3A_149, %dma_wait3A_150, %dma_wait3A_151] : memref<2x125x128xf32, #tpu.memory_space<vmem>> -> memref<1x125x128xf32, #tpu.memory_space<vmem>>
        %dma_wait3A_153 = tpu.memref_squeeze %dma_wait3A_152 : memref<1x125x128xf32, #tpu.memory_space<vmem>> -> memref<125x128xf32, #tpu.memory_space<vmem>>
        %dma_wait3A_154 = arith.constant 0 : i32
        %dma_wait3A_155 = tpu.memref_slice %arg8[%add3A_110, %dma_wait3A_154] : memref<16x125xi32, #tpu.memory_space<vmem>> -> memref<1x125xi32, #tpu.memory_space<vmem>>
        %dma_wait3A_156 = tpu.memref_squeeze %dma_wait3A_155 : memref<1x125xi32, #tpu.memory_space<vmem>> -> memref<125xi32, #tpu.memory_space<vmem>>
        %dma_wait3A_157 = arith.constant 0 : i32
        %dma_wait3A_158 = arith.constant 0 : i32
        %dma_wait3A_159 = tpu.memref_slice %arg2[%dma_wait3A_157, %dma_wait3A_158] : memref<20000x128xf32, #tpu.memory_space<hbm>> -> memref<20000x128xf32, #tpu.memory_space<hbm>>
        tpu.wait_indirect_dma semaphore(%arg11 : memref<!tpu.dma_semaphore, #tpu.memory_space<semaphore_mem>>) src(%dma_wait3A_159 : memref<20000x128xf32, #tpu.memory_space<hbm>>) dst(%dma_wait3A_153 : memref<125x128xf32, #tpu.memory_space<vmem>>)
        %add3A_160 = arith.constant 2 : i32
        %add3A_161 = arith.addi %mul3A_21, %add3A_160 : i32
        %dma_start3A_162 = arith.constant 0 : i32
        %dma_start3A_163 = arith.constant 0 : i32
        %dma_start3A_164 = arith.constant 0 : i32
        %dma_start3A_165 = arith.constant 0 : i32
        %dma_start3A_166 = tpu.memref_slice %arg10[%dma_start3A_162, %dma_start3A_164, %dma_start3A_165] : memref<2x125x128xf32, #tpu.memory_space<vmem>> -> memref<1x125x128xf32, #tpu.memory_space<vmem>>
        %dma_start3A_167 = tpu.memref_squeeze %dma_start3A_166 : memref<1x125x128xf32, #tpu.memory_space<vmem>> -> memref<125x128xf32, #tpu.memory_space<vmem>>
        %dma_start3A_168 = arith.constant 0 : i32
        %dma_start3A_169 = tpu.memref_slice %arg9[%add3A_161, %dma_start3A_168] : memref<16x125xi32, #tpu.memory_space<vmem>> -> memref<1x125xi32, #tpu.memory_space<vmem>>
        %dma_start3A_170 = tpu.memref_squeeze %dma_start3A_169 : memref<1x125xi32, #tpu.memory_space<vmem>> -> memref<125xi32, #tpu.memory_space<vmem>>
        %dma_start3A_171 = arith.constant 0 : i32
        %dma_start3A_172 = arith.constant 0 : i32
        %dma_start3A_173 = tpu.memref_slice %arg7[%dma_start3A_171, %dma_start3A_172] : memref<10000x128xf32, #tpu.memory_space<vmem_shared>> -> memref<10000x128xf32, #tpu.memory_space<vmem_shared>>
        %dma_start3A_174 = tpu.memref_slice %arg12[%dma_start3A_163] : memref<2x!tpu.dma_semaphore, #tpu.memory_space<semaphore_mem>> -> memref<1x!tpu.dma_semaphore, #tpu.memory_space<semaphore_mem>>
        %dma_start3A_175 = tpu.memref_squeeze %dma_start3A_174 : memref<1x!tpu.dma_semaphore, #tpu.memory_space<semaphore_mem>> -> memref<!tpu.dma_semaphore, #tpu.memory_space<semaphore_mem>>
        tpu.enqueue_indirect_dma source(%dma_start3A_167 : memref<125x128xf32, #tpu.memory_space<vmem>>) target(%dma_start3A_173 : memref<10000x128xf32, #tpu.memory_space<vmem_shared>>) offsets(%dma_start3A_170 : memref<125xi32, #tpu.memory_space<vmem>>) semaphore(%dma_start3A_175 : memref<!tpu.dma_semaphore, #tpu.memory_space<semaphore_mem>>) {add = true}
        %dma_wait3A_176 = arith.constant 1 : i32
        %dma_wait3A_177 = arith.constant 0 : i32
        %dma_wait3A_178 = arith.constant 0 : i32
        %dma_wait3A_179 = tpu.memref_slice %arg10[%dma_wait3A_176, %dma_wait3A_177, %dma_wait3A_178] : memref<2x125x128xf32, #tpu.memory_space<vmem>> -> memref<1x125x128xf32, #tpu.memory_space<vmem>>
        %dma_wait3A_180 = tpu.memref_squeeze %dma_wait3A_179 : memref<1x125x128xf32, #tpu.memory_space<vmem>> -> memref<125x128xf32, #tpu.memory_space<vmem>>
        %dma_wait3A_181 = arith.constant 0 : i32
        %dma_wait3A_182 = tpu.memref_slice %arg8[%add3A_137, %dma_wait3A_181] : memref<16x125xi32, #tpu.memory_space<vmem>> -> memref<1x125xi32, #tpu.memory_space<vmem>>
        %dma_wait3A_183 = tpu.memref_squeeze %dma_wait3A_182 : memref<1x125xi32, #tpu.memory_space<vmem>> -> memref<125xi32, #tpu.memory_space<vmem>>
        %dma_wait3A_184 = arith.constant 0 : i32
        %dma_wait3A_185 = arith.constant 0 : i32
        %dma_wait3A_186 = tpu.memref_slice %arg2[%dma_wait3A_184, %dma_wait3A_185] : memref<20000x128xf32, #tpu.memory_space<hbm>> -> memref<20000x128xf32, #tpu.memory_space<hbm>>
        tpu.wait_indirect_dma semaphore(%arg11 : memref<!tpu.dma_semaphore, #tpu.memory_space<semaphore_mem>>) src(%dma_wait3A_186 : memref<20000x128xf32, #tpu.memory_space<hbm>>) dst(%dma_wait3A_180 : memref<125x128xf32, #tpu.memory_space<vmem>>)
        %add3A_187 = arith.constant 3 : i32
        %add3A_188 = arith.addi %mul3A_21, %add3A_187 : i32
        %dma_start3A_189 = arith.constant 1 : i32
        %dma_start3A_190 = arith.constant 1 : i32
        %dma_start3A_191 = arith.constant 0 : i32
        %dma_start3A_192 = arith.constant 0 : i32
        %dma_start3A_193 = tpu.memref_slice %arg10[%dma_start3A_189, %dma_start3A_191, %dma_start3A_192] : memref<2x125x128xf32, #tpu.memory_space<vmem>> -> memref<1x125x128xf32, #tpu.memory_space<vmem>>
        %dma_start3A_194 = tpu.memref_squeeze %dma_start3A_193 : memref<1x125x128xf32, #tpu.memory_space<vmem>> -> memref<125x128xf32, #tpu.memory_space<vmem>>
        %dma_start3A_195 = arith.constant 0 : i32
        %dma_start3A_196 = tpu.memref_slice %arg9[%add3A_188, %dma_start3A_195] : memref<16x125xi32, #tpu.memory_space<vmem>> -> memref<1x125xi32, #tpu.memory_space<vmem>>
        %dma_start3A_197 = tpu.memref_squeeze %dma_start3A_196 : memref<1x125xi32, #tpu.memory_space<vmem>> -> memref<125xi32, #tpu.memory_space<vmem>>
        %dma_start3A_198 = arith.constant 0 : i32
        %dma_start3A_199 = arith.constant 0 : i32
        %dma_start3A_200 = tpu.memref_slice %arg7[%dma_start3A_198, %dma_start3A_199] : memref<10000x128xf32, #tpu.memory_space<vmem_shared>> -> memref<10000x128xf32, #tpu.memory_space<vmem_shared>>
        %dma_start3A_201 = tpu.memref_slice %arg12[%dma_start3A_190] : memref<2x!tpu.dma_semaphore, #tpu.memory_space<semaphore_mem>> -> memref<1x!tpu.dma_semaphore, #tpu.memory_space<semaphore_mem>>
        %dma_start3A_202 = tpu.memref_squeeze %dma_start3A_201 : memref<1x!tpu.dma_semaphore, #tpu.memory_space<semaphore_mem>> -> memref<!tpu.dma_semaphore, #tpu.memory_space<semaphore_mem>>
        tpu.enqueue_indirect_dma source(%dma_start3A_194 : memref<125x128xf32, #tpu.memory_space<vmem>>) target(%dma_start3A_200 : memref<10000x128xf32, #tpu.memory_space<vmem_shared>>) offsets(%dma_start3A_197 : memref<125xi32, #tpu.memory_space<vmem>>) semaphore(%dma_start3A_202 : memref<!tpu.dma_semaphore, #tpu.memory_space<semaphore_mem>>) {add = true}
        %dma_wait3A_203 = arith.constant 0 : i32
        %dma_wait3A_204 = arith.constant 0 : i32
        %dma_wait3A_205 = arith.constant 0 : i32
        %dma_wait3A_206 = arith.constant 0 : i32
        %dma_wait3A_207 = tpu.memref_slice %arg10[%dma_wait3A_203, %dma_wait3A_205, %dma_wait3A_206] : memref<2x125x128xf32, #tpu.memory_space<vmem>> -> memref<1x125x128xf32, #tpu.memory_space<vmem>>
        %dma_wait3A_208 = tpu.memref_squeeze %dma_wait3A_207 : memref<1x125x128xf32, #tpu.memory_space<vmem>> -> memref<125x128xf32, #tpu.memory_space<vmem>>
        %dma_wait3A_209 = arith.constant 0 : i32
        %dma_wait3A_210 = tpu.memref_slice %arg9[%add3A_161, %dma_wait3A_209] : memref<16x125xi32, #tpu.memory_space<vmem>> -> memref<1x125xi32, #tpu.memory_space<vmem>>
        %dma_wait3A_211 = tpu.memref_squeeze %dma_wait3A_210 : memref<1x125xi32, #tpu.memory_space<vmem>> -> memref<125xi32, #tpu.memory_space<vmem>>
        %dma_wait3A_212 = arith.constant 0 : i32
        %dma_wait3A_213 = arith.constant 0 : i32
        %dma_wait3A_214 = tpu.memref_slice %arg7[%dma_wait3A_212, %dma_wait3A_213] : memref<10000x128xf32, #tpu.memory_space<vmem_shared>> -> memref<10000x128xf32, #tpu.memory_space<vmem_shared>>
        %dma_wait3A_215 = tpu.memref_slice %arg12[%dma_wait3A_204] : memref<2x!tpu.dma_semaphore, #tpu.memory_space<semaphore_mem>> -> memref<1x!tpu.dma_semaphore, #tpu.memory_space<semaphore_mem>>
        %dma_wait3A_216 = tpu.memref_squeeze %dma_wait3A_215 : memref<1x!tpu.dma_semaphore, #tpu.memory_space<semaphore_mem>> -> memref<!tpu.dma_semaphore, #tpu.memory_space<semaphore_mem>>
        tpu.wait_indirect_dma semaphore(%dma_wait3A_216 : memref<!tpu.dma_semaphore, #tpu.memory_space<semaphore_mem>>) src(%dma_wait3A_208 : memref<125x128xf32, #tpu.memory_space<vmem>>) dst(%dma_wait3A_214 : memref<10000x128xf32, #tpu.memory_space<vmem_shared>>)
        %dma_wait3A_217 = arith.constant 1 : i32
        %dma_wait3A_218 = arith.constant 1 : i32
        %dma_wait3A_219 = arith.constant 0 : i32
        %dma_wait3A_220 = arith.constant 0 : i32
        %dma_wait3A_221 = tpu.memref_slice %arg10[%dma_wait3A_217, %dma_wait3A_219, %dma_wait3A_220] : memref<2x125x128xf32, #tpu.memory_space<vmem>> -> memref<1x125x128xf32, #tpu.memory_space<vmem>>
        %dma_wait3A_222 = tpu.memref_squeeze %dma_wait3A_221 : memref<1x125x128xf32, #tpu.memory_space<vmem>> -> memref<125x128xf32, #tpu.memory_space<vmem>>
        %dma_wait3A_223 = arith.constant 0 : i32
        %dma_wait3A_224 = tpu.memref_slice %arg9[%add3A_188, %dma_wait3A_223] : memref<16x125xi32, #tpu.memory_space<vmem>> -> memref<1x125xi32, #tpu.memory_space<vmem>>
        %dma_wait3A_225 = tpu.memref_squeeze %dma_wait3A_224 : memref<1x125xi32, #tpu.memory_space<vmem>> -> memref<125xi32, #tpu.memory_space<vmem>>
        %dma_wait3A_226 = arith.constant 0 : i32
        %dma_wait3A_227 = arith.constant 0 : i32
        %dma_wait3A_228 = tpu.memref_slice %arg7[%dma_wait3A_226, %dma_wait3A_227] : memref<10000x128xf32, #tpu.memory_space<vmem_shared>> -> memref<10000x128xf32, #tpu.memory_space<vmem_shared>>
        %dma_wait3A_229 = tpu.memref_slice %arg12[%dma_wait3A_218] : memref<2x!tpu.dma_semaphore, #tpu.memory_space<semaphore_mem>> -> memref<1x!tpu.dma_semaphore, #tpu.memory_space<semaphore_mem>>
        %dma_wait3A_230 = tpu.memref_squeeze %dma_wait3A_229 : memref<1x!tpu.dma_semaphore, #tpu.memory_space<semaphore_mem>> -> memref<!tpu.dma_semaphore, #tpu.memory_space<semaphore_mem>>
        tpu.wait_indirect_dma semaphore(%dma_wait3A_230 : memref<!tpu.dma_semaphore, #tpu.memory_space<semaphore_mem>>) src(%dma_wait3A_222 : memref<125x128xf32, #tpu.memory_space<vmem>>) dst(%dma_wait3A_228 : memref<10000x128xf32, #tpu.memory_space<vmem_shared>>)
      }
      %scan3A_19 = arith.constant 4 : i32
    }
    %scan3A_6 = arith.constant 5 : i32
    %barrier3A_7 = arith.constant 0 : index
    tpu.barrier barrier_id(%barrier3A_7)
    %lt3A_8 = arith.constant 10 : i32
    %lt3A_9 = arith.cmpi slt, %arg1, %lt3A_8 : i32
    %convert_element_type3A_10 = arith.extui %lt3A_9 : i1 to i32
    %cond3A_11 = arith.constant 0 : i32
    %cond3A_12 = arith.cmpi ne, %convert_element_type3A_10, %cond3A_11 : i32
    scf.if %cond3A_12 {
      %mul3A = arith.constant 1000 : i32
      %mul3A_13 = arith.muli %arg1, %mul3A : i32
      %mul3A_14 = arith.constant 10000 : i32
      %mul3A_15 = arith.muli %arg0, %mul3A_14 : i32
      %mul3A_16 = arith.constant 1000 : i32
      %mul3A_17 = arith.muli %arg1, %mul3A_16 : i32
      %add3A = arith.addi %mul3A_15, %mul3A_17 : i32
      "tpu.region"() ({
        %run_scoped3A = tpu.sem_alloc : memref<!tpu.dma_semaphore, #tpu.memory_space<semaphore_mem>>
        %dma_start3A = arith.constant 0 : i32
        %dma_start3A_18 = tpu.memref_slice %arg6[%add3A, %dma_start3A] : memref<20000x128xf32, #tpu.memory_space<hbm>> -> memref<1000x128xf32, #tpu.memory_space<hbm>>
        %dma_start3A_19 = arith.constant 0 : i32
        %dma_start3A_20 = tpu.memref_slice %arg7[%mul3A_13, %dma_start3A_19] : memref<10000x128xf32, #tpu.memory_space<vmem_shared>> -> memref<1000x128xf32, #tpu.memory_space<vmem_shared>>
        tpu.enqueue_dma source(%dma_start3A_20 : memref<1000x128xf32, #tpu.memory_space<vmem_shared>>) target(%dma_start3A_18 : memref<1000x128xf32, #tpu.memory_space<hbm>>) target_semaphore(%run_scoped3A : memref<!tpu.dma_semaphore, #tpu.memory_space<semaphore_mem>>)
        %dma_wait3A = arith.constant 0 : i32
        %dma_wait3A_21 = tpu.memref_slice %arg6[%add3A, %dma_wait3A] : memref<20000x128xf32, #tpu.memory_space<hbm>> -> memref<1000x128xf32, #tpu.memory_space<hbm>>
        %dma_wait3A_22 = arith.constant 0 : i32
        %dma_wait3A_23 = tpu.memref_slice %arg7[%mul3A_13, %dma_wait3A_22] : memref<10000x128xf32, #tpu.memory_space<vmem_shared>> -> memref<1000x128xf32, #tpu.memory_space<vmem_shared>>
        tpu.wait_dma2 semaphore(%run_scoped3A : memref<!tpu.dma_semaphore, #tpu.memory_space<semaphore_mem>>) src(%dma_wait3A_23 : memref<1000x128xf32, #tpu.memory_space<vmem_shared>>) dst(%dma_wait3A_21 : memref<1000x128xf32, #tpu.memory_space<hbm>>)
        tpu.yield
      }) : () -> ()
    } else {
    }
    return
  }
}

#map = affine_map<(d0, d1) -> (0, 0)>
#map1 = affine_map<(d0, d1) -> (0, 0, 0, 0, 0)>
#map2 = affine_map<(d0, d1) -> (0, 0, 0, 0)>
module attributes {stable_mosaic.version = 14 : i64} {
  func.func @_segsum_body(%arg0: i32, %arg1: i32, %arg2: memref<20000x128xf32, #tpu.memory_space<hbm>>, %arg3: memref<2x16x5x16x125xi32, #tpu.memory_space<hbm>>, %arg4: memref<16x5x16x125xi32, #tpu.memory_space<hbm>>, %arg5: memref<1000x128xf32, #tpu.memory_space<hbm>>, %arg6: memref<20000x128xf32, #tpu.memory_space<hbm>>, %arg7: memref<10000x128xf32, #tpu.memory_space<vmem_shared>>, %arg8: memref<16x125xi32, #tpu.memory_space<vmem>>, %arg9: memref<16x125xi32, #tpu.memory_space<vmem>>, %arg10: memref<2x125x128xf32, #tpu.memory_space<vmem>>, %arg11: memref<!tpu.dma_semaphore, #tpu.memory_space<semaphore_mem>>, %arg12: memref<2x!tpu.dma_semaphore, #tpu.memory_space<semaphore_mem>>) attributes {dimension_semantics = [#tpu.dimension_semantics<core_parallel>, #tpu.dimension_semantics<subcore_parallel>], iteration_bounds = array<i64: 2, 16>, scalar_prefetch = 0 : i64, scratch_operands = 6 : i64, tpu.core_type = #tpu.core_type<sc_vector_subcore>, window_params = [{transform_indices = #map}, {transform_indices = #map1}, {transform_indices = #map2}, {transform_indices = #map}, {transform_indices = #map}]} {
    %lt3A = arith.constant 10 : i32
    %lt3A_0 = arith.cmpi slt, %arg1, %lt3A : i32
    %convert_element_type3A = arith.extui %lt3A_0 : i1 to i32
    %cond3A = arith.constant 0 : i32
    %cond3A_1 = arith.cmpi ne, %convert_element_type3A, %cond3A : i32
    scf.if %cond3A_1 {
      %mul3A = arith.constant 1000 : i32
      %mul3A_13 = arith.muli %arg1, %mul3A : i32
      "tpu.region"() ({
        %run_scoped3A = tpu.sem_alloc : memref<!tpu.dma_semaphore, #tpu.memory_space<semaphore_mem>>
        %dma_start3A = arith.constant 0 : i32
        %dma_start3A_14 = tpu.memref_slice %arg7[%mul3A_13, %dma_start3A] : memref<10000x128xf32, #tpu.memory_space<vmem_shared>> -> memref<1000x128xf32, #tpu.memory_space<vmem_shared>>
        tpu.enqueue_dma source(%arg5 : memref<1000x128xf32, #tpu.memory_space<hbm>>) target(%dma_start3A_14 : memref<1000x128xf32, #tpu.memory_space<vmem_shared>>) target_semaphore(%run_scoped3A : memref<!tpu.dma_semaphore, #tpu.memory_space<semaphore_mem>>)
        %dma_wait3A = arith.constant 0 : i32
        %dma_wait3A_15 = tpu.memref_slice %arg7[%mul3A_13, %dma_wait3A] : memref<10000x128xf32, #tpu.memory_space<vmem_shared>> -> memref<1000x128xf32, #tpu.memory_space<vmem_shared>>
        tpu.wait_dma2 semaphore(%run_scoped3A : memref<!tpu.dma_semaphore, #tpu.memory_space<semaphore_mem>>) src(%arg5 : memref<1000x128xf32, #tpu.memory_space<hbm>>) dst(%dma_wait3A_15 : memref<1000x128xf32, #tpu.memory_space<vmem_shared>>)
        tpu.yield
      }) : () -> ()
    } else {
    }
    %barrier3A = arith.constant 0 : index
    tpu.barrier barrier_id(%barrier3A)
    %scan3A = arith.constant 0 : i32
    %scan3A_2 = arith.constant 0 : i32
    %scan3A_3 = arith.constant 5 : i32
    %scan3A_4 = arith.addi %scan3A_2, %scan3A_3 : i32
    %scan3A_5 = arith.constant 1 : i32
    scf.for %scan3A_13 = %scan3A_2 to %scan3A_4 step %scan3A_5  : i32 {
      "tpu.region"() ({
        %run_scoped3A = tpu.sem_alloc : memref<!tpu.dma_semaphore, #tpu.memory_space<semaphore_mem>>
        %dma_start3A = arith.constant 0 : i32
        %dma_start3A_20 = arith.constant 0 : i32
        %dma_start3A_21 = tpu.memref_slice %arg3[%arg0, %arg1, %scan3A_13, %dma_start3A, %dma_start3A_20] : memref<2x16x5x16x125xi32, #tpu.memory_space<hbm>> -> memref<1x1x1x16x125xi32, #tpu.memory_space<hbm>>
        %dma_start3A_22 = tpu.memref_squeeze %dma_start3A_21 : memref<1x1x1x16x125xi32, #tpu.memory_space<hbm>> -> memref<16x125xi32, #tpu.memory_space<hbm>>
        %dma_start3A_23 = arith.constant 0 : i32
        %dma_start3A_24 = arith.constant 0 : i32
        %dma_start3A_25 = tpu.memref_slice %arg3[%arg0, %arg1, %scan3A_13, %dma_start3A_23, %dma_start3A_24] : memref<2x16x5x16x125xi32, #tpu.memory_space<hbm>> -> memref<1x1x1x16x125xi32, #tpu.memory_space<hbm>>
        %dma_start3A_26 = tpu.memref_squeeze %dma_start3A_25 : memref<1x1x1x16x125xi32, #tpu.memory_space<hbm>> -> memref<16x125xi32, #tpu.memory_space<hbm>>
        tpu.enqueue_dma source(%dma_start3A_26 : memref<16x125xi32, #tpu.memory_space<hbm>>) target(%arg8 : memref<16x125xi32, #tpu.memory_space<vmem>>) target_semaphore(%run_scoped3A : memref<!tpu.dma_semaphore, #tpu.memory_space<semaphore_mem>>)
        %dma_wait3A = arith.constant 0 : i32
        %dma_wait3A_27 = arith.constant 0 : i32
        %dma_wait3A_28 = tpu.memref_slice %arg3[%arg0, %arg1, %scan3A_13, %dma_wait3A, %dma_wait3A_27] : memref<2x16x5x16x125xi32, #tpu.memory_space<hbm>> -> memref<1x1x1x16x125xi32, #tpu.memory_space<hbm>>
        %dma_wait3A_29 = tpu.memref_squeeze %dma_wait3A_28 : memref<1x1x1x16x125xi32, #tpu.memory_space<hbm>> -> memref<16x125xi32, #tpu.memory_space<hbm>>
        %dma_wait3A_30 = arith.constant 0 : i32
        %dma_wait3A_31 = arith.constant 0 : i32
        %dma_wait3A_32 = tpu.memref_slice %arg3[%arg0, %arg1, %scan3A_13, %dma_wait3A_30, %dma_wait3A_31] : memref<2x16x5x16x125xi32, #tpu.memory_space<hbm>> -> memref<1x1x1x16x125xi32, #tpu.memory_space<hbm>>
        %dma_wait3A_33 = tpu.memref_squeeze %dma_wait3A_32 : memref<1x1x1x16x125xi32, #tpu.memory_space<hbm>> -> memref<16x125xi32, #tpu.memory_space<hbm>>
        tpu.wait_dma2 semaphore(%run_scoped3A : memref<!tpu.dma_semaphore, #tpu.memory_space<semaphore_mem>>) src(%dma_wait3A_33 : memref<16x125xi32, #tpu.memory_space<hbm>>) dst(%arg8 : memref<16x125xi32, #tpu.memory_space<vmem>>)
        tpu.yield
      }) : () -> ()
      "tpu.region"() ({
        %run_scoped3A = tpu.sem_alloc : memref<!tpu.dma_semaphore, #tpu.memory_space<semaphore_mem>>
        %dma_start3A = arith.constant 0 : i32
        %dma_start3A_20 = arith.constant 0 : i32
        %dma_start3A_21 = tpu.memref_slice %arg4[%arg1, %scan3A_13, %dma_start3A, %dma_start3A_20] : memref<16x5x16x125xi32, #tpu.memory_space<hbm>> -> memref<1x1x16x125xi32, #tpu.memory_space<hbm>>
        %dma_start3A_22 = tpu.memref_squeeze %dma_start3A_21 : memref<1x1x16x125xi32, #tpu.memory_space<hbm>> -> memref<16x125xi32, #tpu.memory_space<hbm>>
        %dma_start3A_23 = arith.constant 0 : i32
        %dma_start3A_24 = arith.constant 0 : i32
        %dma_start3A_25 = tpu.memref_slice %arg4[%arg1, %scan3A_13, %dma_start3A_23, %dma_start3A_24] : memref<16x5x16x125xi32, #tpu.memory_space<hbm>> -> memref<1x1x16x125xi32, #tpu.memory_space<hbm>>
        %dma_start3A_26 = tpu.memref_squeeze %dma_start3A_25 : memref<1x1x16x125xi32, #tpu.memory_space<hbm>> -> memref<16x125xi32, #tpu.memory_space<hbm>>
        tpu.enqueue_dma source(%dma_start3A_26 : memref<16x125xi32, #tpu.memory_space<hbm>>) target(%arg9 : memref<16x125xi32, #tpu.memory_space<vmem>>) target_semaphore(%run_scoped3A : memref<!tpu.dma_semaphore, #tpu.memory_space<semaphore_mem>>)
        %dma_wait3A = arith.constant 0 : i32
        %dma_wait3A_27 = arith.constant 0 : i32
        %dma_wait3A_28 = tpu.memref_slice %arg4[%arg1, %scan3A_13, %dma_wait3A, %dma_wait3A_27] : memref<16x5x16x125xi32, #tpu.memory_space<hbm>> -> memref<1x1x16x125xi32, #tpu.memory_space<hbm>>
        %dma_wait3A_29 = tpu.memref_squeeze %dma_wait3A_28 : memref<1x1x16x125xi32, #tpu.memory_space<hbm>> -> memref<16x125xi32, #tpu.memory_space<hbm>>
        %dma_wait3A_30 = arith.constant 0 : i32
        %dma_wait3A_31 = arith.constant 0 : i32
        %dma_wait3A_32 = tpu.memref_slice %arg4[%arg1, %scan3A_13, %dma_wait3A_30, %dma_wait3A_31] : memref<16x5x16x125xi32, #tpu.memory_space<hbm>> -> memref<1x1x16x125xi32, #tpu.memory_space<hbm>>
        %dma_wait3A_33 = tpu.memref_squeeze %dma_wait3A_32 : memref<1x1x16x125xi32, #tpu.memory_space<hbm>> -> memref<16x125xi32, #tpu.memory_space<hbm>>
        tpu.wait_dma2 semaphore(%run_scoped3A : memref<!tpu.dma_semaphore, #tpu.memory_space<semaphore_mem>>) src(%dma_wait3A_33 : memref<16x125xi32, #tpu.memory_space<hbm>>) dst(%arg9 : memref<16x125xi32, #tpu.memory_space<vmem>>)
        tpu.yield
      }) : () -> ()
      %scan3A_14 = arith.constant 0 : i32
      %scan3A_15 = arith.constant 0 : i32
      %scan3A_16 = arith.constant 4 : i32
      %scan3A_17 = arith.addi %scan3A_15, %scan3A_16 : i32
      %scan3A_18 = arith.constant 1 : i32
      scf.for %scan3A_20 = %scan3A_15 to %scan3A_17 step %scan3A_18  : i32 {
        %mul3A = arith.constant 4 : i32
        %mul3A_21 = arith.muli %scan3A_20, %mul3A : i32
        %dma_start3A = arith.constant 0 : i32
        %dma_start3A_22 = arith.constant 0 : i32
        %dma_start3A_23 = arith.constant 0 : i32
        %dma_start3A_24 = tpu.memref_slice %arg10[%dma_start3A, %dma_start3A_22, %dma_start3A_23] : memref<2x125x128xf32, #tpu.memory_space<vmem>> -> memref<1x125x128xf32, #tpu.memory_space<vmem>>
        %dma_start3A_25 = tpu.memref_squeeze %dma_start3A_24 : memref<1x125x128xf32, #tpu.memory_space<vmem>> -> memref<125x128xf32, #tpu.memory_space<vmem>>
        %dma_start3A_26 = arith.constant 0 : i32
        %dma_start3A_27 = tpu.memref_slice %arg8[%mul3A_21, %dma_start3A_26] : memref<16x125xi32, #tpu.memory_space<vmem>> -> memref<1x125xi32, #tpu.memory_space<vmem>>
        %dma_start3A_28 = tpu.memref_squeeze %dma_start3A_27 : memref<1x125xi32, #tpu.memory_space<vmem>> -> memref<125xi32, #tpu.memory_space<vmem>>
        %dma_start3A_29 = arith.constant 0 : i32
        %dma_start3A_30 = arith.constant 0 : i32
        %dma_start3A_31 = tpu.memref_slice %arg2[%dma_start3A_29, %dma_start3A_30] : memref<20000x128xf32, #tpu.memory_space<hbm>> -> memref<20000x128xf32, #tpu.memory_space<hbm>>
        tpu.enqueue_indirect_dma source(%dma_start3A_31 : memref<20000x128xf32, #tpu.memory_space<hbm>>) target(%dma_start3A_25 : memref<125x128xf32, #tpu.memory_space<vmem>>) offsets(%dma_start3A_28 : memref<125xi32, #tpu.memory_space<vmem>>) semaphore(%arg11 : memref<!tpu.dma_semaphore, #tpu.memory_space<semaphore_mem>>)
        %add3A = arith.constant 1 : i32
        %add3A_32 = arith.addi %mul3A_21, %add3A : i32
        %dma_start3A_33 = arith.constant 1 : i32
        %dma_start3A_34 = arith.constant 0 : i32
        %dma_start3A_35 = arith.constant 0 : i32
        %dma_start3A_36 = tpu.memref_slice %arg10[%dma_start3A_33, %dma_start3A_34, %dma_start3A_35] : memref<2x125x128xf32, #tpu.memory_space<vmem>> -> memref<1x125x128xf32, #tpu.memory_space<vmem>>
        %dma_start3A_37 = tpu.memref_squeeze %dma_start3A_36 : memref<1x125x128xf32, #tpu.memory_space<vmem>> -> memref<125x128xf32, #tpu.memory_space<vmem>>
        %dma_start3A_38 = arith.constant 0 : i32
        %dma_start3A_39 = tpu.memref_slice %arg8[%add3A_32, %dma_start3A_38] : memref<16x125xi32, #tpu.memory_space<vmem>> -> memref<1x125xi32, #tpu.memory_space<vmem>>
        %dma_start3A_40 = tpu.memref_squeeze %dma_start3A_39 : memref<1x125xi32, #tpu.memory_space<vmem>> -> memref<125xi32, #tpu.memory_space<vmem>>
        %dma_start3A_41 = arith.constant 0 : i32
        %dma_start3A_42 = arith.constant 0 : i32
        %dma_start3A_43 = tpu.memref_slice %arg2[%dma_start3A_41, %dma_start3A_42] : memref<20000x128xf32, #tpu.memory_space<hbm>> -> memref<20000x128xf32, #tpu.memory_space<hbm>>
        tpu.enqueue_indirect_dma source(%dma_start3A_43 : memref<20000x128xf32, #tpu.memory_space<hbm>>) target(%dma_start3A_37 : memref<125x128xf32, #tpu.memory_space<vmem>>) offsets(%dma_start3A_40 : memref<125xi32, #tpu.memory_space<vmem>>) semaphore(%arg11 : memref<!tpu.dma_semaphore, #tpu.memory_space<semaphore_mem>>)
        %dma_wait3A = arith.constant 0 : i32
        %dma_wait3A_44 = arith.constant 0 : i32
        %dma_wait3A_45 = arith.constant 0 : i32
        %dma_wait3A_46 = tpu.memref_slice %arg10[%dma_wait3A, %dma_wait3A_44, %dma_wait3A_45] : memref<2x125x128xf32, #tpu.memory_space<vmem>> -> memref<1x125x128xf32, #tpu.memory_space<vmem>>
        %dma_wait3A_47 = tpu.memref_squeeze %dma_wait3A_46 : memref<1x125x128xf32, #tpu.memory_space<vmem>> -> memref<125x128xf32, #tpu.memory_space<vmem>>
        %dma_wait3A_48 = arith.constant 0 : i32
        %dma_wait3A_49 = tpu.memref_slice %arg8[%mul3A_21, %dma_wait3A_48] : memref<16x125xi32, #tpu.memory_space<vmem>> -> memref<1x125xi32, #tpu.memory_space<vmem>>
        %dma_wait3A_50 = tpu.memref_squeeze %dma_wait3A_49 : memref<1x125xi32, #tpu.memory_space<vmem>> -> memref<125xi32, #tpu.memory_space<vmem>>
        %dma_wait3A_51 = arith.constant 0 : i32
        %dma_wait3A_52 = arith.constant 0 : i32
        %dma_wait3A_53 = tpu.memref_slice %arg2[%dma_wait3A_51, %dma_wait3A_52] : memref<20000x128xf32, #tpu.memory_space<hbm>> -> memref<20000x128xf32, #tpu.memory_space<hbm>>
        tpu.wait_indirect_dma semaphore(%arg11 : memref<!tpu.dma_semaphore, #tpu.memory_space<semaphore_mem>>) src(%dma_wait3A_53 : memref<20000x128xf32, #tpu.memory_space<hbm>>) dst(%dma_wait3A_47 : memref<125x128xf32, #tpu.memory_space<vmem>>)
        %dma_start3A_54 = arith.constant 0 : i32
        %dma_start3A_55 = arith.constant 0 : i32
        %dma_start3A_56 = arith.constant 0 : i32
        %dma_start3A_57 = arith.constant 0 : i32
        %dma_start3A_58 = tpu.memref_slice %arg10[%dma_start3A_54, %dma_start3A_56, %dma_start3A_57] : memref<2x125x128xf32, #tpu.memory_space<vmem>> -> memref<1x125x128xf32, #tpu.memory_space<vmem>>
        %dma_start3A_59 = tpu.memref_squeeze %dma_start3A_58 : memref<1x125x128xf32, #tpu.memory_space<vmem>> -> memref<125x128xf32, #tpu.memory_space<vmem>>
        %dma_start3A_60 = arith.constant 0 : i32
        %dma_start3A_61 = tpu.memref_slice %arg9[%mul3A_21, %dma_start3A_60] : memref<16x125xi32, #tpu.memory_space<vmem>> -> memref<1x125xi32, #tpu.memory_space<vmem>>
        %dma_start3A_62 = tpu.memref_squeeze %dma_start3A_61 : memref<1x125xi32, #tpu.memory_space<vmem>> -> memref<125xi32, #tpu.memory_space<vmem>>
        %dma_start3A_63 = arith.constant 0 : i32
        %dma_start3A_64 = arith.constant 0 : i32
        %dma_start3A_65 = tpu.memref_slice %arg7[%dma_start3A_63, %dma_start3A_64] : memref<10000x128xf32, #tpu.memory_space<vmem_shared>> -> memref<10000x128xf32, #tpu.memory_space<vmem_shared>>
        %dma_start3A_66 = tpu.memref_slice %arg12[%dma_start3A_55] : memref<2x!tpu.dma_semaphore, #tpu.memory_space<semaphore_mem>> -> memref<1x!tpu.dma_semaphore, #tpu.memory_space<semaphore_mem>>
        %dma_start3A_67 = tpu.memref_squeeze %dma_start3A_66 : memref<1x!tpu.dma_semaphore, #tpu.memory_space<semaphore_mem>> -> memref<!tpu.dma_semaphore, #tpu.memory_space<semaphore_mem>>
        tpu.enqueue_indirect_dma source(%dma_start3A_59 : memref<125x128xf32, #tpu.memory_space<vmem>>) target(%dma_start3A_65 : memref<10000x128xf32, #tpu.memory_space<vmem_shared>>) offsets(%dma_start3A_62 : memref<125xi32, #tpu.memory_space<vmem>>) semaphore(%dma_start3A_67 : memref<!tpu.dma_semaphore, #tpu.memory_space<semaphore_mem>>) {add = true}
        %dma_wait3A_68 = arith.constant 1 : i32
        %dma_wait3A_69 = arith.constant 0 : i32
        %dma_wait3A_70 = arith.constant 0 : i32
        %dma_wait3A_71 = tpu.memref_slice %arg10[%dma_wait3A_68, %dma_wait3A_69, %dma_wait3A_70] : memref<2x125x128xf32, #tpu.memory_space<vmem>> -> memref<1x125x128xf32, #tpu.memory_space<vmem>>
        %dma_wait3A_72 = tpu.memref_squeeze %dma_wait3A_71 : memref<1x125x128xf32, #tpu.memory_space<vmem>> -> memref<125x128xf32, #tpu.memory_space<vmem>>
        %dma_wait3A_73 = arith.constant 0 : i32
        %dma_wait3A_74 = tpu.memref_slice %arg8[%add3A_32, %dma_wait3A_73] : memref<16x125xi32, #tpu.memory_space<vmem>> -> memref<1x125xi32, #tpu.memory_space<vmem>>
        %dma_wait3A_75 = tpu.memref_squeeze %dma_wait3A_74 : memref<1x125xi32, #tpu.memory_space<vmem>> -> memref<125xi32, #tpu.memory_space<vmem>>
        %dma_wait3A_76 = arith.constant 0 : i32
        %dma_wait3A_77 = arith.constant 0 : i32
        %dma_wait3A_78 = tpu.memref_slice %arg2[%dma_wait3A_76, %dma_wait3A_77] : memref<20000x128xf32, #tpu.memory_space<hbm>> -> memref<20000x128xf32, #tpu.memory_space<hbm>>
        tpu.wait_indirect_dma semaphore(%arg11 : memref<!tpu.dma_semaphore, #tpu.memory_space<semaphore_mem>>) src(%dma_wait3A_78 : memref<20000x128xf32, #tpu.memory_space<hbm>>) dst(%dma_wait3A_72 : memref<125x128xf32, #tpu.memory_space<vmem>>)
        %add3A_79 = arith.constant 1 : i32
        %add3A_80 = arith.addi %mul3A_21, %add3A_79 : i32
        %dma_start3A_81 = arith.constant 1 : i32
        %dma_start3A_82 = arith.constant 1 : i32
        %dma_start3A_83 = arith.constant 0 : i32
        %dma_start3A_84 = arith.constant 0 : i32
        %dma_start3A_85 = tpu.memref_slice %arg10[%dma_start3A_81, %dma_start3A_83, %dma_start3A_84] : memref<2x125x128xf32, #tpu.memory_space<vmem>> -> memref<1x125x128xf32, #tpu.memory_space<vmem>>
        %dma_start3A_86 = tpu.memref_squeeze %dma_start3A_85 : memref<1x125x128xf32, #tpu.memory_space<vmem>> -> memref<125x128xf32, #tpu.memory_space<vmem>>
        %dma_start3A_87 = arith.constant 0 : i32
        %dma_start3A_88 = tpu.memref_slice %arg9[%add3A_80, %dma_start3A_87] : memref<16x125xi32, #tpu.memory_space<vmem>> -> memref<1x125xi32, #tpu.memory_space<vmem>>
        %dma_start3A_89 = tpu.memref_squeeze %dma_start3A_88 : memref<1x125xi32, #tpu.memory_space<vmem>> -> memref<125xi32, #tpu.memory_space<vmem>>
        %dma_start3A_90 = arith.constant 0 : i32
        %dma_start3A_91 = arith.constant 0 : i32
        %dma_start3A_92 = tpu.memref_slice %arg7[%dma_start3A_90, %dma_start3A_91] : memref<10000x128xf32, #tpu.memory_space<vmem_shared>> -> memref<10000x128xf32, #tpu.memory_space<vmem_shared>>
        %dma_start3A_93 = tpu.memref_slice %arg12[%dma_start3A_82] : memref<2x!tpu.dma_semaphore, #tpu.memory_space<semaphore_mem>> -> memref<1x!tpu.dma_semaphore, #tpu.memory_space<semaphore_mem>>
        %dma_start3A_94 = tpu.memref_squeeze %dma_start3A_93 : memref<1x!tpu.dma_semaphore, #tpu.memory_space<semaphore_mem>> -> memref<!tpu.dma_semaphore, #tpu.memory_space<semaphore_mem>>
        tpu.enqueue_indirect_dma source(%dma_start3A_86 : memref<125x128xf32, #tpu.memory_space<vmem>>) target(%dma_start3A_92 : memref<10000x128xf32, #tpu.memory_space<vmem_shared>>) offsets(%dma_start3A_89 : memref<125xi32, #tpu.memory_space<vmem>>) semaphore(%dma_start3A_94 : memref<!tpu.dma_semaphore, #tpu.memory_space<semaphore_mem>>) {add = true}
        %dma_wait3A_95 = arith.constant 0 : i32
        %dma_wait3A_96 = arith.constant 0 : i32
        %dma_wait3A_97 = arith.constant 0 : i32
        %dma_wait3A_98 = arith.constant 0 : i32
        %dma_wait3A_99 = tpu.memref_slice %arg10[%dma_wait3A_95, %dma_wait3A_97, %dma_wait3A_98] : memref<2x125x128xf32, #tpu.memory_space<vmem>> -> memref<1x125x128xf32, #tpu.memory_space<vmem>>
        %dma_wait3A_100 = tpu.memref_squeeze %dma_wait3A_99 : memref<1x125x128xf32, #tpu.memory_space<vmem>> -> memref<125x128xf32, #tpu.memory_space<vmem>>
        %dma_wait3A_101 = arith.constant 0 : i32
        %dma_wait3A_102 = tpu.memref_slice %arg9[%mul3A_21, %dma_wait3A_101] : memref<16x125xi32, #tpu.memory_space<vmem>> -> memref<1x125xi32, #tpu.memory_space<vmem>>
        %dma_wait3A_103 = tpu.memref_squeeze %dma_wait3A_102 : memref<1x125xi32, #tpu.memory_space<vmem>> -> memref<125xi32, #tpu.memory_space<vmem>>
        %dma_wait3A_104 = arith.constant 0 : i32
        %dma_wait3A_105 = arith.constant 0 : i32
        %dma_wait3A_106 = tpu.memref_slice %arg7[%dma_wait3A_104, %dma_wait3A_105] : memref<10000x128xf32, #tpu.memory_space<vmem_shared>> -> memref<10000x128xf32, #tpu.memory_space<vmem_shared>>
        %dma_wait3A_107 = tpu.memref_slice %arg12[%dma_wait3A_96] : memref<2x!tpu.dma_semaphore, #tpu.memory_space<semaphore_mem>> -> memref<1x!tpu.dma_semaphore, #tpu.memory_space<semaphore_mem>>
        %dma_wait3A_108 = tpu.memref_squeeze %dma_wait3A_107 : memref<1x!tpu.dma_semaphore, #tpu.memory_space<semaphore_mem>> -> memref<!tpu.dma_semaphore, #tpu.memory_space<semaphore_mem>>
        tpu.wait_indirect_dma semaphore(%dma_wait3A_108 : memref<!tpu.dma_semaphore, #tpu.memory_space<semaphore_mem>>) src(%dma_wait3A_100 : memref<125x128xf32, #tpu.memory_space<vmem>>) dst(%dma_wait3A_106 : memref<10000x128xf32, #tpu.memory_space<vmem_shared>>)
        %add3A_109 = arith.constant 2 : i32
        %add3A_110 = arith.addi %mul3A_21, %add3A_109 : i32
        %dma_start3A_111 = arith.constant 0 : i32
        %dma_start3A_112 = arith.constant 0 : i32
        %dma_start3A_113 = arith.constant 0 : i32
        %dma_start3A_114 = tpu.memref_slice %arg10[%dma_start3A_111, %dma_start3A_112, %dma_start3A_113] : memref<2x125x128xf32, #tpu.memory_space<vmem>> -> memref<1x125x128xf32, #tpu.memory_space<vmem>>
        %dma_start3A_115 = tpu.memref_squeeze %dma_start3A_114 : memref<1x125x128xf32, #tpu.memory_space<vmem>> -> memref<125x128xf32, #tpu.memory_space<vmem>>
        %dma_start3A_116 = arith.constant 0 : i32
        %dma_start3A_117 = tpu.memref_slice %arg8[%add3A_110, %dma_start3A_116] : memref<16x125xi32, #tpu.memory_space<vmem>> -> memref<1x125xi32, #tpu.memory_space<vmem>>
        %dma_start3A_118 = tpu.memref_squeeze %dma_start3A_117 : memref<1x125xi32, #tpu.memory_space<vmem>> -> memref<125xi32, #tpu.memory_space<vmem>>
        %dma_start3A_119 = arith.constant 0 : i32
        %dma_start3A_120 = arith.constant 0 : i32
        %dma_start3A_121 = tpu.memref_slice %arg2[%dma_start3A_119, %dma_start3A_120] : memref<20000x128xf32, #tpu.memory_space<hbm>> -> memref<20000x128xf32, #tpu.memory_space<hbm>>
        tpu.enqueue_indirect_dma source(%dma_start3A_121 : memref<20000x128xf32, #tpu.memory_space<hbm>>) target(%dma_start3A_115 : memref<125x128xf32, #tpu.memory_space<vmem>>) offsets(%dma_start3A_118 : memref<125xi32, #tpu.memory_space<vmem>>) semaphore(%arg11 : memref<!tpu.dma_semaphore, #tpu.memory_space<semaphore_mem>>)
        %dma_wait3A_122 = arith.constant 1 : i32
        %dma_wait3A_123 = arith.constant 1 : i32
        %dma_wait3A_124 = arith.constant 0 : i32
        %dma_wait3A_125 = arith.constant 0 : i32
        %dma_wait3A_126 = tpu.memref_slice %arg10[%dma_wait3A_122, %dma_wait3A_124, %dma_wait3A_125] : memref<2x125x128xf32, #tpu.memory_space<vmem>> -> memref<1x125x128xf32, #tpu.memory_space<vmem>>
        %dma_wait3A_127 = tpu.memref_squeeze %dma_wait3A_126 : memref<1x125x128xf32, #tpu.memory_space<vmem>> -> memref<125x128xf32, #tpu.memory_space<vmem>>
        %dma_wait3A_128 = arith.constant 0 : i32
        %dma_wait3A_129 = tpu.memref_slice %arg9[%add3A_80, %dma_wait3A_128] : memref<16x125xi32, #tpu.memory_space<vmem>> -> memref<1x125xi32, #tpu.memory_space<vmem>>
        %dma_wait3A_130 = tpu.memref_squeeze %dma_wait3A_129 : memref<1x125xi32, #tpu.memory_space<vmem>> -> memref<125xi32, #tpu.memory_space<vmem>>
        %dma_wait3A_131 = arith.constant 0 : i32
        %dma_wait3A_132 = arith.constant 0 : i32
        %dma_wait3A_133 = tpu.memref_slice %arg7[%dma_wait3A_131, %dma_wait3A_132] : memref<10000x128xf32, #tpu.memory_space<vmem_shared>> -> memref<10000x128xf32, #tpu.memory_space<vmem_shared>>
        %dma_wait3A_134 = tpu.memref_slice %arg12[%dma_wait3A_123] : memref<2x!tpu.dma_semaphore, #tpu.memory_space<semaphore_mem>> -> memref<1x!tpu.dma_semaphore, #tpu.memory_space<semaphore_mem>>
        %dma_wait3A_135 = tpu.memref_squeeze %dma_wait3A_134 : memref<1x!tpu.dma_semaphore, #tpu.memory_space<semaphore_mem>> -> memref<!tpu.dma_semaphore, #tpu.memory_space<semaphore_mem>>
        tpu.wait_indirect_dma semaphore(%dma_wait3A_135 : memref<!tpu.dma_semaphore, #tpu.memory_space<semaphore_mem>>) src(%dma_wait3A_127 : memref<125x128xf32, #tpu.memory_space<vmem>>) dst(%dma_wait3A_133 : memref<10000x128xf32, #tpu.memory_space<vmem_shared>>)
        %add3A_136 = arith.constant 3 : i32
        %add3A_137 = arith.addi %mul3A_21, %add3A_136 : i32
        %dma_start3A_138 = arith.constant 1 : i32
        %dma_start3A_139 = arith.constant 0 : i32
        %dma_start3A_140 = arith.constant 0 : i32
        %dma_start3A_141 = tpu.memref_slice %arg10[%dma_start3A_138, %dma_start3A_139, %dma_start3A_140] : memref<2x125x128xf32, #tpu.memory_space<vmem>> -> memref<1x125x128xf32, #tpu.memory_space<vmem>>
        %dma_start3A_142 = tpu.memref_squeeze %dma_start3A_141 : memref<1x125x128xf32, #tpu.memory_space<vmem>> -> memref<125x128xf32, #tpu.memory_space<vmem>>
        %dma_start3A_143 = arith.constant 0 : i32
        %dma_start3A_144 = tpu.memref_slice %arg8[%add3A_137, %dma_start3A_143] : memref<16x125xi32, #tpu.memory_space<vmem>> -> memref<1x125xi32, #tpu.memory_space<vmem>>
        %dma_start3A_145 = tpu.memref_squeeze %dma_start3A_144 : memref<1x125xi32, #tpu.memory_space<vmem>> -> memref<125xi32, #tpu.memory_space<vmem>>
        %dma_start3A_146 = arith.constant 0 : i32
        %dma_start3A_147 = arith.constant 0 : i32
        %dma_start3A_148 = tpu.memref_slice %arg2[%dma_start3A_146, %dma_start3A_147] : memref<20000x128xf32, #tpu.memory_space<hbm>> -> memref<20000x128xf32, #tpu.memory_space<hbm>>
        tpu.enqueue_indirect_dma source(%dma_start3A_148 : memref<20000x128xf32, #tpu.memory_space<hbm>>) target(%dma_start3A_142 : memref<125x128xf32, #tpu.memory_space<vmem>>) offsets(%dma_start3A_145 : memref<125xi32, #tpu.memory_space<vmem>>) semaphore(%arg11 : memref<!tpu.dma_semaphore, #tpu.memory_space<semaphore_mem>>)
        %dma_wait3A_149 = arith.constant 0 : i32
        %dma_wait3A_150 = arith.constant 0 : i32
        %dma_wait3A_151 = arith.constant 0 : i32
        %dma_wait3A_152 = tpu.memref_slice %arg10[%dma_wait3A_149, %dma_wait3A_150, %dma_wait3A_151] : memref<2x125x128xf32, #tpu.memory_space<vmem>> -> memref<1x125x128xf32, #tpu.memory_space<vmem>>
        %dma_wait3A_153 = tpu.memref_squeeze %dma_wait3A_152 : memref<1x125x128xf32, #tpu.memory_space<vmem>> -> memref<125x128xf32, #tpu.memory_space<vmem>>
        %dma_wait3A_154 = arith.constant 0 : i32
        %dma_wait3A_155 = tpu.memref_slice %arg8[%add3A_110, %dma_wait3A_154] : memref<16x125xi32, #tpu.memory_space<vmem>> -> memref<1x125xi32, #tpu.memory_space<vmem>>
        %dma_wait3A_156 = tpu.memref_squeeze %dma_wait3A_155 : memref<1x125xi32, #tpu.memory_space<vmem>> -> memref<125xi32, #tpu.memory_space<vmem>>
        %dma_wait3A_157 = arith.constant 0 : i32
        %dma_wait3A_158 = arith.constant 0 : i32
        %dma_wait3A_159 = tpu.memref_slice %arg2[%dma_wait3A_157, %dma_wait3A_158] : memref<20000x128xf32, #tpu.memory_space<hbm>> -> memref<20000x128xf32, #tpu.memory_space<hbm>>
        tpu.wait_indirect_dma semaphore(%arg11 : memref<!tpu.dma_semaphore, #tpu.memory_space<semaphore_mem>>) src(%dma_wait3A_159 : memref<20000x128xf32, #tpu.memory_space<hbm>>) dst(%dma_wait3A_153 : memref<125x128xf32, #tpu.memory_space<vmem>>)
        %add3A_160 = arith.constant 2 : i32
        %add3A_161 = arith.addi %mul3A_21, %add3A_160 : i32
        %dma_start3A_162 = arith.constant 0 : i32
        %dma_start3A_163 = arith.constant 0 : i32
        %dma_start3A_164 = arith.constant 0 : i32
        %dma_start3A_165 = arith.constant 0 : i32
        %dma_start3A_166 = tpu.memref_slice %arg10[%dma_start3A_162, %dma_start3A_164, %dma_start3A_165] : memref<2x125x128xf32, #tpu.memory_space<vmem>> -> memref<1x125x128xf32, #tpu.memory_space<vmem>>
        %dma_start3A_167 = tpu.memref_squeeze %dma_start3A_166 : memref<1x125x128xf32, #tpu.memory_space<vmem>> -> memref<125x128xf32, #tpu.memory_space<vmem>>
        %dma_start3A_168 = arith.constant 0 : i32
        %dma_start3A_169 = tpu.memref_slice %arg9[%add3A_161, %dma_start3A_168] : memref<16x125xi32, #tpu.memory_space<vmem>> -> memref<1x125xi32, #tpu.memory_space<vmem>>
        %dma_start3A_170 = tpu.memref_squeeze %dma_start3A_169 : memref<1x125xi32, #tpu.memory_space<vmem>> -> memref<125xi32, #tpu.memory_space<vmem>>
        %dma_start3A_171 = arith.constant 0 : i32
        %dma_start3A_172 = arith.constant 0 : i32
        %dma_start3A_173 = tpu.memref_slice %arg7[%dma_start3A_171, %dma_start3A_172] : memref<10000x128xf32, #tpu.memory_space<vmem_shared>> -> memref<10000x128xf32, #tpu.memory_space<vmem_shared>>
        %dma_start3A_174 = tpu.memref_slice %arg12[%dma_start3A_163] : memref<2x!tpu.dma_semaphore, #tpu.memory_space<semaphore_mem>> -> memref<1x!tpu.dma_semaphore, #tpu.memory_space<semaphore_mem>>
        %dma_start3A_175 = tpu.memref_squeeze %dma_start3A_174 : memref<1x!tpu.dma_semaphore, #tpu.memory_space<semaphore_mem>> -> memref<!tpu.dma_semaphore, #tpu.memory_space<semaphore_mem>>
        tpu.enqueue_indirect_dma source(%dma_start3A_167 : memref<125x128xf32, #tpu.memory_space<vmem>>) target(%dma_start3A_173 : memref<10000x128xf32, #tpu.memory_space<vmem_shared>>) offsets(%dma_start3A_170 : memref<125xi32, #tpu.memory_space<vmem>>) semaphore(%dma_start3A_175 : memref<!tpu.dma_semaphore, #tpu.memory_space<semaphore_mem>>) {add = true}
        %dma_wait3A_176 = arith.constant 1 : i32
        %dma_wait3A_177 = arith.constant 0 : i32
        %dma_wait3A_178 = arith.constant 0 : i32
        %dma_wait3A_179 = tpu.memref_slice %arg10[%dma_wait3A_176, %dma_wait3A_177, %dma_wait3A_178] : memref<2x125x128xf32, #tpu.memory_space<vmem>> -> memref<1x125x128xf32, #tpu.memory_space<vmem>>
        %dma_wait3A_180 = tpu.memref_squeeze %dma_wait3A_179 : memref<1x125x128xf32, #tpu.memory_space<vmem>> -> memref<125x128xf32, #tpu.memory_space<vmem>>
        %dma_wait3A_181 = arith.constant 0 : i32
        %dma_wait3A_182 = tpu.memref_slice %arg8[%add3A_137, %dma_wait3A_181] : memref<16x125xi32, #tpu.memory_space<vmem>> -> memref<1x125xi32, #tpu.memory_space<vmem>>
        %dma_wait3A_183 = tpu.memref_squeeze %dma_wait3A_182 : memref<1x125xi32, #tpu.memory_space<vmem>> -> memref<125xi32, #tpu.memory_space<vmem>>
        %dma_wait3A_184 = arith.constant 0 : i32
        %dma_wait3A_185 = arith.constant 0 : i32
        %dma_wait3A_186 = tpu.memref_slice %arg2[%dma_wait3A_184, %dma_wait3A_185] : memref<20000x128xf32, #tpu.memory_space<hbm>> -> memref<20000x128xf32, #tpu.memory_space<hbm>>
        tpu.wait_indirect_dma semaphore(%arg11 : memref<!tpu.dma_semaphore, #tpu.memory_space<semaphore_mem>>) src(%dma_wait3A_186 : memref<20000x128xf32, #tpu.memory_space<hbm>>) dst(%dma_wait3A_180 : memref<125x128xf32, #tpu.memory_space<vmem>>)
        %add3A_187 = arith.constant 3 : i32
        %add3A_188 = arith.addi %mul3A_21, %add3A_187 : i32
        %dma_start3A_189 = arith.constant 1 : i32
        %dma_start3A_190 = arith.constant 1 : i32
        %dma_start3A_191 = arith.constant 0 : i32
        %dma_start3A_192 = arith.constant 0 : i32
        %dma_start3A_193 = tpu.memref_slice %arg10[%dma_start3A_189, %dma_start3A_191, %dma_start3A_192] : memref<2x125x128xf32, #tpu.memory_space<vmem>> -> memref<1x125x128xf32, #tpu.memory_space<vmem>>
        %dma_start3A_194 = tpu.memref_squeeze %dma_start3A_193 : memref<1x125x128xf32, #tpu.memory_space<vmem>> -> memref<125x128xf32, #tpu.memory_space<vmem>>
        %dma_start3A_195 = arith.constant 0 : i32
        %dma_start3A_196 = tpu.memref_slice %arg9[%add3A_188, %dma_start3A_195] : memref<16x125xi32, #tpu.memory_space<vmem>> -> memref<1x125xi32, #tpu.memory_space<vmem>>
        %dma_start3A_197 = tpu.memref_squeeze %dma_start3A_196 : memref<1x125xi32, #tpu.memory_space<vmem>> -> memref<125xi32, #tpu.memory_space<vmem>>
        %dma_start3A_198 = arith.constant 0 : i32
        %dma_start3A_199 = arith.constant 0 : i32
        %dma_start3A_200 = tpu.memref_slice %arg7[%dma_start3A_198, %dma_start3A_199] : memref<10000x128xf32, #tpu.memory_space<vmem_shared>> -> memref<10000x128xf32, #tpu.memory_space<vmem_shared>>
        %dma_start3A_201 = tpu.memref_slice %arg12[%dma_start3A_190] : memref<2x!tpu.dma_semaphore, #tpu.memory_space<semaphore_mem>> -> memref<1x!tpu.dma_semaphore, #tpu.memory_space<semaphore_mem>>
        %dma_start3A_202 = tpu.memref_squeeze %dma_start3A_201 : memref<1x!tpu.dma_semaphore, #tpu.memory_space<semaphore_mem>> -> memref<!tpu.dma_semaphore, #tpu.memory_space<semaphore_mem>>
        tpu.enqueue_indirect_dma source(%dma_start3A_194 : memref<125x128xf32, #tpu.memory_space<vmem>>) target(%dma_start3A_200 : memref<10000x128xf32, #tpu.memory_space<vmem_shared>>) offsets(%dma_start3A_197 : memref<125xi32, #tpu.memory_space<vmem>>) semaphore(%dma_start3A_202 : memref<!tpu.dma_semaphore, #tpu.memory_space<semaphore_mem>>) {add = true}
        %dma_wait3A_203 = arith.constant 0 : i32
        %dma_wait3A_204 = arith.constant 0 : i32
        %dma_wait3A_205 = arith.constant 0 : i32
        %dma_wait3A_206 = arith.constant 0 : i32
        %dma_wait3A_207 = tpu.memref_slice %arg10[%dma_wait3A_203, %dma_wait3A_205, %dma_wait3A_206] : memref<2x125x128xf32, #tpu.memory_space<vmem>> -> memref<1x125x128xf32, #tpu.memory_space<vmem>>
        %dma_wait3A_208 = tpu.memref_squeeze %dma_wait3A_207 : memref<1x125x128xf32, #tpu.memory_space<vmem>> -> memref<125x128xf32, #tpu.memory_space<vmem>>
        %dma_wait3A_209 = arith.constant 0 : i32
        %dma_wait3A_210 = tpu.memref_slice %arg9[%add3A_161, %dma_wait3A_209] : memref<16x125xi32, #tpu.memory_space<vmem>> -> memref<1x125xi32, #tpu.memory_space<vmem>>
        %dma_wait3A_211 = tpu.memref_squeeze %dma_wait3A_210 : memref<1x125xi32, #tpu.memory_space<vmem>> -> memref<125xi32, #tpu.memory_space<vmem>>
        %dma_wait3A_212 = arith.constant 0 : i32
        %dma_wait3A_213 = arith.constant 0 : i32
        %dma_wait3A_214 = tpu.memref_slice %arg7[%dma_wait3A_212, %dma_wait3A_213] : memref<10000x128xf32, #tpu.memory_space<vmem_shared>> -> memref<10000x128xf32, #tpu.memory_space<vmem_shared>>
        %dma_wait3A_215 = tpu.memref_slice %arg12[%dma_wait3A_204] : memref<2x!tpu.dma_semaphore, #tpu.memory_space<semaphore_mem>> -> memref<1x!tpu.dma_semaphore, #tpu.memory_space<semaphore_mem>>
        %dma_wait3A_216 = tpu.memref_squeeze %dma_wait3A_215 : memref<1x!tpu.dma_semaphore, #tpu.memory_space<semaphore_mem>> -> memref<!tpu.dma_semaphore, #tpu.memory_space<semaphore_mem>>
        tpu.wait_indirect_dma semaphore(%dma_wait3A_216 : memref<!tpu.dma_semaphore, #tpu.memory_space<semaphore_mem>>) src(%dma_wait3A_208 : memref<125x128xf32, #tpu.memory_space<vmem>>) dst(%dma_wait3A_214 : memref<10000x128xf32, #tpu.memory_space<vmem_shared>>)
        %dma_wait3A_217 = arith.constant 1 : i32
        %dma_wait3A_218 = arith.constant 1 : i32
        %dma_wait3A_219 = arith.constant 0 : i32
        %dma_wait3A_220 = arith.constant 0 : i32
        %dma_wait3A_221 = tpu.memref_slice %arg10[%dma_wait3A_217, %dma_wait3A_219, %dma_wait3A_220] : memref<2x125x128xf32, #tpu.memory_space<vmem>> -> memref<1x125x128xf32, #tpu.memory_space<vmem>>
        %dma_wait3A_222 = tpu.memref_squeeze %dma_wait3A_221 : memref<1x125x128xf32, #tpu.memory_space<vmem>> -> memref<125x128xf32, #tpu.memory_space<vmem>>
        %dma_wait3A_223 = arith.constant 0 : i32
        %dma_wait3A_224 = tpu.memref_slice %arg9[%add3A_188, %dma_wait3A_223] : memref<16x125xi32, #tpu.memory_space<vmem>> -> memref<1x125xi32, #tpu.memory_space<vmem>>
        %dma_wait3A_225 = tpu.memref_squeeze %dma_wait3A_224 : memref<1x125xi32, #tpu.memory_space<vmem>> -> memref<125xi32, #tpu.memory_space<vmem>>
        %dma_wait3A_226 = arith.constant 0 : i32
        %dma_wait3A_227 = arith.constant 0 : i32
        %dma_wait3A_228 = tpu.memref_slice %arg7[%dma_wait3A_226, %dma_wait3A_227] : memref<10000x128xf32, #tpu.memory_space<vmem_shared>> -> memref<10000x128xf32, #tpu.memory_space<vmem_shared>>
        %dma_wait3A_229 = tpu.memref_slice %arg12[%dma_wait3A_218] : memref<2x!tpu.dma_semaphore, #tpu.memory_space<semaphore_mem>> -> memref<1x!tpu.dma_semaphore, #tpu.memory_space<semaphore_mem>>
        %dma_wait3A_230 = tpu.memref_squeeze %dma_wait3A_229 : memref<1x!tpu.dma_semaphore, #tpu.memory_space<semaphore_mem>> -> memref<!tpu.dma_semaphore, #tpu.memory_space<semaphore_mem>>
        tpu.wait_indirect_dma semaphore(%dma_wait3A_230 : memref<!tpu.dma_semaphore, #tpu.memory_space<semaphore_mem>>) src(%dma_wait3A_222 : memref<125x128xf32, #tpu.memory_space<vmem>>) dst(%dma_wait3A_228 : memref<10000x128xf32, #tpu.memory_space<vmem_shared>>)
      }
      %scan3A_19 = arith.constant 4 : i32
    }
    %scan3A_6 = arith.constant 5 : i32
    %barrier3A_7 = arith.constant 0 : index
    tpu.barrier barrier_id(%barrier3A_7)
    %lt3A_8 = arith.constant 10 : i32
    %lt3A_9 = arith.cmpi slt, %arg1, %lt3A_8 : i32
    %convert_element_type3A_10 = arith.extui %lt3A_9 : i1 to i32
    %cond3A_11 = arith.constant 0 : i32
    %cond3A_12 = arith.cmpi ne, %convert_element_type3A_10, %cond3A_11 : i32
    scf.if %cond3A_12 {
      %mul3A = arith.constant 1000 : i32
      %mul3A_13 = arith.muli %arg1, %mul3A : i32
      %mul3A_14 = arith.constant 10000 : i32
      %mul3A_15 = arith.muli %arg0, %mul3A_14 : i32
      %mul3A_16 = arith.constant 1000 : i32
      %mul3A_17 = arith.muli %arg1, %mul3A_16 : i32
      %add3A = arith.addi %mul3A_15, %mul3A_17 : i32
      "tpu.region"() ({
        %run_scoped3A = tpu.sem_alloc : memref<!tpu.dma_semaphore, #tpu.memory_space<semaphore_mem>>
        %dma_start3A = arith.constant 0 : i32
        %dma_start3A_18 = tpu.memref_slice %arg6[%add3A, %dma_start3A] : memref<20000x128xf32, #tpu.memory_space<hbm>> -> memref<1000x128xf32, #tpu.memory_space<hbm>>
        %dma_start3A_19 = arith.constant 0 : i32
        %dma_start3A_20 = tpu.memref_slice %arg7[%mul3A_13, %dma_start3A_19] : memref<10000x128xf32, #tpu.memory_space<vmem_shared>> -> memref<1000x128xf32, #tpu.memory_space<vmem_shared>>
        tpu.enqueue_dma source(%dma_start3A_20 : memref<1000x128xf32, #tpu.memory_space<vmem_shared>>) target(%dma_start3A_18 : memref<1000x128xf32, #tpu.memory_space<hbm>>) target_semaphore(%run_scoped3A : memref<!tpu.dma_semaphore, #tpu.memory_space<semaphore_mem>>)
        %dma_wait3A = arith.constant 0 : i32
        %dma_wait3A_21 = tpu.memref_slice %arg6[%add3A, %dma_wait3A] : memref<20000x128xf32, #tpu.memory_space<hbm>> -> memref<1000x128xf32, #tpu.memory_space<hbm>>
        %dma_wait3A_22 = arith.constant 0 : i32
        %dma_wait3A_23 = tpu.memref_slice %arg7[%mul3A_13, %dma_wait3A_22] : memref<10000x128xf32, #tpu.memory_space<vmem_shared>> -> memref<1000x128xf32, #tpu.memory_space<vmem_shared>>
        tpu.wait_dma2 semaphore(%run_scoped3A : memref<!tpu.dma_semaphore, #tpu.memory_space<semaphore_mem>>) src(%dma_wait3A_23 : memref<1000x128xf32, #tpu.memory_space<vmem_shared>>) dst(%dma_wait3A_21 : memref<1000x128xf32, #tpu.memory_space<hbm>>)
        tpu.yield
      }) : () -> ()
    } else {
    }
    return
  }
}

#map = affine_map<(d0, d1) -> (0, 0, 0, 0, 0)>
#map1 = affine_map<(d0, d1) -> (0, 0)>
#map2 = affine_map<(d0, d1) -> (0, 0, 0)>
module attributes {stable_mosaic.version = 14 : i64} {
  func.func @_counts_body(%arg0: i32, %arg1: i32, %arg2: memref<2x16x5x16x125xi32, #tpu.memory_space<hbm>>, %arg3: memref<125x128xf32, #tpu.memory_space<hbm>>, %arg4: memref<1000x128xf32, #tpu.memory_space<hbm>>, %arg5: memref<2x10000x128xf32, #tpu.memory_space<hbm>>, %arg6: memref<10000x128xf32, #tpu.memory_space<vmem_shared>>, %arg7: memref<5x16x125xi32, #tpu.memory_space<vmem>>, %arg8: memref<125x128xf32, #tpu.memory_space<vmem>>, %arg9: memref<4x!tpu.dma_semaphore, #tpu.memory_space<semaphore_mem>>) attributes {dimension_semantics = [#tpu.dimension_semantics<core_parallel>, #tpu.dimension_semantics<subcore_parallel>], iteration_bounds = array<i64: 2, 16>, scalar_prefetch = 0 : i64, scratch_operands = 4 : i64, tpu.core_type = #tpu.core_type<sc_vector_subcore>, window_params = [{transform_indices = #map}, {transform_indices = #map1}, {transform_indices = #map1}, {transform_indices = #map2}]} {
    %lt3A = arith.constant 10 : i32
    %lt3A_0 = arith.cmpi slt, %arg1, %lt3A : i32
    %convert_element_type3A = arith.extui %lt3A_0 : i1 to i32
    %cond3A = arith.constant 0 : i32
    %cond3A_1 = arith.cmpi ne, %convert_element_type3A, %cond3A : i32
    scf.if %cond3A_1 {
      %mul3A = arith.constant 1000 : i32
      %mul3A_13 = arith.muli %arg1, %mul3A : i32
      "tpu.region"() ({
        %run_scoped3A = tpu.sem_alloc : memref<!tpu.dma_semaphore, #tpu.memory_space<semaphore_mem>>
        %dma_start3A = arith.constant 0 : i32
        %dma_start3A_14 = tpu.memref_slice %arg6[%mul3A_13, %dma_start3A] : memref<10000x128xf32, #tpu.memory_space<vmem_shared>> -> memref<1000x128xf32, #tpu.memory_space<vmem_shared>>
        tpu.enqueue_dma source(%arg4 : memref<1000x128xf32, #tpu.memory_space<hbm>>) target(%dma_start3A_14 : memref<1000x128xf32, #tpu.memory_space<vmem_shared>>) target_semaphore(%run_scoped3A : memref<!tpu.dma_semaphore, #tpu.memory_space<semaphore_mem>>)
        %dma_wait3A = arith.constant 0 : i32
        %dma_wait3A_15 = tpu.memref_slice %arg6[%mul3A_13, %dma_wait3A] : memref<10000x128xf32, #tpu.memory_space<vmem_shared>> -> memref<1000x128xf32, #tpu.memory_space<vmem_shared>>
        tpu.wait_dma2 semaphore(%run_scoped3A : memref<!tpu.dma_semaphore, #tpu.memory_space<semaphore_mem>>) src(%arg4 : memref<1000x128xf32, #tpu.memory_space<hbm>>) dst(%dma_wait3A_15 : memref<1000x128xf32, #tpu.memory_space<vmem_shared>>)
        tpu.yield
      }) : () -> ()
    } else {
    }
    "tpu.region"() ({
      %run_scoped3A = tpu.sem_alloc : memref<!tpu.dma_semaphore, #tpu.memory_space<semaphore_mem>>
      tpu.enqueue_dma source(%arg3 : memref<125x128xf32, #tpu.memory_space<hbm>>) target(%arg8 : memref<125x128xf32, #tpu.memory_space<vmem>>) target_semaphore(%run_scoped3A : memref<!tpu.dma_semaphore, #tpu.memory_space<semaphore_mem>>)
      tpu.wait_dma2 semaphore(%run_scoped3A : memref<!tpu.dma_semaphore, #tpu.memory_space<semaphore_mem>>) src(%arg3 : memref<125x128xf32, #tpu.memory_space<hbm>>) dst(%arg8 : memref<125x128xf32, #tpu.memory_space<vmem>>)
      tpu.yield
    }) : () -> ()
    "tpu.region"() ({
      %run_scoped3A = tpu.sem_alloc : memref<!tpu.dma_semaphore, #tpu.memory_space<semaphore_mem>>
      %dma_start3A = arith.constant 0 : i32
      %dma_start3A_13 = arith.constant 0 : i32
      %dma_start3A_14 = arith.constant 0 : i32
      %dma_start3A_15 = tpu.memref_slice %arg2[%arg0, %arg1, %dma_start3A, %dma_start3A_13, %dma_start3A_14] : memref<2x16x5x16x125xi32, #tpu.memory_space<hbm>> -> memref<1x1x5x16x125xi32, #tpu.memory_space<hbm>>
      %dma_start3A_16 = tpu.memref_squeeze %dma_start3A_15 : memref<1x1x5x16x125xi32, #tpu.memory_space<hbm>> -> memref<5x16x125xi32, #tpu.memory_space<hbm>>
      %dma_start3A_17 = arith.constant 0 : i32
      %dma_start3A_18 = arith.constant 0 : i32
      %dma_start3A_19 = arith.constant 0 : i32
      %dma_start3A_20 = tpu.memref_slice %arg2[%arg0, %arg1, %dma_start3A_17, %dma_start3A_18, %dma_start3A_19] : memref<2x16x5x16x125xi32, #tpu.memory_space<hbm>> -> memref<1x1x5x16x125xi32, #tpu.memory_space<hbm>>
      %dma_start3A_21 = tpu.memref_squeeze %dma_start3A_20 : memref<1x1x5x16x125xi32, #tpu.memory_space<hbm>> -> memref<5x16x125xi32, #tpu.memory_space<hbm>>
      tpu.enqueue_dma source(%dma_start3A_21 : memref<5x16x125xi32, #tpu.memory_space<hbm>>) target(%arg7 : memref<5x16x125xi32, #tpu.memory_space<vmem>>) target_semaphore(%run_scoped3A : memref<!tpu.dma_semaphore, #tpu.memory_space<semaphore_mem>>)
      %dma_wait3A = arith.constant 0 : i32
      %dma_wait3A_22 = arith.constant 0 : i32
      %dma_wait3A_23 = arith.constant 0 : i32
      %dma_wait3A_24 = tpu.memref_slice %arg2[%arg0, %arg1, %dma_wait3A, %dma_wait3A_22, %dma_wait3A_23] : memref<2x16x5x16x125xi32, #tpu.memory_space<hbm>> -> memref<1x1x5x16x125xi32, #tpu.memory_space<hbm>>
      %dma_wait3A_25 = tpu.memref_squeeze %dma_wait3A_24 : memref<1x1x5x16x125xi32, #tpu.memory_space<hbm>> -> memref<5x16x125xi32, #tpu.memory_space<hbm>>
      %dma_wait3A_26 = arith.constant 0 : i32
      %dma_wait3A_27 = arith.constant 0 : i32
      %dma_wait3A_28 = arith.constant 0 : i32
      %dma_wait3A_29 = tpu.memref_slice %arg2[%arg0, %arg1, %dma_wait3A_26, %dma_wait3A_27, %dma_wait3A_28] : memref<2x16x5x16x125xi32, #tpu.memory_space<hbm>> -> memref<1x1x5x16x125xi32, #tpu.memory_space<hbm>>
      %dma_wait3A_30 = tpu.memref_squeeze %dma_wait3A_29 : memref<1x1x5x16x125xi32, #tpu.memory_space<hbm>> -> memref<5x16x125xi32, #tpu.memory_space<hbm>>
      tpu.wait_dma2 semaphore(%run_scoped3A : memref<!tpu.dma_semaphore, #tpu.memory_space<semaphore_mem>>) src(%dma_wait3A_30 : memref<5x16x125xi32, #tpu.memory_space<hbm>>) dst(%arg7 : memref<5x16x125xi32, #tpu.memory_space<vmem>>)
      tpu.yield
    }) : () -> ()
    %barrier3A = arith.constant 0 : index
    tpu.barrier barrier_id(%barrier3A)
    %scan3A = arith.constant 0 : i32
    %scan3A_2 = arith.constant 0 : i32
    %scan3A_3 = arith.constant 20 : i32
    %scan3A_4 = arith.addi %scan3A_2, %scan3A_3 : i32
    %scan3A_5 = arith.constant 1 : i32
    scf.for %scan3A_13 = %scan3A_2 to %scan3A_4 step %scan3A_5  : i32 {
      %mul3A = arith.constant 4 : i32
      %mul3A_14 = arith.muli %scan3A_13, %mul3A : i32
      %add3A = arith.constant 0 : i32
      %add3A_15 = arith.addi %mul3A_14, %add3A : i32
      %jit3A = arith.constant 16 : i32
      %div3A = arith.divsi %add3A_15, %jit3A : i32
      %sign3A = arith.constant 0 : i32
      %sign3A_16 = arith.cmpi sgt, %add3A_15, %sign3A : i32
      %sign3A_17 = arith.extui %sign3A_16 : i1 to i32
      %sign3A_18 = arith.constant 0 : i32
      %sign3A_19 = arith.cmpi slt, %add3A_15, %sign3A_18 : i32
      %sign3A_20 = arith.extui %sign3A_19 : i1 to i32
      %sign3A_21 = arith.subi %sign3A_17, %sign3A_20 : i32
      %sign3A_22 = arith.constant 0 : i32
      %sign3A_23 = arith.cmpi sgt, %jit3A, %sign3A_22 : i32
      %sign3A_24 = arith.extui %sign3A_23 : i1 to i32
      %sign3A_25 = arith.constant 0 : i32
      %sign3A_26 = arith.cmpi slt, %jit3A, %sign3A_25 : i32
      %sign3A_27 = arith.extui %sign3A_26 : i1 to i32
      %sign3A_28 = arith.subi %sign3A_24, %sign3A_27 : i32
      %ne3A = arith.cmpi ne, %sign3A_21, %sign3A_28 : i32
      %rem3A = arith.remsi %add3A_15, %jit3A : i32
      %ne3A_29 = arith.constant 0 : i32
      %ne3A_30 = arith.cmpi ne, %rem3A, %ne3A_29 : i32
      %and3A = arith.andi %ne3A, %ne3A_30 : i1
      %sub3A = arith.constant 1 : i32
      %sub3A_31 = arith.subi %div3A, %sub3A : i32
      %select_n3A = arith.select %and3A, %sub3A_31, %div3A : i32
      %jit3A_32 = arith.constant 16 : i32
      %eq3A = arith.constant 0 : i32
      %eq3A_33 = arith.cmpi eq, %jit3A_32, %eq3A : i32
      %jit3A_34 = arith.constant 1 : i32
      %select_n3A_35 = arith.select %eq3A_33, %jit3A_34, %jit3A_32 : i32
      %rem3A_36 = arith.remsi %add3A_15, %select_n3A_35 : i32
      %ne3A_37 = arith.constant 0 : i32
      %ne3A_38 = arith.cmpi ne, %rem3A_36, %ne3A_37 : i32
      %lt3A_39 = arith.constant 0 : i32
      %lt3A_40 = arith.cmpi slt, %rem3A_36, %lt3A_39 : i32
      %lt3A_41 = arith.constant 0 : i32
      %lt3A_42 = arith.cmpi slt, %select_n3A_35, %lt3A_41 : i32
      %ne3A_43 = arith.xori %lt3A_40, %lt3A_42 : i1
      %and3A_44 = arith.andi %ne3A_43, %ne3A_38 : i1
      %add3A_45 = arith.addi %rem3A_36, %select_n3A_35 : i32
      %select_n3A_46 = arith.select %and3A_44, %add3A_45, %rem3A_36 : i32
      %dma_start3A = arith.constant 0 : i32
      %dma_start3A_47 = arith.constant 0 : i32
      %dma_start3A_48 = tpu.memref_slice %arg7[%select_n3A, %select_n3A_46, %dma_start3A_47] : memref<5x16x125xi32, #tpu.memory_space<vmem>> -> memref<1x1x125xi32, #tpu.memory_space<vmem>>
      %dma_start3A_49 = tpu.memref_squeeze %dma_start3A_48 : memref<1x1x125xi32, #tpu.memory_space<vmem>> -> memref<125xi32, #tpu.memory_space<vmem>>
      %dma_start3A_50 = arith.constant 0 : i32
      %dma_start3A_51 = arith.constant 0 : i32
      %dma_start3A_52 = tpu.memref_slice %arg6[%dma_start3A_50, %dma_start3A_51] : memref<10000x128xf32, #tpu.memory_space<vmem_shared>> -> memref<10000x128xf32, #tpu.memory_space<vmem_shared>>
      %dma_start3A_53 = tpu.memref_slice %arg9[%dma_start3A] : memref<4x!tpu.dma_semaphore, #tpu.memory_space<semaphore_mem>> -> memref<1x!tpu.dma_semaphore, #tpu.memory_space<semaphore_mem>>
      %dma_start3A_54 = tpu.memref_squeeze %dma_start3A_53 : memref<1x!tpu.dma_semaphore, #tpu.memory_space<semaphore_mem>> -> memref<!tpu.dma_semaphore, #tpu.memory_space<semaphore_mem>>
      tpu.enqueue_indirect_dma source(%arg8 : memref<125x128xf32, #tpu.memory_space<vmem>>) target(%dma_start3A_52 : memref<10000x128xf32, #tpu.memory_space<vmem_shared>>) offsets(%dma_start3A_49 : memref<125xi32, #tpu.memory_space<vmem>>) semaphore(%dma_start3A_54 : memref<!tpu.dma_semaphore, #tpu.memory_space<semaphore_mem>>) {add = true}
      %add3A_55 = arith.constant 1 : i32
      %add3A_56 = arith.addi %mul3A_14, %add3A_55 : i32
      %jit3A_57 = arith.constant 16 : i32
      %div3A_58 = arith.divsi %add3A_56, %jit3A_57 : i32
      %sign3A_59 = arith.constant 0 : i32
      %sign3A_60 = arith.cmpi sgt, %add3A_56, %sign3A_59 : i32
      %sign3A_61 = arith.extui %sign3A_60 : i1 to i32
      %sign3A_62 = arith.constant 0 : i32
      %sign3A_63 = arith.cmpi slt, %add3A_56, %sign3A_62 : i32
      %sign3A_64 = arith.extui %sign3A_63 : i1 to i32
      %sign3A_65 = arith.subi %sign3A_61, %sign3A_64 : i32
      %sign3A_66 = arith.constant 0 : i32
      %sign3A_67 = arith.cmpi sgt, %jit3A_57, %sign3A_66 : i32
      %sign3A_68 = arith.extui %sign3A_67 : i1 to i32
      %sign3A_69 = arith.constant 0 : i32
      %sign3A_70 = arith.cmpi slt, %jit3A_57, %sign3A_69 : i32
      %sign3A_71 = arith.extui %sign3A_70 : i1 to i32
      %sign3A_72 = arith.subi %sign3A_68, %sign3A_71 : i32
      %ne3A_73 = arith.cmpi ne, %sign3A_65, %sign3A_72 : i32
      %rem3A_74 = arith.remsi %add3A_56, %jit3A_57 : i32
      %ne3A_75 = arith.constant 0 : i32
      %ne3A_76 = arith.cmpi ne, %rem3A_74, %ne3A_75 : i32
      %and3A_77 = arith.andi %ne3A_73, %ne3A_76 : i1
      %sub3A_78 = arith.constant 1 : i32
      %sub3A_79 = arith.subi %div3A_58, %sub3A_78 : i32
      %select_n3A_80 = arith.select %and3A_77, %sub3A_79, %div3A_58 : i32
      %jit3A_81 = arith.constant 16 : i32
      %eq3A_82 = arith.constant 0 : i32
      %eq3A_83 = arith.cmpi eq, %jit3A_81, %eq3A_82 : i32
      %jit3A_84 = arith.constant 1 : i32
      %select_n3A_85 = arith.select %eq3A_83, %jit3A_84, %jit3A_81 : i32
      %rem3A_86 = arith.remsi %add3A_56, %select_n3A_85 : i32
      %ne3A_87 = arith.constant 0 : i32
      %ne3A_88 = arith.cmpi ne, %rem3A_86, %ne3A_87 : i32
      %lt3A_89 = arith.constant 0 : i32
      %lt3A_90 = arith.cmpi slt, %rem3A_86, %lt3A_89 : i32
      %lt3A_91 = arith.constant 0 : i32
      %lt3A_92 = arith.cmpi slt, %select_n3A_85, %lt3A_91 : i32
      %ne3A_93 = arith.xori %lt3A_90, %lt3A_92 : i1
      %and3A_94 = arith.andi %ne3A_93, %ne3A_88 : i1
      %add3A_95 = arith.addi %rem3A_86, %select_n3A_85 : i32
      %select_n3A_96 = arith.select %and3A_94, %add3A_95, %rem3A_86 : i32
      %dma_start3A_97 = arith.constant 1 : i32
      %dma_start3A_98 = arith.constant 0 : i32
      %dma_start3A_99 = tpu.memref_slice %arg7[%select_n3A_80, %select_n3A_96, %dma_start3A_98] : memref<5x16x125xi32, #tpu.memory_space<vmem>> -> memref<1x1x125xi32, #tpu.memory_space<vmem>>
      %dma_start3A_100 = tpu.memref_squeeze %dma_start3A_99 : memref<1x1x125xi32, #tpu.memory_space<vmem>> -> memref<125xi32, #tpu.memory_space<vmem>>
      %dma_start3A_101 = arith.constant 0 : i32
      %dma_start3A_102 = arith.constant 0 : i32
      %dma_start3A_103 = tpu.memref_slice %arg6[%dma_start3A_101, %dma_start3A_102] : memref<10000x128xf32, #tpu.memory_space<vmem_shared>> -> memref<10000x128xf32, #tpu.memory_space<vmem_shared>>
      %dma_start3A_104 = tpu.memref_slice %arg9[%dma_start3A_97] : memref<4x!tpu.dma_semaphore, #tpu.memory_space<semaphore_mem>> -> memref<1x!tpu.dma_semaphore, #tpu.memory_space<semaphore_mem>>
      %dma_start3A_105 = tpu.memref_squeeze %dma_start3A_104 : memref<1x!tpu.dma_semaphore, #tpu.memory_space<semaphore_mem>> -> memref<!tpu.dma_semaphore, #tpu.memory_space<semaphore_mem>>
      tpu.enqueue_indirect_dma source(%arg8 : memref<125x128xf32, #tpu.memory_space<vmem>>) target(%dma_start3A_103 : memref<10000x128xf32, #tpu.memory_space<vmem_shared>>) offsets(%dma_start3A_100 : memref<125xi32, #tpu.memory_space<vmem>>) semaphore(%dma_start3A_105 : memref<!tpu.dma_semaphore, #tpu.memory_space<semaphore_mem>>) {add = true}
      %add3A_106 = arith.constant 2 : i32
      %add3A_107 = arith.addi %mul3A_14, %add3A_106 : i32
      %jit3A_108 = arith.constant 16 : i32
      %div3A_109 = arith.divsi %add3A_107, %jit3A_108 : i32
      %sign3A_110 = arith.constant 0 : i32
      %sign3A_111 = arith.cmpi sgt, %add3A_107, %sign3A_110 : i32
      %sign3A_112 = arith.extui %sign3A_111 : i1 to i32
      %sign3A_113 = arith.constant 0 : i32
      %sign3A_114 = arith.cmpi slt, %add3A_107, %sign3A_113 : i32
      %sign3A_115 = arith.extui %sign3A_114 : i1 to i32
      %sign3A_116 = arith.subi %sign3A_112, %sign3A_115 : i32
      %sign3A_117 = arith.constant 0 : i32
      %sign3A_118 = arith.cmpi sgt, %jit3A_108, %sign3A_117 : i32
      %sign3A_119 = arith.extui %sign3A_118 : i1 to i32
      %sign3A_120 = arith.constant 0 : i32
      %sign3A_121 = arith.cmpi slt, %jit3A_108, %sign3A_120 : i32
      %sign3A_122 = arith.extui %sign3A_121 : i1 to i32
      %sign3A_123 = arith.subi %sign3A_119, %sign3A_122 : i32
      %ne3A_124 = arith.cmpi ne, %sign3A_116, %sign3A_123 : i32
      %rem3A_125 = arith.remsi %add3A_107, %jit3A_108 : i32
      %ne3A_126 = arith.constant 0 : i32
      %ne3A_127 = arith.cmpi ne, %rem3A_125, %ne3A_126 : i32
      %and3A_128 = arith.andi %ne3A_124, %ne3A_127 : i1
      %sub3A_129 = arith.constant 1 : i32
      %sub3A_130 = arith.subi %div3A_109, %sub3A_129 : i32
      %select_n3A_131 = arith.select %and3A_128, %sub3A_130, %div3A_109 : i32
      %jit3A_132 = arith.constant 16 : i32
      %eq3A_133 = arith.constant 0 : i32
      %eq3A_134 = arith.cmpi eq, %jit3A_132, %eq3A_133 : i32
      %jit3A_135 = arith.constant 1 : i32
      %select_n3A_136 = arith.select %eq3A_134, %jit3A_135, %jit3A_132 : i32
      %rem3A_137 = arith.remsi %add3A_107, %select_n3A_136 : i32
      %ne3A_138 = arith.constant 0 : i32
      %ne3A_139 = arith.cmpi ne, %rem3A_137, %ne3A_138 : i32
      %lt3A_140 = arith.constant 0 : i32
      %lt3A_141 = arith.cmpi slt, %rem3A_137, %lt3A_140 : i32
      %lt3A_142 = arith.constant 0 : i32
      %lt3A_143 = arith.cmpi slt, %select_n3A_136, %lt3A_142 : i32
      %ne3A_144 = arith.xori %lt3A_141, %lt3A_143 : i1
      %and3A_145 = arith.andi %ne3A_144, %ne3A_139 : i1
      %add3A_146 = arith.addi %rem3A_137, %select_n3A_136 : i32
      %select_n3A_147 = arith.select %and3A_145, %add3A_146, %rem3A_137 : i32
      %dma_start3A_148 = arith.constant 2 : i32
      %dma_start3A_149 = arith.constant 0 : i32
      %dma_start3A_150 = tpu.memref_slice %arg7[%select_n3A_131, %select_n3A_147, %dma_start3A_149] : memref<5x16x125xi32, #tpu.memory_space<vmem>> -> memref<1x1x125xi32, #tpu.memory_space<vmem>>
      %dma_start3A_151 = tpu.memref_squeeze %dma_start3A_150 : memref<1x1x125xi32, #tpu.memory_space<vmem>> -> memref<125xi32, #tpu.memory_space<vmem>>
      %dma_start3A_152 = arith.constant 0 : i32
      %dma_start3A_153 = arith.constant 0 : i32
      %dma_start3A_154 = tpu.memref_slice %arg6[%dma_start3A_152, %dma_start3A_153] : memref<10000x128xf32, #tpu.memory_space<vmem_shared>> -> memref<10000x128xf32, #tpu.memory_space<vmem_shared>>
      %dma_start3A_155 = tpu.memref_slice %arg9[%dma_start3A_148] : memref<4x!tpu.dma_semaphore, #tpu.memory_space<semaphore_mem>> -> memref<1x!tpu.dma_semaphore, #tpu.memory_space<semaphore_mem>>
      %dma_start3A_156 = tpu.memref_squeeze %dma_start3A_155 : memref<1x!tpu.dma_semaphore, #tpu.memory_space<semaphore_mem>> -> memref<!tpu.dma_semaphore, #tpu.memory_space<semaphore_mem>>
      tpu.enqueue_indirect_dma source(%arg8 : memref<125x128xf32, #tpu.memory_space<vmem>>) target(%dma_start3A_154 : memref<10000x128xf32, #tpu.memory_space<vmem_shared>>) offsets(%dma_start3A_151 : memref<125xi32, #tpu.memory_space<vmem>>) semaphore(%dma_start3A_156 : memref<!tpu.dma_semaphore, #tpu.memory_space<semaphore_mem>>) {add = true}
      %add3A_157 = arith.constant 3 : i32
      %add3A_158 = arith.addi %mul3A_14, %add3A_157 : i32
      %jit3A_159 = arith.constant 16 : i32
      %div3A_160 = arith.divsi %add3A_158, %jit3A_159 : i32
      %sign3A_161 = arith.constant 0 : i32
      %sign3A_162 = arith.cmpi sgt, %add3A_158, %sign3A_161 : i32
      %sign3A_163 = arith.extui %sign3A_162 : i1 to i32
      %sign3A_164 = arith.constant 0 : i32
      %sign3A_165 = arith.cmpi slt, %add3A_158, %sign3A_164 : i32
      %sign3A_166 = arith.extui %sign3A_165 : i1 to i32
      %sign3A_167 = arith.subi %sign3A_163, %sign3A_166 : i32
      %sign3A_168 = arith.constant 0 : i32
      %sign3A_169 = arith.cmpi sgt, %jit3A_159, %sign3A_168 : i32
      %sign3A_170 = arith.extui %sign3A_169 : i1 to i32
      %sign3A_171 = arith.constant 0 : i32
      %sign3A_172 = arith.cmpi slt, %jit3A_159, %sign3A_171 : i32
      %sign3A_173 = arith.extui %sign3A_172 : i1 to i32
      %sign3A_174 = arith.subi %sign3A_170, %sign3A_173 : i32
      %ne3A_175 = arith.cmpi ne, %sign3A_167, %sign3A_174 : i32
      %rem3A_176 = arith.remsi %add3A_158, %jit3A_159 : i32
      %ne3A_177 = arith.constant 0 : i32
      %ne3A_178 = arith.cmpi ne, %rem3A_176, %ne3A_177 : i32
      %and3A_179 = arith.andi %ne3A_175, %ne3A_178 : i1
      %sub3A_180 = arith.constant 1 : i32
      %sub3A_181 = arith.subi %div3A_160, %sub3A_180 : i32
      %select_n3A_182 = arith.select %and3A_179, %sub3A_181, %div3A_160 : i32
      %jit3A_183 = arith.constant 16 : i32
      %eq3A_184 = arith.constant 0 : i32
      %eq3A_185 = arith.cmpi eq, %jit3A_183, %eq3A_184 : i32
      %jit3A_186 = arith.constant 1 : i32
      %select_n3A_187 = arith.select %eq3A_185, %jit3A_186, %jit3A_183 : i32
      %rem3A_188 = arith.remsi %add3A_158, %select_n3A_187 : i32
      %ne3A_189 = arith.constant 0 : i32
      %ne3A_190 = arith.cmpi ne, %rem3A_188, %ne3A_189 : i32
      %lt3A_191 = arith.constant 0 : i32
      %lt3A_192 = arith.cmpi slt, %rem3A_188, %lt3A_191 : i32
      %lt3A_193 = arith.constant 0 : i32
      %lt3A_194 = arith.cmpi slt, %select_n3A_187, %lt3A_193 : i32
      %ne3A_195 = arith.xori %lt3A_192, %lt3A_194 : i1
      %and3A_196 = arith.andi %ne3A_195, %ne3A_190 : i1
      %add3A_197 = arith.addi %rem3A_188, %select_n3A_187 : i32
      %select_n3A_198 = arith.select %and3A_196, %add3A_197, %rem3A_188 : i32
      %dma_start3A_199 = arith.constant 3 : i32
      %dma_start3A_200 = arith.constant 0 : i32
      %dma_start3A_201 = tpu.memref_slice %arg7[%select_n3A_182, %select_n3A_198, %dma_start3A_200] : memref<5x16x125xi32, #tpu.memory_space<vmem>> -> memref<1x1x125xi32, #tpu.memory_space<vmem>>
      %dma_start3A_202 = tpu.memref_squeeze %dma_start3A_201 : memref<1x1x125xi32, #tpu.memory_space<vmem>> -> memref<125xi32, #tpu.memory_space<vmem>>
      %dma_start3A_203 = arith.constant 0 : i32
      %dma_start3A_204 = arith.constant 0 : i32
      %dma_start3A_205 = tpu.memref_slice %arg6[%dma_start3A_203, %dma_start3A_204] : memref<10000x128xf32, #tpu.memory_space<vmem_shared>> -> memref<10000x128xf32, #tpu.memory_space<vmem_shared>>
      %dma_start3A_206 = tpu.memref_slice %arg9[%dma_start3A_199] : memref<4x!tpu.dma_semaphore, #tpu.memory_space<semaphore_mem>> -> memref<1x!tpu.dma_semaphore, #tpu.memory_space<semaphore_mem>>
      %dma_start3A_207 = tpu.memref_squeeze %dma_start3A_206 : memref<1x!tpu.dma_semaphore, #tpu.memory_space<semaphore_mem>> -> memref<!tpu.dma_semaphore, #tpu.memory_space<semaphore_mem>>
      tpu.enqueue_indirect_dma source(%arg8 : memref<125x128xf32, #tpu.memory_space<vmem>>) target(%dma_start3A_205 : memref<10000x128xf32, #tpu.memory_space<vmem_shared>>) offsets(%dma_start3A_202 : memref<125xi32, #tpu.memory_space<vmem>>) semaphore(%dma_start3A_207 : memref<!tpu.dma_semaphore, #tpu.memory_space<semaphore_mem>>) {add = true}
      %dma_wait3A = arith.constant 0 : i32
      %dma_wait3A_208 = arith.constant 0 : i32
      %dma_wait3A_209 = tpu.memref_slice %arg7[%select_n3A, %select_n3A_46, %dma_wait3A_208] : memref<5x16x125xi32, #tpu.memory_space<vmem>> -> memref<1x1x125xi32, #tpu.memory_space<vmem>>
      %dma_wait3A_210 = tpu.memref_squeeze %dma_wait3A_209 : memref<1x1x125xi32, #tpu.memory_space<vmem>> -> memref<125xi32, #tpu.memory_space<vmem>>
      %dma_wait3A_211 = arith.constant 0 : i32
      %dma_wait3A_212 = arith.constant 0 : i32
      %dma_wait3A_213 = tpu.memref_slice %arg6[%dma_wait3A_211, %dma_wait3A_212] : memref<10000x128xf32, #tpu.memory_space<vmem_shared>> -> memref<10000x128xf32, #tpu.memory_space<vmem_shared>>
      %dma_wait3A_214 = tpu.memref_slice %arg9[%dma_wait3A] : memref<4x!tpu.dma_semaphore, #tpu.memory_space<semaphore_mem>> -> memref<1x!tpu.dma_semaphore, #tpu.memory_space<semaphore_mem>>
      %dma_wait3A_215 = tpu.memref_squeeze %dma_wait3A_214 : memref<1x!tpu.dma_semaphore, #tpu.memory_space<semaphore_mem>> -> memref<!tpu.dma_semaphore, #tpu.memory_space<semaphore_mem>>
      tpu.wait_indirect_dma semaphore(%dma_wait3A_215 : memref<!tpu.dma_semaphore, #tpu.memory_space<semaphore_mem>>) src(%arg8 : memref<125x128xf32, #tpu.memory_space<vmem>>) dst(%dma_wait3A_213 : memref<10000x128xf32, #tpu.memory_space<vmem_shared>>)
      %dma_wait3A_216 = arith.constant 1 : i32
      %dma_wait3A_217 = arith.constant 0 : i32
      %dma_wait3A_218 = tpu.memref_slice %arg7[%select_n3A_80, %select_n3A_96, %dma_wait3A_217] : memref<5x16x125xi32, #tpu.memory_space<vmem>> -> memref<1x1x125xi32, #tpu.memory_space<vmem>>
      %dma_wait3A_219 = tpu.memref_squeeze %dma_wait3A_218 : memref<1x1x125xi32, #tpu.memory_space<vmem>> -> memref<125xi32, #tpu.memory_space<vmem>>
      %dma_wait3A_220 = arith.constant 0 : i32
      %dma_wait3A_221 = arith.constant 0 : i32
      %dma_wait3A_222 = tpu.memref_slice %arg6[%dma_wait3A_220, %dma_wait3A_221] : memref<10000x128xf32, #tpu.memory_space<vmem_shared>> -> memref<10000x128xf32, #tpu.memory_space<vmem_shared>>
      %dma_wait3A_223 = tpu.memref_slice %arg9[%dma_wait3A_216] : memref<4x!tpu.dma_semaphore, #tpu.memory_space<semaphore_mem>> -> memref<1x!tpu.dma_semaphore, #tpu.memory_space<semaphore_mem>>
      %dma_wait3A_224 = tpu.memref_squeeze %dma_wait3A_223 : memref<1x!tpu.dma_semaphore, #tpu.memory_space<semaphore_mem>> -> memref<!tpu.dma_semaphore, #tpu.memory_space<semaphore_mem>>
      tpu.wait_indirect_dma semaphore(%dma_wait3A_224 : memref<!tpu.dma_semaphore, #tpu.memory_space<semaphore_mem>>) src(%arg8 : memref<125x128xf32, #tpu.memory_space<vmem>>) dst(%dma_wait3A_222 : memref<10000x128xf32, #tpu.memory_space<vmem_shared>>)
      %dma_wait3A_225 = arith.constant 2 : i32
      %dma_wait3A_226 = arith.constant 0 : i32
      %dma_wait3A_227 = tpu.memref_slice %arg7[%select_n3A_131, %select_n3A_147, %dma_wait3A_226] : memref<5x16x125xi32, #tpu.memory_space<vmem>> -> memref<1x1x125xi32, #tpu.memory_space<vmem>>
      %dma_wait3A_228 = tpu.memref_squeeze %dma_wait3A_227 : memref<1x1x125xi32, #tpu.memory_space<vmem>> -> memref<125xi32, #tpu.memory_space<vmem>>
      %dma_wait3A_229 = arith.constant 0 : i32
      %dma_wait3A_230 = arith.constant 0 : i32
      %dma_wait3A_231 = tpu.memref_slice %arg6[%dma_wait3A_229, %dma_wait3A_230] : memref<10000x128xf32, #tpu.memory_space<vmem_shared>> -> memref<10000x128xf32, #tpu.memory_space<vmem_shared>>
      %dma_wait3A_232 = tpu.memref_slice %arg9[%dma_wait3A_225] : memref<4x!tpu.dma_semaphore, #tpu.memory_space<semaphore_mem>> -> memref<1x!tpu.dma_semaphore, #tpu.memory_space<semaphore_mem>>
      %dma_wait3A_233 = tpu.memref_squeeze %dma_wait3A_232 : memref<1x!tpu.dma_semaphore, #tpu.memory_space<semaphore_mem>> -> memref<!tpu.dma_semaphore, #tpu.memory_space<semaphore_mem>>
      tpu.wait_indirect_dma semaphore(%dma_wait3A_233 : memref<!tpu.dma_semaphore, #tpu.memory_space<semaphore_mem>>) src(%arg8 : memref<125x128xf32, #tpu.memory_space<vmem>>) dst(%dma_wait3A_231 : memref<10000x128xf32, #tpu.memory_space<vmem_shared>>)
      %dma_wait3A_234 = arith.constant 3 : i32
      %dma_wait3A_235 = arith.constant 0 : i32
      %dma_wait3A_236 = tpu.memref_slice %arg7[%select_n3A_182, %select_n3A_198, %dma_wait3A_235] : memref<5x16x125xi32, #tpu.memory_space<vmem>> -> memref<1x1x125xi32, #tpu.memory_space<vmem>>
      %dma_wait3A_237 = tpu.memref_squeeze %dma_wait3A_236 : memref<1x1x125xi32, #tpu.memory_space<vmem>> -> memref<125xi32, #tpu.memory_space<vmem>>
      %dma_wait3A_238 = arith.constant 0 : i32
      %dma_wait3A_239 = arith.constant 0 : i32
      %dma_wait3A_240 = tpu.memref_slice %arg6[%dma_wait3A_238, %dma_wait3A_239] : memref<10000x128xf32, #tpu.memory_space<vmem_shared>> -> memref<10000x128xf32, #tpu.memory_space<vmem_shared>>
      %dma_wait3A_241 = tpu.memref_slice %arg9[%dma_wait3A_234] : memref<4x!tpu.dma_semaphore, #tpu.memory_space<semaphore_mem>> -> memref<1x!tpu.dma_semaphore, #tpu.memory_space<semaphore_mem>>
      %dma_wait3A_242 = tpu.memref_squeeze %dma_wait3A_241 : memref<1x!tpu.dma_semaphore, #tpu.memory_space<semaphore_mem>> -> memref<!tpu.dma_semaphore, #tpu.memory_space<semaphore_mem>>
      tpu.wait_indirect_dma semaphore(%dma_wait3A_242 : memref<!tpu.dma_semaphore, #tpu.memory_space<semaphore_mem>>) src(%arg8 : memref<125x128xf32, #tpu.memory_space<vmem>>) dst(%dma_wait3A_240 : memref<10000x128xf32, #tpu.memory_space<vmem_shared>>)
    }
    %scan3A_6 = arith.constant 20 : i32
    %barrier3A_7 = arith.constant 0 : index
    tpu.barrier barrier_id(%barrier3A_7)
    %lt3A_8 = arith.constant 10 : i32
    %lt3A_9 = arith.cmpi slt, %arg1, %lt3A_8 : i32
    %convert_element_type3A_10 = arith.extui %lt3A_9 : i1 to i32
    %cond3A_11 = arith.constant 0 : i32
    %cond3A_12 = arith.cmpi ne, %convert_element_type3A_10, %cond3A_11 : i32
    scf.if %cond3A_12 {
      %mul3A = arith.constant 1000 : i32
      %mul3A_13 = arith.muli %arg1, %mul3A : i32
      %mul3A_14 = arith.constant 1000 : i32
      %mul3A_15 = arith.muli %arg1, %mul3A_14 : i32
      "tpu.region"() ({
        %run_scoped3A = tpu.sem_alloc : memref<!tpu.dma_semaphore, #tpu.memory_space<semaphore_mem>>
        %dma_start3A = arith.constant 0 : i32
        %dma_start3A_16 = tpu.memref_slice %arg5[%arg0, %mul3A_15, %dma_start3A] : memref<2x10000x128xf32, #tpu.memory_space<hbm>> -> memref<1x1000x128xf32, #tpu.memory_space<hbm>>
        %dma_start3A_17 = tpu.memref_squeeze %dma_start3A_16 : memref<1x1000x128xf32, #tpu.memory_space<hbm>> -> memref<1000x128xf32, #tpu.memory_space<hbm>>
        %dma_start3A_18 = arith.constant 0 : i32
        %dma_start3A_19 = tpu.memref_slice %arg6[%mul3A_13, %dma_start3A_18] : memref<10000x128xf32, #tpu.memory_space<vmem_shared>> -> memref<1000x128xf32, #tpu.memory_space<vmem_shared>>
        tpu.enqueue_dma source(%dma_start3A_19 : memref<1000x128xf32, #tpu.memory_space<vmem_shared>>) target(%dma_start3A_17 : memref<1000x128xf32, #tpu.memory_space<hbm>>) target_semaphore(%run_scoped3A : memref<!tpu.dma_semaphore, #tpu.memory_space<semaphore_mem>>)
        %dma_wait3A = arith.constant 0 : i32
        %dma_wait3A_20 = tpu.memref_slice %arg5[%arg0, %mul3A_15, %dma_wait3A] : memref<2x10000x128xf32, #tpu.memory_space<hbm>> -> memref<1x1000x128xf32, #tpu.memory_space<hbm>>
        %dma_wait3A_21 = tpu.memref_squeeze %dma_wait3A_20 : memref<1x1000x128xf32, #tpu.memory_space<hbm>> -> memref<1000x128xf32, #tpu.memory_space<hbm>>
        %dma_wait3A_22 = arith.constant 0 : i32
        %dma_wait3A_23 = tpu.memref_slice %arg6[%mul3A_13, %dma_wait3A_22] : memref<10000x128xf32, #tpu.memory_space<vmem_shared>> -> memref<1000x128xf32, #tpu.memory_space<vmem_shared>>
        tpu.wait_dma2 semaphore(%run_scoped3A : memref<!tpu.dma_semaphore, #tpu.memory_space<semaphore_mem>>) src(%dma_wait3A_23 : memref<1000x128xf32, #tpu.memory_space<vmem_shared>>) dst(%dma_wait3A_21 : memref<1000x128xf32, #tpu.memory_space<hbm>>)
        tpu.yield
      }) : () -> ()
    } else {
    }
    return
  }
}

#map = affine_map<(d0, d1) -> (0, 0)>
#map1 = affine_map<(d0, d1) -> (0, 0, 0, 0, 0)>
#map2 = affine_map<(d0, d1) -> (0, 0, 0, 0)>
module attributes {stable_mosaic.version = 14 : i64} {
  func.func @_segsum_body(%arg0: i32, %arg1: i32, %arg2: memref<20000x128xf32, #tpu.memory_space<hbm>>, %arg3: memref<2x16x5x16x125xi32, #tpu.memory_space<hbm>>, %arg4: memref<16x5x16x125xi32, #tpu.memory_space<hbm>>, %arg5: memref<1000x128xf32, #tpu.memory_space<hbm>>, %arg6: memref<20000x128xf32, #tpu.memory_space<hbm>>, %arg7: memref<10000x128xf32, #tpu.memory_space<vmem_shared>>, %arg8: memref<16x125xi32, #tpu.memory_space<vmem>>, %arg9: memref<16x125xi32, #tpu.memory_space<vmem>>, %arg10: memref<2x125x128xf32, #tpu.memory_space<vmem>>, %arg11: memref<!tpu.dma_semaphore, #tpu.memory_space<semaphore_mem>>, %arg12: memref<2x!tpu.dma_semaphore, #tpu.memory_space<semaphore_mem>>) attributes {dimension_semantics = [#tpu.dimension_semantics<core_parallel>, #tpu.dimension_semantics<subcore_parallel>], iteration_bounds = array<i64: 2, 16>, scalar_prefetch = 0 : i64, scratch_operands = 6 : i64, tpu.core_type = #tpu.core_type<sc_vector_subcore>, window_params = [{transform_indices = #map}, {transform_indices = #map1}, {transform_indices = #map2}, {transform_indices = #map}, {transform_indices = #map}]} {
    %lt3A = arith.constant 10 : i32
    %lt3A_0 = arith.cmpi slt, %arg1, %lt3A : i32
    %convert_element_type3A = arith.extui %lt3A_0 : i1 to i32
    %cond3A = arith.constant 0 : i32
    %cond3A_1 = arith.cmpi ne, %convert_element_type3A, %cond3A : i32
    scf.if %cond3A_1 {
      %mul3A = arith.constant 1000 : i32
      %mul3A_13 = arith.muli %arg1, %mul3A : i32
      "tpu.region"() ({
        %run_scoped3A = tpu.sem_alloc : memref<!tpu.dma_semaphore, #tpu.memory_space<semaphore_mem>>
        %dma_start3A = arith.constant 0 : i32
        %dma_start3A_14 = tpu.memref_slice %arg7[%mul3A_13, %dma_start3A] : memref<10000x128xf32, #tpu.memory_space<vmem_shared>> -> memref<1000x128xf32, #tpu.memory_space<vmem_shared>>
        tpu.enqueue_dma source(%arg5 : memref<1000x128xf32, #tpu.memory_space<hbm>>) target(%dma_start3A_14 : memref<1000x128xf32, #tpu.memory_space<vmem_shared>>) target_semaphore(%run_scoped3A : memref<!tpu.dma_semaphore, #tpu.memory_space<semaphore_mem>>)
        %dma_wait3A = arith.constant 0 : i32
        %dma_wait3A_15 = tpu.memref_slice %arg7[%mul3A_13, %dma_wait3A] : memref<10000x128xf32, #tpu.memory_space<vmem_shared>> -> memref<1000x128xf32, #tpu.memory_space<vmem_shared>>
        tpu.wait_dma2 semaphore(%run_scoped3A : memref<!tpu.dma_semaphore, #tpu.memory_space<semaphore_mem>>) src(%arg5 : memref<1000x128xf32, #tpu.memory_space<hbm>>) dst(%dma_wait3A_15 : memref<1000x128xf32, #tpu.memory_space<vmem_shared>>)
        tpu.yield
      }) : () -> ()
    } else {
    }
    %barrier3A = arith.constant 0 : index
    tpu.barrier barrier_id(%barrier3A)
    %scan3A = arith.constant 0 : i32
    %scan3A_2 = arith.constant 0 : i32
    %scan3A_3 = arith.constant 5 : i32
    %scan3A_4 = arith.addi %scan3A_2, %scan3A_3 : i32
    %scan3A_5 = arith.constant 1 : i32
    scf.for %scan3A_13 = %scan3A_2 to %scan3A_4 step %scan3A_5  : i32 {
      "tpu.region"() ({
        %run_scoped3A = tpu.sem_alloc : memref<!tpu.dma_semaphore, #tpu.memory_space<semaphore_mem>>
        %dma_start3A = arith.constant 0 : i32
        %dma_start3A_20 = arith.constant 0 : i32
        %dma_start3A_21 = tpu.memref_slice %arg3[%arg0, %arg1, %scan3A_13, %dma_start3A, %dma_start3A_20] : memref<2x16x5x16x125xi32, #tpu.memory_space<hbm>> -> memref<1x1x1x16x125xi32, #tpu.memory_space<hbm>>
        %dma_start3A_22 = tpu.memref_squeeze %dma_start3A_21 : memref<1x1x1x16x125xi32, #tpu.memory_space<hbm>> -> memref<16x125xi32, #tpu.memory_space<hbm>>
        %dma_start3A_23 = arith.constant 0 : i32
        %dma_start3A_24 = arith.constant 0 : i32
        %dma_start3A_25 = tpu.memref_slice %arg3[%arg0, %arg1, %scan3A_13, %dma_start3A_23, %dma_start3A_24] : memref<2x16x5x16x125xi32, #tpu.memory_space<hbm>> -> memref<1x1x1x16x125xi32, #tpu.memory_space<hbm>>
        %dma_start3A_26 = tpu.memref_squeeze %dma_start3A_25 : memref<1x1x1x16x125xi32, #tpu.memory_space<hbm>> -> memref<16x125xi32, #tpu.memory_space<hbm>>
        tpu.enqueue_dma source(%dma_start3A_26 : memref<16x125xi32, #tpu.memory_space<hbm>>) target(%arg8 : memref<16x125xi32, #tpu.memory_space<vmem>>) target_semaphore(%run_scoped3A : memref<!tpu.dma_semaphore, #tpu.memory_space<semaphore_mem>>)
        %dma_wait3A = arith.constant 0 : i32
        %dma_wait3A_27 = arith.constant 0 : i32
        %dma_wait3A_28 = tpu.memref_slice %arg3[%arg0, %arg1, %scan3A_13, %dma_wait3A, %dma_wait3A_27] : memref<2x16x5x16x125xi32, #tpu.memory_space<hbm>> -> memref<1x1x1x16x125xi32, #tpu.memory_space<hbm>>
        %dma_wait3A_29 = tpu.memref_squeeze %dma_wait3A_28 : memref<1x1x1x16x125xi32, #tpu.memory_space<hbm>> -> memref<16x125xi32, #tpu.memory_space<hbm>>
        %dma_wait3A_30 = arith.constant 0 : i32
        %dma_wait3A_31 = arith.constant 0 : i32
        %dma_wait3A_32 = tpu.memref_slice %arg3[%arg0, %arg1, %scan3A_13, %dma_wait3A_30, %dma_wait3A_31] : memref<2x16x5x16x125xi32, #tpu.memory_space<hbm>> -> memref<1x1x1x16x125xi32, #tpu.memory_space<hbm>>
        %dma_wait3A_33 = tpu.memref_squeeze %dma_wait3A_32 : memref<1x1x1x16x125xi32, #tpu.memory_space<hbm>> -> memref<16x125xi32, #tpu.memory_space<hbm>>
        tpu.wait_dma2 semaphore(%run_scoped3A : memref<!tpu.dma_semaphore, #tpu.memory_space<semaphore_mem>>) src(%dma_wait3A_33 : memref<16x125xi32, #tpu.memory_space<hbm>>) dst(%arg8 : memref<16x125xi32, #tpu.memory_space<vmem>>)
        tpu.yield
      }) : () -> ()
      "tpu.region"() ({
        %run_scoped3A = tpu.sem_alloc : memref<!tpu.dma_semaphore, #tpu.memory_space<semaphore_mem>>
        %dma_start3A = arith.constant 0 : i32
        %dma_start3A_20 = arith.constant 0 : i32
        %dma_start3A_21 = tpu.memref_slice %arg4[%arg1, %scan3A_13, %dma_start3A, %dma_start3A_20] : memref<16x5x16x125xi32, #tpu.memory_space<hbm>> -> memref<1x1x16x125xi32, #tpu.memory_space<hbm>>
        %dma_start3A_22 = tpu.memref_squeeze %dma_start3A_21 : memref<1x1x16x125xi32, #tpu.memory_space<hbm>> -> memref<16x125xi32, #tpu.memory_space<hbm>>
        %dma_start3A_23 = arith.constant 0 : i32
        %dma_start3A_24 = arith.constant 0 : i32
        %dma_start3A_25 = tpu.memref_slice %arg4[%arg1, %scan3A_13, %dma_start3A_23, %dma_start3A_24] : memref<16x5x16x125xi32, #tpu.memory_space<hbm>> -> memref<1x1x16x125xi32, #tpu.memory_space<hbm>>
        %dma_start3A_26 = tpu.memref_squeeze %dma_start3A_25 : memref<1x1x16x125xi32, #tpu.memory_space<hbm>> -> memref<16x125xi32, #tpu.memory_space<hbm>>
        tpu.enqueue_dma source(%dma_start3A_26 : memref<16x125xi32, #tpu.memory_space<hbm>>) target(%arg9 : memref<16x125xi32, #tpu.memory_space<vmem>>) target_semaphore(%run_scoped3A : memref<!tpu.dma_semaphore, #tpu.memory_space<semaphore_mem>>)
        %dma_wait3A = arith.constant 0 : i32
        %dma_wait3A_27 = arith.constant 0 : i32
        %dma_wait3A_28 = tpu.memref_slice %arg4[%arg1, %scan3A_13, %dma_wait3A, %dma_wait3A_27] : memref<16x5x16x125xi32, #tpu.memory_space<hbm>> -> memref<1x1x16x125xi32, #tpu.memory_space<hbm>>
        %dma_wait3A_29 = tpu.memref_squeeze %dma_wait3A_28 : memref<1x1x16x125xi32, #tpu.memory_space<hbm>> -> memref<16x125xi32, #tpu.memory_space<hbm>>
        %dma_wait3A_30 = arith.constant 0 : i32
        %dma_wait3A_31 = arith.constant 0 : i32
        %dma_wait3A_32 = tpu.memref_slice %arg4[%arg1, %scan3A_13, %dma_wait3A_30, %dma_wait3A_31] : memref<16x5x16x125xi32, #tpu.memory_space<hbm>> -> memref<1x1x16x125xi32, #tpu.memory_space<hbm>>
        %dma_wait3A_33 = tpu.memref_squeeze %dma_wait3A_32 : memref<1x1x16x125xi32, #tpu.memory_space<hbm>> -> memref<16x125xi32, #tpu.memory_space<hbm>>
        tpu.wait_dma2 semaphore(%run_scoped3A : memref<!tpu.dma_semaphore, #tpu.memory_space<semaphore_mem>>) src(%dma_wait3A_33 : memref<16x125xi32, #tpu.memory_space<hbm>>) dst(%arg9 : memref<16x125xi32, #tpu.memory_space<vmem>>)
        tpu.yield
      }) : () -> ()
      %scan3A_14 = arith.constant 0 : i32
      %scan3A_15 = arith.constant 0 : i32
      %scan3A_16 = arith.constant 4 : i32
      %scan3A_17 = arith.addi %scan3A_15, %scan3A_16 : i32
      %scan3A_18 = arith.constant 1 : i32
      scf.for %scan3A_20 = %scan3A_15 to %scan3A_17 step %scan3A_18  : i32 {
        %mul3A = arith.constant 4 : i32
        %mul3A_21 = arith.muli %scan3A_20, %mul3A : i32
        %dma_start3A = arith.constant 0 : i32
        %dma_start3A_22 = arith.constant 0 : i32
        %dma_start3A_23 = arith.constant 0 : i32
        %dma_start3A_24 = tpu.memref_slice %arg10[%dma_start3A, %dma_start3A_22, %dma_start3A_23] : memref<2x125x128xf32, #tpu.memory_space<vmem>> -> memref<1x125x128xf32, #tpu.memory_space<vmem>>
        %dma_start3A_25 = tpu.memref_squeeze %dma_start3A_24 : memref<1x125x128xf32, #tpu.memory_space<vmem>> -> memref<125x128xf32, #tpu.memory_space<vmem>>
        %dma_start3A_26 = arith.constant 0 : i32
        %dma_start3A_27 = tpu.memref_slice %arg8[%mul3A_21, %dma_start3A_26] : memref<16x125xi32, #tpu.memory_space<vmem>> -> memref<1x125xi32, #tpu.memory_space<vmem>>
        %dma_start3A_28 = tpu.memref_squeeze %dma_start3A_27 : memref<1x125xi32, #tpu.memory_space<vmem>> -> memref<125xi32, #tpu.memory_space<vmem>>
        %dma_start3A_29 = arith.constant 0 : i32
        %dma_start3A_30 = arith.constant 0 : i32
        %dma_start3A_31 = tpu.memref_slice %arg2[%dma_start3A_29, %dma_start3A_30] : memref<20000x128xf32, #tpu.memory_space<hbm>> -> memref<20000x128xf32, #tpu.memory_space<hbm>>
        tpu.enqueue_indirect_dma source(%dma_start3A_31 : memref<20000x128xf32, #tpu.memory_space<hbm>>) target(%dma_start3A_25 : memref<125x128xf32, #tpu.memory_space<vmem>>) offsets(%dma_start3A_28 : memref<125xi32, #tpu.memory_space<vmem>>) semaphore(%arg11 : memref<!tpu.dma_semaphore, #tpu.memory_space<semaphore_mem>>)
        %add3A = arith.constant 1 : i32
        %add3A_32 = arith.addi %mul3A_21, %add3A : i32
        %dma_start3A_33 = arith.constant 1 : i32
        %dma_start3A_34 = arith.constant 0 : i32
        %dma_start3A_35 = arith.constant 0 : i32
        %dma_start3A_36 = tpu.memref_slice %arg10[%dma_start3A_33, %dma_start3A_34, %dma_start3A_35] : memref<2x125x128xf32, #tpu.memory_space<vmem>> -> memref<1x125x128xf32, #tpu.memory_space<vmem>>
        %dma_start3A_37 = tpu.memref_squeeze %dma_start3A_36 : memref<1x125x128xf32, #tpu.memory_space<vmem>> -> memref<125x128xf32, #tpu.memory_space<vmem>>
        %dma_start3A_38 = arith.constant 0 : i32
        %dma_start3A_39 = tpu.memref_slice %arg8[%add3A_32, %dma_start3A_38] : memref<16x125xi32, #tpu.memory_space<vmem>> -> memref<1x125xi32, #tpu.memory_space<vmem>>
        %dma_start3A_40 = tpu.memref_squeeze %dma_start3A_39 : memref<1x125xi32, #tpu.memory_space<vmem>> -> memref<125xi32, #tpu.memory_space<vmem>>
        %dma_start3A_41 = arith.constant 0 : i32
        %dma_start3A_42 = arith.constant 0 : i32
        %dma_start3A_43 = tpu.memref_slice %arg2[%dma_start3A_41, %dma_start3A_42] : memref<20000x128xf32, #tpu.memory_space<hbm>> -> memref<20000x128xf32, #tpu.memory_space<hbm>>
        tpu.enqueue_indirect_dma source(%dma_start3A_43 : memref<20000x128xf32, #tpu.memory_space<hbm>>) target(%dma_start3A_37 : memref<125x128xf32, #tpu.memory_space<vmem>>) offsets(%dma_start3A_40 : memref<125xi32, #tpu.memory_space<vmem>>) semaphore(%arg11 : memref<!tpu.dma_semaphore, #tpu.memory_space<semaphore_mem>>)
        %dma_wait3A = arith.constant 0 : i32
        %dma_wait3A_44 = arith.constant 0 : i32
        %dma_wait3A_45 = arith.constant 0 : i32
        %dma_wait3A_46 = tpu.memref_slice %arg10[%dma_wait3A, %dma_wait3A_44, %dma_wait3A_45] : memref<2x125x128xf32, #tpu.memory_space<vmem>> -> memref<1x125x128xf32, #tpu.memory_space<vmem>>
        %dma_wait3A_47 = tpu.memref_squeeze %dma_wait3A_46 : memref<1x125x128xf32, #tpu.memory_space<vmem>> -> memref<125x128xf32, #tpu.memory_space<vmem>>
        %dma_wait3A_48 = arith.constant 0 : i32
        %dma_wait3A_49 = tpu.memref_slice %arg8[%mul3A_21, %dma_wait3A_48] : memref<16x125xi32, #tpu.memory_space<vmem>> -> memref<1x125xi32, #tpu.memory_space<vmem>>
        %dma_wait3A_50 = tpu.memref_squeeze %dma_wait3A_49 : memref<1x125xi32, #tpu.memory_space<vmem>> -> memref<125xi32, #tpu.memory_space<vmem>>
        %dma_wait3A_51 = arith.constant 0 : i32
        %dma_wait3A_52 = arith.constant 0 : i32
        %dma_wait3A_53 = tpu.memref_slice %arg2[%dma_wait3A_51, %dma_wait3A_52] : memref<20000x128xf32, #tpu.memory_space<hbm>> -> memref<20000x128xf32, #tpu.memory_space<hbm>>
        tpu.wait_indirect_dma semaphore(%arg11 : memref<!tpu.dma_semaphore, #tpu.memory_space<semaphore_mem>>) src(%dma_wait3A_53 : memref<20000x128xf32, #tpu.memory_space<hbm>>) dst(%dma_wait3A_47 : memref<125x128xf32, #tpu.memory_space<vmem>>)
        %dma_start3A_54 = arith.constant 0 : i32
        %dma_start3A_55 = arith.constant 0 : i32
        %dma_start3A_56 = arith.constant 0 : i32
        %dma_start3A_57 = arith.constant 0 : i32
        %dma_start3A_58 = tpu.memref_slice %arg10[%dma_start3A_54, %dma_start3A_56, %dma_start3A_57] : memref<2x125x128xf32, #tpu.memory_space<vmem>> -> memref<1x125x128xf32, #tpu.memory_space<vmem>>
        %dma_start3A_59 = tpu.memref_squeeze %dma_start3A_58 : memref<1x125x128xf32, #tpu.memory_space<vmem>> -> memref<125x128xf32, #tpu.memory_space<vmem>>
        %dma_start3A_60 = arith.constant 0 : i32
        %dma_start3A_61 = tpu.memref_slice %arg9[%mul3A_21, %dma_start3A_60] : memref<16x125xi32, #tpu.memory_space<vmem>> -> memref<1x125xi32, #tpu.memory_space<vmem>>
        %dma_start3A_62 = tpu.memref_squeeze %dma_start3A_61 : memref<1x125xi32, #tpu.memory_space<vmem>> -> memref<125xi32, #tpu.memory_space<vmem>>
        %dma_start3A_63 = arith.constant 0 : i32
        %dma_start3A_64 = arith.constant 0 : i32
        %dma_start3A_65 = tpu.memref_slice %arg7[%dma_start3A_63, %dma_start3A_64] : memref<10000x128xf32, #tpu.memory_space<vmem_shared>> -> memref<10000x128xf32, #tpu.memory_space<vmem_shared>>
        %dma_start3A_66 = tpu.memref_slice %arg12[%dma_start3A_55] : memref<2x!tpu.dma_semaphore, #tpu.memory_space<semaphore_mem>> -> memref<1x!tpu.dma_semaphore, #tpu.memory_space<semaphore_mem>>
        %dma_start3A_67 = tpu.memref_squeeze %dma_start3A_66 : memref<1x!tpu.dma_semaphore, #tpu.memory_space<semaphore_mem>> -> memref<!tpu.dma_semaphore, #tpu.memory_space<semaphore_mem>>
        tpu.enqueue_indirect_dma source(%dma_start3A_59 : memref<125x128xf32, #tpu.memory_space<vmem>>) target(%dma_start3A_65 : memref<10000x128xf32, #tpu.memory_space<vmem_shared>>) offsets(%dma_start3A_62 : memref<125xi32, #tpu.memory_space<vmem>>) semaphore(%dma_start3A_67 : memref<!tpu.dma_semaphore, #tpu.memory_space<semaphore_mem>>) {add = true}
        %dma_wait3A_68 = arith.constant 1 : i32
        %dma_wait3A_69 = arith.constant 0 : i32
        %dma_wait3A_70 = arith.constant 0 : i32
        %dma_wait3A_71 = tpu.memref_slice %arg10[%dma_wait3A_68, %dma_wait3A_69, %dma_wait3A_70] : memref<2x125x128xf32, #tpu.memory_space<vmem>> -> memref<1x125x128xf32, #tpu.memory_space<vmem>>
        %dma_wait3A_72 = tpu.memref_squeeze %dma_wait3A_71 : memref<1x125x128xf32, #tpu.memory_space<vmem>> -> memref<125x128xf32, #tpu.memory_space<vmem>>
        %dma_wait3A_73 = arith.constant 0 : i32
        %dma_wait3A_74 = tpu.memref_slice %arg8[%add3A_32, %dma_wait3A_73] : memref<16x125xi32, #tpu.memory_space<vmem>> -> memref<1x125xi32, #tpu.memory_space<vmem>>
        %dma_wait3A_75 = tpu.memref_squeeze %dma_wait3A_74 : memref<1x125xi32, #tpu.memory_space<vmem>> -> memref<125xi32, #tpu.memory_space<vmem>>
        %dma_wait3A_76 = arith.constant 0 : i32
        %dma_wait3A_77 = arith.constant 0 : i32
        %dma_wait3A_78 = tpu.memref_slice %arg2[%dma_wait3A_76, %dma_wait3A_77] : memref<20000x128xf32, #tpu.memory_space<hbm>> -> memref<20000x128xf32, #tpu.memory_space<hbm>>
        tpu.wait_indirect_dma semaphore(%arg11 : memref<!tpu.dma_semaphore, #tpu.memory_space<semaphore_mem>>) src(%dma_wait3A_78 : memref<20000x128xf32, #tpu.memory_space<hbm>>) dst(%dma_wait3A_72 : memref<125x128xf32, #tpu.memory_space<vmem>>)
        %add3A_79 = arith.constant 1 : i32
        %add3A_80 = arith.addi %mul3A_21, %add3A_79 : i32
        %dma_start3A_81 = arith.constant 1 : i32
        %dma_start3A_82 = arith.constant 1 : i32
        %dma_start3A_83 = arith.constant 0 : i32
        %dma_start3A_84 = arith.constant 0 : i32
        %dma_start3A_85 = tpu.memref_slice %arg10[%dma_start3A_81, %dma_start3A_83, %dma_start3A_84] : memref<2x125x128xf32, #tpu.memory_space<vmem>> -> memref<1x125x128xf32, #tpu.memory_space<vmem>>
        %dma_start3A_86 = tpu.memref_squeeze %dma_start3A_85 : memref<1x125x128xf32, #tpu.memory_space<vmem>> -> memref<125x128xf32, #tpu.memory_space<vmem>>
        %dma_start3A_87 = arith.constant 0 : i32
        %dma_start3A_88 = tpu.memref_slice %arg9[%add3A_80, %dma_start3A_87] : memref<16x125xi32, #tpu.memory_space<vmem>> -> memref<1x125xi32, #tpu.memory_space<vmem>>
        %dma_start3A_89 = tpu.memref_squeeze %dma_start3A_88 : memref<1x125xi32, #tpu.memory_space<vmem>> -> memref<125xi32, #tpu.memory_space<vmem>>
        %dma_start3A_90 = arith.constant 0 : i32
        %dma_start3A_91 = arith.constant 0 : i32
        %dma_start3A_92 = tpu.memref_slice %arg7[%dma_start3A_90, %dma_start3A_91] : memref<10000x128xf32, #tpu.memory_space<vmem_shared>> -> memref<10000x128xf32, #tpu.memory_space<vmem_shared>>
        %dma_start3A_93 = tpu.memref_slice %arg12[%dma_start3A_82] : memref<2x!tpu.dma_semaphore, #tpu.memory_space<semaphore_mem>> -> memref<1x!tpu.dma_semaphore, #tpu.memory_space<semaphore_mem>>
        %dma_start3A_94 = tpu.memref_squeeze %dma_start3A_93 : memref<1x!tpu.dma_semaphore, #tpu.memory_space<semaphore_mem>> -> memref<!tpu.dma_semaphore, #tpu.memory_space<semaphore_mem>>
        tpu.enqueue_indirect_dma source(%dma_start3A_86 : memref<125x128xf32, #tpu.memory_space<vmem>>) target(%dma_start3A_92 : memref<10000x128xf32, #tpu.memory_space<vmem_shared>>) offsets(%dma_start3A_89 : memref<125xi32, #tpu.memory_space<vmem>>) semaphore(%dma_start3A_94 : memref<!tpu.dma_semaphore, #tpu.memory_space<semaphore_mem>>) {add = true}
        %dma_wait3A_95 = arith.constant 0 : i32
        %dma_wait3A_96 = arith.constant 0 : i32
        %dma_wait3A_97 = arith.constant 0 : i32
        %dma_wait3A_98 = arith.constant 0 : i32
        %dma_wait3A_99 = tpu.memref_slice %arg10[%dma_wait3A_95, %dma_wait3A_97, %dma_wait3A_98] : memref<2x125x128xf32, #tpu.memory_space<vmem>> -> memref<1x125x128xf32, #tpu.memory_space<vmem>>
        %dma_wait3A_100 = tpu.memref_squeeze %dma_wait3A_99 : memref<1x125x128xf32, #tpu.memory_space<vmem>> -> memref<125x128xf32, #tpu.memory_space<vmem>>
        %dma_wait3A_101 = arith.constant 0 : i32
        %dma_wait3A_102 = tpu.memref_slice %arg9[%mul3A_21, %dma_wait3A_101] : memref<16x125xi32, #tpu.memory_space<vmem>> -> memref<1x125xi32, #tpu.memory_space<vmem>>
        %dma_wait3A_103 = tpu.memref_squeeze %dma_wait3A_102 : memref<1x125xi32, #tpu.memory_space<vmem>> -> memref<125xi32, #tpu.memory_space<vmem>>
        %dma_wait3A_104 = arith.constant 0 : i32
        %dma_wait3A_105 = arith.constant 0 : i32
        %dma_wait3A_106 = tpu.memref_slice %arg7[%dma_wait3A_104, %dma_wait3A_105] : memref<10000x128xf32, #tpu.memory_space<vmem_shared>> -> memref<10000x128xf32, #tpu.memory_space<vmem_shared>>
        %dma_wait3A_107 = tpu.memref_slice %arg12[%dma_wait3A_96] : memref<2x!tpu.dma_semaphore, #tpu.memory_space<semaphore_mem>> -> memref<1x!tpu.dma_semaphore, #tpu.memory_space<semaphore_mem>>
        %dma_wait3A_108 = tpu.memref_squeeze %dma_wait3A_107 : memref<1x!tpu.dma_semaphore, #tpu.memory_space<semaphore_mem>> -> memref<!tpu.dma_semaphore, #tpu.memory_space<semaphore_mem>>
        tpu.wait_indirect_dma semaphore(%dma_wait3A_108 : memref<!tpu.dma_semaphore, #tpu.memory_space<semaphore_mem>>) src(%dma_wait3A_100 : memref<125x128xf32, #tpu.memory_space<vmem>>) dst(%dma_wait3A_106 : memref<10000x128xf32, #tpu.memory_space<vmem_shared>>)
        %add3A_109 = arith.constant 2 : i32
        %add3A_110 = arith.addi %mul3A_21, %add3A_109 : i32
        %dma_start3A_111 = arith.constant 0 : i32
        %dma_start3A_112 = arith.constant 0 : i32
        %dma_start3A_113 = arith.constant 0 : i32
        %dma_start3A_114 = tpu.memref_slice %arg10[%dma_start3A_111, %dma_start3A_112, %dma_start3A_113] : memref<2x125x128xf32, #tpu.memory_space<vmem>> -> memref<1x125x128xf32, #tpu.memory_space<vmem>>
        %dma_start3A_115 = tpu.memref_squeeze %dma_start3A_114 : memref<1x125x128xf32, #tpu.memory_space<vmem>> -> memref<125x128xf32, #tpu.memory_space<vmem>>
        %dma_start3A_116 = arith.constant 0 : i32
        %dma_start3A_117 = tpu.memref_slice %arg8[%add3A_110, %dma_start3A_116] : memref<16x125xi32, #tpu.memory_space<vmem>> -> memref<1x125xi32, #tpu.memory_space<vmem>>
        %dma_start3A_118 = tpu.memref_squeeze %dma_start3A_117 : memref<1x125xi32, #tpu.memory_space<vmem>> -> memref<125xi32, #tpu.memory_space<vmem>>
        %dma_start3A_119 = arith.constant 0 : i32
        %dma_start3A_120 = arith.constant 0 : i32
        %dma_start3A_121 = tpu.memref_slice %arg2[%dma_start3A_119, %dma_start3A_120] : memref<20000x128xf32, #tpu.memory_space<hbm>> -> memref<20000x128xf32, #tpu.memory_space<hbm>>
        tpu.enqueue_indirect_dma source(%dma_start3A_121 : memref<20000x128xf32, #tpu.memory_space<hbm>>) target(%dma_start3A_115 : memref<125x128xf32, #tpu.memory_space<vmem>>) offsets(%dma_start3A_118 : memref<125xi32, #tpu.memory_space<vmem>>) semaphore(%arg11 : memref<!tpu.dma_semaphore, #tpu.memory_space<semaphore_mem>>)
        %dma_wait3A_122 = arith.constant 1 : i32
        %dma_wait3A_123 = arith.constant 1 : i32
        %dma_wait3A_124 = arith.constant 0 : i32
        %dma_wait3A_125 = arith.constant 0 : i32
        %dma_wait3A_126 = tpu.memref_slice %arg10[%dma_wait3A_122, %dma_wait3A_124, %dma_wait3A_125] : memref<2x125x128xf32, #tpu.memory_space<vmem>> -> memref<1x125x128xf32, #tpu.memory_space<vmem>>
        %dma_wait3A_127 = tpu.memref_squeeze %dma_wait3A_126 : memref<1x125x128xf32, #tpu.memory_space<vmem>> -> memref<125x128xf32, #tpu.memory_space<vmem>>
        %dma_wait3A_128 = arith.constant 0 : i32
        %dma_wait3A_129 = tpu.memref_slice %arg9[%add3A_80, %dma_wait3A_128] : memref<16x125xi32, #tpu.memory_space<vmem>> -> memref<1x125xi32, #tpu.memory_space<vmem>>
        %dma_wait3A_130 = tpu.memref_squeeze %dma_wait3A_129 : memref<1x125xi32, #tpu.memory_space<vmem>> -> memref<125xi32, #tpu.memory_space<vmem>>
        %dma_wait3A_131 = arith.constant 0 : i32
        %dma_wait3A_132 = arith.constant 0 : i32
        %dma_wait3A_133 = tpu.memref_slice %arg7[%dma_wait3A_131, %dma_wait3A_132] : memref<10000x128xf32, #tpu.memory_space<vmem_shared>> -> memref<10000x128xf32, #tpu.memory_space<vmem_shared>>
        %dma_wait3A_134 = tpu.memref_slice %arg12[%dma_wait3A_123] : memref<2x!tpu.dma_semaphore, #tpu.memory_space<semaphore_mem>> -> memref<1x!tpu.dma_semaphore, #tpu.memory_space<semaphore_mem>>
        %dma_wait3A_135 = tpu.memref_squeeze %dma_wait3A_134 : memref<1x!tpu.dma_semaphore, #tpu.memory_space<semaphore_mem>> -> memref<!tpu.dma_semaphore, #tpu.memory_space<semaphore_mem>>
        tpu.wait_indirect_dma semaphore(%dma_wait3A_135 : memref<!tpu.dma_semaphore, #tpu.memory_space<semaphore_mem>>) src(%dma_wait3A_127 : memref<125x128xf32, #tpu.memory_space<vmem>>) dst(%dma_wait3A_133 : memref<10000x128xf32, #tpu.memory_space<vmem_shared>>)
        %add3A_136 = arith.constant 3 : i32
        %add3A_137 = arith.addi %mul3A_21, %add3A_136 : i32
        %dma_start3A_138 = arith.constant 1 : i32
        %dma_start3A_139 = arith.constant 0 : i32
        %dma_start3A_140 = arith.constant 0 : i32
        %dma_start3A_141 = tpu.memref_slice %arg10[%dma_start3A_138, %dma_start3A_139, %dma_start3A_140] : memref<2x125x128xf32, #tpu.memory_space<vmem>> -> memref<1x125x128xf32, #tpu.memory_space<vmem>>
        %dma_start3A_142 = tpu.memref_squeeze %dma_start3A_141 : memref<1x125x128xf32, #tpu.memory_space<vmem>> -> memref<125x128xf32, #tpu.memory_space<vmem>>
        %dma_start3A_143 = arith.constant 0 : i32
        %dma_start3A_144 = tpu.memref_slice %arg8[%add3A_137, %dma_start3A_143] : memref<16x125xi32, #tpu.memory_space<vmem>> -> memref<1x125xi32, #tpu.memory_space<vmem>>
        %dma_start3A_145 = tpu.memref_squeeze %dma_start3A_144 : memref<1x125xi32, #tpu.memory_space<vmem>> -> memref<125xi32, #tpu.memory_space<vmem>>
        %dma_start3A_146 = arith.constant 0 : i32
        %dma_start3A_147 = arith.constant 0 : i32
        %dma_start3A_148 = tpu.memref_slice %arg2[%dma_start3A_146, %dma_start3A_147] : memref<20000x128xf32, #tpu.memory_space<hbm>> -> memref<20000x128xf32, #tpu.memory_space<hbm>>
        tpu.enqueue_indirect_dma source(%dma_start3A_148 : memref<20000x128xf32, #tpu.memory_space<hbm>>) target(%dma_start3A_142 : memref<125x128xf32, #tpu.memory_space<vmem>>) offsets(%dma_start3A_145 : memref<125xi32, #tpu.memory_space<vmem>>) semaphore(%arg11 : memref<!tpu.dma_semaphore, #tpu.memory_space<semaphore_mem>>)
        %dma_wait3A_149 = arith.constant 0 : i32
        %dma_wait3A_150 = arith.constant 0 : i32
        %dma_wait3A_151 = arith.constant 0 : i32
        %dma_wait3A_152 = tpu.memref_slice %arg10[%dma_wait3A_149, %dma_wait3A_150, %dma_wait3A_151] : memref<2x125x128xf32, #tpu.memory_space<vmem>> -> memref<1x125x128xf32, #tpu.memory_space<vmem>>
        %dma_wait3A_153 = tpu.memref_squeeze %dma_wait3A_152 : memref<1x125x128xf32, #tpu.memory_space<vmem>> -> memref<125x128xf32, #tpu.memory_space<vmem>>
        %dma_wait3A_154 = arith.constant 0 : i32
        %dma_wait3A_155 = tpu.memref_slice %arg8[%add3A_110, %dma_wait3A_154] : memref<16x125xi32, #tpu.memory_space<vmem>> -> memref<1x125xi32, #tpu.memory_space<vmem>>
        %dma_wait3A_156 = tpu.memref_squeeze %dma_wait3A_155 : memref<1x125xi32, #tpu.memory_space<vmem>> -> memref<125xi32, #tpu.memory_space<vmem>>
        %dma_wait3A_157 = arith.constant 0 : i32
        %dma_wait3A_158 = arith.constant 0 : i32
        %dma_wait3A_159 = tpu.memref_slice %arg2[%dma_wait3A_157, %dma_wait3A_158] : memref<20000x128xf32, #tpu.memory_space<hbm>> -> memref<20000x128xf32, #tpu.memory_space<hbm>>
        tpu.wait_indirect_dma semaphore(%arg11 : memref<!tpu.dma_semaphore, #tpu.memory_space<semaphore_mem>>) src(%dma_wait3A_159 : memref<20000x128xf32, #tpu.memory_space<hbm>>) dst(%dma_wait3A_153 : memref<125x128xf32, #tpu.memory_space<vmem>>)
        %add3A_160 = arith.constant 2 : i32
        %add3A_161 = arith.addi %mul3A_21, %add3A_160 : i32
        %dma_start3A_162 = arith.constant 0 : i32
        %dma_start3A_163 = arith.constant 0 : i32
        %dma_start3A_164 = arith.constant 0 : i32
        %dma_start3A_165 = arith.constant 0 : i32
        %dma_start3A_166 = tpu.memref_slice %arg10[%dma_start3A_162, %dma_start3A_164, %dma_start3A_165] : memref<2x125x128xf32, #tpu.memory_space<vmem>> -> memref<1x125x128xf32, #tpu.memory_space<vmem>>
        %dma_start3A_167 = tpu.memref_squeeze %dma_start3A_166 : memref<1x125x128xf32, #tpu.memory_space<vmem>> -> memref<125x128xf32, #tpu.memory_space<vmem>>
        %dma_start3A_168 = arith.constant 0 : i32
        %dma_start3A_169 = tpu.memref_slice %arg9[%add3A_161, %dma_start3A_168] : memref<16x125xi32, #tpu.memory_space<vmem>> -> memref<1x125xi32, #tpu.memory_space<vmem>>
        %dma_start3A_170 = tpu.memref_squeeze %dma_start3A_169 : memref<1x125xi32, #tpu.memory_space<vmem>> -> memref<125xi32, #tpu.memory_space<vmem>>
        %dma_start3A_171 = arith.constant 0 : i32
        %dma_start3A_172 = arith.constant 0 : i32
        %dma_start3A_173 = tpu.memref_slice %arg7[%dma_start3A_171, %dma_start3A_172] : memref<10000x128xf32, #tpu.memory_space<vmem_shared>> -> memref<10000x128xf32, #tpu.memory_space<vmem_shared>>
        %dma_start3A_174 = tpu.memref_slice %arg12[%dma_start3A_163] : memref<2x!tpu.dma_semaphore, #tpu.memory_space<semaphore_mem>> -> memref<1x!tpu.dma_semaphore, #tpu.memory_space<semaphore_mem>>
        %dma_start3A_175 = tpu.memref_squeeze %dma_start3A_174 : memref<1x!tpu.dma_semaphore, #tpu.memory_space<semaphore_mem>> -> memref<!tpu.dma_semaphore, #tpu.memory_space<semaphore_mem>>
        tpu.enqueue_indirect_dma source(%dma_start3A_167 : memref<125x128xf32, #tpu.memory_space<vmem>>) target(%dma_start3A_173 : memref<10000x128xf32, #tpu.memory_space<vmem_shared>>) offsets(%dma_start3A_170 : memref<125xi32, #tpu.memory_space<vmem>>) semaphore(%dma_start3A_175 : memref<!tpu.dma_semaphore, #tpu.memory_space<semaphore_mem>>) {add = true}
        %dma_wait3A_176 = arith.constant 1 : i32
        %dma_wait3A_177 = arith.constant 0 : i32
        %dma_wait3A_178 = arith.constant 0 : i32
        %dma_wait3A_179 = tpu.memref_slice %arg10[%dma_wait3A_176, %dma_wait3A_177, %dma_wait3A_178] : memref<2x125x128xf32, #tpu.memory_space<vmem>> -> memref<1x125x128xf32, #tpu.memory_space<vmem>>
        %dma_wait3A_180 = tpu.memref_squeeze %dma_wait3A_179 : memref<1x125x128xf32, #tpu.memory_space<vmem>> -> memref<125x128xf32, #tpu.memory_space<vmem>>
        %dma_wait3A_181 = arith.constant 0 : i32
        %dma_wait3A_182 = tpu.memref_slice %arg8[%add3A_137, %dma_wait3A_181] : memref<16x125xi32, #tpu.memory_space<vmem>> -> memref<1x125xi32, #tpu.memory_space<vmem>>
        %dma_wait3A_183 = tpu.memref_squeeze %dma_wait3A_182 : memref<1x125xi32, #tpu.memory_space<vmem>> -> memref<125xi32, #tpu.memory_space<vmem>>
        %dma_wait3A_184 = arith.constant 0 : i32
        %dma_wait3A_185 = arith.constant 0 : i32
        %dma_wait3A_186 = tpu.memref_slice %arg2[%dma_wait3A_184, %dma_wait3A_185] : memref<20000x128xf32, #tpu.memory_space<hbm>> -> memref<20000x128xf32, #tpu.memory_space<hbm>>
        tpu.wait_indirect_dma semaphore(%arg11 : memref<!tpu.dma_semaphore, #tpu.memory_space<semaphore_mem>>) src(%dma_wait3A_186 : memref<20000x128xf32, #tpu.memory_space<hbm>>) dst(%dma_wait3A_180 : memref<125x128xf32, #tpu.memory_space<vmem>>)
        %add3A_187 = arith.constant 3 : i32
        %add3A_188 = arith.addi %mul3A_21, %add3A_187 : i32
        %dma_start3A_189 = arith.constant 1 : i32
        %dma_start3A_190 = arith.constant 1 : i32
        %dma_start3A_191 = arith.constant 0 : i32
        %dma_start3A_192 = arith.constant 0 : i32
        %dma_start3A_193 = tpu.memref_slice %arg10[%dma_start3A_189, %dma_start3A_191, %dma_start3A_192] : memref<2x125x128xf32, #tpu.memory_space<vmem>> -> memref<1x125x128xf32, #tpu.memory_space<vmem>>
        %dma_start3A_194 = tpu.memref_squeeze %dma_start3A_193 : memref<1x125x128xf32, #tpu.memory_space<vmem>> -> memref<125x128xf32, #tpu.memory_space<vmem>>
        %dma_start3A_195 = arith.constant 0 : i32
        %dma_start3A_196 = tpu.memref_slice %arg9[%add3A_188, %dma_start3A_195] : memref<16x125xi32, #tpu.memory_space<vmem>> -> memref<1x125xi32, #tpu.memory_space<vmem>>
        %dma_start3A_197 = tpu.memref_squeeze %dma_start3A_196 : memref<1x125xi32, #tpu.memory_space<vmem>> -> memref<125xi32, #tpu.memory_space<vmem>>
        %dma_start3A_198 = arith.constant 0 : i32
        %dma_start3A_199 = arith.constant 0 : i32
        %dma_start3A_200 = tpu.memref_slice %arg7[%dma_start3A_198, %dma_start3A_199] : memref<10000x128xf32, #tpu.memory_space<vmem_shared>> -> memref<10000x128xf32, #tpu.memory_space<vmem_shared>>
        %dma_start3A_201 = tpu.memref_slice %arg12[%dma_start3A_190] : memref<2x!tpu.dma_semaphore, #tpu.memory_space<semaphore_mem>> -> memref<1x!tpu.dma_semaphore, #tpu.memory_space<semaphore_mem>>
        %dma_start3A_202 = tpu.memref_squeeze %dma_start3A_201 : memref<1x!tpu.dma_semaphore, #tpu.memory_space<semaphore_mem>> -> memref<!tpu.dma_semaphore, #tpu.memory_space<semaphore_mem>>
        tpu.enqueue_indirect_dma source(%dma_start3A_194 : memref<125x128xf32, #tpu.memory_space<vmem>>) target(%dma_start3A_200 : memref<10000x128xf32, #tpu.memory_space<vmem_shared>>) offsets(%dma_start3A_197 : memref<125xi32, #tpu.memory_space<vmem>>) semaphore(%dma_start3A_202 : memref<!tpu.dma_semaphore, #tpu.memory_space<semaphore_mem>>) {add = true}
        %dma_wait3A_203 = arith.constant 0 : i32
        %dma_wait3A_204 = arith.constant 0 : i32
        %dma_wait3A_205 = arith.constant 0 : i32
        %dma_wait3A_206 = arith.constant 0 : i32
        %dma_wait3A_207 = tpu.memref_slice %arg10[%dma_wait3A_203, %dma_wait3A_205, %dma_wait3A_206] : memref<2x125x128xf32, #tpu.memory_space<vmem>> -> memref<1x125x128xf32, #tpu.memory_space<vmem>>
        %dma_wait3A_208 = tpu.memref_squeeze %dma_wait3A_207 : memref<1x125x128xf32, #tpu.memory_space<vmem>> -> memref<125x128xf32, #tpu.memory_space<vmem>>
        %dma_wait3A_209 = arith.constant 0 : i32
        %dma_wait3A_210 = tpu.memref_slice %arg9[%add3A_161, %dma_wait3A_209] : memref<16x125xi32, #tpu.memory_space<vmem>> -> memref<1x125xi32, #tpu.memory_space<vmem>>
        %dma_wait3A_211 = tpu.memref_squeeze %dma_wait3A_210 : memref<1x125xi32, #tpu.memory_space<vmem>> -> memref<125xi32, #tpu.memory_space<vmem>>
        %dma_wait3A_212 = arith.constant 0 : i32
        %dma_wait3A_213 = arith.constant 0 : i32
        %dma_wait3A_214 = tpu.memref_slice %arg7[%dma_wait3A_212, %dma_wait3A_213] : memref<10000x128xf32, #tpu.memory_space<vmem_shared>> -> memref<10000x128xf32, #tpu.memory_space<vmem_shared>>
        %dma_wait3A_215 = tpu.memref_slice %arg12[%dma_wait3A_204] : memref<2x!tpu.dma_semaphore, #tpu.memory_space<semaphore_mem>> -> memref<1x!tpu.dma_semaphore, #tpu.memory_space<semaphore_mem>>
        %dma_wait3A_216 = tpu.memref_squeeze %dma_wait3A_215 : memref<1x!tpu.dma_semaphore, #tpu.memory_space<semaphore_mem>> -> memref<!tpu.dma_semaphore, #tpu.memory_space<semaphore_mem>>
        tpu.wait_indirect_dma semaphore(%dma_wait3A_216 : memref<!tpu.dma_semaphore, #tpu.memory_space<semaphore_mem>>) src(%dma_wait3A_208 : memref<125x128xf32, #tpu.memory_space<vmem>>) dst(%dma_wait3A_214 : memref<10000x128xf32, #tpu.memory_space<vmem_shared>>)
        %dma_wait3A_217 = arith.constant 1 : i32
        %dma_wait3A_218 = arith.constant 1 : i32
        %dma_wait3A_219 = arith.constant 0 : i32
        %dma_wait3A_220 = arith.constant 0 : i32
        %dma_wait3A_221 = tpu.memref_slice %arg10[%dma_wait3A_217, %dma_wait3A_219, %dma_wait3A_220] : memref<2x125x128xf32, #tpu.memory_space<vmem>> -> memref<1x125x128xf32, #tpu.memory_space<vmem>>
        %dma_wait3A_222 = tpu.memref_squeeze %dma_wait3A_221 : memref<1x125x128xf32, #tpu.memory_space<vmem>> -> memref<125x128xf32, #tpu.memory_space<vmem>>
        %dma_wait3A_223 = arith.constant 0 : i32
        %dma_wait3A_224 = tpu.memref_slice %arg9[%add3A_188, %dma_wait3A_223] : memref<16x125xi32, #tpu.memory_space<vmem>> -> memref<1x125xi32, #tpu.memory_space<vmem>>
        %dma_wait3A_225 = tpu.memref_squeeze %dma_wait3A_224 : memref<1x125xi32, #tpu.memory_space<vmem>> -> memref<125xi32, #tpu.memory_space<vmem>>
        %dma_wait3A_226 = arith.constant 0 : i32
        %dma_wait3A_227 = arith.constant 0 : i32
        %dma_wait3A_228 = tpu.memref_slice %arg7[%dma_wait3A_226, %dma_wait3A_227] : memref<10000x128xf32, #tpu.memory_space<vmem_shared>> -> memref<10000x128xf32, #tpu.memory_space<vmem_shared>>
        %dma_wait3A_229 = tpu.memref_slice %arg12[%dma_wait3A_218] : memref<2x!tpu.dma_semaphore, #tpu.memory_space<semaphore_mem>> -> memref<1x!tpu.dma_semaphore, #tpu.memory_space<semaphore_mem>>
        %dma_wait3A_230 = tpu.memref_squeeze %dma_wait3A_229 : memref<1x!tpu.dma_semaphore, #tpu.memory_space<semaphore_mem>> -> memref<!tpu.dma_semaphore, #tpu.memory_space<semaphore_mem>>
        tpu.wait_indirect_dma semaphore(%dma_wait3A_230 : memref<!tpu.dma_semaphore, #tpu.memory_space<semaphore_mem>>) src(%dma_wait3A_222 : memref<125x128xf32, #tpu.memory_space<vmem>>) dst(%dma_wait3A_228 : memref<10000x128xf32, #tpu.memory_space<vmem_shared>>)
      }
      %scan3A_19 = arith.constant 4 : i32
    }
    %scan3A_6 = arith.constant 5 : i32
    %barrier3A_7 = arith.constant 0 : index
    tpu.barrier barrier_id(%barrier3A_7)
    %lt3A_8 = arith.constant 10 : i32
    %lt3A_9 = arith.cmpi slt, %arg1, %lt3A_8 : i32
    %convert_element_type3A_10 = arith.extui %lt3A_9 : i1 to i32
    %cond3A_11 = arith.constant 0 : i32
    %cond3A_12 = arith.cmpi ne, %convert_element_type3A_10, %cond3A_11 : i32
    scf.if %cond3A_12 {
      %mul3A = arith.constant 1000 : i32
      %mul3A_13 = arith.muli %arg1, %mul3A : i32
      %mul3A_14 = arith.constant 10000 : i32
      %mul3A_15 = arith.muli %arg0, %mul3A_14 : i32
      %mul3A_16 = arith.constant 1000 : i32
      %mul3A_17 = arith.muli %arg1, %mul3A_16 : i32
      %add3A = arith.addi %mul3A_15, %mul3A_17 : i32
      "tpu.region"() ({
        %run_scoped3A = tpu.sem_alloc : memref<!tpu.dma_semaphore, #tpu.memory_space<semaphore_mem>>
        %dma_start3A = arith.constant 0 : i32
        %dma_start3A_18 = tpu.memref_slice %arg6[%add3A, %dma_start3A] : memref<20000x128xf32, #tpu.memory_space<hbm>> -> memref<1000x128xf32, #tpu.memory_space<hbm>>
        %dma_start3A_19 = arith.constant 0 : i32
        %dma_start3A_20 = tpu.memref_slice %arg7[%mul3A_13, %dma_start3A_19] : memref<10000x128xf32, #tpu.memory_space<vmem_shared>> -> memref<1000x128xf32, #tpu.memory_space<vmem_shared>>
        tpu.enqueue_dma source(%dma_start3A_20 : memref<1000x128xf32, #tpu.memory_space<vmem_shared>>) target(%dma_start3A_18 : memref<1000x128xf32, #tpu.memory_space<hbm>>) target_semaphore(%run_scoped3A : memref<!tpu.dma_semaphore, #tpu.memory_space<semaphore_mem>>)
        %dma_wait3A = arith.constant 0 : i32
        %dma_wait3A_21 = tpu.memref_slice %arg6[%add3A, %dma_wait3A] : memref<20000x128xf32, #tpu.memory_space<hbm>> -> memref<1000x128xf32, #tpu.memory_space<hbm>>
        %dma_wait3A_22 = arith.constant 0 : i32
        %dma_wait3A_23 = tpu.memref_slice %arg7[%mul3A_13, %dma_wait3A_22] : memref<10000x128xf32, #tpu.memory_space<vmem_shared>> -> memref<1000x128xf32, #tpu.memory_space<vmem_shared>>
        tpu.wait_dma2 semaphore(%run_scoped3A : memref<!tpu.dma_semaphore, #tpu.memory_space<semaphore_mem>>) src(%dma_wait3A_23 : memref<1000x128xf32, #tpu.memory_space<vmem_shared>>) dst(%dma_wait3A_21 : memref<1000x128xf32, #tpu.memory_space<hbm>>)
        tpu.yield
      }) : () -> ()
    } else {
    }
    return
  }
}

#map = affine_map<(d0, d1) -> (0, 0)>
#map1 = affine_map<(d0, d1) -> (0, 0, 0, 0, 0)>
#map2 = affine_map<(d0, d1) -> (0, 0, 0, 0)>
module attributes {stable_mosaic.version = 14 : i64} {
  func.func @_segsum_body(%arg0: i32, %arg1: i32, %arg2: memref<20000x128xf32, #tpu.memory_space<hbm>>, %arg3: memref<2x16x5x16x125xi32, #tpu.memory_space<hbm>>, %arg4: memref<16x5x16x125xi32, #tpu.memory_space<hbm>>, %arg5: memref<1000x128xf32, #tpu.memory_space<hbm>>, %arg6: memref<20000x128xf32, #tpu.memory_space<hbm>>, %arg7: memref<10000x128xf32, #tpu.memory_space<vmem_shared>>, %arg8: memref<16x125xi32, #tpu.memory_space<vmem>>, %arg9: memref<16x125xi32, #tpu.memory_space<vmem>>, %arg10: memref<2x125x128xf32, #tpu.memory_space<vmem>>, %arg11: memref<!tpu.dma_semaphore, #tpu.memory_space<semaphore_mem>>, %arg12: memref<2x!tpu.dma_semaphore, #tpu.memory_space<semaphore_mem>>) attributes {dimension_semantics = [#tpu.dimension_semantics<core_parallel>, #tpu.dimension_semantics<subcore_parallel>], iteration_bounds = array<i64: 2, 16>, scalar_prefetch = 0 : i64, scratch_operands = 6 : i64, tpu.core_type = #tpu.core_type<sc_vector_subcore>, window_params = [{transform_indices = #map}, {transform_indices = #map1}, {transform_indices = #map2}, {transform_indices = #map}, {transform_indices = #map}]} {
    %lt3A = arith.constant 10 : i32
    %lt3A_0 = arith.cmpi slt, %arg1, %lt3A : i32
    %convert_element_type3A = arith.extui %lt3A_0 : i1 to i32
    %cond3A = arith.constant 0 : i32
    %cond3A_1 = arith.cmpi ne, %convert_element_type3A, %cond3A : i32
    scf.if %cond3A_1 {
      %mul3A = arith.constant 1000 : i32
      %mul3A_13 = arith.muli %arg1, %mul3A : i32
      "tpu.region"() ({
        %run_scoped3A = tpu.sem_alloc : memref<!tpu.dma_semaphore, #tpu.memory_space<semaphore_mem>>
        %dma_start3A = arith.constant 0 : i32
        %dma_start3A_14 = tpu.memref_slice %arg7[%mul3A_13, %dma_start3A] : memref<10000x128xf32, #tpu.memory_space<vmem_shared>> -> memref<1000x128xf32, #tpu.memory_space<vmem_shared>>
        tpu.enqueue_dma source(%arg5 : memref<1000x128xf32, #tpu.memory_space<hbm>>) target(%dma_start3A_14 : memref<1000x128xf32, #tpu.memory_space<vmem_shared>>) target_semaphore(%run_scoped3A : memref<!tpu.dma_semaphore, #tpu.memory_space<semaphore_mem>>)
        %dma_wait3A = arith.constant 0 : i32
        %dma_wait3A_15 = tpu.memref_slice %arg7[%mul3A_13, %dma_wait3A] : memref<10000x128xf32, #tpu.memory_space<vmem_shared>> -> memref<1000x128xf32, #tpu.memory_space<vmem_shared>>
        tpu.wait_dma2 semaphore(%run_scoped3A : memref<!tpu.dma_semaphore, #tpu.memory_space<semaphore_mem>>) src(%arg5 : memref<1000x128xf32, #tpu.memory_space<hbm>>) dst(%dma_wait3A_15 : memref<1000x128xf32, #tpu.memory_space<vmem_shared>>)
        tpu.yield
      }) : () -> ()
    } else {
    }
    %barrier3A = arith.constant 0 : index
    tpu.barrier barrier_id(%barrier3A)
    %scan3A = arith.constant 0 : i32
    %scan3A_2 = arith.constant 0 : i32
    %scan3A_3 = arith.constant 5 : i32
    %scan3A_4 = arith.addi %scan3A_2, %scan3A_3 : i32
    %scan3A_5 = arith.constant 1 : i32
    scf.for %scan3A_13 = %scan3A_2 to %scan3A_4 step %scan3A_5  : i32 {
      "tpu.region"() ({
        %run_scoped3A = tpu.sem_alloc : memref<!tpu.dma_semaphore, #tpu.memory_space<semaphore_mem>>
        %dma_start3A = arith.constant 0 : i32
        %dma_start3A_20 = arith.constant 0 : i32
        %dma_start3A_21 = tpu.memref_slice %arg3[%arg0, %arg1, %scan3A_13, %dma_start3A, %dma_start3A_20] : memref<2x16x5x16x125xi32, #tpu.memory_space<hbm>> -> memref<1x1x1x16x125xi32, #tpu.memory_space<hbm>>
        %dma_start3A_22 = tpu.memref_squeeze %dma_start3A_21 : memref<1x1x1x16x125xi32, #tpu.memory_space<hbm>> -> memref<16x125xi32, #tpu.memory_space<hbm>>
        %dma_start3A_23 = arith.constant 0 : i32
        %dma_start3A_24 = arith.constant 0 : i32
        %dma_start3A_25 = tpu.memref_slice %arg3[%arg0, %arg1, %scan3A_13, %dma_start3A_23, %dma_start3A_24] : memref<2x16x5x16x125xi32, #tpu.memory_space<hbm>> -> memref<1x1x1x16x125xi32, #tpu.memory_space<hbm>>
        %dma_start3A_26 = tpu.memref_squeeze %dma_start3A_25 : memref<1x1x1x16x125xi32, #tpu.memory_space<hbm>> -> memref<16x125xi32, #tpu.memory_space<hbm>>
        tpu.enqueue_dma source(%dma_start3A_26 : memref<16x125xi32, #tpu.memory_space<hbm>>) target(%arg8 : memref<16x125xi32, #tpu.memory_space<vmem>>) target_semaphore(%run_scoped3A : memref<!tpu.dma_semaphore, #tpu.memory_space<semaphore_mem>>)
        %dma_wait3A = arith.constant 0 : i32
        %dma_wait3A_27 = arith.constant 0 : i32
        %dma_wait3A_28 = tpu.memref_slice %arg3[%arg0, %arg1, %scan3A_13, %dma_wait3A, %dma_wait3A_27] : memref<2x16x5x16x125xi32, #tpu.memory_space<hbm>> -> memref<1x1x1x16x125xi32, #tpu.memory_space<hbm>>
        %dma_wait3A_29 = tpu.memref_squeeze %dma_wait3A_28 : memref<1x1x1x16x125xi32, #tpu.memory_space<hbm>> -> memref<16x125xi32, #tpu.memory_space<hbm>>
        %dma_wait3A_30 = arith.constant 0 : i32
        %dma_wait3A_31 = arith.constant 0 : i32
        %dma_wait3A_32 = tpu.memref_slice %arg3[%arg0, %arg1, %scan3A_13, %dma_wait3A_30, %dma_wait3A_31] : memref<2x16x5x16x125xi32, #tpu.memory_space<hbm>> -> memref<1x1x1x16x125xi32, #tpu.memory_space<hbm>>
        %dma_wait3A_33 = tpu.memref_squeeze %dma_wait3A_32 : memref<1x1x1x16x125xi32, #tpu.memory_space<hbm>> -> memref<16x125xi32, #tpu.memory_space<hbm>>
        tpu.wait_dma2 semaphore(%run_scoped3A : memref<!tpu.dma_semaphore, #tpu.memory_space<semaphore_mem>>) src(%dma_wait3A_33 : memref<16x125xi32, #tpu.memory_space<hbm>>) dst(%arg8 : memref<16x125xi32, #tpu.memory_space<vmem>>)
        tpu.yield
      }) : () -> ()
      "tpu.region"() ({
        %run_scoped3A = tpu.sem_alloc : memref<!tpu.dma_semaphore, #tpu.memory_space<semaphore_mem>>
        %dma_start3A = arith.constant 0 : i32
        %dma_start3A_20 = arith.constant 0 : i32
        %dma_start3A_21 = tpu.memref_slice %arg4[%arg1, %scan3A_13, %dma_start3A, %dma_start3A_20] : memref<16x5x16x125xi32, #tpu.memory_space<hbm>> -> memref<1x1x16x125xi32, #tpu.memory_space<hbm>>
        %dma_start3A_22 = tpu.memref_squeeze %dma_start3A_21 : memref<1x1x16x125xi32, #tpu.memory_space<hbm>> -> memref<16x125xi32, #tpu.memory_space<hbm>>
        %dma_start3A_23 = arith.constant 0 : i32
        %dma_start3A_24 = arith.constant 0 : i32
        %dma_start3A_25 = tpu.memref_slice %arg4[%arg1, %scan3A_13, %dma_start3A_23, %dma_start3A_24] : memref<16x5x16x125xi32, #tpu.memory_space<hbm>> -> memref<1x1x16x125xi32, #tpu.memory_space<hbm>>
        %dma_start3A_26 = tpu.memref_squeeze %dma_start3A_25 : memref<1x1x16x125xi32, #tpu.memory_space<hbm>> -> memref<16x125xi32, #tpu.memory_space<hbm>>
        tpu.enqueue_dma source(%dma_start3A_26 : memref<16x125xi32, #tpu.memory_space<hbm>>) target(%arg9 : memref<16x125xi32, #tpu.memory_space<vmem>>) target_semaphore(%run_scoped3A : memref<!tpu.dma_semaphore, #tpu.memory_space<semaphore_mem>>)
        %dma_wait3A = arith.constant 0 : i32
        %dma_wait3A_27 = arith.constant 0 : i32
        %dma_wait3A_28 = tpu.memref_slice %arg4[%arg1, %scan3A_13, %dma_wait3A, %dma_wait3A_27] : memref<16x5x16x125xi32, #tpu.memory_space<hbm>> -> memref<1x1x16x125xi32, #tpu.memory_space<hbm>>
        %dma_wait3A_29 = tpu.memref_squeeze %dma_wait3A_28 : memref<1x1x16x125xi32, #tpu.memory_space<hbm>> -> memref<16x125xi32, #tpu.memory_space<hbm>>
        %dma_wait3A_30 = arith.constant 0 : i32
        %dma_wait3A_31 = arith.constant 0 : i32
        %dma_wait3A_32 = tpu.memref_slice %arg4[%arg1, %scan3A_13, %dma_wait3A_30, %dma_wait3A_31] : memref<16x5x16x125xi32, #tpu.memory_space<hbm>> -> memref<1x1x16x125xi32, #tpu.memory_space<hbm>>
        %dma_wait3A_33 = tpu.memref_squeeze %dma_wait3A_32 : memref<1x1x16x125xi32, #tpu.memory_space<hbm>> -> memref<16x125xi32, #tpu.memory_space<hbm>>
        tpu.wait_dma2 semaphore(%run_scoped3A : memref<!tpu.dma_semaphore, #tpu.memory_space<semaphore_mem>>) src(%dma_wait3A_33 : memref<16x125xi32, #tpu.memory_space<hbm>>) dst(%arg9 : memref<16x125xi32, #tpu.memory_space<vmem>>)
        tpu.yield
      }) : () -> ()
      %scan3A_14 = arith.constant 0 : i32
      %scan3A_15 = arith.constant 0 : i32
      %scan3A_16 = arith.constant 4 : i32
      %scan3A_17 = arith.addi %scan3A_15, %scan3A_16 : i32
      %scan3A_18 = arith.constant 1 : i32
      scf.for %scan3A_20 = %scan3A_15 to %scan3A_17 step %scan3A_18  : i32 {
        %mul3A = arith.constant 4 : i32
        %mul3A_21 = arith.muli %scan3A_20, %mul3A : i32
        %dma_start3A = arith.constant 0 : i32
        %dma_start3A_22 = arith.constant 0 : i32
        %dma_start3A_23 = arith.constant 0 : i32
        %dma_start3A_24 = tpu.memref_slice %arg10[%dma_start3A, %dma_start3A_22, %dma_start3A_23] : memref<2x125x128xf32, #tpu.memory_space<vmem>> -> memref<1x125x128xf32, #tpu.memory_space<vmem>>
        %dma_start3A_25 = tpu.memref_squeeze %dma_start3A_24 : memref<1x125x128xf32, #tpu.memory_space<vmem>> -> memref<125x128xf32, #tpu.memory_space<vmem>>
        %dma_start3A_26 = arith.constant 0 : i32
        %dma_start3A_27 = tpu.memref_slice %arg8[%mul3A_21, %dma_start3A_26] : memref<16x125xi32, #tpu.memory_space<vmem>> -> memref<1x125xi32, #tpu.memory_space<vmem>>
        %dma_start3A_28 = tpu.memref_squeeze %dma_start3A_27 : memref<1x125xi32, #tpu.memory_space<vmem>> -> memref<125xi32, #tpu.memory_space<vmem>>
        %dma_start3A_29 = arith.constant 0 : i32
        %dma_start3A_30 = arith.constant 0 : i32
        %dma_start3A_31 = tpu.memref_slice %arg2[%dma_start3A_29, %dma_start3A_30] : memref<20000x128xf32, #tpu.memory_space<hbm>> -> memref<20000x128xf32, #tpu.memory_space<hbm>>
        tpu.enqueue_indirect_dma source(%dma_start3A_31 : memref<20000x128xf32, #tpu.memory_space<hbm>>) target(%dma_start3A_25 : memref<125x128xf32, #tpu.memory_space<vmem>>) offsets(%dma_start3A_28 : memref<125xi32, #tpu.memory_space<vmem>>) semaphore(%arg11 : memref<!tpu.dma_semaphore, #tpu.memory_space<semaphore_mem>>)
        %add3A = arith.constant 1 : i32
        %add3A_32 = arith.addi %mul3A_21, %add3A : i32
        %dma_start3A_33 = arith.constant 1 : i32
        %dma_start3A_34 = arith.constant 0 : i32
        %dma_start3A_35 = arith.constant 0 : i32
        %dma_start3A_36 = tpu.memref_slice %arg10[%dma_start3A_33, %dma_start3A_34, %dma_start3A_35] : memref<2x125x128xf32, #tpu.memory_space<vmem>> -> memref<1x125x128xf32, #tpu.memory_space<vmem>>
        %dma_start3A_37 = tpu.memref_squeeze %dma_start3A_36 : memref<1x125x128xf32, #tpu.memory_space<vmem>> -> memref<125x128xf32, #tpu.memory_space<vmem>>
        %dma_start3A_38 = arith.constant 0 : i32
        %dma_start3A_39 = tpu.memref_slice %arg8[%add3A_32, %dma_start3A_38] : memref<16x125xi32, #tpu.memory_space<vmem>> -> memref<1x125xi32, #tpu.memory_space<vmem>>
        %dma_start3A_40 = tpu.memref_squeeze %dma_start3A_39 : memref<1x125xi32, #tpu.memory_space<vmem>> -> memref<125xi32, #tpu.memory_space<vmem>>
        %dma_start3A_41 = arith.constant 0 : i32
        %dma_start3A_42 = arith.constant 0 : i32
        %dma_start3A_43 = tpu.memref_slice %arg2[%dma_start3A_41, %dma_start3A_42] : memref<20000x128xf32, #tpu.memory_space<hbm>> -> memref<20000x128xf32, #tpu.memory_space<hbm>>
        tpu.enqueue_indirect_dma source(%dma_start3A_43 : memref<20000x128xf32, #tpu.memory_space<hbm>>) target(%dma_start3A_37 : memref<125x128xf32, #tpu.memory_space<vmem>>) offsets(%dma_start3A_40 : memref<125xi32, #tpu.memory_space<vmem>>) semaphore(%arg11 : memref<!tpu.dma_semaphore, #tpu.memory_space<semaphore_mem>>)
        %dma_wait3A = arith.constant 0 : i32
        %dma_wait3A_44 = arith.constant 0 : i32
        %dma_wait3A_45 = arith.constant 0 : i32
        %dma_wait3A_46 = tpu.memref_slice %arg10[%dma_wait3A, %dma_wait3A_44, %dma_wait3A_45] : memref<2x125x128xf32, #tpu.memory_space<vmem>> -> memref<1x125x128xf32, #tpu.memory_space<vmem>>
        %dma_wait3A_47 = tpu.memref_squeeze %dma_wait3A_46 : memref<1x125x128xf32, #tpu.memory_space<vmem>> -> memref<125x128xf32, #tpu.memory_space<vmem>>
        %dma_wait3A_48 = arith.constant 0 : i32
        %dma_wait3A_49 = tpu.memref_slice %arg8[%mul3A_21, %dma_wait3A_48] : memref<16x125xi32, #tpu.memory_space<vmem>> -> memref<1x125xi32, #tpu.memory_space<vmem>>
        %dma_wait3A_50 = tpu.memref_squeeze %dma_wait3A_49 : memref<1x125xi32, #tpu.memory_space<vmem>> -> memref<125xi32, #tpu.memory_space<vmem>>
        %dma_wait3A_51 = arith.constant 0 : i32
        %dma_wait3A_52 = arith.constant 0 : i32
        %dma_wait3A_53 = tpu.memref_slice %arg2[%dma_wait3A_51, %dma_wait3A_52] : memref<20000x128xf32, #tpu.memory_space<hbm>> -> memref<20000x128xf32, #tpu.memory_space<hbm>>
        tpu.wait_indirect_dma semaphore(%arg11 : memref<!tpu.dma_semaphore, #tpu.memory_space<semaphore_mem>>) src(%dma_wait3A_53 : memref<20000x128xf32, #tpu.memory_space<hbm>>) dst(%dma_wait3A_47 : memref<125x128xf32, #tpu.memory_space<vmem>>)
        %dma_start3A_54 = arith.constant 0 : i32
        %dma_start3A_55 = arith.constant 0 : i32
        %dma_start3A_56 = arith.constant 0 : i32
        %dma_start3A_57 = arith.constant 0 : i32
        %dma_start3A_58 = tpu.memref_slice %arg10[%dma_start3A_54, %dma_start3A_56, %dma_start3A_57] : memref<2x125x128xf32, #tpu.memory_space<vmem>> -> memref<1x125x128xf32, #tpu.memory_space<vmem>>
        %dma_start3A_59 = tpu.memref_squeeze %dma_start3A_58 : memref<1x125x128xf32, #tpu.memory_space<vmem>> -> memref<125x128xf32, #tpu.memory_space<vmem>>
        %dma_start3A_60 = arith.constant 0 : i32
        %dma_start3A_61 = tpu.memref_slice %arg9[%mul3A_21, %dma_start3A_60] : memref<16x125xi32, #tpu.memory_space<vmem>> -> memref<1x125xi32, #tpu.memory_space<vmem>>
        %dma_start3A_62 = tpu.memref_squeeze %dma_start3A_61 : memref<1x125xi32, #tpu.memory_space<vmem>> -> memref<125xi32, #tpu.memory_space<vmem>>
        %dma_start3A_63 = arith.constant 0 : i32
        %dma_start3A_64 = arith.constant 0 : i32
        %dma_start3A_65 = tpu.memref_slice %arg7[%dma_start3A_63, %dma_start3A_64] : memref<10000x128xf32, #tpu.memory_space<vmem_shared>> -> memref<10000x128xf32, #tpu.memory_space<vmem_shared>>
        %dma_start3A_66 = tpu.memref_slice %arg12[%dma_start3A_55] : memref<2x!tpu.dma_semaphore, #tpu.memory_space<semaphore_mem>> -> memref<1x!tpu.dma_semaphore, #tpu.memory_space<semaphore_mem>>
        %dma_start3A_67 = tpu.memref_squeeze %dma_start3A_66 : memref<1x!tpu.dma_semaphore, #tpu.memory_space<semaphore_mem>> -> memref<!tpu.dma_semaphore, #tpu.memory_space<semaphore_mem>>
        tpu.enqueue_indirect_dma source(%dma_start3A_59 : memref<125x128xf32, #tpu.memory_space<vmem>>) target(%dma_start3A_65 : memref<10000x128xf32, #tpu.memory_space<vmem_shared>>) offsets(%dma_start3A_62 : memref<125xi32, #tpu.memory_space<vmem>>) semaphore(%dma_start3A_67 : memref<!tpu.dma_semaphore, #tpu.memory_space<semaphore_mem>>) {add = true}
        %dma_wait3A_68 = arith.constant 1 : i32
        %dma_wait3A_69 = arith.constant 0 : i32
        %dma_wait3A_70 = arith.constant 0 : i32
        %dma_wait3A_71 = tpu.memref_slice %arg10[%dma_wait3A_68, %dma_wait3A_69, %dma_wait3A_70] : memref<2x125x128xf32, #tpu.memory_space<vmem>> -> memref<1x125x128xf32, #tpu.memory_space<vmem>>
        %dma_wait3A_72 = tpu.memref_squeeze %dma_wait3A_71 : memref<1x125x128xf32, #tpu.memory_space<vmem>> -> memref<125x128xf32, #tpu.memory_space<vmem>>
        %dma_wait3A_73 = arith.constant 0 : i32
        %dma_wait3A_74 = tpu.memref_slice %arg8[%add3A_32, %dma_wait3A_73] : memref<16x125xi32, #tpu.memory_space<vmem>> -> memref<1x125xi32, #tpu.memory_space<vmem>>
        %dma_wait3A_75 = tpu.memref_squeeze %dma_wait3A_74 : memref<1x125xi32, #tpu.memory_space<vmem>> -> memref<125xi32, #tpu.memory_space<vmem>>
        %dma_wait3A_76 = arith.constant 0 : i32
        %dma_wait3A_77 = arith.constant 0 : i32
        %dma_wait3A_78 = tpu.memref_slice %arg2[%dma_wait3A_76, %dma_wait3A_77] : memref<20000x128xf32, #tpu.memory_space<hbm>> -> memref<20000x128xf32, #tpu.memory_space<hbm>>
        tpu.wait_indirect_dma semaphore(%arg11 : memref<!tpu.dma_semaphore, #tpu.memory_space<semaphore_mem>>) src(%dma_wait3A_78 : memref<20000x128xf32, #tpu.memory_space<hbm>>) dst(%dma_wait3A_72 : memref<125x128xf32, #tpu.memory_space<vmem>>)
        %add3A_79 = arith.constant 1 : i32
        %add3A_80 = arith.addi %mul3A_21, %add3A_79 : i32
        %dma_start3A_81 = arith.constant 1 : i32
        %dma_start3A_82 = arith.constant 1 : i32
        %dma_start3A_83 = arith.constant 0 : i32
        %dma_start3A_84 = arith.constant 0 : i32
        %dma_start3A_85 = tpu.memref_slice %arg10[%dma_start3A_81, %dma_start3A_83, %dma_start3A_84] : memref<2x125x128xf32, #tpu.memory_space<vmem>> -> memref<1x125x128xf32, #tpu.memory_space<vmem>>
        %dma_start3A_86 = tpu.memref_squeeze %dma_start3A_85 : memref<1x125x128xf32, #tpu.memory_space<vmem>> -> memref<125x128xf32, #tpu.memory_space<vmem>>
        %dma_start3A_87 = arith.constant 0 : i32
        %dma_start3A_88 = tpu.memref_slice %arg9[%add3A_80, %dma_start3A_87] : memref<16x125xi32, #tpu.memory_space<vmem>> -> memref<1x125xi32, #tpu.memory_space<vmem>>
        %dma_start3A_89 = tpu.memref_squeeze %dma_start3A_88 : memref<1x125xi32, #tpu.memory_space<vmem>> -> memref<125xi32, #tpu.memory_space<vmem>>
        %dma_start3A_90 = arith.constant 0 : i32
        %dma_start3A_91 = arith.constant 0 : i32
        %dma_start3A_92 = tpu.memref_slice %arg7[%dma_start3A_90, %dma_start3A_91] : memref<10000x128xf32, #tpu.memory_space<vmem_shared>> -> memref<10000x128xf32, #tpu.memory_space<vmem_shared>>
        %dma_start3A_93 = tpu.memref_slice %arg12[%dma_start3A_82] : memref<2x!tpu.dma_semaphore, #tpu.memory_space<semaphore_mem>> -> memref<1x!tpu.dma_semaphore, #tpu.memory_space<semaphore_mem>>
        %dma_start3A_94 = tpu.memref_squeeze %dma_start3A_93 : memref<1x!tpu.dma_semaphore, #tpu.memory_space<semaphore_mem>> -> memref<!tpu.dma_semaphore, #tpu.memory_space<semaphore_mem>>
        tpu.enqueue_indirect_dma source(%dma_start3A_86 : memref<125x128xf32, #tpu.memory_space<vmem>>) target(%dma_start3A_92 : memref<10000x128xf32, #tpu.memory_space<vmem_shared>>) offsets(%dma_start3A_89 : memref<125xi32, #tpu.memory_space<vmem>>) semaphore(%dma_start3A_94 : memref<!tpu.dma_semaphore, #tpu.memory_space<semaphore_mem>>) {add = true}
        %dma_wait3A_95 = arith.constant 0 : i32
        %dma_wait3A_96 = arith.constant 0 : i32
        %dma_wait3A_97 = arith.constant 0 : i32
        %dma_wait3A_98 = arith.constant 0 : i32
        %dma_wait3A_99 = tpu.memref_slice %arg10[%dma_wait3A_95, %dma_wait3A_97, %dma_wait3A_98] : memref<2x125x128xf32, #tpu.memory_space<vmem>> -> memref<1x125x128xf32, #tpu.memory_space<vmem>>
        %dma_wait3A_100 = tpu.memref_squeeze %dma_wait3A_99 : memref<1x125x128xf32, #tpu.memory_space<vmem>> -> memref<125x128xf32, #tpu.memory_space<vmem>>
        %dma_wait3A_101 = arith.constant 0 : i32
        %dma_wait3A_102 = tpu.memref_slice %arg9[%mul3A_21, %dma_wait3A_101] : memref<16x125xi32, #tpu.memory_space<vmem>> -> memref<1x125xi32, #tpu.memory_space<vmem>>
        %dma_wait3A_103 = tpu.memref_squeeze %dma_wait3A_102 : memref<1x125xi32, #tpu.memory_space<vmem>> -> memref<125xi32, #tpu.memory_space<vmem>>
        %dma_wait3A_104 = arith.constant 0 : i32
        %dma_wait3A_105 = arith.constant 0 : i32
        %dma_wait3A_106 = tpu.memref_slice %arg7[%dma_wait3A_104, %dma_wait3A_105] : memref<10000x128xf32, #tpu.memory_space<vmem_shared>> -> memref<10000x128xf32, #tpu.memory_space<vmem_shared>>
        %dma_wait3A_107 = tpu.memref_slice %arg12[%dma_wait3A_96] : memref<2x!tpu.dma_semaphore, #tpu.memory_space<semaphore_mem>> -> memref<1x!tpu.dma_semaphore, #tpu.memory_space<semaphore_mem>>
        %dma_wait3A_108 = tpu.memref_squeeze %dma_wait3A_107 : memref<1x!tpu.dma_semaphore, #tpu.memory_space<semaphore_mem>> -> memref<!tpu.dma_semaphore, #tpu.memory_space<semaphore_mem>>
        tpu.wait_indirect_dma semaphore(%dma_wait3A_108 : memref<!tpu.dma_semaphore, #tpu.memory_space<semaphore_mem>>) src(%dma_wait3A_100 : memref<125x128xf32, #tpu.memory_space<vmem>>) dst(%dma_wait3A_106 : memref<10000x128xf32, #tpu.memory_space<vmem_shared>>)
        %add3A_109 = arith.constant 2 : i32
        %add3A_110 = arith.addi %mul3A_21, %add3A_109 : i32
        %dma_start3A_111 = arith.constant 0 : i32
        %dma_start3A_112 = arith.constant 0 : i32
        %dma_start3A_113 = arith.constant 0 : i32
        %dma_start3A_114 = tpu.memref_slice %arg10[%dma_start3A_111, %dma_start3A_112, %dma_start3A_113] : memref<2x125x128xf32, #tpu.memory_space<vmem>> -> memref<1x125x128xf32, #tpu.memory_space<vmem>>
        %dma_start3A_115 = tpu.memref_squeeze %dma_start3A_114 : memref<1x125x128xf32, #tpu.memory_space<vmem>> -> memref<125x128xf32, #tpu.memory_space<vmem>>
        %dma_start3A_116 = arith.constant 0 : i32
        %dma_start3A_117 = tpu.memref_slice %arg8[%add3A_110, %dma_start3A_116] : memref<16x125xi32, #tpu.memory_space<vmem>> -> memref<1x125xi32, #tpu.memory_space<vmem>>
        %dma_start3A_118 = tpu.memref_squeeze %dma_start3A_117 : memref<1x125xi32, #tpu.memory_space<vmem>> -> memref<125xi32, #tpu.memory_space<vmem>>
        %dma_start3A_119 = arith.constant 0 : i32
        %dma_start3A_120 = arith.constant 0 : i32
        %dma_start3A_121 = tpu.memref_slice %arg2[%dma_start3A_119, %dma_start3A_120] : memref<20000x128xf32, #tpu.memory_space<hbm>> -> memref<20000x128xf32, #tpu.memory_space<hbm>>
        tpu.enqueue_indirect_dma source(%dma_start3A_121 : memref<20000x128xf32, #tpu.memory_space<hbm>>) target(%dma_start3A_115 : memref<125x128xf32, #tpu.memory_space<vmem>>) offsets(%dma_start3A_118 : memref<125xi32, #tpu.memory_space<vmem>>) semaphore(%arg11 : memref<!tpu.dma_semaphore, #tpu.memory_space<semaphore_mem>>)
        %dma_wait3A_122 = arith.constant 1 : i32
        %dma_wait3A_123 = arith.constant 1 : i32
        %dma_wait3A_124 = arith.constant 0 : i32
        %dma_wait3A_125 = arith.constant 0 : i32
        %dma_wait3A_126 = tpu.memref_slice %arg10[%dma_wait3A_122, %dma_wait3A_124, %dma_wait3A_125] : memref<2x125x128xf32, #tpu.memory_space<vmem>> -> memref<1x125x128xf32, #tpu.memory_space<vmem>>
        %dma_wait3A_127 = tpu.memref_squeeze %dma_wait3A_126 : memref<1x125x128xf32, #tpu.memory_space<vmem>> -> memref<125x128xf32, #tpu.memory_space<vmem>>
        %dma_wait3A_128 = arith.constant 0 : i32
        %dma_wait3A_129 = tpu.memref_slice %arg9[%add3A_80, %dma_wait3A_128] : memref<16x125xi32, #tpu.memory_space<vmem>> -> memref<1x125xi32, #tpu.memory_space<vmem>>
        %dma_wait3A_130 = tpu.memref_squeeze %dma_wait3A_129 : memref<1x125xi32, #tpu.memory_space<vmem>> -> memref<125xi32, #tpu.memory_space<vmem>>
        %dma_wait3A_131 = arith.constant 0 : i32
        %dma_wait3A_132 = arith.constant 0 : i32
        %dma_wait3A_133 = tpu.memref_slice %arg7[%dma_wait3A_131, %dma_wait3A_132] : memref<10000x128xf32, #tpu.memory_space<vmem_shared>> -> memref<10000x128xf32, #tpu.memory_space<vmem_shared>>
        %dma_wait3A_134 = tpu.memref_slice %arg12[%dma_wait3A_123] : memref<2x!tpu.dma_semaphore, #tpu.memory_space<semaphore_mem>> -> memref<1x!tpu.dma_semaphore, #tpu.memory_space<semaphore_mem>>
        %dma_wait3A_135 = tpu.memref_squeeze %dma_wait3A_134 : memref<1x!tpu.dma_semaphore, #tpu.memory_space<semaphore_mem>> -> memref<!tpu.dma_semaphore, #tpu.memory_space<semaphore_mem>>
        tpu.wait_indirect_dma semaphore(%dma_wait3A_135 : memref<!tpu.dma_semaphore, #tpu.memory_space<semaphore_mem>>) src(%dma_wait3A_127 : memref<125x128xf32, #tpu.memory_space<vmem>>) dst(%dma_wait3A_133 : memref<10000x128xf32, #tpu.memory_space<vmem_shared>>)
        %add3A_136 = arith.constant 3 : i32
        %add3A_137 = arith.addi %mul3A_21, %add3A_136 : i32
        %dma_start3A_138 = arith.constant 1 : i32
        %dma_start3A_139 = arith.constant 0 : i32
        %dma_start3A_140 = arith.constant 0 : i32
        %dma_start3A_141 = tpu.memref_slice %arg10[%dma_start3A_138, %dma_start3A_139, %dma_start3A_140] : memref<2x125x128xf32, #tpu.memory_space<vmem>> -> memref<1x125x128xf32, #tpu.memory_space<vmem>>
        %dma_start3A_142 = tpu.memref_squeeze %dma_start3A_141 : memref<1x125x128xf32, #tpu.memory_space<vmem>> -> memref<125x128xf32, #tpu.memory_space<vmem>>
        %dma_start3A_143 = arith.constant 0 : i32
        %dma_start3A_144 = tpu.memref_slice %arg8[%add3A_137, %dma_start3A_143] : memref<16x125xi32, #tpu.memory_space<vmem>> -> memref<1x125xi32, #tpu.memory_space<vmem>>
        %dma_start3A_145 = tpu.memref_squeeze %dma_start3A_144 : memref<1x125xi32, #tpu.memory_space<vmem>> -> memref<125xi32, #tpu.memory_space<vmem>>
        %dma_start3A_146 = arith.constant 0 : i32
        %dma_start3A_147 = arith.constant 0 : i32
        %dma_start3A_148 = tpu.memref_slice %arg2[%dma_start3A_146, %dma_start3A_147] : memref<20000x128xf32, #tpu.memory_space<hbm>> -> memref<20000x128xf32, #tpu.memory_space<hbm>>
        tpu.enqueue_indirect_dma source(%dma_start3A_148 : memref<20000x128xf32, #tpu.memory_space<hbm>>) target(%dma_start3A_142 : memref<125x128xf32, #tpu.memory_space<vmem>>) offsets(%dma_start3A_145 : memref<125xi32, #tpu.memory_space<vmem>>) semaphore(%arg11 : memref<!tpu.dma_semaphore, #tpu.memory_space<semaphore_mem>>)
        %dma_wait3A_149 = arith.constant 0 : i32
        %dma_wait3A_150 = arith.constant 0 : i32
        %dma_wait3A_151 = arith.constant 0 : i32
        %dma_wait3A_152 = tpu.memref_slice %arg10[%dma_wait3A_149, %dma_wait3A_150, %dma_wait3A_151] : memref<2x125x128xf32, #tpu.memory_space<vmem>> -> memref<1x125x128xf32, #tpu.memory_space<vmem>>
        %dma_wait3A_153 = tpu.memref_squeeze %dma_wait3A_152 : memref<1x125x128xf32, #tpu.memory_space<vmem>> -> memref<125x128xf32, #tpu.memory_space<vmem>>
        %dma_wait3A_154 = arith.constant 0 : i32
        %dma_wait3A_155 = tpu.memref_slice %arg8[%add3A_110, %dma_wait3A_154] : memref<16x125xi32, #tpu.memory_space<vmem>> -> memref<1x125xi32, #tpu.memory_space<vmem>>
        %dma_wait3A_156 = tpu.memref_squeeze %dma_wait3A_155 : memref<1x125xi32, #tpu.memory_space<vmem>> -> memref<125xi32, #tpu.memory_space<vmem>>
        %dma_wait3A_157 = arith.constant 0 : i32
        %dma_wait3A_158 = arith.constant 0 : i32
        %dma_wait3A_159 = tpu.memref_slice %arg2[%dma_wait3A_157, %dma_wait3A_158] : memref<20000x128xf32, #tpu.memory_space<hbm>> -> memref<20000x128xf32, #tpu.memory_space<hbm>>
        tpu.wait_indirect_dma semaphore(%arg11 : memref<!tpu.dma_semaphore, #tpu.memory_space<semaphore_mem>>) src(%dma_wait3A_159 : memref<20000x128xf32, #tpu.memory_space<hbm>>) dst(%dma_wait3A_153 : memref<125x128xf32, #tpu.memory_space<vmem>>)
        %add3A_160 = arith.constant 2 : i32
        %add3A_161 = arith.addi %mul3A_21, %add3A_160 : i32
        %dma_start3A_162 = arith.constant 0 : i32
        %dma_start3A_163 = arith.constant 0 : i32
        %dma_start3A_164 = arith.constant 0 : i32
        %dma_start3A_165 = arith.constant 0 : i32
        %dma_start3A_166 = tpu.memref_slice %arg10[%dma_start3A_162, %dma_start3A_164, %dma_start3A_165] : memref<2x125x128xf32, #tpu.memory_space<vmem>> -> memref<1x125x128xf32, #tpu.memory_space<vmem>>
        %dma_start3A_167 = tpu.memref_squeeze %dma_start3A_166 : memref<1x125x128xf32, #tpu.memory_space<vmem>> -> memref<125x128xf32, #tpu.memory_space<vmem>>
        %dma_start3A_168 = arith.constant 0 : i32
        %dma_start3A_169 = tpu.memref_slice %arg9[%add3A_161, %dma_start3A_168] : memref<16x125xi32, #tpu.memory_space<vmem>> -> memref<1x125xi32, #tpu.memory_space<vmem>>
        %dma_start3A_170 = tpu.memref_squeeze %dma_start3A_169 : memref<1x125xi32, #tpu.memory_space<vmem>> -> memref<125xi32, #tpu.memory_space<vmem>>
        %dma_start3A_171 = arith.constant 0 : i32
        %dma_start3A_172 = arith.constant 0 : i32
        %dma_start3A_173 = tpu.memref_slice %arg7[%dma_start3A_171, %dma_start3A_172] : memref<10000x128xf32, #tpu.memory_space<vmem_shared>> -> memref<10000x128xf32, #tpu.memory_space<vmem_shared>>
        %dma_start3A_174 = tpu.memref_slice %arg12[%dma_start3A_163] : memref<2x!tpu.dma_semaphore, #tpu.memory_space<semaphore_mem>> -> memref<1x!tpu.dma_semaphore, #tpu.memory_space<semaphore_mem>>
        %dma_start3A_175 = tpu.memref_squeeze %dma_start3A_174 : memref<1x!tpu.dma_semaphore, #tpu.memory_space<semaphore_mem>> -> memref<!tpu.dma_semaphore, #tpu.memory_space<semaphore_mem>>
        tpu.enqueue_indirect_dma source(%dma_start3A_167 : memref<125x128xf32, #tpu.memory_space<vmem>>) target(%dma_start3A_173 : memref<10000x128xf32, #tpu.memory_space<vmem_shared>>) offsets(%dma_start3A_170 : memref<125xi32, #tpu.memory_space<vmem>>) semaphore(%dma_start3A_175 : memref<!tpu.dma_semaphore, #tpu.memory_space<semaphore_mem>>) {add = true}
        %dma_wait3A_176 = arith.constant 1 : i32
        %dma_wait3A_177 = arith.constant 0 : i32
        %dma_wait3A_178 = arith.constant 0 : i32
        %dma_wait3A_179 = tpu.memref_slice %arg10[%dma_wait3A_176, %dma_wait3A_177, %dma_wait3A_178] : memref<2x125x128xf32, #tpu.memory_space<vmem>> -> memref<1x125x128xf32, #tpu.memory_space<vmem>>
        %dma_wait3A_180 = tpu.memref_squeeze %dma_wait3A_179 : memref<1x125x128xf32, #tpu.memory_space<vmem>> -> memref<125x128xf32, #tpu.memory_space<vmem>>
        %dma_wait3A_181 = arith.constant 0 : i32
        %dma_wait3A_182 = tpu.memref_slice %arg8[%add3A_137, %dma_wait3A_181] : memref<16x125xi32, #tpu.memory_space<vmem>> -> memref<1x125xi32, #tpu.memory_space<vmem>>
        %dma_wait3A_183 = tpu.memref_squeeze %dma_wait3A_182 : memref<1x125xi32, #tpu.memory_space<vmem>> -> memref<125xi32, #tpu.memory_space<vmem>>
        %dma_wait3A_184 = arith.constant 0 : i32
        %dma_wait3A_185 = arith.constant 0 : i32
        %dma_wait3A_186 = tpu.memref_slice %arg2[%dma_wait3A_184, %dma_wait3A_185] : memref<20000x128xf32, #tpu.memory_space<hbm>> -> memref<20000x128xf32, #tpu.memory_space<hbm>>
        tpu.wait_indirect_dma semaphore(%arg11 : memref<!tpu.dma_semaphore, #tpu.memory_space<semaphore_mem>>) src(%dma_wait3A_186 : memref<20000x128xf32, #tpu.memory_space<hbm>>) dst(%dma_wait3A_180 : memref<125x128xf32, #tpu.memory_space<vmem>>)
        %add3A_187 = arith.constant 3 : i32
        %add3A_188 = arith.addi %mul3A_21, %add3A_187 : i32
        %dma_start3A_189 = arith.constant 1 : i32
        %dma_start3A_190 = arith.constant 1 : i32
        %dma_start3A_191 = arith.constant 0 : i32
        %dma_start3A_192 = arith.constant 0 : i32
        %dma_start3A_193 = tpu.memref_slice %arg10[%dma_start3A_189, %dma_start3A_191, %dma_start3A_192] : memref<2x125x128xf32, #tpu.memory_space<vmem>> -> memref<1x125x128xf32, #tpu.memory_space<vmem>>
        %dma_start3A_194 = tpu.memref_squeeze %dma_start3A_193 : memref<1x125x128xf32, #tpu.memory_space<vmem>> -> memref<125x128xf32, #tpu.memory_space<vmem>>
        %dma_start3A_195 = arith.constant 0 : i32
        %dma_start3A_196 = tpu.memref_slice %arg9[%add3A_188, %dma_start3A_195] : memref<16x125xi32, #tpu.memory_space<vmem>> -> memref<1x125xi32, #tpu.memory_space<vmem>>
        %dma_start3A_197 = tpu.memref_squeeze %dma_start3A_196 : memref<1x125xi32, #tpu.memory_space<vmem>> -> memref<125xi32, #tpu.memory_space<vmem>>
        %dma_start3A_198 = arith.constant 0 : i32
        %dma_start3A_199 = arith.constant 0 : i32
        %dma_start3A_200 = tpu.memref_slice %arg7[%dma_start3A_198, %dma_start3A_199] : memref<10000x128xf32, #tpu.memory_space<vmem_shared>> -> memref<10000x128xf32, #tpu.memory_space<vmem_shared>>
        %dma_start3A_201 = tpu.memref_slice %arg12[%dma_start3A_190] : memref<2x!tpu.dma_semaphore, #tpu.memory_space<semaphore_mem>> -> memref<1x!tpu.dma_semaphore, #tpu.memory_space<semaphore_mem>>
        %dma_start3A_202 = tpu.memref_squeeze %dma_start3A_201 : memref<1x!tpu.dma_semaphore, #tpu.memory_space<semaphore_mem>> -> memref<!tpu.dma_semaphore, #tpu.memory_space<semaphore_mem>>
        tpu.enqueue_indirect_dma source(%dma_start3A_194 : memref<125x128xf32, #tpu.memory_space<vmem>>) target(%dma_start3A_200 : memref<10000x128xf32, #tpu.memory_space<vmem_shared>>) offsets(%dma_start3A_197 : memref<125xi32, #tpu.memory_space<vmem>>) semaphore(%dma_start3A_202 : memref<!tpu.dma_semaphore, #tpu.memory_space<semaphore_mem>>) {add = true}
        %dma_wait3A_203 = arith.constant 0 : i32
        %dma_wait3A_204 = arith.constant 0 : i32
        %dma_wait3A_205 = arith.constant 0 : i32
        %dma_wait3A_206 = arith.constant 0 : i32
        %dma_wait3A_207 = tpu.memref_slice %arg10[%dma_wait3A_203, %dma_wait3A_205, %dma_wait3A_206] : memref<2x125x128xf32, #tpu.memory_space<vmem>> -> memref<1x125x128xf32, #tpu.memory_space<vmem>>
        %dma_wait3A_208 = tpu.memref_squeeze %dma_wait3A_207 : memref<1x125x128xf32, #tpu.memory_space<vmem>> -> memref<125x128xf32, #tpu.memory_space<vmem>>
        %dma_wait3A_209 = arith.constant 0 : i32
        %dma_wait3A_210 = tpu.memref_slice %arg9[%add3A_161, %dma_wait3A_209] : memref<16x125xi32, #tpu.memory_space<vmem>> -> memref<1x125xi32, #tpu.memory_space<vmem>>
        %dma_wait3A_211 = tpu.memref_squeeze %dma_wait3A_210 : memref<1x125xi32, #tpu.memory_space<vmem>> -> memref<125xi32, #tpu.memory_space<vmem>>
        %dma_wait3A_212 = arith.constant 0 : i32
        %dma_wait3A_213 = arith.constant 0 : i32
        %dma_wait3A_214 = tpu.memref_slice %arg7[%dma_wait3A_212, %dma_wait3A_213] : memref<10000x128xf32, #tpu.memory_space<vmem_shared>> -> memref<10000x128xf32, #tpu.memory_space<vmem_shared>>
        %dma_wait3A_215 = tpu.memref_slice %arg12[%dma_wait3A_204] : memref<2x!tpu.dma_semaphore, #tpu.memory_space<semaphore_mem>> -> memref<1x!tpu.dma_semaphore, #tpu.memory_space<semaphore_mem>>
        %dma_wait3A_216 = tpu.memref_squeeze %dma_wait3A_215 : memref<1x!tpu.dma_semaphore, #tpu.memory_space<semaphore_mem>> -> memref<!tpu.dma_semaphore, #tpu.memory_space<semaphore_mem>>
        tpu.wait_indirect_dma semaphore(%dma_wait3A_216 : memref<!tpu.dma_semaphore, #tpu.memory_space<semaphore_mem>>) src(%dma_wait3A_208 : memref<125x128xf32, #tpu.memory_space<vmem>>) dst(%dma_wait3A_214 : memref<10000x128xf32, #tpu.memory_space<vmem_shared>>)
        %dma_wait3A_217 = arith.constant 1 : i32
        %dma_wait3A_218 = arith.constant 1 : i32
        %dma_wait3A_219 = arith.constant 0 : i32
        %dma_wait3A_220 = arith.constant 0 : i32
        %dma_wait3A_221 = tpu.memref_slice %arg10[%dma_wait3A_217, %dma_wait3A_219, %dma_wait3A_220] : memref<2x125x128xf32, #tpu.memory_space<vmem>> -> memref<1x125x128xf32, #tpu.memory_space<vmem>>
        %dma_wait3A_222 = tpu.memref_squeeze %dma_wait3A_221 : memref<1x125x128xf32, #tpu.memory_space<vmem>> -> memref<125x128xf32, #tpu.memory_space<vmem>>
        %dma_wait3A_223 = arith.constant 0 : i32
        %dma_wait3A_224 = tpu.memref_slice %arg9[%add3A_188, %dma_wait3A_223] : memref<16x125xi32, #tpu.memory_space<vmem>> -> memref<1x125xi32, #tpu.memory_space<vmem>>
        %dma_wait3A_225 = tpu.memref_squeeze %dma_wait3A_224 : memref<1x125xi32, #tpu.memory_space<vmem>> -> memref<125xi32, #tpu.memory_space<vmem>>
        %dma_wait3A_226 = arith.constant 0 : i32
        %dma_wait3A_227 = arith.constant 0 : i32
        %dma_wait3A_228 = tpu.memref_slice %arg7[%dma_wait3A_226, %dma_wait3A_227] : memref<10000x128xf32, #tpu.memory_space<vmem_shared>> -> memref<10000x128xf32, #tpu.memory_space<vmem_shared>>
        %dma_wait3A_229 = tpu.memref_slice %arg12[%dma_wait3A_218] : memref<2x!tpu.dma_semaphore, #tpu.memory_space<semaphore_mem>> -> memref<1x!tpu.dma_semaphore, #tpu.memory_space<semaphore_mem>>
        %dma_wait3A_230 = tpu.memref_squeeze %dma_wait3A_229 : memref<1x!tpu.dma_semaphore, #tpu.memory_space<semaphore_mem>> -> memref<!tpu.dma_semaphore, #tpu.memory_space<semaphore_mem>>
        tpu.wait_indirect_dma semaphore(%dma_wait3A_230 : memref<!tpu.dma_semaphore, #tpu.memory_space<semaphore_mem>>) src(%dma_wait3A_222 : memref<125x128xf32, #tpu.memory_space<vmem>>) dst(%dma_wait3A_228 : memref<10000x128xf32, #tpu.memory_space<vmem_shared>>)
      }
      %scan3A_19 = arith.constant 4 : i32
    }
    %scan3A_6 = arith.constant 5 : i32
    %barrier3A_7 = arith.constant 0 : index
    tpu.barrier barrier_id(%barrier3A_7)
    %lt3A_8 = arith.constant 10 : i32
    %lt3A_9 = arith.cmpi slt, %arg1, %lt3A_8 : i32
    %convert_element_type3A_10 = arith.extui %lt3A_9 : i1 to i32
    %cond3A_11 = arith.constant 0 : i32
    %cond3A_12 = arith.cmpi ne, %convert_element_type3A_10, %cond3A_11 : i32
    scf.if %cond3A_12 {
      %mul3A = arith.constant 1000 : i32
      %mul3A_13 = arith.muli %arg1, %mul3A : i32
      %mul3A_14 = arith.constant 10000 : i32
      %mul3A_15 = arith.muli %arg0, %mul3A_14 : i32
      %mul3A_16 = arith.constant 1000 : i32
      %mul3A_17 = arith.muli %arg1, %mul3A_16 : i32
      %add3A = arith.addi %mul3A_15, %mul3A_17 : i32
      "tpu.region"() ({
        %run_scoped3A = tpu.sem_alloc : memref<!tpu.dma_semaphore, #tpu.memory_space<semaphore_mem>>
        %dma_start3A = arith.constant 0 : i32
        %dma_start3A_18 = tpu.memref_slice %arg6[%add3A, %dma_start3A] : memref<20000x128xf32, #tpu.memory_space<hbm>> -> memref<1000x128xf32, #tpu.memory_space<hbm>>
        %dma_start3A_19 = arith.constant 0 : i32
        %dma_start3A_20 = tpu.memref_slice %arg7[%mul3A_13, %dma_start3A_19] : memref<10000x128xf32, #tpu.memory_space<vmem_shared>> -> memref<1000x128xf32, #tpu.memory_space<vmem_shared>>
        tpu.enqueue_dma source(%dma_start3A_20 : memref<1000x128xf32, #tpu.memory_space<vmem_shared>>) target(%dma_start3A_18 : memref<1000x128xf32, #tpu.memory_space<hbm>>) target_semaphore(%run_scoped3A : memref<!tpu.dma_semaphore, #tpu.memory_space<semaphore_mem>>)
        %dma_wait3A = arith.constant 0 : i32
        %dma_wait3A_21 = tpu.memref_slice %arg6[%add3A, %dma_wait3A] : memref<20000x128xf32, #tpu.memory_space<hbm>> -> memref<1000x128xf32, #tpu.memory_space<hbm>>
        %dma_wait3A_22 = arith.constant 0 : i32
        %dma_wait3A_23 = tpu.memref_slice %arg7[%mul3A_13, %dma_wait3A_22] : memref<10000x128xf32, #tpu.memory_space<vmem_shared>> -> memref<1000x128xf32, #tpu.memory_space<vmem_shared>>
        tpu.wait_dma2 semaphore(%run_scoped3A : memref<!tpu.dma_semaphore, #tpu.memory_space<semaphore_mem>>) src(%dma_wait3A_23 : memref<1000x128xf32, #tpu.memory_space<vmem_shared>>) dst(%dma_wait3A_21 : memref<1000x128xf32, #tpu.memory_space<hbm>>)
        tpu.yield
      }) : () -> ()
    } else {
    }
    return
  }
}

module attributes {stable_mosaic.version = 14 : i64} {
  func.func @_proj_left_body(%arg0: i32, %arg1: memref<1000x384xf32, #tpu.memory_space<vmem>>, %arg2: memref<384x256xf32, #tpu.memory_space<vmem>>, %arg3: memref<1x256xf32, #tpu.memory_space<vmem>>, %arg4: memref<256x256xf32, #tpu.memory_space<vmem>>, %arg5: memref<1000x256xf32, #tpu.memory_space<vmem>>, %arg6: memref<2x1000x128xf32, #tpu.memory_space<vmem>>) attributes {dimension_semantics = [#tpu.dimension_semantics<arbitrary>], iteration_bounds = array<i64: 10>, scalar_prefetch = 0 : i64, scratch_operands = 0 : i64, tpu.core_type = #tpu.core_type<tc>, window_params = [{transform_indices = @transform_0, window_bounds = array<i64: 1000, 384>}, {pipeline_mode = #tpu.pipeline_mode<synchronous>, transform_indices = @transform_1, window_bounds = array<i64: 384, 256>}, {pipeline_mode = #tpu.pipeline_mode<synchronous>, transform_indices = @transform_2, window_bounds = array<i64: 1, 256>}, {pipeline_mode = #tpu.pipeline_mode<synchronous>, transform_indices = @transform_3, window_bounds = array<i64: 256, 256>}, {transform_indices = @transform_4, window_bounds = array<i64: 1000, 256>}, {transform_indices = @transform_5, window_bounds = array<i64: 2, 1000, 128>}]} {
    %get3A = arith.constant 0 : index
    %get3A_0 = arith.constant 0 : index
    %get3A_1 = vector.load %arg1[%get3A, %get3A_0] : memref<1000x384xf32, #tpu.memory_space<vmem>>, vector<1000x384xf32>
    %get3A_2 = arith.constant 0 : index
    %get3A_3 = arith.constant 0 : index
    %get3A_4 = vector.load %arg2[%get3A_2, %get3A_3] : memref<384x256xf32, #tpu.memory_space<vmem>>, vector<384x256xf32>
    %dot_general3A = arith.constant dense<0.000000e+00> : vector<1000x256xf32>
    %dot_general3A_5 = tpu.matmul %get3A_1, %get3A_4, %dot_general3A {dimension_numbers = #tpu.dot_dimension_numbers<[1], [0], [0], [1], [0, 0, 1, 1], [], []>, transpose_lhs_hint = false} : vector<1000x384xf32>, vector<384x256xf32>, vector<1000x256xf32> -> vector<1000x256xf32>
    %get3A_6 = arith.constant 0 : index
    %get3A_7 = arith.constant 0 : index
    %get3A_8 = vector.load %arg3[%get3A_6, %get3A_7] : memref<1x256xf32, #tpu.memory_space<vmem>>, vector<1x256xf32>
    %add3A = vector.broadcast %get3A_8 : vector<1x256xf32> to vector<1000x256xf32>
    %add3A_9 = arith.addf %dot_general3A_5, %add3A : vector<1000x256xf32>
    %swap3A = arith.constant 0 : index
    %swap3A_10 = arith.constant 0 : index
    %swap3A_11 = vector.load %arg5[%swap3A, %swap3A_10] : memref<1000x256xf32, #tpu.memory_space<vmem>>, vector<1000x256xf32>
    tpu.vector_store %arg5[%swap3A, %swap3A_10], %add3A_9 {strides = array<i32>} : memref<1000x256xf32, #tpu.memory_space<vmem>>, vector<1000x256xf32>,
    %get3A_12 = arith.constant 0 : index
    %get3A_13 = arith.constant 0 : index
    %get3A_14 = vector.load %arg4[%get3A_12, %get3A_13] : memref<256x256xf32, #tpu.memory_space<vmem>>, vector<256x256xf32>
    %dot_general3A_15 = arith.constant dense<0.000000e+00> : vector<1000x256xf32>
    %dot_general3A_16 = tpu.matmul %add3A_9, %get3A_14, %dot_general3A_15 {dimension_numbers = #tpu.dot_dimension_numbers<[1], [0], [0], [1], [0, 0, 1, 1], [], []>, transpose_lhs_hint = false} : vector<1000x256xf32>, vector<256x256xf32>, vector<1000x256xf32> -> vector<1000x256xf32>
    %slice3A = vector.extract_strided_slice %dot_general3A_16 {offsets = [0, 0], sizes = [1000, 128], strides = [1, 1]} : vector<1000x256xf32> to vector<1000x128xf32>
    %slice3A_17 = vector.extract_strided_slice %dot_general3A_16 {offsets = [0, 128], sizes = [1000, 128], strides = [1, 1]} : vector<1000x256xf32> to vector<1000x128xf32>
    %stack3A = vector.shape_cast %slice3A : vector<1000x128xf32> to vector<1x1000x128xf32>
    %stack3A_18 = vector.shape_cast %slice3A_17 : vector<1000x128xf32> to vector<1x1000x128xf32>
    %stack3A_19 = tpu.concatenate %stack3A, %stack3A_18 in 0 : vector<1x1000x128xf32>, vector<1x1000x128xf32> -> vector<2x1000x128xf32>
    %swap3A_20 = arith.constant 0 : index
    %swap3A_21 = arith.constant 0 : index
    %swap3A_22 = arith.constant 0 : index
    %swap3A_23 = vector.load %arg6[%swap3A_20, %swap3A_21, %swap3A_22] : memref<2x1000x128xf32, #tpu.memory_space<vmem>>, vector<2x1000x128xf32>
    tpu.vector_store %arg6[%swap3A_20, %swap3A_21, %swap3A_22], %stack3A_19 {strides = array<i32>} : memref<2x1000x128xf32, #tpu.memory_space<vmem>>, vector<2x1000x128xf32>,
    return
  }
  func.func @transform_0(%arg0: i32) -> (i32, i32) {
    %c0_i32 = arith.constant 0 : i32
    %c0_i32_0 = arith.constant 0 : i32
    return %arg0, %c0_i32 : i32, i32
  }
  func.func @transform_1(%arg0: i32) -> (i32, i32) {
    %c0_i32 = arith.constant 0 : i32
    %c0_i32_0 = arith.constant 0 : i32
    %c0_i32_1 = arith.constant 0 : i32
    return %c0_i32, %c0_i32_0 : i32, i32
  }
  func.func @transform_2(%arg0: i32) -> (i32, i32) {
    %c0_i32 = arith.constant 0 : i32
    %c0_i32_0 = arith.constant 0 : i32
    %c0_i32_1 = arith.constant 0 : i32
    return %c0_i32, %c0_i32_0 : i32, i32
  }
  func.func @transform_3(%arg0: i32) -> (i32, i32) {
    %c0_i32 = arith.constant 0 : i32
    %c0_i32_0 = arith.constant 0 : i32
    %c0_i32_1 = arith.constant 0 : i32
    return %c0_i32, %c0_i32_0 : i32, i32
  }
  func.func @transform_4(%arg0: i32) -> (i32, i32) {
    %c0_i32 = arith.constant 0 : i32
    %c0_i32_0 = arith.constant 0 : i32
    return %arg0, %c0_i32 : i32, i32
  }
  func.func @transform_5(%arg0: i32) -> (i32, i32, i32) {
    %c0_i32 = arith.constant 0 : i32
    %c0_i32_0 = arith.constant 0 : i32
    %c0_i32_1 = arith.constant 0 : i32
    return %c0_i32, %arg0, %c0_i32_0 : i32, i32, i32
  }
}

module attributes {stable_mosaic.version = 14 : i64} {
  func.func @_epi_left_body(%arg0: i32, %arg1: memref<2x1000x128xf32, #tpu.memory_space<vmem>>, %arg2: memref<1000x1xf32, #tpu.memory_space<vmem>>, %arg3: memref<1000x256xf32, #tpu.memory_space<vmem>>, %arg4: memref<256x256xf32, #tpu.memory_space<vmem>>, %arg5: memref<1x256xf32, #tpu.memory_space<vmem>>, %arg6: memref<256x256xf32, #tpu.memory_space<vmem>>, %arg7: memref<1000x256xf32, #tpu.memory_space<vmem>>, %arg8: memref<2x1000x128xf32, #tpu.memory_space<vmem>>) attributes {dimension_semantics = [#tpu.dimension_semantics<arbitrary>], iteration_bounds = array<i64: 10>, scalar_prefetch = 0 : i64, scratch_operands = 0 : i64, tpu.core_type = #tpu.core_type<tc>, window_params = [{transform_indices = @transform_0, window_bounds = array<i64: 2, 1000, 128>}, {transform_indices = @transform_1, window_bounds = array<i64: 1000, 1>}, {transform_indices = @transform_2, window_bounds = array<i64: 1000, 256>}, {pipeline_mode = #tpu.pipeline_mode<synchronous>, transform_indices = @transform_3, window_bounds = array<i64: 256, 256>}, {pipeline_mode = #tpu.pipeline_mode<synchronous>, transform_indices = @transform_4, window_bounds = array<i64: 1, 256>}, {pipeline_mode = #tpu.pipeline_mode<synchronous>, transform_indices = @transform_5, window_bounds = array<i64: 256, 256>}, {transform_indices = @transform_6, window_bounds = array<i64: 1000, 256>}, {transform_indices = @transform_7, window_bounds = array<i64: 2, 1000, 128>}]} {
    %get3A = arith.constant 0 : index
    %get3A_0 = arith.constant 0 : index
    %get3A_1 = vector.load %arg3[%get3A, %get3A_0] : memref<1000x256xf32, #tpu.memory_space<vmem>>, vector<1000x256xf32>
    %get3A_2 = arith.constant 0 : index
    %get3A_3 = arith.constant 0 : index
    %get3A_4 = vector.load %arg4[%get3A_2, %get3A_3] : memref<256x256xf32, #tpu.memory_space<vmem>>, vector<256x256xf32>
    %dot_general3A = arith.constant dense<0.000000e+00> : vector<1000x256xf32>
    %dot_general3A_5 = tpu.matmul %get3A_1, %get3A_4, %dot_general3A {dimension_numbers = #tpu.dot_dimension_numbers<[1], [0], [0], [1], [0, 0, 1, 1], [], []>, transpose_lhs_hint = false} : vector<1000x256xf32>, vector<256x256xf32>, vector<1000x256xf32> -> vector<1000x256xf32>
    %get3A_6 = arith.constant 0 : index
    %get3A_7 = arith.constant 0 : index
    %get3A_8 = vector.load %arg5[%get3A_6, %get3A_7] : memref<1x256xf32, #tpu.memory_space<vmem>>, vector<1x256xf32>
    %add3A = vector.broadcast %get3A_8 : vector<1x256xf32> to vector<1000x256xf32>
    %add3A_9 = arith.addf %dot_general3A_5, %add3A : vector<1000x256xf32>
    %get3A_10 = arith.constant 0 : index
    %get3A_11 = arith.constant 0 : index
    %get3A_12 = arith.constant 0 : index
    %get3A_13 = vector.load %arg1[%get3A_10, %get3A_11, %get3A_12] : memref<2x1000x128xf32, #tpu.memory_space<vmem>>, vector<1x1000x128xf32>
    %get3A_14 = vector.shape_cast %get3A_13 : vector<1x1000x128xf32> to vector<1000x128xf32>
    %get3A_15 = arith.constant 1 : index
    %get3A_16 = arith.constant 0 : index
    %get3A_17 = arith.constant 0 : index
    %get3A_18 = vector.load %arg1[%get3A_15, %get3A_16, %get3A_17] : memref<2x1000x128xf32, #tpu.memory_space<vmem>>, vector<1x1000x128xf32>
    %get3A_19 = vector.shape_cast %get3A_18 : vector<1x1000x128xf32> to vector<1000x128xf32>
    %concatenate3A = tpu.concatenate %get3A_14, %get3A_19 in 1 : vector<1000x128xf32>, vector<1000x128xf32> -> vector<1000x256xf32>
    %get3A_20 = arith.constant 0 : index
    %get3A_21 = arith.constant 0 : index
    %get3A_22 = vector.load %arg2[%get3A_20, %get3A_21] : memref<1000x1xf32, #tpu.memory_space<vmem>>, vector<1000x1xf32>
    %mul3A = vector.broadcast %get3A_22 : vector<1000x1xf32> to vector<1000x256xf32>
    %mul3A_23 = arith.mulf %concatenate3A, %mul3A : vector<1000x256xf32>
    %add3A_24 = arith.addf %mul3A_23, %add3A_9 : vector<1000x256xf32>
    %max3A = arith.constant 0.000000e+00 : f32
    %max3A_25 = vector.broadcast %max3A : f32 to vector<1000x256xf32>
    %max3A_26 = arith.maximumf %add3A_24, %max3A_25 : vector<1000x256xf32>
    %swap3A = arith.constant 0 : index
    %swap3A_27 = arith.constant 0 : index
    %swap3A_28 = vector.load %arg7[%swap3A, %swap3A_27] : memref<1000x256xf32, #tpu.memory_space<vmem>>, vector<1000x256xf32>
    tpu.vector_store %arg7[%swap3A, %swap3A_27], %max3A_26 {strides = array<i32>} : memref<1000x256xf32, #tpu.memory_space<vmem>>, vector<1000x256xf32>,
    %get3A_29 = arith.constant 0 : index
    %get3A_30 = arith.constant 0 : index
    %get3A_31 = vector.load %arg6[%get3A_29, %get3A_30] : memref<256x256xf32, #tpu.memory_space<vmem>>, vector<256x256xf32>
    %dot_general3A_32 = arith.constant dense<0.000000e+00> : vector<1000x256xf32>
    %dot_general3A_33 = tpu.matmul %max3A_26, %get3A_31, %dot_general3A_32 {dimension_numbers = #tpu.dot_dimension_numbers<[1], [0], [0], [1], [0, 0, 1, 1], [], []>, transpose_lhs_hint = false} : vector<1000x256xf32>, vector<256x256xf32>, vector<1000x256xf32> -> vector<1000x256xf32>
    %slice3A = vector.extract_strided_slice %dot_general3A_33 {offsets = [0, 0], sizes = [1000, 128], strides = [1, 1]} : vector<1000x256xf32> to vector<1000x128xf32>
    %slice3A_34 = vector.extract_strided_slice %dot_general3A_33 {offsets = [0, 128], sizes = [1000, 128], strides = [1, 1]} : vector<1000x256xf32> to vector<1000x128xf32>
    %stack3A = vector.shape_cast %slice3A : vector<1000x128xf32> to vector<1x1000x128xf32>
    %stack3A_35 = vector.shape_cast %slice3A_34 : vector<1000x128xf32> to vector<1x1000x128xf32>
    %stack3A_36 = tpu.concatenate %stack3A, %stack3A_35 in 0 : vector<1x1000x128xf32>, vector<1x1000x128xf32> -> vector<2x1000x128xf32>
    %swap3A_37 = arith.constant 0 : index
    %swap3A_38 = arith.constant 0 : index
    %swap3A_39 = arith.constant 0 : index
    %swap3A_40 = vector.load %arg8[%swap3A_37, %swap3A_38, %swap3A_39] : memref<2x1000x128xf32, #tpu.memory_space<vmem>>, vector<2x1000x128xf32>
    tpu.vector_store %arg8[%swap3A_37, %swap3A_38, %swap3A_39], %stack3A_36 {strides = array<i32>} : memref<2x1000x128xf32, #tpu.memory_space<vmem>>, vector<2x1000x128xf32>,
    return
  }
  func.func @transform_0(%arg0: i32) -> (i32, i32, i32) {
    %c0_i32 = arith.constant 0 : i32
    %c0_i32_0 = arith.constant 0 : i32
    %c0_i32_1 = arith.constant 0 : i32
    return %c0_i32, %arg0, %c0_i32_0 : i32, i32, i32
  }
  func.func @transform_1(%arg0: i32) -> (i32, i32) {
    %c0_i32 = arith.constant 0 : i32
    %c0_i32_0 = arith.constant 0 : i32
    return %arg0, %c0_i32 : i32, i32
  }
  func.func @transform_2(%arg0: i32) -> (i32, i32) {
    %c0_i32 = arith.constant 0 : i32
    %c0_i32_0 = arith.constant 0 : i32
    return %arg0, %c0_i32 : i32, i32
  }
  func.func @transform_3(%arg0: i32) -> (i32, i32) {
    %c0_i32 = arith.constant 0 : i32
    %c0_i32_0 = arith.constant 0 : i32
    %c0_i32_1 = arith.constant 0 : i32
    return %c0_i32, %c0_i32_0 : i32, i32
  }
  func.func @transform_4(%arg0: i32) -> (i32, i32) {
    %c0_i32 = arith.constant 0 : i32
    %c0_i32_0 = arith.constant 0 : i32
    %c0_i32_1 = arith.constant 0 : i32
    return %c0_i32, %c0_i32_0 : i32, i32
  }
  func.func @transform_5(%arg0: i32) -> (i32, i32) {
    %c0_i32 = arith.constant 0 : i32
    %c0_i32_0 = arith.constant 0 : i32
    %c0_i32_1 = arith.constant 0 : i32
    return %c0_i32, %c0_i32_0 : i32, i32
  }
  func.func @transform_6(%arg0: i32) -> (i32, i32) {
    %c0_i32 = arith.constant 0 : i32
    %c0_i32_0 = arith.constant 0 : i32
    return %arg0, %c0_i32 : i32, i32
  }
  func.func @transform_7(%arg0: i32) -> (i32, i32, i32) {
    %c0_i32 = arith.constant 0 : i32
    %c0_i32_0 = arith.constant 0 : i32
    %c0_i32_1 = arith.constant 0 : i32
    return %c0_i32, %arg0, %c0_i32_0 : i32, i32, i32
  }
}

module attributes {stable_mosaic.version = 14 : i64} {
  func.func @_epi_body(%arg0: i32, %arg1: memref<2x1000x128xf32, #tpu.memory_space<vmem>>, %arg2: memref<1000x1xf32, #tpu.memory_space<vmem>>, %arg3: memref<1000x256xf32, #tpu.memory_space<vmem>>, %arg4: memref<256x256xf32, #tpu.memory_space<vmem>>, %arg5: memref<1x256xf32, #tpu.memory_space<vmem>>, %arg6: memref<1000x256xf32, #tpu.memory_space<vmem>>) attributes {dimension_semantics = [#tpu.dimension_semantics<arbitrary>], iteration_bounds = array<i64: 10>, scalar_prefetch = 0 : i64, scratch_operands = 0 : i64, tpu.core_type = #tpu.core_type<tc>, window_params = [{transform_indices = @transform_0, window_bounds = array<i64: 2, 1000, 128>}, {transform_indices = @transform_1, window_bounds = array<i64: 1000, 1>}, {transform_indices = @transform_2, window_bounds = array<i64: 1000, 256>}, {pipeline_mode = #tpu.pipeline_mode<synchronous>, transform_indices = @transform_3, window_bounds = array<i64: 256, 256>}, {pipeline_mode = #tpu.pipeline_mode<synchronous>, transform_indices = @transform_4, window_bounds = array<i64: 1, 256>}, {transform_indices = @transform_5, window_bounds = array<i64: 1000, 256>}]} {
    %get3A = arith.constant 0 : index
    %get3A_0 = arith.constant 0 : index
    %get3A_1 = vector.load %arg3[%get3A, %get3A_0] : memref<1000x256xf32, #tpu.memory_space<vmem>>, vector<1000x256xf32>
    %get3A_2 = arith.constant 0 : index
    %get3A_3 = arith.constant 0 : index
    %get3A_4 = vector.load %arg4[%get3A_2, %get3A_3] : memref<256x256xf32, #tpu.memory_space<vmem>>, vector<256x256xf32>
    %dot_general3A = arith.constant dense<0.000000e+00> : vector<1000x256xf32>
    %dot_general3A_5 = tpu.matmul %get3A_1, %get3A_4, %dot_general3A {dimension_numbers = #tpu.dot_dimension_numbers<[1], [0], [0], [1], [0, 0, 1, 1], [], []>, transpose_lhs_hint = false} : vector<1000x256xf32>, vector<256x256xf32>, vector<1000x256xf32> -> vector<1000x256xf32>
    %get3A_6 = arith.constant 0 : index
    %get3A_7 = arith.constant 0 : index
    %get3A_8 = vector.load %arg5[%get3A_6, %get3A_7] : memref<1x256xf32, #tpu.memory_space<vmem>>, vector<1x256xf32>
    %add3A = vector.broadcast %get3A_8 : vector<1x256xf32> to vector<1000x256xf32>
    %add3A_9 = arith.addf %dot_general3A_5, %add3A : vector<1000x256xf32>
    %get3A_10 = arith.constant 0 : index
    %get3A_11 = arith.constant 0 : index
    %get3A_12 = arith.constant 0 : index
    %get3A_13 = vector.load %arg1[%get3A_10, %get3A_11, %get3A_12] : memref<2x1000x128xf32, #tpu.memory_space<vmem>>, vector<1x1000x128xf32>
    %get3A_14 = vector.shape_cast %get3A_13 : vector<1x1000x128xf32> to vector<1000x128xf32>
    %get3A_15 = arith.constant 1 : index
    %get3A_16 = arith.constant 0 : index
    %get3A_17 = arith.constant 0 : index
    %get3A_18 = vector.load %arg1[%get3A_15, %get3A_16, %get3A_17] : memref<2x1000x128xf32, #tpu.memory_space<vmem>>, vector<1x1000x128xf32>
    %get3A_19 = vector.shape_cast %get3A_18 : vector<1x1000x128xf32> to vector<1000x128xf32>
    %concatenate3A = tpu.concatenate %get3A_14, %get3A_19 in 1 : vector<1000x128xf32>, vector<1000x128xf32> -> vector<1000x256xf32>
    %get3A_20 = arith.constant 0 : index
    %get3A_21 = arith.constant 0 : index
    %get3A_22 = vector.load %arg2[%get3A_20, %get3A_21] : memref<1000x1xf32, #tpu.memory_space<vmem>>, vector<1000x1xf32>
    %mul3A = vector.broadcast %get3A_22 : vector<1000x1xf32> to vector<1000x256xf32>
    %mul3A_23 = arith.mulf %concatenate3A, %mul3A : vector<1000x256xf32>
    %add3A_24 = arith.addf %mul3A_23, %add3A_9 : vector<1000x256xf32>
    %max3A = arith.constant 0.000000e+00 : f32
    %max3A_25 = vector.broadcast %max3A : f32 to vector<1000x256xf32>
    %max3A_26 = arith.maximumf %add3A_24, %max3A_25 : vector<1000x256xf32>
    %swap3A = arith.constant 0 : index
    %swap3A_27 = arith.constant 0 : index
    %swap3A_28 = vector.load %arg6[%swap3A, %swap3A_27] : memref<1000x256xf32, #tpu.memory_space<vmem>>, vector<1000x256xf32>
    tpu.vector_store %arg6[%swap3A, %swap3A_27], %max3A_26 {strides = array<i32>} : memref<1000x256xf32, #tpu.memory_space<vmem>>, vector<1000x256xf32>,
    return
  }
  func.func @transform_0(%arg0: i32) -> (i32, i32, i32) {
    %c0_i32 = arith.constant 0 : i32
    %c0_i32_0 = arith.constant 0 : i32
    %c0_i32_1 = arith.constant 0 : i32
    return %c0_i32, %arg0, %c0_i32_0 : i32, i32, i32
  }
  func.func @transform_1(%arg0: i32) -> (i32, i32) {
    %c0_i32 = arith.constant 0 : i32
    %c0_i32_0 = arith.constant 0 : i32
    return %arg0, %c0_i32 : i32, i32
  }
  func.func @transform_2(%arg0: i32) -> (i32, i32) {
    %c0_i32 = arith.constant 0 : i32
    %c0_i32_0 = arith.constant 0 : i32
    return %arg0, %c0_i32 : i32, i32
  }
  func.func @transform_3(%arg0: i32) -> (i32, i32) {
    %c0_i32 = arith.constant 0 : i32
    %c0_i32_0 = arith.constant 0 : i32
    %c0_i32_1 = arith.constant 0 : i32
    return %c0_i32, %c0_i32_0 : i32, i32
  }
  func.func @transform_4(%arg0: i32) -> (i32, i32) {
    %c0_i32 = arith.constant 0 : i32
    %c0_i32_0 = arith.constant 0 : i32
    %c0_i32_1 = arith.constant 0 : i32
    return %c0_i32, %c0_i32_0 : i32, i32
  }
  func.func @transform_5(%arg0: i32) -> (i32, i32) {
    %c0_i32 = arith.constant 0 : i32
    %c0_i32_0 = arith.constant 0 : i32
    return %arg0, %c0_i32 : i32, i32
  }
}

</mosaic_0001>

<sc_bundles>
// kernel: kernel.13.cloned.1.call-start
scs
__scs_entry_jumppad:
0x0: {  	(pc) =	sbr.rel $0x88, $3  }
0x1: {  	(tag) =	ssettag $0x0;
	lr =	simm.s32 $0x1  }
0x2: {  	[smem:$0x3F89] =	sst lr;
	_ =	strace $0xD0000000  }
0x3: {  	_ = 	snop  }
0x4: {  	_ = 	snop  }
0x5: {  	_ = 	snop  }
0x6: {  	_ = 	snop  }
0x7: {  	_ = 	snop  }
__scs_overlays_trampoline_lowered:
0x8: {  	[smem:$0x3F98] =	sst s0  }
0x9: {  	[smem:$0x3F99] =	sst s1  }
0xa: {  	[smem:$0x3F9A] =	sst s2  }
0xb: {  	[smem:$0x3F9B] =	sst s3  }
0xc: {  	[smem:$0x3F9C] =	sst s4  }
0xd: {  	[smem:$0x3F9D] =	sst s5  }
0xe: {  	[smem:$0x3F9E] =	sst s6  }
0xf: {  	[smem:$0x3F9F] =	sst s7  }
0x10: {  	[smem:$0x3FA0] =	sst s8  }
0x11: {  	[smem:$0x3FA1] =	sst s9;
	s0 =	simm.s32 @!p0 $0x0  }
0x12: {  	s1 =	sld [smem:$0x3F87];
	s0 =	simm.s32 @p0 $0x1  }
0x13: {  	[smem:$0x3FA2] =	sst s0;
	s0 =	simm.s32 @!p1 $0x0  }
0x14: {  	s2 =	sld [smem:$0x3F86];
	s0 =	simm.s32 @p1 $0x1  }
0x15: {  	[smem:$0x3FA3] =	sst s0;
	s0 =	simm.s32 @!p2 $0x0  }
0x16: {  	s3 =	sld [smem:$0x3FDB];
	s0 =	simm.s32 @p2 $0x1  }
0x17: {  	s4 =	simm.s32 $0x1BF5;
	[smem:$0x3FA5] =	sst s0  }
0x18: {  	s0 =	sld [smem:$0x3F88];
	_ =	swait.ge [sflag:s4], $0x0  }
0x19: {  	s7 =	sld [smem:$0x3F89]  }
0x1a: {  	s8 =	sadd.s32 $0xFFFFE003, lr  }
0x1b: {  	s9 =	sadd.s32 $0xFFFFFEF7, lr;
	s5 =	simm.s32 $0xFFFFFFFF;
	p2 =	slt.u32 s8, $0xFFFFF086  }
0x1c: {  	p1 =	slt.u32 s9, $0xF7A;
	s5 =	simm.s32 @!p2 $0x0  }
0x1d: {  	s5 =	simm.s32 @p1 $0x1;
	p0 =	seq.s32 s7, s2  }
0x1e: {  	s7 =	smul.u32 @!p0 $0xF7A, s2;
	p2 =	seq.s32 @!p0 s5, $0x0  }
0x1f: {  	s9 =	smul.u32 $0xF7A, s1;
	s8 =	simm.s32 @!p0 $0x1BF5;
	p2 =	por !p2, p0  }
0x20: {  	[sflag:s8] =	ssyncset.s32 @!p0 $0xFFFFF086;
	s6 =	sadd.s32 @!p0 s3, s7;
	s7 =	simm.s32 @!p0 $0x108  }
0x21: {  	s3 =	sadd.s32 s3, s9;
	s6 =	sadd.s32 @!p0 $0x88, s6;
	s7 =	simm.s32 @p2 $0x1082  }
0x22: {  	[simem:s7], [sflag:s8] =	dma.local @!p0 [hbm:s6], $0xF7A  }
0x23: {  	s9 =	sor.u32 $0xD0000000, s2;
	s6 =	simm.s32 $0x108;
	_ =	swait.ge @!p0 [sflag:s8], $0x0  }
0x24: {  	s3 =	sadd.s32 $0x88, s3;
	s6 =	simm.s32 @!p1 $0x1082;
	[sflag:s4] =	ssyncset.s32 $0xFFFFF086  }
0x25: {  	[simem:s6], [sflag:s4] =	dma.local [hbm:s3], $0xF7A  }
0x26: {  	[smem:$0x3F89] =	sst s1;
	(tag) =	ssettag s2;
	_ =	strace s9  }
0x27: {  	s1 =	sld [smem:$0x3F99]  }
0x28: {  	s2 =	sld [smem:$0x3F9A]  }
0x29: {  	s4 =	sld [smem:$0x3F9C]  }
0x2a: {  	p0 =	seq.s32 s5, $0x0;
	s5 =	sld [smem:$0x3F9D]  }
0x2b: {  	s6 =	sld [smem:$0x3F9E]  }
0x2c: {  	s7 =	sld [smem:$0x3F9F]  }
0x2d: {  	s3 =	simm.s32 $0x108;
	s8 =	sld [smem:$0x3FA0]  }
0x2e: {  	s3 =	simm.s32 @!p0 $0x1082;
	s9 =	sld [smem:$0x3FA1]  }
0x2f: {  	lr =	sadd.s32 s0, s3;
	s0 =	sld [smem:$0x3F98]  }
0x30: {  	s3 =	sld [smem:$0x3F9B]  }
0x31: {  	[smem:$0x3FA4] =	sst s10  }
0x32: {  	s10 =	sld [smem:$0x3FA2];
	_ =	sdelay $0x3  }
0x33: {  	p0 =	seq.s32 s10, $0x1;
	s10 =	sld [smem:$0x3FA4];
	_ =	sdelay $0x3  }
0x34: {  	[smem:$0x3FA4] =	sst s10  }
0x35: {  	s10 =	sld [smem:$0x3FA3];
	_ =	sdelay $0x3  }
0x36: {  	p1 =	seq.s32 s10, $0x1;
	s10 =	sld [smem:$0x3FA4];
	_ =	sdelay $0x3  }
0x37: {  	[smem:$0x3FA4] =	sst s10  }
0x38: {  	s10 =	sld [smem:$0x3FA5]  }
0x39: {  	_ = 	snop;
	(pc) =	sbr.ind lr, $3  }
0x3a: {  	_ = 	snop  }
0x3b: {  	_ = 	snop  }
0x3c: {  	p2 =	seq.s32 s10, $0x1;
	s10 =	sld [smem:$0x3FA4]  }
0x3d: {  	_ =	shalt  }
0x3e: {  	_ =	shalt  }
0x3f: {  	_ =	shalt  }
0x40: {  	_ =	shalt  }
0x41: {  	_ =	shalt  }
0x42: {  	_ =	shalt  }
0x43: {  	_ =	shalt  }
0x44: {  	_ =	shalt  }
0x45: {  	_ =	shalt  }
0x46: {  	_ =	shalt  }
0x47: {  	_ =	shalt  }
0x48: {  	_ =	shalt  }
0x49: {  	_ =	shalt  }
0x4a: {  	_ =	shalt  }
0x4b: {  	_ =	shalt  }
0x4c: {  	_ =	shalt  }
0x4d: {  	_ =	shalt  }
0x4e: {  	_ =	shalt  }
0x4f: {  	_ =	shalt  }
0x50: {  	_ =	shalt  }
0x51: {  	_ =	shalt  }
0x52: {  	_ =	shalt  }
0x53: {  	_ =	shalt  }
0x54: {  	_ =	shalt  }
0x55: {  	_ =	shalt  }
0x56: {  	_ =	shalt  }
0x57: {  	_ =	shalt  }
0x58: {  	_ =	shalt  }
0x59: {  	_ =	shalt  }
0x5a: {  	_ =	shalt  }
0x5b: {  	_ =	shalt  }
0x5c: {  	_ =	shalt  }
0x5d: {  	_ =	shalt  }
0x5e: {  	_ =	shalt  }
0x5f: {  	_ =	shalt  }
0x60: {  	_ =	shalt  }
0x61: {  	_ =	shalt  }
0x62: {  	_ =	shalt  }
0x63: {  	_ =	shalt  }
0x64: {  	_ =	shalt  }
0x65: {  	_ =	shalt  }
0x66: {  	_ =	shalt  }
0x67: {  	_ =	shalt  }
0x68: {  	_ =	shalt  }
0x69: {  	_ =	shalt  }
0x6a: {  	_ =	shalt  }
0x6b: {  	_ =	shalt  }
0x6c: {  	_ =	shalt  }
0x6d: {  	_ =	shalt  }
0x6e: {  	_ =	shalt  }
0x6f: {  	_ =	shalt  }
0x70: {  	_ =	shalt  }
0x71: {  	_ =	shalt  }
0x72: {  	_ =	shalt  }
0x73: {  	_ =	shalt  }
0x74: {  	_ =	shalt  }
0x75: {  	_ =	shalt  }
0x76: {  	_ =	shalt  }
0x77: {  	_ =	shalt  }
0x78: {  	_ =	shalt  }
0x79: {  	_ =	shalt  }
0x7a: {  	_ =	shalt  }
0x7b: {  	_ =	shalt  }
0x7c: {  	_ =	shalt  }
0x7d: {  	_ =	shalt  }
0x7e: {  	_ =	shalt  }
0x7f: {  	_ =	shalt  }
0x80: {  	_ =	shalt  }
0x81: {  	_ =	shalt  }
0x82: {  	_ =	shalt  }
0x83: {  	_ =	shalt  }
0x84: {  	_ =	shalt  }
0x85: {  	_ =	shalt  }
0x86: {  	_ =	shalt  }
0x87: {  	_ =	shalt  }
.Lfunc_end0:
.L_simem_size_0:
called_computation_lowered:
.L_overlay_start_0:
0x88: {  	s2 =	sld [smem:$0x3FD9]  }
0x89: {  	s3 =	sld [smem:$0x3FFE];
	_ =	sdelay $0x1  }
0x8a: {  	s1 =	srdreg.scid  }
0x8b: {  	s0 =	sand.u32 $0x1, s1  }
0x8c: {  	s16 =	sshll.u32 s0, $0xA;
	s2 =	sadd.s32 s3, s2  }
0x8d: {  	s2 =	sadd.s32 s2, s16  }
0x8e: {  	[smem:$0x3FB0] =	sst s2  }
0x8f: {  	_ = 	snop  }
0x90: {  	(tm) =	ssettm $0x1  }
0x91: {  	s17 =	sld [smem:$0x3FFB];
	_ =	sdelay $0x3  }
0x92: {  	_ =	strace s17  }
0x93: {  	s2 =	sld [smem:$0x3FFC];
	_ =	sdelay $0x3  }
0x94: {  	_ =	strace s2  }
0x95: {  	s2 =	sld [smem:$0x3FFD];
	_ =	sdelay $0x3  }
0x96: {  	_ =	strace s2  }
0x97: {  	_ =	strace $0x8FFFFFFF  }
0x98: {  	s18 =	sld [smem:$0x3FDB];
	_ =	sdelay $0x1  }
0x99: {  	s19 =	simm.s32 $_scs_section_size  }
0x9a: {  	s4 =	simm.s32 $_size__tile_overlayer_lowered;
	s5 =	simm.s32 $_tile_overlayer_lowered  }
0x9b: {  	s22 =	simm.s32 $0x1BFF;
	s21 =	sshll.u32 s5, $0x1;
	s2 =	sadd.s32 s19, s18  }
0x9c: {  	s6 =	simm.s32 $0x0;
	s20 =	sshll.u32 s4, $0x1;
	s4 =	sadd.s32 s21, s2  }
0x9d: {  	[timem:s6], [sflag:s22] =	dma.local [hbm:s4], s20  }
0x9e: {  	_ =	swait.ge [sflag:s22], s20  }
0x9f: {  	s3 =	ssub.s32 $0x0, s20;
	[sflag:s22] =	ssyncset.done $0x0  }
0xa0: {  	[sflag:s22] =	ssyncadd.s32 s3;
	_ =	sdelay $0x1  }
0xa1: {  	s23 =	simm.s32 $0x1B8B  }
0xa2: {  	_ =	swait.ge [sflag:s23], $0x1  }
0xa3: {  	[sflag:s23] =	ssyncset.done $0x0  }
0xa4: {  	s25 =	simm.s32 $0x1B8E;
	s24 =	sld [smem:$0x3FFE];
	[sflag:s23] =	ssyncadd.s32 $0xFFFFFFFF  }
0xa5: {  	s26 =	simm.s32 $execute0_lowered;
	[smem:$0x3FD2] =	sst s25  }
0xa6: {  	s4 =	sshll.u32 s26, $0x1;
	_ =	strace $0x80000046;
	[dreg:$0x1] =	wrdreg $0xFFFFFFFF  }
0xa7: {  	s28 =	simm.s32 $_size_execute0_lowered;
	s2 =	sadd.s32 s2, s4;
	[dreg:$0x0] =	wrdreg $0x0  }
0xa8: {  	s4 =	sshll.u32 s28, $0x1;
	[dreg:$0x2] =	wrdreg s2  }
0xa9: {  	[dreg:$0x3] =	wrdreg s4  }
0xaa: {  	[dreg:$0x4] =	wrdreg $0xC0  }
0xab: {  	_ =	task [dreg:s6], $0x5FFFF  }
0xac: {  	[dreg:$0x1] =	wrdreg $0xFFFFFFFF  }
0xad: {  	[dreg:$0x0] =	wrdreg $0x60  }
0xae: {  	[dreg:$0x2] =	wrdreg s24  }
0xaf: {  	[dreg:$0x3] =	wrdreg $0x0  }
0xb0: {  	[dreg:$0x4] =	wrdreg $0xA  }
0xb1: {  	_ =	task.clear_ibuf [dreg:s6], $0x5FFFF;
	_ =	strace $0x90000046  }
0xb2: {  	s29 =	simm.s32 $0xA;
	_ =	strace $0x80000048  }
0xb3: {  	_ =	swait.ge [sflag:s29], $0x1  }
0xb4: {  	[sflag:s29] =	ssyncadd.s32 $0xFFFFFFFF  }
0xb5: {  	_ =	strace $0x90000048  }
0xb6: {  	_ =	sfence  }
0xb7: {  	s30 =	sld [smem:$0x0];
	_ =	sdelay $0x2  }
0xb8: {  	s31 =	sshll.u32 s1, $0xD;
	s1 =	sshrl.u32 s1, $0x2  }
0xb9: {  	s3 =	sand.u32 $0x4000, s31;
	s1 =	sadd.s32 s1, s30  }
0xba: {  	s0 =	sor.u32 s3, s0;
	s1 =	sshll.u32 s1, $0x11  }
0xbb: {  	s0 =	sor.u32 s1, s0  }
0xbc: {  	s0 =	sadd.s32 $0x8F2B, s0  }
0xbd: {  	[sflag:s0] =	ssyncadd.remote.s32 $0x1  }
0xbe: {  	_ =	sfence.sel $0xFFFF  }
0xbf: {  	[dreg:$0x0] =	wrdreg $0xFFFFFFFF;
	(pc) =	sbr.abs _section_cstart, $3  }
0xc0: {  	[dreg:$0x1] =	wrdreg $0xFFFFFFFF  }
0xc1: {  	_ =	task.clear_ibuf [dreg:s6], $0x2FFFF;
	_ =	strace $0x9FFFFFFF  }
0xc2: {  	(tm) =	ssettm $0x7FFFFFFF  }
0xc3: {  	_ =	shalt  }
tec
execute0_lowered:
.L_overlay_start_1:
0x0: {  	(tag) =	ssettag $0x1  }
0x1: {  	s6 =	rddreg [dreg:$0x0]  }
0x2: {  	s2 =	rddreg [dreg:$0x1]  }
0x3: {  	s0 =	srdreg.scid;
	s1 =	rddreg [dreg:$0x2]  }
0x4: {  	s3 =	simm.s32 $0x0;
	s12 =	simm.s32 $0x5;
	s13 =	simm.s32 $0x13880  }
0x5: {  	s14 =	simm.s32 $0x7D;
	s15 =	simm.s32 $0x1;
	s7 =	sand.u32 $0x1, s0  }
0x6: {  	s16 =	simm.s32 $0x2;
	s0 =	stileid.u32;
	s4 =	smul.u32 $0x28000, s7  }
0x7: {  	s17 =	simm.s32 $0x3;
	s18 =	simm.s32 $0x4;
	s5 =	smul.u32 $0x2800, s0  }
0x8: {  	s19 =	simm.s32 $0x0;
	[smem:$0x7FF] =	sst s3;
	s30 =	smul.u32 $0x138800, s7  }
0x9: {  	s8 =	smul.u32 $0x1F400, s0;
	_ =	strace $0x80000047;
	s7 =	ssub.s32 $0x2, s7  }
0xa: {  	s10 =	smul.u32 $0x7D000, s0;
	p0 =	sgt.u32 s0, $0x9;
	s31 =	sshrl.u32 s7, $0x1  }
0xb: {  	s4 =	sadd.s32 s5, s4;
	s8 =	sadd.s32 s8, s30;
	s5 =	sadd.s32 $0xE400, s6  }
0xc: {  	s10 =	sshrl.u32 s10, $0x2;
	s11 =	ssub.s32 s7, s31;
	s4 =	sshrl.u32 s4, $0x3  }
0xd: {  	s8 =	sshrl.u32 s8, $0x3;
	s10 =	sadd.s32 s10, s2;
	s9 =	sadd.s32 s4, s6  }
0xe: {  	s4 =	sadd.s32 $0x12400, s6;
	s8 =	sadd.s32 s8, s6;
	s10 =	sshrl.u32 @!p0 s10, $0x3  }
0xf: {  	s6 =	sadd.s32 $0x4400, s9;
	s7 =	sadd.s32 $0x12C00, s8;
	s9 =	sshll.u32 @!p0 s0, $0x6  }
0x10: {  	s8 =	smax.u32 s11, $0x1;
	s11 =	simm.s32 $0x16080;
	s9 =	sor.u32 @!p0 $0x1C05, s9  }
.LBB2_1:
0x11: {  	[spmem:s10], [sflag:s9] =	dma.local @!p0 [hbm:s5], $0x3E80  }
0x12: {  	s20 =	simm.s32 @!p0 $0x5  }
0x13: {  	_ =	swait.ge @!p0 [sflag:s20], $0x3E80  }
0x14: {  	[sflag:s20] =	ssyncset.done @!p0 $0x0  }
0x15: {  	[sflag:s20] =	ssyncadd.s32 @!p0 $0xFFFFC180  }
0x16: {  	[tilespmem:s11], [sflag:$0x5] =	stream.linear.gather [hbm4b:s4+s3], $0x3E80, $0x38;
	[tilespmem:$0x1A080] =	vst v63  }
0x17: {  	_ =	swait.ge [sflag:s12], $0x3E80  }
0x18: {  	[sflag:s12] =	ssyncset.done $0x0  }
0x19: {  	[sflag:s12] =	ssyncadd.s32 $0xFFFFC180  }
0x1a: {  	[tilespmem:s13], [sflag:$0x5] =	stream.linear.gather [hbm4b:s6+s3], $0x2800, $0x38;
	[tilespmem:$0x1A080] =	vst v63  }
0x1b: {  	s26 =	sand.u32 $0xE000, s3;
	_ =	swait.ge [sflag:s12], $0x2800  }
0x1c: {  	s21 =	sand.u32 $0x600, s3;
	s20 =	sshrl.u32 s26, $0x2;
	[sflag:s12] =	ssyncset.done $0x0  }
0x1d: {  	s20 =	sor.u32 s21, s20;
	[sflag:s12] =	ssyncadd.s32 $0xFFFFD800  }
0x1e: {  	s20 =	sadd.s32 $0x13880, s20;
	[bflag:$0x0] =	sbarrier.arrive $0xFFFF  }
0x1f: {  	[spmem:s2] =	stream.indirect.scatter.add.f32 [tilespmem:s11], [sflag:$0x1], $0x80, s20, s14, $0xb8;
	[tilespmem:$0x1A080] =	vst v63  }
0x20: {  	s28 =	sadd.s32 $0x80, s20  }
0x21: {  	[spmem:s2] =	stream.indirect.scatter.add.f32 [tilespmem:s11], [sflag:$0x2], $0x80, s28, s14, $0xb8;
	[tilespmem:$0x1A080] =	vst v63  }
0x22: {  	s29 =	sor.u32 $0x100, s20  }
0x23: {  	[spmem:s2] =	stream.indirect.scatter.add.f32 [tilespmem:s11], [sflag:$0x3], $0x80, s29, s14, $0xb8;
	[tilespmem:$0x1A080] =	vst v63  }
0x24: {  	s20 =	sadd.s32 $0x180, s20  }
0x25: {  	[spmem:s2] =	stream.indirect.scatter.add.f32 [tilespmem:s11], [sflag:$0x4], $0x80, s20, s14, $0xb8;
	[tilespmem:$0x1A080] =	vst v63  }
0x26: {  	_ =	swait.ge [sflag:s15], $0x3E80  }
0x27: {  	[sflag:s15] =	ssyncset.done $0x0  }
0x28: {  	[sflag:s15] =	ssyncadd.s32 $0xFFFFC180  }
0x29: {  	_ =	swait.ge [sflag:s16], $0x3E80  }
0x2a: {  	[sflag:s16] =	ssyncset.done $0x0  }
0x2b: {  	[sflag:s16] =	ssyncadd.s32 $0xFFFFC180  }
0x2c: {  	_ =	swait.ge [sflag:s17], $0x3E80  }
0x2d: {  	s30 =	simm.s32 $0x800;
	[sflag:s17] =	ssyncset.done $0x0  }
0x2e: {  	s31 =	sand.u32 $0xE000, s30;
	s20 =	simm.s32 $0x200;
	[sflag:s17] =	ssyncadd.s32 $0xFFFFC180  }
0x2f: {  	s23 =	sshrl.u32 s31, $0x2;
	s22 =	sand.u32 $0x600, s20;
	_ =	swait.ge [sflag:s18], $0x3E80  }
0x30: {  	s21 =	simm.s32 $0x1000;
	s22 =	sor.u32 s22, s23;
	[sflag:s18] =	ssyncset.done $0x0  }
.LBB2_2:
0x31: {  	s22 =	sadd.s32 $0x13880, s22  }
0x32: {  	[sflag:s18] =	ssyncadd.s32 $0xFFFFC180;
	s23 =	smov.u32 s21;
	s24 =	sadd.s32 $0x800, s21  }
0x33: {  	[spmem:s2] =	stream.indirect.scatter.add.f32 [tilespmem:s11], [sflag:$0x1], $0x80, s22, s14, $0xb8;
	[tilespmem:$0x1A080] =	vst v63  }
0x34: {  	p1 =	sne.s32 s21, $0x9800;
	s21 =	sadd.s32 $0x80, s22  }
0x35: {  	[spmem:s2] =	stream.indirect.scatter.add.f32 [tilespmem:s11], [sflag:$0x2], $0x80, s21, s14, $0xb8;
	[tilespmem:$0x1A080] =	vst v63  }
0x36: {  	s21 =	sor.u32 $0x100, s22  }
0x37: {  	[spmem:s2] =	stream.indirect.scatter.add.f32 [tilespmem:s11], [sflag:$0x3], $0x80, s21, s14, $0xb8;
	[tilespmem:$0x1A080] =	vst v63  }
0x38: {  	s21 =	sadd.s32 $0x180, s22  }
0x39: {  	[spmem:s2] =	stream.indirect.scatter.add.f32 [tilespmem:s11], [sflag:$0x4], $0x80, s21, s14, $0xb8;
	[tilespmem:$0x1A080] =	vst v63  }
0x3a: {  	_ =	swait.ge [sflag:s15], $0x3E80  }
0x3b: {  	[sflag:s15] =	ssyncset.done $0x0  }
0x3c: {  	[sflag:s15] =	ssyncadd.s32 $0xFFFFC180  }
0x3d: {  	_ =	swait.ge [sflag:s16], $0x3E80  }
0x3e: {  	[sflag:s16] =	ssyncset.done $0x0  }
0x3f: {  	[sflag:s16] =	ssyncadd.s32 $0xFFFFC180  }
.Ltmp0:
0x40: {  	_ =	swait.ge [sflag:s17], $0x3E80;
	(pc) =	sbr.rel @p1 .LBB2_2-.Ltmp0, $4  }
0x41: {  	[sflag:s17] =	ssyncset.done $0x0  }
0x42: {  	s20 =	sadd.s32 $0x200, s20;
	s21 =	sand.u32 $0xE000, s23;
	[sflag:s17] =	ssyncadd.s32 $0xFFFFC180  }
0x43: {  	s22 =	sand.u32 $0x600, s20;
	s21 =	sshrl.u32 s21, $0x2;
	_ =	swait.ge [sflag:s18], $0x3E80  }
0x44: {  	s22 =	sor.u32 s22, s21;
	s21 =	smov.u32 s24;
	[sflag:s18] =	ssyncset.done $0x0  }
0x45: {  	s20 =	sadd.s32 $0x13880, s22;
	[sflag:s18] =	ssyncadd.s32 $0xFFFFC180  }
0x46: {  	[spmem:s2] =	stream.indirect.scatter.add.f32 [tilespmem:s11], [sflag:$0x1], $0x80, s20, s14, $0xb8;
	[tilespmem:$0x1A080] =	vst v63  }
0x47: {  	s21 =	sadd.s32 $0x80, s20  }
0x48: {  	[spmem:s2] =	stream.indirect.scatter.add.f32 [tilespmem:s11], [sflag:$0x2], $0x80, s21, s14, $0xb8;
	[tilespmem:$0x1A080] =	vst v63  }
0x49: {  	s31 =	sor.u32 $0x100, s20  }
0x4a: {  	[spmem:s2] =	stream.indirect.scatter.add.f32 [tilespmem:s11], [sflag:$0x3], $0x80, s31, s14, $0xb8;
	[tilespmem:$0x1A080] =	vst v63  }
0x4b: {  	s20 =	sadd.s32 $0x180, s20  }
0x4c: {  	[spmem:s2] =	stream.indirect.scatter.add.f32 [tilespmem:s11], [sflag:$0x4], $0x80, s20, s14, $0xb8;
	[tilespmem:$0x1A080] =	vst v63  }
0x4d: {  	_ =	swait.ge [sflag:s15], $0x3E80  }
0x4e: {  	[sflag:s15] =	ssyncset.done $0x0  }
0x4f: {  	[sflag:s15] =	ssyncadd.s32 $0xFFFFC180  }
0x50: {  	_ =	swait.ge [sflag:s16], $0x3E80  }
0x51: {  	[sflag:s16] =	ssyncset.done $0x0  }
0x52: {  	[sflag:s16] =	ssyncadd.s32 $0xFFFFC180  }
0x53: {  	_ =	swait.ge [sflag:s17], $0x3E80  }
0x54: {  	[sflag:s17] =	ssyncset.done $0x0  }
0x55: {  	[sflag:s17] =	ssyncadd.s32 $0xFFFFC180  }
0x56: {  	_ =	swait.ge [sflag:s18], $0x3E80  }
0x57: {  	s19 =	sadd.s32 $0x1, s19;
	[sflag:s18] =	ssyncset.done $0x0  }
0x58: {  	p1 =	sne.s32 s19, s8;
	[sflag:s18] =	ssyncadd.s32 $0xFFFFC180  }
.Ltmp1:
0x59: {  	s20 =	simm.s32 @!p0 $0x5;
	[bflag:$0x0] =	sbarrier.arrive $0xFFFF;
	(pc) =	sbr.rel @p1 .LBB2_1-.Ltmp1, $4  }
0x5a: {  	[hbm:s7], [sflag:s9] =	dma.local @!p0 [spmem:s10], $0x3E80  }
0x5b: {  	_ =	swait.ge @!p0 [sflag:s20], $0x3E80  }
0x5c: {  	[sflag:s20] =	ssyncset.done @!p0 $0x0  }
0x5d: {  	[sflag:s20] =	ssyncadd.s32 @!p0 $0xFFFFC180  }
0x5e: {  	_ =	sfence.sel $0x180000  }
0x5f: {  	[bflag:$0x0] =	sbarrier.arrive $0xFFFF  }
0x60: {  	p0 =	sne.s32 s0, $0x0;
	_ =	strace $0x90000047  }
0x61: {  	s0 =	sadd.s32 @!p0 $0x100000, s1;
	[bflag:$0x2] =	sbarrier.arrive $0xFFFF  }
0x62: {  	[sflag:s0] =	ssyncadd.tile.s32 @!p0 $0x1;
	_ =	shalt  }
.Lfunc_end2:
_tile_overlayer_lowered:
.L_overlay_start_2:
0x63: {  	(tag) =	ssettag $0x2  }
0x64: {  	s0 =	rddreg [dreg:$0x0];
	s2 =	stileid.u32  }
0x65: {  	s1 =	rddreg [dreg:$0x1];
	p0 =	sne.s32 s2, $0x0  }
0x66: {  	s3 =	rddreg [dreg:$0x2];
	[bflag:$0x3] =	sbarrier.arrive $0xFFFF;
	s2 =	simm.s32 @!p0 $0x1C05  }
0x67: {  	[timem:s3], [sflag:s2] =	dma.local @!p0 [hbm:s0], s1  }
0x68: {  	s0 =	simm.s32 @!p0 $0x5  }
0x69: {  	_ =	swait.ge @!p0 [sflag:s0], s1  }
0x6a: {  	s1 =	ssub.s32 @!p0 $0x0, s1;
	[sflag:s0] =	ssyncset.done @!p0 $0x0  }
0x6b: {  	[sflag:s0] =	ssyncadd.s32 @!p0 s1  }
0x6c: {  	[bflag:$0x3] =	sbarrier.arrive $0xFFFF  }
0x6d: {  	_ =	shalt  }

// kernel: kernel.16.cloned.1.call-start
scs
__scs_entry_jumppad:
0x0: {  	(pc) =	sbr.rel $0x88, $3  }
0x1: {  	(tag) =	ssettag $0x0;
	lr =	simm.s32 $0x1  }
0x2: {  	[smem:$0x3F89] =	sst lr;
	_ =	strace $0xD0000000  }
0x3: {  	_ = 	snop  }
0x4: {  	_ = 	snop  }
0x5: {  	_ = 	snop  }
0x6: {  	_ = 	snop  }
0x7: {  	_ = 	snop  }
__scs_overlays_trampoline_lowered:
0x8: {  	[smem:$0x3F98] =	sst s0  }
0x9: {  	[smem:$0x3F99] =	sst s1  }
0xa: {  	[smem:$0x3F9A] =	sst s2  }
0xb: {  	[smem:$0x3F9B] =	sst s3  }
0xc: {  	[smem:$0x3F9C] =	sst s4  }
0xd: {  	[smem:$0x3F9D] =	sst s5  }
0xe: {  	[smem:$0x3F9E] =	sst s6  }
0xf: {  	[smem:$0x3F9F] =	sst s7  }
0x10: {  	[smem:$0x3FA0] =	sst s8  }
0x11: {  	[smem:$0x3FA1] =	sst s9;
	s0 =	simm.s32 @!p0 $0x0  }
0x12: {  	s1 =	sld [smem:$0x3F87];
	s0 =	simm.s32 @p0 $0x1  }
0x13: {  	[smem:$0x3FA2] =	sst s0;
	s0 =	simm.s32 @!p1 $0x0  }
0x14: {  	s2 =	sld [smem:$0x3F86];
	s0 =	simm.s32 @p1 $0x1  }
0x15: {  	[smem:$0x3FA3] =	sst s0;
	s0 =	simm.s32 @!p2 $0x0  }
0x16: {  	s3 =	sld [smem:$0x3FDB];
	s0 =	simm.s32 @p2 $0x1  }
0x17: {  	s4 =	simm.s32 $0x1BF5;
	[smem:$0x3FA5] =	sst s0  }
0x18: {  	s0 =	sld [smem:$0x3F88];
	_ =	swait.ge [sflag:s4], $0x0  }
0x19: {  	s7 =	sld [smem:$0x3F89]  }
0x1a: {  	s8 =	sadd.s32 $0xFFFFE003, lr  }
0x1b: {  	s9 =	sadd.s32 $0xFFFFFEF7, lr;
	s5 =	simm.s32 $0xFFFFFFFF;
	p2 =	slt.u32 s8, $0xFFFFF086  }
0x1c: {  	p1 =	slt.u32 s9, $0xF7A;
	s5 =	simm.s32 @!p2 $0x0  }
0x1d: {  	s5 =	simm.s32 @p1 $0x1;
	p0 =	seq.s32 s7, s2  }
0x1e: {  	s7 =	smul.u32 @!p0 $0xF7A, s2;
	p2 =	seq.s32 @!p0 s5, $0x0  }
0x1f: {  	s9 =	smul.u32 $0xF7A, s1;
	s8 =	simm.s32 @!p0 $0x1BF5;
	p2 =	por !p2, p0  }
0x20: {  	[sflag:s8] =	ssyncset.s32 @!p0 $0xFFFFF086;
	s6 =	sadd.s32 @!p0 s3, s7;
	s7 =	simm.s32 @!p0 $0x108  }
0x21: {  	s3 =	sadd.s32 s3, s9;
	s6 =	sadd.s32 @!p0 $0x88, s6;
	s7 =	simm.s32 @p2 $0x1082  }
0x22: {  	[simem:s7], [sflag:s8] =	dma.local @!p0 [hbm:s6], $0xF7A  }
0x23: {  	s9 =	sor.u32 $0xD0000000, s2;
	s6 =	simm.s32 $0x108;
	_ =	swait.ge @!p0 [sflag:s8], $0x0  }
0x24: {  	s3 =	sadd.s32 $0x88, s3;
	s6 =	simm.s32 @!p1 $0x1082;
	[sflag:s4] =	ssyncset.s32 $0xFFFFF086  }
0x25: {  	[simem:s6], [sflag:s4] =	dma.local [hbm:s3], $0xF7A  }
0x26: {  	[smem:$0x3F89] =	sst s1;
	(tag) =	ssettag s2;
	_ =	strace s9  }
0x27: {  	s1 =	sld [smem:$0x3F99]  }
0x28: {  	s2 =	sld [smem:$0x3F9A]  }
0x29: {  	s4 =	sld [smem:$0x3F9C]  }
0x2a: {  	p0 =	seq.s32 s5, $0x0;
	s5 =	sld [smem:$0x3F9D]  }
0x2b: {  	s6 =	sld [smem:$0x3F9E]  }
0x2c: {  	s7 =	sld [smem:$0x3F9F]  }
0x2d: {  	s3 =	simm.s32 $0x108;
	s8 =	sld [smem:$0x3FA0]  }
0x2e: {  	s3 =	simm.s32 @!p0 $0x1082;
	s9 =	sld [smem:$0x3FA1]  }
0x2f: {  	lr =	sadd.s32 s0, s3;
	s0 =	sld [smem:$0x3F98]  }
0x30: {  	s3 =	sld [smem:$0x3F9B]  }
0x31: {  	[smem:$0x3FA4] =	sst s10  }
0x32: {  	s10 =	sld [smem:$0x3FA2];
	_ =	sdelay $0x3  }
0x33: {  	p0 =	seq.s32 s10, $0x1;
	s10 =	sld [smem:$0x3FA4];
	_ =	sdelay $0x3  }
0x34: {  	[smem:$0x3FA4] =	sst s10  }
0x35: {  	s10 =	sld [smem:$0x3FA3];
	_ =	sdelay $0x3  }
0x36: {  	p1 =	seq.s32 s10, $0x1;
	s10 =	sld [smem:$0x3FA4];
	_ =	sdelay $0x3  }
0x37: {  	[smem:$0x3FA4] =	sst s10  }
0x38: {  	s10 =	sld [smem:$0x3FA5]  }
0x39: {  	_ = 	snop;
	(pc) =	sbr.ind lr, $3  }
0x3a: {  	_ = 	snop  }
0x3b: {  	_ = 	snop  }
0x3c: {  	p2 =	seq.s32 s10, $0x1;
	s10 =	sld [smem:$0x3FA4]  }
0x3d: {  	_ =	shalt  }
0x3e: {  	_ =	shalt  }
0x3f: {  	_ =	shalt  }
0x40: {  	_ =	shalt  }
0x41: {  	_ =	shalt  }
0x42: {  	_ =	shalt  }
0x43: {  	_ =	shalt  }
0x44: {  	_ =	shalt  }
0x45: {  	_ =	shalt  }
0x46: {  	_ =	shalt  }
0x47: {  	_ =	shalt  }
0x48: {  	_ =	shalt  }
0x49: {  	_ =	shalt  }
0x4a: {  	_ =	shalt  }
0x4b: {  	_ =	shalt  }
0x4c: {  	_ =	shalt  }
0x4d: {  	_ =	shalt  }
0x4e: {  	_ =	shalt  }
0x4f: {  	_ =	shalt  }
0x50: {  	_ =	shalt  }
0x51: {  	_ =	shalt  }
0x52: {  	_ =	shalt  }
0x53: {  	_ =	shalt  }
0x54: {  	_ =	shalt  }
0x55: {  	_ =	shalt  }
0x56: {  	_ =	shalt  }
0x57: {  	_ =	shalt  }
0x58: {  	_ =	shalt  }
0x59: {  	_ =	shalt  }
0x5a: {  	_ =	shalt  }
0x5b: {  	_ =	shalt  }
0x5c: {  	_ =	shalt  }
0x5d: {  	_ =	shalt  }
0x5e: {  	_ =	shalt  }
0x5f: {  	_ =	shalt  }
0x60: {  	_ =	shalt  }
0x61: {  	_ =	shalt  }
0x62: {  	_ =	shalt  }
0x63: {  	_ =	shalt  }
0x64: {  	_ =	shalt  }
0x65: {  	_ =	shalt  }
0x66: {  	_ =	shalt  }
0x67: {  	_ =	shalt  }
0x68: {  	_ =	shalt  }
0x69: {  	_ =	shalt  }
0x6a: {  	_ =	shalt  }
0x6b: {  	_ =	shalt  }
0x6c: {  	_ =	shalt  }
0x6d: {  	_ =	shalt  }
0x6e: {  	_ =	shalt  }
0x6f: {  	_ =	shalt  }
0x70: {  	_ =	shalt  }
0x71: {  	_ =	shalt  }
0x72: {  	_ =	shalt  }
0x73: {  	_ =	shalt  }
0x74: {  	_ =	shalt  }
0x75: {  	_ =	shalt  }
0x76: {  	_ =	shalt  }
0x77: {  	_ =	shalt  }
0x78: {  	_ =	shalt  }
0x79: {  	_ =	shalt  }
0x7a: {  	_ =	shalt  }
0x7b: {  	_ =	shalt  }
0x7c: {  	_ =	shalt  }
0x7d: {  	_ =	shalt  }
0x7e: {  	_ =	shalt  }
0x7f: {  	_ =	shalt  }
0x80: {  	_ =	shalt  }
0x81: {  	_ =	shalt  }
0x82: {  	_ =	shalt  }
0x83: {  	_ =	shalt  }
0x84: {  	_ =	shalt  }
0x85: {  	_ =	shalt  }
0x86: {  	_ =	shalt  }
0x87: {  	_ =	shalt  }
.Lfunc_end0:
.L_simem_size_0:
called_computation.1_lowered:
.L_overlay_start_0:
0x88: {  	s2 =	sld [smem:$0x3FD9]  }
0x89: {  	s3 =	sld [smem:$0x3FFE];
	_ =	sdelay $0x1  }
0x8a: {  	s1 =	srdreg.scid  }
0x8b: {  	s0 =	sand.u32 $0x1, s1  }
0x8c: {  	s15 =	sshll.u32 s0, $0xA;
	s2 =	sadd.s32 s3, s2  }
0x8d: {  	s2 =	sadd.s32 s2, s15  }
0x8e: {  	[smem:$0x3FB0] =	sst s2  }
0x8f: {  	_ = 	snop  }
0x90: {  	s2 =	sld [smem:$0x3FD0];
	_ =	sdelay $0x2  }
0x91: {  	s16 =	simm.s32 $0xC;
	s4 =	simm.s32 $0x10  }
0x92: {  	[smem:s4], [sflag:s16] =	dma.local [hbm:s2], $0x1  }
0x93: {  	_ =	swait.eq [sflag:s16], $0x1  }
0x94: {  	[sflag:s16] =	ssyncset.done $0x0  }
0x95: {  	[sflag:s16] =	ssyncadd.s32 $0xFFFFFFFF  }
0x96: {  	s17 =	sld [smem:$0x11];
	(tm) =	ssettm $0x1  }
0x97: {  	s18 =	sld [smem:$0x3FFB];
	_ =	sdelay $0x3  }
0x98: {  	_ =	strace s18  }
0x99: {  	s2 =	sld [smem:$0x3FFC];
	_ =	sdelay $0x3  }
0x9a: {  	_ =	strace s2  }
0x9b: {  	s2 =	sld [smem:$0x3FFD];
	_ =	sdelay $0x3  }
0x9c: {  	_ =	strace s2  }
0x9d: {  	_ =	strace $0x8FFFFFFF  }
0x9e: {  	s19 =	sld [smem:$0x3FDB];
	_ =	sdelay $0x1  }
0x9f: {  	s20 =	simm.s32 $_scs_section_size  }
0xa0: {  	s5 =	simm.s32 $_size__tile_overlayer_lowered;
	s6 =	simm.s32 $_tile_overlayer_lowered  }
0xa1: {  	s7 =	simm.s32 $0x1BFF;
	s21 =	sshll.u32 s6, $0x1;
	s4 =	sadd.s32 s20, s19  }
0xa2: {  	s22 =	simm.s32 $0x0;
	s5 =	sshll.u32 s5, $0x1;
	s6 =	sadd.s32 s21, s4  }
0xa3: {  	[timem:s22], [sflag:s7] =	dma.local [hbm:s6], s5  }
0xa4: {  	_ =	swait.ge [sflag:s7], s5  }
0xa5: {  	s5 =	ssub.s32 $0x0, s5;
	[sflag:s7] =	ssyncset.done $0x0  }
0xa6: {  	[sflag:s7] =	ssyncadd.s32 s5;
	_ =	sdelay $0x1  }
0xa7: {  	s23 =	simm.s32 $0x1B8B  }
0xa8: {  	_ =	swait.ge [sflag:s23], $0x1  }
0xa9: {  	[sflag:s23] =	ssyncset.done $0x0  }
0xaa: {  	[sflag:s23] =	ssyncadd.s32 $0xFFFFFFFF  }
0xab: {  	s5 =	sld [smem:$0x0]  }
0xac: {  	s6 =	sand.u32 $0xFFFFFFFE, s1  }
0xad: {  	p0 =	sne.s32 s1, s6  }
0xae: {  	s6 =	sshll.u32 @p0 s6, $0xE  }
0xaf: {  	s6 =	sadd.s32 @p0 $0x11B8D, s6;
	s7 =	sshll.u32 @p0 s5, $0x11  }
0xb0: {  	s6 =	sor.u32 @p0 s7, s6  }
0xb1: {  	[sflag:s6] =	ssyncadd.remote.s32 @p0 $0x1;
	_ =	sdelay $0x1  }
0xb2: {  	s6 =	simm.s32 @p0 $0x1B8D  }
0xb3: {  	_ =	swait.eq @p0 [sflag:s6], $0x1  }
0xb4: {  	[sflag:s6] =	ssyncadd.s32 @p0 $0xFFFFFFFF  }
0xb5: {  	s7 =	sshll.u32 @!p0 s1, $0xE  }
0xb6: {  	s7 =	sor.u32 @!p0 $0x4000, s7;
	s6 =	simm.s32 @!p0 $0x1B8D  }
0xb7: {  	s5 =	sshll.u32 @!p0 s5, $0x11;
	s7 =	sadd.s32 @!p0 $0x11B8D, s7;
	_ =	swait.eq @!p0 [sflag:s6], $0x1  }
0xb8: {  	s5 =	sor.u32 @!p0 s5, s7;
	[sflag:s6] =	ssyncadd.s32 @!p0 $0xFFFFFFFF  }
0xb9: {  	s25 =	simm.s32 $0x1B8E;
	s24 =	sld [smem:$0x3FFE];
	[sflag:s5] =	ssyncadd.remote.s32 @!p0 $0x1  }
0xba: {  	s26 =	simm.s32 $execute0_lowered;
	[smem:$0x3FD2] =	sst s25  }
0xbb: {  	s6 =	sshll.u32 s26, $0x1;
	_ =	strace $0x8000004C;
	[dreg:$0x1] =	wrdreg $0xFFFFFFFF  }
0xbc: {  	s28 =	simm.s32 $_size_execute0_lowered;
	s4 =	sadd.s32 s4, s6;
	[dreg:$0x0] =	wrdreg $0x0  }
0xbd: {  	s6 =	sshll.u32 s28, $0x1;
	[dreg:$0x2] =	wrdreg s4  }
0xbe: {  	[dreg:$0x3] =	wrdreg s6  }
0xbf: {  	[dreg:$0x4] =	wrdreg $0xC0  }
0xc0: {  	_ =	task [dreg:s22], $0x5FFFF  }
0xc1: {  	[dreg:$0x1] =	wrdreg $0xFFFFFFFF  }
0xc2: {  	[dreg:$0x0] =	wrdreg $0x60  }
0xc3: {  	[dreg:$0x2] =	wrdreg s17  }
0xc4: {  	[dreg:$0x3] =	wrdreg s24  }
0xc5: {  	[dreg:$0x4] =	wrdreg $0x0  }
0xc6: {  	[dreg:$0x5] =	wrdreg $0x9  }
0xc7: {  	_ =	task.clear_ibuf [dreg:s22], $0x6FFFF;
	_ =	strace $0x9000004C  }
0xc8: {  	s29 =	simm.s32 $0x9;
	_ =	strace $0x8000004E  }
0xc9: {  	_ =	swait.ge [sflag:s29], $0x1  }
0xca: {  	[sflag:s29] =	ssyncadd.s32 $0xFFFFFFFF  }
0xcb: {  	_ =	strace $0x9000004E  }
0xcc: {  	_ =	sfence  }
0xcd: {  	s30 =	sld [smem:$0x0];
	_ =	sdelay $0x2  }
0xce: {  	s31 =	sshll.u32 s1, $0xD;
	s1 =	sshrl.u32 s1, $0x2  }
0xcf: {  	s4 =	sand.u32 $0x4000, s31;
	s1 =	sadd.s32 s1, s30  }
0xd0: {  	s0 =	sor.u32 s4, s0;
	s1 =	sshll.u32 s1, $0x11  }
0xd1: {  	s0 =	sor.u32 s1, s0  }
0xd2: {  	s0 =	sadd.s32 $0x8F2B, s0  }
0xd3: {  	[sflag:s0] =	ssyncadd.remote.s32 $0x1  }
0xd4: {  	_ =	sfence.sel $0xFFFF  }
0xd5: {  	[dreg:$0x0] =	wrdreg $0xFFFFFFFF;
	(pc) =	sbr.abs _section_cstart, $3  }
0xd6: {  	[dreg:$0x1] =	wrdreg $0xFFFFFFFF  }
0xd7: {  	_ =	task.clear_ibuf [dreg:s22], $0x2FFFF;
	_ =	strace $0x9FFFFFFF  }
0xd8: {  	(tm) =	ssettm $0x7FFFFFFF  }
0xd9: {  	_ =	shalt  }
tec
execute0_lowered:
.L_overlay_start_1:
0x0: {  	(tag) =	ssettag $0x1  }
0x1: {  	s1 =	rddreg [dreg:$0x0]  }
0x2: {  	s0 =	srdreg.scid;
	s2 =	rddreg [dreg:$0x1]  }
0x3: {  	s10 =	stileid.u32;
	s3 =	rddreg [dreg:$0x2]  }
0x4: {  	s4 =	simm.s32 $0x0;
	s15 =	simm.s32 $0x13900;
	s16 =	simm.s32 $0x14100  }
0x5: {  	s17 =	simm.s32 $0x13980;
	s18 =	simm.s32 $0x13A00;
	[smem:$0x7FF] =	sst s4  }
0x6: {  	s19 =	simm.s32 $0x14180;
	_ =	strace $0x8000004D;
	[dreg:$0x6] =	wrdreg s15  }
0x7: {  	s20 =	simm.s32 $0x14200;
	s21 =	simm.s32 $0x13A80;
	[dreg:$0x7] =	wrdreg s16  }
0x8: {  	s22 =	simm.s32 $0x13B00;
	s23 =	simm.s32 $0x14280;
	[dreg:$0x8] =	wrdreg s17  }
0x9: {  	s24 =	simm.s32 $0x14300;
	s25 =	simm.s32 $0x13B80;
	[dreg:$0x9] =	wrdreg s18  }
0xa: {  	s26 =	simm.s32 $0x13C00;
	s28 =	simm.s32 $0x13F00;
	[dreg:$0xa] =	wrdreg s19  }
0xb: {  	s29 =	simm.s32 $0x14680;
	s6 =	smul.u32 $0x2800, s10;
	[dreg:$0xb] =	wrdreg s20  }
0xc: {  	s30 =	simm.s32 $0x14700;
	s9 =	smul.u32 $0x500, s10;
	[dreg:$0xc] =	wrdreg s21  }
0xd: {  	s31 =	simm.s32 $0x13F80;
	s8 =	smul.u32 $0x3E80, s10;
	[dreg:$0xd] =	wrdreg s22  }
0xe: {  	s0 =	sand.u32 $0x1, s0;
	s12 =	smul.u32 $0x7D000, s10;
	[dreg:$0xe] =	wrdreg s23  }
0xf: {  	p0 =	sgt.u32 s10, $0x9;
	s5 =	smul.u32 $0x28000, s0;
	[dreg:$0xf] =	wrdreg s24  }
0x10: {  	s7 =	smul.u32 $0x27100, s0;
	s0 =	ssub.s32 $0x2, s0;
	[dreg:$0x10] =	wrdreg s25  }
0x11: {  	s15 =	simm.s32 $0x18880;
	[dreg:$0x11] =	wrdreg s26;
	s16 =	simm.s32 $0x1  }
0x12: {  	s17 =	simm.s32 $0x2;
	s18 =	simm.s32 $0x3;
	s19 =	simm.s32 $0x13D00  }
0x13: {  	s20 =	simm.s32 $0x14480;
	s21 =	simm.s32 $0x14500;
	s22 =	simm.s32 $0x13D80  }
0x14: {  	s23 =	simm.s32 $0x13E00;
	s24 =	simm.s32 $0x14580;
	s25 =	simm.s32 $0x14600  }
0x15: {  	s26 =	simm.s32 $0x13E80;
	s11 =	sshrl.u32 s0, $0x1;
	s13 =	sshrl.u32 s12, $0x2  }
0x16: {  	s5 =	sadd.s32 s5, s6;
	s6 =	sadd.s32 s9, s2;
	s9 =	sadd.s32 $0xE400, s2  }
0x17: {  	s7 =	sadd.s32 s8, s7;
	s0 =	ssub.s32 s0, s11;
	s5 =	sshrl.u32 s5, $0x3  }
0x18: {  	[dreg:$0x15] =	wrdreg s9;
	s14 =	sadd.s32 $0x10C200, s6;
	s6 =	sadd.s32 s13, s3  }
0x19: {  	s0 =	smax.u32 s0, $0x1;
	s5 =	sadd.s32 s5, s2;
	[dreg:$0x5] =	wrdreg s14  }
0x1a: {  	[dreg:$0x17] =	wrdreg s0;
	s9 =	sshrl.u32 @!p0 s6, $0x3;
	s6 =	simm.s32 $0x13C80  }
0x1b: {  	s2 =	sadd.s32 s7, s2;
	s7 =	simm.s32 $0x0;
	[dreg:$0x14] =	wrdreg s6  }
0x1c: {  	s12 =	simm.s32 $0x14080;
	s11 =	simm.s32 $0x4;
	[dreg:$0x1a] =	wrdreg s7  }
0x1d: {  	s13 =	simm.s32 $0x7D;
	s5 =	sadd.s32 $0x15F400, s5;
	[dreg:$0x19] =	wrdreg s9  }
0x1e: {  	s14 =	simm.s32 $0x14880;
	s2 =	sadd.s32 $0x169400, s2;
	[dreg:$0x4] =	wrdreg s5  }
0x1f: {  	[dreg:$0x16] =	wrdreg s2;
	s2 =	sshll.u32 @!p0 s10, $0x6;
	s5 =	simm.s32 $0x14400  }
0x20: {  	s8 =	sor.u32 @!p0 $0x1C04, s2;
	s2 =	simm.s32 $0x14380;
	[dreg:$0x13] =	wrdreg s5  }
0x21: {  	s0 =	simm.s32 $0x14780;
	s10 =	simm.s32 $0x13880;
	[dreg:$0x12] =	wrdreg s2  }
0x22: {  	s5 =	simm.s32 $0x14800;
	s2 =	simm.s32 $0x14000;
	[dreg:$0x18] =	wrdreg s8  }
.LBB2_1:
0x23: {  	s6 =	rddreg [dreg:$0x15];
	s7 =	simm.s32 @!p0 $0x4  }
0x24: {  	[spmem:s9], [sflag:s8] =	dma.local @!p0 [hbm:s6], $0x3E80  }
0x25: {  	_ =	swait.ge @!p0 [sflag:s7], $0x3E80  }
0x26: {  	[sflag:s7] =	ssyncset.done @!p0 $0x0  }
0x27: {  	[sflag:s7] =	ssyncadd.s32 @!p0 $0xFFFFC180  }
0x28: {  	[bflag:$0x0] =	sbarrier.arrive $0xFFFF  }
0x29: {  	s6 =	rddreg [dreg:$0x4]  }
0x2a: {  	s7 =	sadd.s32 $0x0, s6  }
0x2b: {  	[tilespmem:s10], [sflag:$0x4] =	stream.linear.gather [hbm4b:s7+s4], $0x800, $0x38;
	[tilespmem:$0x1C880] =	vst v63  }
0x2c: {  	_ =	swait.ge [sflag:s11], $0x800  }
0x2d: {  	s8 =	rddreg [dreg:$0x5];
	[sflag:s11] =	ssyncset.done $0x0  }
0x2e: {  	[sflag:s11] =	ssyncadd.s32 $0xFFFFF800;
	s7 =	sadd.s32 $0x0, s8  }
0x2f: {  	[tilespmem:s12], [sflag:$0x4] =	stream.linear.gather [hbm4b:s7+s4], $0x800, $0x38;
	[tilespmem:$0x1C880] =	vst v63  }
0x30: {  	_ =	swait.ge [sflag:s11], $0x800  }
0x31: {  	[sflag:s11] =	ssyncset.done $0x0  }
0x32: {  	[sflag:s11] =	ssyncadd.s32 $0xFFFFF800  }
0x33: {  	[tilespmem:s14], [sflag:$0x1] =	stream.indirect.gather [hbm4b:s1+s13], $0x80, s10, s13, $0xb8;
	[tilespmem:$0x1C880] =	vst v63  }
0x34: {  	s9 =	rddreg [dreg:$0x6]  }
0x35: {  	[tilespmem:s15], [sflag:$0x1] =	stream.indirect.gather [hbm4b:s1+s13], $0x80, s9, s13, $0xb8;
	[tilespmem:$0x1C880] =	vst v63  }
0x36: {  	_ =	swait.ge [sflag:s16], $0x3E80  }
0x37: {  	[sflag:s16] =	ssyncset.done $0x0  }
0x38: {  	[sflag:s16] =	ssyncadd.s32 $0xFFFFC180  }
0x39: {  	[spmem:s3] =	stream.indirect.scatter.add.f32 [tilespmem:s14], [sflag:$0x2], $0x80, s12, s13, $0xb8;
	[tilespmem:$0x1C880] =	vst v63  }
0x3a: {  	_ =	swait.ge [sflag:s16], $0x3E80  }
0x3b: {  	[sflag:s16] =	ssyncset.done $0x0  }
0x3c: {  	s6 =	rddreg [dreg:$0x7];
	[sflag:s16] =	ssyncadd.s32 $0xFFFFC180  }
0x3d: {  	[spmem:s3] =	stream.indirect.scatter.add.f32 [tilespmem:s15], [sflag:$0x3], $0x80, s6, s13, $0xb8;
	[tilespmem:$0x1C880] =	vst v63  }
0x3e: {  	_ =	swait.ge [sflag:s17], $0x3E80  }
0x3f: {  	[sflag:s17] =	ssyncset.done $0x0  }
0x40: {  	s8 =	rddreg [dreg:$0x8];
	[sflag:s17] =	ssyncadd.s32 $0xFFFFC180  }
0x41: {  	[tilespmem:s14], [sflag:$0x1] =	stream.indirect.gather [hbm4b:s1+s13], $0x80, s8, s13, $0xb8;
	[tilespmem:$0x1C880] =	vst v63  }
0x42: {  	_ =	swait.ge [sflag:s18], $0x3E80  }
0x43: {  	[sflag:s18] =	ssyncset.done $0x0  }
0x44: {  	s9 =	rddreg [dreg:$0x9];
	[sflag:s18] =	ssyncadd.s32 $0xFFFFC180  }
0x45: {  	[tilespmem:s15], [sflag:$0x1] =	stream.indirect.gather [hbm4b:s1+s13], $0x80, s9, s13, $0xb8;
	[tilespmem:$0x1C880] =	vst v63  }
0x46: {  	_ =	swait.ge [sflag:s16], $0x3E80  }
0x47: {  	[sflag:s16] =	ssyncset.done $0x0  }
0x48: {  	s6 =	rddreg [dreg:$0xa];
	[sflag:s16] =	ssyncadd.s32 $0xFFFFC180  }
0x49: {  	[spmem:s3] =	stream.indirect.scatter.add.f32 [tilespmem:s14], [sflag:$0x2], $0x80, s6, s13, $0xb8;
	[tilespmem:$0x1C880] =	vst v63  }
0x4a: {  	_ =	swait.ge [sflag:s16], $0x3E80  }
0x4b: {  	[sflag:s16] =	ssyncset.done $0x0  }
0x4c: {  	s8 =	rddreg [dreg:$0xb];
	[sflag:s16] =	ssyncadd.s32 $0xFFFFC180  }
0x4d: {  	[spmem:s3] =	stream.indirect.scatter.add.f32 [tilespmem:s15], [sflag:$0x3], $0x80, s8, s13, $0xb8;
	[tilespmem:$0x1C880] =	vst v63  }
0x4e: {  	_ =	swait.ge [sflag:s17], $0x3E80  }
0x4f: {  	[sflag:s17] =	ssyncset.done $0x0  }
0x50: {  	[sflag:s17] =	ssyncadd.s32 $0xFFFFC180  }
0x51: {  	_ =	swait.ge [sflag:s18], $0x3E80  }
0x52: {  	[sflag:s18] =	ssyncset.done $0x0  }
0x53: {  	s9 =	rddreg [dreg:$0xc];
	[sflag:s18] =	ssyncadd.s32 $0xFFFFC180  }
0x54: {  	[tilespmem:s14], [sflag:$0x1] =	stream.indirect.gather [hbm4b:s1+s13], $0x80, s9, s13, $0xb8;
	[tilespmem:$0x1C880] =	vst v63  }
0x55: {  	s6 =	rddreg [dreg:$0xd]  }
0x56: {  	[tilespmem:s15], [sflag:$0x1] =	stream.indirect.gather [hbm4b:s1+s13], $0x80, s6, s13, $0xb8;
	[tilespmem:$0x1C880] =	vst v63  }
0x57: {  	_ =	swait.ge [sflag:s16], $0x3E80  }
0x58: {  	[sflag:s16] =	ssyncset.done $0x0  }
0x59: {  	s9 =	rddreg [dreg:$0xe];
	[sflag:s16] =	ssyncadd.s32 $0xFFFFC180  }
0x5a: {  	[spmem:s3] =	stream.indirect.scatter.add.f32 [tilespmem:s14], [sflag:$0x2], $0x80, s9, s13, $0xb8;
	[tilespmem:$0x1C880] =	vst v63  }
0x5b: {  	_ =	swait.ge [sflag:s16], $0x3E80  }
0x5c: {  	[sflag:s16] =	ssyncset.done $0x0  }
0x5d: {  	s6 =	rddreg [dreg:$0xf];
	[sflag:s16] =	ssyncadd.s32 $0xFFFFC180  }
0x5e: {  	[spmem:s3] =	stream.indirect.scatter.add.f32 [tilespmem:s15], [sflag:$0x3], $0x80, s6, s13, $0xb8;
	[tilespmem:$0x1C880] =	vst v63  }
0x5f: {  	_ =	swait.ge [sflag:s17], $0x3E80  }
0x60: {  	[sflag:s17] =	ssyncset.done $0x0  }
0x61: {  	s8 =	rddreg [dreg:$0x10];
	[sflag:s17] =	ssyncadd.s32 $0xFFFFC180  }
0x62: {  	[tilespmem:s14], [sflag:$0x1] =	stream.indirect.gather [hbm4b:s1+s13], $0x80, s8, s13, $0xb8;
	[tilespmem:$0x1C880] =	vst v63  }
0x63: {  	_ =	swait.ge [sflag:s18], $0x3E80  }
0x64: {  	[sflag:s18] =	ssyncset.done $0x0  }
0x65: {  	s9 =	rddreg [dreg:$0x11];
	[sflag:s18] =	ssyncadd.s32 $0xFFFFC180  }
0x66: {  	[tilespmem:s15], [sflag:$0x1] =	stream.indirect.gather [hbm4b:s1+s13], $0x80, s9, s13, $0xb8;
	[tilespmem:$0x1C880] =	vst v63  }
0x67: {  	_ =	swait.ge [sflag:s16], $0x3E80  }
0x68: {  	[sflag:s16] =	ssyncset.done $0x0  }
0x69: {  	s6 =	rddreg [dreg:$0x12];
	[sflag:s16] =	ssyncadd.s32 $0xFFFFC180  }
0x6a: {  	[spmem:s3] =	stream.indirect.scatter.add.f32 [tilespmem:s14], [sflag:$0x2], $0x80, s6, s13, $0xb8;
	[tilespmem:$0x1C880] =	vst v63  }
0x6b: {  	_ =	swait.ge [sflag:s16], $0x3E80  }
0x6c: {  	[sflag:s16] =	ssyncset.done $0x0  }
0x6d: {  	s8 =	rddreg [dreg:$0x13];
	[sflag:s16] =	ssyncadd.s32 $0xFFFFC180  }
0x6e: {  	[spmem:s3] =	stream.indirect.scatter.add.f32 [tilespmem:s15], [sflag:$0x3], $0x80, s8, s13, $0xb8;
	[tilespmem:$0x1C880] =	vst v63  }
0x6f: {  	_ =	swait.ge [sflag:s17], $0x3E80  }
0x70: {  	[sflag:s17] =	ssyncset.done $0x0  }
0x71: {  	[sflag:s17] =	ssyncadd.s32 $0xFFFFC180  }
0x72: {  	_ =	swait.ge [sflag:s18], $0x3E80  }
0x73: {  	[sflag:s18] =	ssyncset.done $0x0  }
0x74: {  	s9 =	rddreg [dreg:$0x14];
	[sflag:s18] =	ssyncadd.s32 $0xFFFFC180  }
0x75: {  	[tilespmem:s14], [sflag:$0x1] =	stream.indirect.gather [hbm4b:s1+s13], $0x80, s9, s13, $0xb8;
	[tilespmem:$0x1C880] =	vst v63  }
0x76: {  	_ = 	snop  }
0x77: {  	[tilespmem:s15], [sflag:$0x1] =	stream.indirect.gather [hbm4b:s1+s13], $0x80, s19, s13, $0xb8;
	[tilespmem:$0x1C880] =	vst v63  }
0x78: {  	_ =	swait.ge [sflag:s16], $0x3E80  }
0x79: {  	[sflag:s16] =	ssyncset.done $0x0  }
0x7a: {  	[sflag:s16] =	ssyncadd.s32 $0xFFFFC180  }
0x7b: {  	[spmem:s3] =	stream.indirect.scatter.add.f32 [tilespmem:s14], [sflag:$0x2], $0x80, s20, s13, $0xb8;
	[tilespmem:$0x1C880] =	vst v63  }
0x7c: {  	_ =	swait.ge [sflag:s16], $0x3E80  }
0x7d: {  	[sflag:s16] =	ssyncset.done $0x0  }
0x7e: {  	[sflag:s16] =	ssyncadd.s32 $0xFFFFC180  }
0x7f: {  	[spmem:s3] =	stream.indirect.scatter.add.f32 [tilespmem:s15], [sflag:$0x3], $0x80, s21, s13, $0xb8;
	[tilespmem:$0x1C880] =	vst v63  }
0x80: {  	_ =	swait.ge [sflag:s17], $0x3E80  }
0x81: {  	[sflag:s17] =	ssyncset.done $0x0  }
0x82: {  	[sflag:s17] =	ssyncadd.s32 $0xFFFFC180  }
0x83: {  	[tilespmem:s14], [sflag:$0x1] =	stream.indirect.gather [hbm4b:s1+s13], $0x80, s22, s13, $0xb8;
	[tilespmem:$0x1C880] =	vst v63  }
0x84: {  	_ =	swait.ge [sflag:s18], $0x3E80  }
0x85: {  	[sflag:s18] =	ssyncset.done $0x0  }
0x86: {  	[sflag:s18] =	ssyncadd.s32 $0xFFFFC180  }
0x87: {  	[tilespmem:s15], [sflag:$0x1] =	stream.indirect.gather [hbm4b:s1+s13], $0x80, s23, s13, $0xb8;
	[tilespmem:$0x1C880] =	vst v63  }
0x88: {  	_ =	swait.ge [sflag:s16], $0x3E80  }
0x89: {  	[sflag:s16] =	ssyncset.done $0x0  }
0x8a: {  	[sflag:s16] =	ssyncadd.s32 $0xFFFFC180  }
0x8b: {  	[spmem:s3] =	stream.indirect.scatter.add.f32 [tilespmem:s14], [sflag:$0x2], $0x80, s24, s13, $0xb8;
	[tilespmem:$0x1C880] =	vst v63  }
0x8c: {  	_ =	swait.ge [sflag:s16], $0x3E80  }
0x8d: {  	[sflag:s16] =	ssyncset.done $0x0  }
0x8e: {  	[sflag:s16] =	ssyncadd.s32 $0xFFFFC180  }
0x8f: {  	[spmem:s3] =	stream.indirect.scatter.add.f32 [tilespmem:s15], [sflag:$0x3], $0x80, s25, s13, $0xb8;
	[tilespmem:$0x1C880] =	vst v63  }
0x90: {  	_ =	swait.ge [sflag:s17], $0x3E80  }
0x91: {  	[sflag:s17] =	ssyncset.done $0x0  }
0x92: {  	[sflag:s17] =	ssyncadd.s32 $0xFFFFC180  }
0x93: {  	_ =	swait.ge [sflag:s18], $0x3E80  }
0x94: {  	[sflag:s18] =	ssyncset.done $0x0  }
0x95: {  	[sflag:s18] =	ssyncadd.s32 $0xFFFFC180  }
0x96: {  	[tilespmem:s14], [sflag:$0x1] =	stream.indirect.gather [hbm4b:s1+s13], $0x80, s26, s13, $0xb8;
	[tilespmem:$0x1C880] =	vst v63  }
0x97: {  	_ = 	snop  }
0x98: {  	[tilespmem:s15], [sflag:$0x1] =	stream.indirect.gather [hbm4b:s1+s13], $0x80, s28, s13, $0xb8;
	[tilespmem:$0x1C880] =	vst v63  }
0x99: {  	_ =	swait.ge [sflag:s16], $0x3E80  }
0x9a: {  	[sflag:s16] =	ssyncset.done $0x0  }
0x9b: {  	[sflag:s16] =	ssyncadd.s32 $0xFFFFC180  }
0x9c: {  	[spmem:s3] =	stream.indirect.scatter.add.f32 [tilespmem:s14], [sflag:$0x2], $0x80, s29, s13, $0xb8;
	[tilespmem:$0x1C880] =	vst v63  }
0x9d: {  	_ =	swait.ge [sflag:s16], $0x3E80  }
0x9e: {  	[sflag:s16] =	ssyncset.done $0x0  }
0x9f: {  	[sflag:s16] =	ssyncadd.s32 $0xFFFFC180  }
0xa0: {  	[spmem:s3] =	stream.indirect.scatter.add.f32 [tilespmem:s15], [sflag:$0x3], $0x80, s30, s13, $0xb8;
	[tilespmem:$0x1C880] =	vst v63  }
0xa1: {  	_ =	swait.ge [sflag:s17], $0x3E80  }
0xa2: {  	[sflag:s17] =	ssyncset.done $0x0  }
0xa3: {  	[sflag:s17] =	ssyncadd.s32 $0xFFFFC180  }
0xa4: {  	[tilespmem:s14], [sflag:$0x1] =	stream.indirect.gather [hbm4b:s1+s13], $0x80, s31, s13, $0xb8;
	[tilespmem:$0x1C880] =	vst v63  }
0xa5: {  	_ =	swait.ge [sflag:s18], $0x3E80  }
0xa6: {  	[sflag:s18] =	ssyncset.done $0x0  }
0xa7: {  	[sflag:s18] =	ssyncadd.s32 $0xFFFFC180  }
0xa8: {  	[tilespmem:s15], [sflag:$0x1] =	stream.indirect.gather [hbm4b:s1+s13], $0x80, s2, s13, $0xb8;
	[tilespmem:$0x1C880] =	vst v63  }
0xa9: {  	_ =	swait.ge [sflag:s16], $0x3E80  }
0xaa: {  	[sflag:s16] =	ssyncset.done $0x0  }
0xab: {  	[sflag:s16] =	ssyncadd.s32 $0xFFFFC180  }
0xac: {  	[spmem:s3] =	stream.indirect.scatter.add.f32 [tilespmem:s14], [sflag:$0x2], $0x80, s0, s13, $0xb8;
	[tilespmem:$0x1C880] =	vst v63  }
0xad: {  	_ =	swait.ge [sflag:s16], $0x3E80  }
0xae: {  	[sflag:s16] =	ssyncset.done $0x0  }
0xaf: {  	[sflag:s16] =	ssyncadd.s32 $0xFFFFC180  }
0xb0: {  	[spmem:s3] =	stream.indirect.scatter.add.f32 [tilespmem:s15], [sflag:$0x3], $0x80, s5, s13, $0xb8;
	[tilespmem:$0x1C880] =	vst v63  }
0xb1: {  	_ =	swait.ge [sflag:s17], $0x3E80  }
0xb2: {  	[sflag:s17] =	ssyncset.done $0x0  }
0xb3: {  	[sflag:s17] =	ssyncadd.s32 $0xFFFFC180  }
0xb4: {  	s7 =	simm.s32 $0x100;
	_ =	swait.ge [sflag:s18], $0x3E80  }
0xb5: {  	s8 =	simm.s32 $0x200;
	s9 =	rddreg [dreg:$0x4];
	[sflag:s18] =	ssyncset.done $0x0  }
.LBB2_2:
0xb6: {  	[sflag:s18] =	ssyncadd.s32 $0xFFFFC180;
	s9 =	sadd.s32 s7, s9  }
0xb7: {  	[tilespmem:s10], [sflag:$0x4] =	stream.linear.gather [hbm4b:s9+s4], $0x800, $0x38;
	[tilespmem:$0x1C880] =	vst v63  }
0xb8: {  	_ =	swait.ge [sflag:s11], $0x800  }
0xb9: {  	s9 =	rddreg [dreg:$0x5];
	[sflag:s11] =	ssyncset.done $0x0  }
0xba: {  	[sflag:s11] =	ssyncadd.s32 $0xFFFFF800;
	s9 =	sadd.s32 s7, s9  }
0xbb: {  	[tilespmem:s12], [sflag:$0x4] =	stream.linear.gather [hbm4b:s9+s4], $0x800, $0x38;
	[tilespmem:$0x1C880] =	vst v63  }
0xbc: {  	_ =	swait.ge [sflag:s11], $0x800  }
0xbd: {  	[sflag:s11] =	ssyncset.done $0x0  }
0xbe: {  	[sflag:s11] =	ssyncadd.s32 $0xFFFFF800  }
0xbf: {  	[tilespmem:s14], [sflag:$0x1] =	stream.indirect.gather [hbm4b:s1+s13], $0x80, s10, s13, $0xb8;
	[tilespmem:$0x1C880] =	vst v63  }
0xc0: {  	s9 =	rddreg [dreg:$0x6]  }
0xc1: {  	[tilespmem:s15], [sflag:$0x1] =	stream.indirect.gather [hbm4b:s1+s13], $0x80, s9, s13, $0xb8;
	[tilespmem:$0x1C880] =	vst v63  }
0xc2: {  	_ =	swait.ge [sflag:s16], $0x3E80  }
0xc3: {  	[sflag:s16] =	ssyncset.done $0x0  }
0xc4: {  	[sflag:s16] =	ssyncadd.s32 $0xFFFFC180  }
0xc5: {  	[spmem:s3] =	stream.indirect.scatter.add.f32 [tilespmem:s14], [sflag:$0x2], $0x80, s12, s13, $0xb8;
	[tilespmem:$0x1C880] =	vst v63  }
0xc6: {  	_ =	swait.ge [sflag:s16], $0x3E80  }
0xc7: {  	[sflag:s16] =	ssyncset.done $0x0  }
0xc8: {  	s9 =	rddreg [dreg:$0x7];
	[sflag:s16] =	ssyncadd.s32 $0xFFFFC180  }
0xc9: {  	[spmem:s3] =	stream.indirect.scatter.add.f32 [tilespmem:s15], [sflag:$0x3], $0x80, s9, s13, $0xb8;
	[tilespmem:$0x1C880] =	vst v63  }
0xca: {  	_ =	swait.ge [sflag:s17], $0x3E80  }
0xcb: {  	[sflag:s17] =	ssyncset.done $0x0  }
0xcc: {  	s9 =	rddreg [dreg:$0x8];
	[sflag:s17] =	ssyncadd.s32 $0xFFFFC180  }
0xcd: {  	[tilespmem:s14], [sflag:$0x1] =	stream.indirect.gather [hbm4b:s1+s13], $0x80, s9, s13, $0xb8;
	[tilespmem:$0x1C880] =	vst v63  }
0xce: {  	_ =	swait.ge [sflag:s18], $0x3E80  }
0xcf: {  	[sflag:s18] =	ssyncset.done $0x0  }
0xd0: {  	s9 =	rddreg [dreg:$0x9];
	[sflag:s18] =	ssyncadd.s32 $0xFFFFC180  }
0xd1: {  	[tilespmem:s15], [sflag:$0x1] =	stream.indirect.gather [hbm4b:s1+s13], $0x80, s9, s13, $0xb8;
	[tilespmem:$0x1C880] =	vst v63  }
0xd2: {  	_ =	swait.ge [sflag:s16], $0x3E80  }
0xd3: {  	[sflag:s16] =	ssyncset.done $0x0  }
0xd4: {  	s9 =	rddreg [dreg:$0xa];
	[sflag:s16] =	ssyncadd.s32 $0xFFFFC180  }
0xd5: {  	[spmem:s3] =	stream.indirect.scatter.add.f32 [tilespmem:s14], [sflag:$0x2], $0x80, s9, s13, $0xb8;
	[tilespmem:$0x1C880] =	vst v63  }
0xd6: {  	_ =	swait.ge [sflag:s16], $0x3E80  }
0xd7: {  	[sflag:s16] =	ssyncset.done $0x0  }
0xd8: {  	s9 =	rddreg [dreg:$0xb];
	[sflag:s16] =	ssyncadd.s32 $0xFFFFC180  }
0xd9: {  	[spmem:s3] =	stream.indirect.scatter.add.f32 [tilespmem:s15], [sflag:$0x3], $0x80, s9, s13, $0xb8;
	[tilespmem:$0x1C880] =	vst v63  }
0xda: {  	_ =	swait.ge [sflag:s17], $0x3E80  }
0xdb: {  	[sflag:s17] =	ssyncset.done $0x0  }
0xdc: {  	[sflag:s17] =	ssyncadd.s32 $0xFFFFC180  }
0xdd: {  	_ =	swait.ge [sflag:s18], $0x3E80  }
0xde: {  	s6 =	smov.u32 s8;
	[sflag:s18] =	ssyncset.done $0x0  }
0xdf: {  	s7 =	smov.u32 s6;
	s6 =	rddreg [dreg:$0xc];
	[sflag:s18] =	ssyncadd.s32 $0xFFFFC180  }
0xe0: {  	[tilespmem:s14], [sflag:$0x1] =	stream.indirect.gather [hbm4b:s1+s13], $0x80, s6, s13, $0xb8;
	[tilespmem:$0x1C880] =	vst v63  }
0xe1: {  	s9 =	rddreg [dreg:$0xd]  }
0xe2: {  	[tilespmem:s15], [sflag:$0x1] =	stream.indirect.gather [hbm4b:s1+s13], $0x80, s9, s13, $0xb8;
	[tilespmem:$0x1C880] =	vst v63  }
0xe3: {  	_ =	swait.ge [sflag:s16], $0x3E80  }
0xe4: {  	[sflag:s16] =	ssyncset.done $0x0  }
0xe5: {  	s9 =	rddreg [dreg:$0xe];
	[sflag:s16] =	ssyncadd.s32 $0xFFFFC180  }
0xe6: {  	[spmem:s3] =	stream.indirect.scatter.add.f32 [tilespmem:s14], [sflag:$0x2], $0x80, s9, s13, $0xb8;
	[tilespmem:$0x1C880] =	vst v63  }
0xe7: {  	_ =	swait.ge [sflag:s16], $0x3E80  }
0xe8: {  	[sflag:s16] =	ssyncset.done $0x0  }
0xe9: {  	s9 =	rddreg [dreg:$0xf];
	[sflag:s16] =	ssyncadd.s32 $0xFFFFC180  }
0xea: {  	[spmem:s3] =	stream.indirect.scatter.add.f32 [tilespmem:s15], [sflag:$0x3], $0x80, s9, s13, $0xb8;
	[tilespmem:$0x1C880] =	vst v63  }
0xeb: {  	_ =	swait.ge [sflag:s17], $0x3E80  }
0xec: {  	[sflag:s17] =	ssyncset.done $0x0  }
0xed: {  	s9 =	rddreg [dreg:$0x10];
	[sflag:s17] =	ssyncadd.s32 $0xFFFFC180  }
0xee: {  	[tilespmem:s14], [sflag:$0x1] =	stream.indirect.gather [hbm4b:s1+s13], $0x80, s9, s13, $0xb8;
	[tilespmem:$0x1C880] =	vst v63  }
0xef: {  	_ =	swait.ge [sflag:s18], $0x3E80  }
0xf0: {  	[sflag:s18] =	ssyncset.done $0x0  }
0xf1: {  	s9 =	rddreg [dreg:$0x11];
	[sflag:s18] =	ssyncadd.s32 $0xFFFFC180  }
0xf2: {  	[tilespmem:s15], [sflag:$0x1] =	stream.indirect.gather [hbm4b:s1+s13], $0x80, s9, s13, $0xb8;
	[tilespmem:$0x1C880] =	vst v63  }
0xf3: {  	_ =	swait.ge [sflag:s16], $0x3E80  }
0xf4: {  	[sflag:s16] =	ssyncset.done $0x0  }
0xf5: {  	s9 =	rddreg [dreg:$0x12];
	[sflag:s16] =	ssyncadd.s32 $0xFFFFC180  }
0xf6: {  	[spmem:s3] =	stream.indirect.scatter.add.f32 [tilespmem:s14], [sflag:$0x2], $0x80, s9, s13, $0xb8;
	[tilespmem:$0x1C880] =	vst v63  }
0xf7: {  	_ =	swait.ge [sflag:s16], $0x3E80  }
0xf8: {  	[sflag:s16] =	ssyncset.done $0x0  }
0xf9: {  	s9 =	rddreg [dreg:$0x13];
	[sflag:s16] =	ssyncadd.s32 $0xFFFFC180  }
0xfa: {  	[spmem:s3] =	stream.indirect.scatter.add.f32 [tilespmem:s15], [sflag:$0x3], $0x80, s9, s13, $0xb8;
	[tilespmem:$0x1C880] =	vst v63  }
0xfb: {  	_ =	swait.ge [sflag:s17], $0x3E80  }
0xfc: {  	[sflag:s17] =	ssyncset.done $0x0  }
0xfd: {  	[sflag:s17] =	ssyncadd.s32 $0xFFFFC180  }
0xfe: {  	_ =	swait.ge [sflag:s18], $0x3E80  }
0xff: {  	[sflag:s18] =	ssyncset.done $0x0  }
0x100: {  	s9 =	rddreg [dreg:$0x14];
	[sflag:s18] =	ssyncadd.s32 $0xFFFFC180  }
0x101: {  	[tilespmem:s14], [sflag:$0x1] =	stream.indirect.gather [hbm4b:s1+s13], $0x80, s9, s13, $0xb8;
	[tilespmem:$0x1C880] =	vst v63  }
0x102: {  	_ = 	snop  }
0x103: {  	[tilespmem:s15], [sflag:$0x1] =	stream.indirect.gather [hbm4b:s1+s13], $0x80, s19, s13, $0xb8;
	[tilespmem:$0x1C880] =	vst v63  }
0x104: {  	_ =	swait.ge [sflag:s16], $0x3E80  }
0x105: {  	[sflag:s16] =	ssyncset.done $0x0  }
0x106: {  	[sflag:s16] =	ssyncadd.s32 $0xFFFFC180  }
0x107: {  	[spmem:s3] =	stream.indirect.scatter.add.f32 [tilespmem:s14], [sflag:$0x2], $0x80, s20, s13, $0xb8;
	[tilespmem:$0x1C880] =	vst v63  }
0x108: {  	_ =	swait.ge [sflag:s16], $0x3E80  }
0x109: {  	[sflag:s16] =	ssyncset.done $0x0  }
0x10a: {  	[sflag:s16] =	ssyncadd.s32 $0xFFFFC180  }
0x10b: {  	[spmem:s3] =	stream.indirect.scatter.add.f32 [tilespmem:s15], [sflag:$0x3], $0x80, s21, s13, $0xb8;
	[tilespmem:$0x1C880] =	vst v63  }
0x10c: {  	_ =	swait.ge [sflag:s17], $0x3E80  }
0x10d: {  	[sflag:s17] =	ssyncset.done $0x0  }
0x10e: {  	[sflag:s17] =	ssyncadd.s32 $0xFFFFC180  }
0x10f: {  	[tilespmem:s14], [sflag:$0x1] =	stream.indirect.gather [hbm4b:s1+s13], $0x80, s22, s13, $0xb8;
	[tilespmem:$0x1C880] =	vst v63  }
0x110: {  	_ =	swait.ge [sflag:s18], $0x3E80  }
0x111: {  	[sflag:s18] =	ssyncset.done $0x0  }
0x112: {  	[sflag:s18] =	ssyncadd.s32 $0xFFFFC180  }
0x113: {  	[tilespmem:s15], [sflag:$0x1] =	stream.indirect.gather [hbm4b:s1+s13], $0x80, s23, s13, $0xb8;
	[tilespmem:$0x1C880] =	vst v63  }
0x114: {  	_ =	swait.ge [sflag:s16], $0x3E80  }
0x115: {  	[sflag:s16] =	ssyncset.done $0x0  }
0x116: {  	[sflag:s16] =	ssyncadd.s32 $0xFFFFC180  }
0x117: {  	[spmem:s3] =	stream.indirect.scatter.add.f32 [tilespmem:s14], [sflag:$0x2], $0x80, s24, s13, $0xb8;
	[tilespmem:$0x1C880] =	vst v63  }
0x118: {  	_ =	swait.ge [sflag:s16], $0x3E80  }
0x119: {  	[sflag:s16] =	ssyncset.done $0x0  }
0x11a: {  	[sflag:s16] =	ssyncadd.s32 $0xFFFFC180  }
0x11b: {  	[spmem:s3] =	stream.indirect.scatter.add.f32 [tilespmem:s15], [sflag:$0x3], $0x80, s25, s13, $0xb8;
	[tilespmem:$0x1C880] =	vst v63  }
0x11c: {  	_ =	swait.ge [sflag:s17], $0x3E80  }
0x11d: {  	[sflag:s17] =	ssyncset.done $0x0  }
0x11e: {  	[sflag:s17] =	ssyncadd.s32 $0xFFFFC180  }
0x11f: {  	_ =	swait.ge [sflag:s18], $0x3E80  }
0x120: {  	[sflag:s18] =	ssyncset.done $0x0  }
0x121: {  	[sflag:s18] =	ssyncadd.s32 $0xFFFFC180  }
0x122: {  	[tilespmem:s14], [sflag:$0x1] =	stream.indirect.gather [hbm4b:s1+s13], $0x80, s26, s13, $0xb8;
	[tilespmem:$0x1C880] =	vst v63  }
0x123: {  	_ = 	snop  }
0x124: {  	[tilespmem:s15], [sflag:$0x1] =	stream.indirect.gather [hbm4b:s1+s13], $0x80, s28, s13, $0xb8;
	[tilespmem:$0x1C880] =	vst v63  }
0x125: {  	_ =	swait.ge [sflag:s16], $0x3E80  }
0x126: {  	[sflag:s16] =	ssyncset.done $0x0  }
0x127: {  	[sflag:s16] =	ssyncadd.s32 $0xFFFFC180  }
0x128: {  	[spmem:s3] =	stream.indirect.scatter.add.f32 [tilespmem:s14], [sflag:$0x2], $0x80, s29, s13, $0xb8;
	[tilespmem:$0x1C880] =	vst v63  }
0x129: {  	_ =	swait.ge [sflag:s16], $0x3E80  }
0x12a: {  	[sflag:s16] =	ssyncset.done $0x0  }
0x12b: {  	[sflag:s16] =	ssyncadd.s32 $0xFFFFC180  }
0x12c: {  	[spmem:s3] =	stream.indirect.scatter.add.f32 [tilespmem:s15], [sflag:$0x3], $0x80, s30, s13, $0xb8;
	[tilespmem:$0x1C880] =	vst v63  }
0x12d: {  	_ =	swait.ge [sflag:s17], $0x3E80  }
0x12e: {  	[sflag:s17] =	ssyncset.done $0x0  }
0x12f: {  	[sflag:s17] =	ssyncadd.s32 $0xFFFFC180  }
0x130: {  	[tilespmem:s14], [sflag:$0x1] =	stream.indirect.gather [hbm4b:s1+s13], $0x80, s31, s13, $0xb8;
	[tilespmem:$0x1C880] =	vst v63  }
0x131: {  	_ =	swait.ge [sflag:s18], $0x3E80  }
0x132: {  	[sflag:s18] =	ssyncset.done $0x0  }
0x133: {  	[sflag:s18] =	ssyncadd.s32 $0xFFFFC180  }
0x134: {  	[tilespmem:s15], [sflag:$0x1] =	stream.indirect.gather [hbm4b:s1+s13], $0x80, s2, s13, $0xb8;
	[tilespmem:$0x1C880] =	vst v63  }
0x135: {  	_ =	swait.ge [sflag:s16], $0x3E80  }
0x136: {  	[sflag:s16] =	ssyncset.done $0x0  }
0x137: {  	[sflag:s16] =	ssyncadd.s32 $0xFFFFC180  }
0x138: {  	[spmem:s3] =	stream.indirect.scatter.add.f32 [tilespmem:s14], [sflag:$0x2], $0x80, s0, s13, $0xb8;
	[tilespmem:$0x1C880] =	vst v63  }
0x139: {  	_ =	swait.ge [sflag:s16], $0x3E80  }
0x13a: {  	[sflag:s16] =	ssyncset.done $0x0  }
0x13b: {  	p1 =	sne.s32 s8, $0x400;
	[sflag:s16] =	ssyncadd.s32 $0xFFFFC180  }
0x13c: {  	[spmem:s3] =	stream.indirect.scatter.add.f32 [tilespmem:s15], [sflag:$0x3], $0x80, s5, s13, $0xb8;
	[tilespmem:$0x1C880] =	vst v63  }
.Ltmp0:
0x13d: {  	_ =	swait.ge [sflag:s17], $0x3E80;
	(pc) =	sbr.rel @p1 .LBB2_2-.Ltmp0, $4  }
0x13e: {  	[sflag:s17] =	ssyncset.done $0x0  }
0x13f: {  	[sflag:s17] =	ssyncadd.s32 $0xFFFFC180  }
0x140: {  	_ =	swait.ge [sflag:s18], $0x3E80  }
0x141: {  	s8 =	sadd.s32 $0x100, s8;
	s9 =	rddreg [dreg:$0x4];
	[sflag:s18] =	ssyncset.done $0x0  }
0x142: {  	[sflag:s18] =	ssyncadd.s32 $0xFFFFC180;
	s6 =	sadd.s32 s7, s9  }
0x143: {  	[tilespmem:s10], [sflag:$0x4] =	stream.linear.gather [hbm4b:s6+s4], $0x800, $0x38;
	[tilespmem:$0x1C880] =	vst v63  }
0x144: {  	_ =	swait.ge [sflag:s11], $0x800  }
0x145: {  	s9 =	rddreg [dreg:$0x5];
	[sflag:s11] =	ssyncset.done $0x0  }
0x146: {  	[sflag:s11] =	ssyncadd.s32 $0xFFFFF800;
	s6 =	sadd.s32 s7, s9  }
0x147: {  	[tilespmem:s12], [sflag:$0x4] =	stream.linear.gather [hbm4b:s6+s4], $0x800, $0x38;
	[tilespmem:$0x1C880] =	vst v63  }
0x148: {  	_ =	swait.ge [sflag:s11], $0x800  }
0x149: {  	[sflag:s11] =	ssyncset.done $0x0  }
0x14a: {  	[sflag:s11] =	ssyncadd.s32 $0xFFFFF800  }
0x14b: {  	[tilespmem:s14], [sflag:$0x1] =	stream.indirect.gather [hbm4b:s1+s13], $0x80, s10, s13, $0xb8;
	[tilespmem:$0x1C880] =	vst v63  }
0x14c: {  	s7 =	rddreg [dreg:$0x6]  }
0x14d: {  	[tilespmem:s15], [sflag:$0x1] =	stream.indirect.gather [hbm4b:s1+s13], $0x80, s7, s13, $0xb8;
	[tilespmem:$0x1C880] =	vst v63  }
0x14e: {  	_ =	swait.ge [sflag:s16], $0x3E80  }
0x14f: {  	[sflag:s16] =	ssyncset.done $0x0  }
0x150: {  	[sflag:s16] =	ssyncadd.s32 $0xFFFFC180  }
0x151: {  	[spmem:s3] =	stream.indirect.scatter.add.f32 [tilespmem:s14], [sflag:$0x2], $0x80, s12, s13, $0xb8;
	[tilespmem:$0x1C880] =	vst v63  }
0x152: {  	_ =	swait.ge [sflag:s16], $0x3E80  }
0x153: {  	[sflag:s16] =	ssyncset.done $0x0  }
0x154: {  	s8 =	rddreg [dreg:$0x7];
	[sflag:s16] =	ssyncadd.s32 $0xFFFFC180  }
0x155: {  	[spmem:s3] =	stream.indirect.scatter.add.f32 [tilespmem:s15], [sflag:$0x3], $0x80, s8, s13, $0xb8;
	[tilespmem:$0x1C880] =	vst v63  }
0x156: {  	_ =	swait.ge [sflag:s17], $0x3E80  }
0x157: {  	[sflag:s17] =	ssyncset.done $0x0  }
0x158: {  	s9 =	rddreg [dreg:$0x8];
	[sflag:s17] =	ssyncadd.s32 $0xFFFFC180  }
0x159: {  	[tilespmem:s14], [sflag:$0x1] =	stream.indirect.gather [hbm4b:s1+s13], $0x80, s9, s13, $0xb8;
	[tilespmem:$0x1C880] =	vst v63  }
0x15a: {  	_ =	swait.ge [sflag:s18], $0x3E80  }
0x15b: {  	[sflag:s18] =	ssyncset.done $0x0  }
0x15c: {  	s7 =	rddreg [dreg:$0x9];
	[sflag:s18] =	ssyncadd.s32 $0xFFFFC180  }
0x15d: {  	[tilespmem:s15], [sflag:$0x1] =	stream.indirect.gather [hbm4b:s1+s13], $0x80, s7, s13, $0xb8;
	[tilespmem:$0x1C880] =	vst v63  }
0x15e: {  	_ =	swait.ge [sflag:s16], $0x3E80  }
0x15f: {  	[sflag:s16] =	ssyncset.done $0x0  }
0x160: {  	s8 =	rddreg [dreg:$0xa];
	[sflag:s16] =	ssyncadd.s32 $0xFFFFC180  }
0x161: {  	[spmem:s3] =	stream.indirect.scatter.add.f32 [tilespmem:s14], [sflag:$0x2], $0x80, s8, s13, $0xb8;
	[tilespmem:$0x1C880] =	vst v63  }
0x162: {  	_ =	swait.ge [sflag:s16], $0x3E80  }
0x163: {  	[sflag:s16] =	ssyncset.done $0x0  }
0x164: {  	s9 =	rddreg [dreg:$0xb];
	[sflag:s16] =	ssyncadd.s32 $0xFFFFC180  }
0x165: {  	[spmem:s3] =	stream.indirect.scatter.add.f32 [tilespmem:s15], [sflag:$0x3], $0x80, s9, s13, $0xb8;
	[tilespmem:$0x1C880] =	vst v63  }
0x166: {  	_ =	swait.ge [sflag:s17], $0x3E80  }
0x167: {  	[sflag:s17] =	ssyncset.done $0x0  }
0x168: {  	[sflag:s17] =	ssyncadd.s32 $0xFFFFC180  }
0x169: {  	_ =	swait.ge [sflag:s18], $0x3E80  }
0x16a: {  	[sflag:s18] =	ssyncset.done $0x0  }
0x16b: {  	s7 =	rddreg [dreg:$0xc];
	[sflag:s18] =	ssyncadd.s32 $0xFFFFC180  }
0x16c: {  	[tilespmem:s14], [sflag:$0x1] =	stream.indirect.gather [hbm4b:s1+s13], $0x80, s7, s13, $0xb8;
	[tilespmem:$0x1C880] =	vst v63  }
0x16d: {  	s8 =	rddreg [dreg:$0xd]  }
0x16e: {  	[tilespmem:s15], [sflag:$0x1] =	stream.indirect.gather [hbm4b:s1+s13], $0x80, s8, s13, $0xb8;
	[tilespmem:$0x1C880] =	vst v63  }
0x16f: {  	_ =	swait.ge [sflag:s16], $0x3E80  }
0x170: {  	[sflag:s16] =	ssyncset.done $0x0  }
0x171: {  	s9 =	rddreg [dreg:$0xe];
	[sflag:s16] =	ssyncadd.s32 $0xFFFFC180  }
0x172: {  	[spmem:s3] =	stream.indirect.scatter.add.f32 [tilespmem:s14], [sflag:$0x2], $0x80, s9, s13, $0xb8;
	[tilespmem:$0x1C880] =	vst v63  }
0x173: {  	_ =	swait.ge [sflag:s16], $0x3E80  }
0x174: {  	[sflag:s16] =	ssyncset.done $0x0  }
0x175: {  	s7 =	rddreg [dreg:$0xf];
	[sflag:s16] =	ssyncadd.s32 $0xFFFFC180  }
0x176: {  	[spmem:s3] =	stream.indirect.scatter.add.f32 [tilespmem:s15], [sflag:$0x3], $0x80, s7, s13, $0xb8;
	[tilespmem:$0x1C880] =	vst v63  }
0x177: {  	_ =	swait.ge [sflag:s17], $0x3E80  }
0x178: {  	[sflag:s17] =	ssyncset.done $0x0  }
0x179: {  	s8 =	rddreg [dreg:$0x10];
	[sflag:s17] =	ssyncadd.s32 $0xFFFFC180  }
0x17a: {  	[tilespmem:s14], [sflag:$0x1] =	stream.indirect.gather [hbm4b:s1+s13], $0x80, s8, s13, $0xb8;
	[tilespmem:$0x1C880] =	vst v63  }
0x17b: {  	_ =	swait.ge [sflag:s18], $0x3E80  }
0x17c: {  	[sflag:s18] =	ssyncset.done $0x0  }
0x17d: {  	s9 =	rddreg [dreg:$0x11];
	[sflag:s18] =	ssyncadd.s32 $0xFFFFC180  }
0x17e: {  	[tilespmem:s15], [sflag:$0x1] =	stream.indirect.gather [hbm4b:s1+s13], $0x80, s9, s13, $0xb8;
	[tilespmem:$0x1C880] =	vst v63  }
0x17f: {  	_ =	swait.ge [sflag:s16], $0x3E80  }
0x180: {  	[sflag:s16] =	ssyncset.done $0x0  }
0x181: {  	s7 =	rddreg [dreg:$0x12];
	[sflag:s16] =	ssyncadd.s32 $0xFFFFC180  }
0x182: {  	[spmem:s3] =	stream.indirect.scatter.add.f32 [tilespmem:s14], [sflag:$0x2], $0x80, s7, s13, $0xb8;
	[tilespmem:$0x1C880] =	vst v63  }
0x183: {  	_ =	swait.ge [sflag:s16], $0x3E80  }
0x184: {  	[sflag:s16] =	ssyncset.done $0x0  }
0x185: {  	s8 =	rddreg [dreg:$0x13];
	[sflag:s16] =	ssyncadd.s32 $0xFFFFC180  }
0x186: {  	[spmem:s3] =	stream.indirect.scatter.add.f32 [tilespmem:s15], [sflag:$0x3], $0x80, s8, s13, $0xb8;
	[tilespmem:$0x1C880] =	vst v63  }
0x187: {  	_ =	swait.ge [sflag:s17], $0x3E80  }
0x188: {  	[sflag:s17] =	ssyncset.done $0x0  }
0x189: {  	[sflag:s17] =	ssyncadd.s32 $0xFFFFC180  }
0x18a: {  	_ =	swait.ge [sflag:s18], $0x3E80  }
0x18b: {  	[sflag:s18] =	ssyncset.done $0x0  }
0x18c: {  	s9 =	rddreg [dreg:$0x14];
	[sflag:s18] =	ssyncadd.s32 $0xFFFFC180  }
0x18d: {  	[tilespmem:s14], [sflag:$0x1] =	stream.indirect.gather [hbm4b:s1+s13], $0x80, s9, s13, $0xb8;
	[tilespmem:$0x1C880] =	vst v63  }
0x18e: {  	_ = 	snop  }
0x18f: {  	[tilespmem:s15], [sflag:$0x1] =	stream.indirect.gather [hbm4b:s1+s13], $0x80, s19, s13, $0xb8;
	[tilespmem:$0x1C880] =	vst v63  }
0x190: {  	_ =	swait.ge [sflag:s16], $0x3E80  }
0x191: {  	[sflag:s16] =	ssyncset.done $0x0  }
0x192: {  	[sflag:s16] =	ssyncadd.s32 $0xFFFFC180  }
0x193: {  	[spmem:s3] =	stream.indirect.scatter.add.f32 [tilespmem:s14], [sflag:$0x2], $0x80, s20, s13, $0xb8;
	[tilespmem:$0x1C880] =	vst v63  }
0x194: {  	_ =	swait.ge [sflag:s16], $0x3E80  }
0x195: {  	[sflag:s16] =	ssyncset.done $0x0  }
0x196: {  	[sflag:s16] =	ssyncadd.s32 $0xFFFFC180  }
0x197: {  	[spmem:s3] =	stream.indirect.scatter.add.f32 [tilespmem:s15], [sflag:$0x3], $0x80, s21, s13, $0xb8;
	[tilespmem:$0x1C880] =	vst v63  }
0x198: {  	_ =	swait.ge [sflag:s17], $0x3E80  }
0x199: {  	[sflag:s17] =	ssyncset.done $0x0  }
0x19a: {  	[sflag:s17] =	ssyncadd.s32 $0xFFFFC180  }
0x19b: {  	[tilespmem:s14], [sflag:$0x1] =	stream.indirect.gather [hbm4b:s1+s13], $0x80, s22, s13, $0xb8;
	[tilespmem:$0x1C880] =	vst v63  }
0x19c: {  	_ =	swait.ge [sflag:s18], $0x3E80  }
0x19d: {  	[sflag:s18] =	ssyncset.done $0x0  }
0x19e: {  	[sflag:s18] =	ssyncadd.s32 $0xFFFFC180  }
0x19f: {  	[tilespmem:s15], [sflag:$0x1] =	stream.indirect.gather [hbm4b:s1+s13], $0x80, s23, s13, $0xb8;
	[tilespmem:$0x1C880] =	vst v63  }
0x1a0: {  	_ =	swait.ge [sflag:s16], $0x3E80  }
0x1a1: {  	[sflag:s16] =	ssyncset.done $0x0  }
0x1a2: {  	[sflag:s16] =	ssyncadd.s32 $0xFFFFC180  }
0x1a3: {  	[spmem:s3] =	stream.indirect.scatter.add.f32 [tilespmem:s14], [sflag:$0x2], $0x80, s24, s13, $0xb8;
	[tilespmem:$0x1C880] =	vst v63  }
0x1a4: {  	_ =	swait.ge [sflag:s16], $0x3E80  }
0x1a5: {  	[sflag:s16] =	ssyncset.done $0x0  }
0x1a6: {  	[sflag:s16] =	ssyncadd.s32 $0xFFFFC180  }
0x1a7: {  	[spmem:s3] =	stream.indirect.scatter.add.f32 [tilespmem:s15], [sflag:$0x3], $0x80, s25, s13, $0xb8;
	[tilespmem:$0x1C880] =	vst v63  }
0x1a8: {  	_ =	swait.ge [sflag:s17], $0x3E80  }
0x1a9: {  	[sflag:s17] =	ssyncset.done $0x0  }
0x1aa: {  	[sflag:s17] =	ssyncadd.s32 $0xFFFFC180  }
0x1ab: {  	_ =	swait.ge [sflag:s18], $0x3E80  }
0x1ac: {  	[sflag:s18] =	ssyncset.done $0x0  }
0x1ad: {  	[sflag:s18] =	ssyncadd.s32 $0xFFFFC180  }
0x1ae: {  	[tilespmem:s14], [sflag:$0x1] =	stream.indirect.gather [hbm4b:s1+s13], $0x80, s26, s13, $0xb8;
	[tilespmem:$0x1C880] =	vst v63  }
0x1af: {  	_ = 	snop  }
0x1b0: {  	[tilespmem:s15], [sflag:$0x1] =	stream.indirect.gather [hbm4b:s1+s13], $0x80, s28, s13, $0xb8;
	[tilespmem:$0x1C880] =	vst v63  }
0x1b1: {  	_ =	swait.ge [sflag:s16], $0x3E80  }
0x1b2: {  	[sflag:s16] =	ssyncset.done $0x0  }
0x1b3: {  	[sflag:s16] =	ssyncadd.s32 $0xFFFFC180  }
0x1b4: {  	[spmem:s3] =	stream.indirect.scatter.add.f32 [tilespmem:s14], [sflag:$0x2], $0x80, s29, s13, $0xb8;
	[tilespmem:$0x1C880] =	vst v63  }
0x1b5: {  	_ =	swait.ge [sflag:s16], $0x3E80  }
0x1b6: {  	[sflag:s16] =	ssyncset.done $0x0  }
0x1b7: {  	[sflag:s16] =	ssyncadd.s32 $0xFFFFC180  }
0x1b8: {  	[spmem:s3] =	stream.indirect.scatter.add.f32 [tilespmem:s15], [sflag:$0x3], $0x80, s30, s13, $0xb8;
	[tilespmem:$0x1C880] =	vst v63  }
0x1b9: {  	_ =	swait.ge [sflag:s17], $0x3E80  }
0x1ba: {  	[sflag:s17] =	ssyncset.done $0x0  }
0x1bb: {  	[sflag:s17] =	ssyncadd.s32 $0xFFFFC180  }
0x1bc: {  	[tilespmem:s14], [sflag:$0x1] =	stream.indirect.gather [hbm4b:s1+s13], $0x80, s31, s13, $0xb8;
	[tilespmem:$0x1C880] =	vst v63  }
0x1bd: {  	_ =	swait.ge [sflag:s18], $0x3E80  }
0x1be: {  	[sflag:s18] =	ssyncset.done $0x0  }
0x1bf: {  	[sflag:s18] =	ssyncadd.s32 $0xFFFFC180  }
0x1c0: {  	[tilespmem:s15], [sflag:$0x1] =	stream.indirect.gather [hbm4b:s1+s13], $0x80, s2, s13, $0xb8;
	[tilespmem:$0x1C880] =	vst v63  }
0x1c1: {  	_ =	swait.ge [sflag:s16], $0x3E80  }
0x1c2: {  	[sflag:s16] =	ssyncset.done $0x0  }
0x1c3: {  	[sflag:s16] =	ssyncadd.s32 $0xFFFFC180  }
0x1c4: {  	[spmem:s3] =	stream.indirect.scatter.add.f32 [tilespmem:s14], [sflag:$0x2], $0x80, s0, s13, $0xb8;
	[tilespmem:$0x1C880] =	vst v63  }
0x1c5: {  	_ =	swait.ge [sflag:s16], $0x3E80  }
0x1c6: {  	[sflag:s16] =	ssyncset.done $0x0  }
0x1c7: {  	[sflag:s16] =	ssyncadd.s32 $0xFFFFC180  }
0x1c8: {  	[spmem:s3] =	stream.indirect.scatter.add.f32 [tilespmem:s15], [sflag:$0x3], $0x80, s5, s13, $0xb8;
	[tilespmem:$0x1C880] =	vst v63  }
0x1c9: {  	_ =	swait.ge [sflag:s17], $0x3E80  }
0x1ca: {  	[sflag:s17] =	ssyncset.done $0x0  }
0x1cb: {  	[sflag:s17] =	ssyncadd.s32 $0xFFFFC180  }
0x1cc: {  	_ =	swait.ge [sflag:s18], $0x3E80  }
0x1cd: {  	[sflag:s18] =	ssyncset.done $0x0  }
0x1ce: {  	[sflag:s18] =	ssyncadd.s32 $0xFFFFC180  }
0x1cf: {  	[bflag:$0x0] =	sbarrier.arrive $0xFFFF  }
0x1d0: {  	s6 =	rddreg [dreg:$0x16]  }
0x1d1: {  	s8 =	rddreg [dreg:$0x18]  }
0x1d2: {  	s7 =	simm.s32 @!p0 $0x4;
	s9 =	rddreg [dreg:$0x19]  }
0x1d3: {  	[hbm:s6], [sflag:s8] =	dma.local @!p0 [spmem:s9], $0x3E80  }
0x1d4: {  	_ =	swait.ge @!p0 [sflag:s7], $0x3E80  }
0x1d5: {  	s6 =	rddreg [dreg:$0x1a]  }
0x1d6: {  	[sflag:s7] =	ssyncset.done @!p0 $0x0;
	s7 =	rddreg [dreg:$0x17];
	s6 =	sadd.s32 $0x1, s6  }
0x1d7: {  	p1 =	sne.s32 s6, s7  }
.Ltmp1:
0x1d8: {  	_ = 	snop;
	(pc) =	sbr.rel @p1 .LBB2_1-.Ltmp1, $3  }
0x1d9: {  	_ =	sdelay $0x1  }
0x1da: {  	[dreg:$0x1a] =	wrdreg s6;
	s6 =	simm.s32 @!p0 $0x4  }
0x1db: {  	[sflag:s6] =	ssyncadd.s32 @!p0 $0xFFFFC180  }
0x1dc: {  	_ =	sfence.sel $0x180000  }
0x1dd: {  	[bflag:$0x0] =	sbarrier.arrive $0xFFFF  }
0x1de: {  	_ =	strace $0x9000004D  }
0x1df: {  	s0 =	stileid.u32;
	[bflag:$0x2] =	sbarrier.arrive $0xFFFF  }
0x1e0: {  	p0 =	sne.s32 s0, $0x0;
	s0 =	rddreg [dreg:$0x3]  }
0x1e1: {  	s0 =	sadd.s32 @!p0 $0x100000, s0  }
0x1e2: {  	[sflag:s0] =	ssyncadd.tile.s32 @!p0 $0x1;
	_ =	shalt  }
.Lfunc_end2:
_tile_overlayer_lowered:
.L_overlay_start_2:
0x1e3: {  	(tag) =	ssettag $0x2  }
0x1e4: {  	s0 =	rddreg [dreg:$0x0];
	s2 =	stileid.u32  }
0x1e5: {  	s1 =	rddreg [dreg:$0x1];
	p0 =	sne.s32 s2, $0x0  }
0x1e6: {  	s3 =	rddreg [dreg:$0x2];
	[bflag:$0x3] =	sbarrier.arrive $0xFFFF;
	s2 =	simm.s32 @!p0 $0x1C04  }
0x1e7: {  	[timem:s3], [sflag:s2] =	dma.local @!p0 [hbm:s0], s1  }
0x1e8: {  	s0 =	simm.s32 @!p0 $0x4  }
0x1e9: {  	_ =	swait.ge @!p0 [sflag:s0], s1  }
0x1ea: {  	s1 =	ssub.s32 @!p0 $0x0, s1;
	[sflag:s0] =	ssyncset.done @!p0 $0x0  }
0x1eb: {  	[sflag:s0] =	ssyncadd.s32 @!p0 s1  }
0x1ec: {  	[bflag:$0x3] =	sbarrier.arrive $0xFFFF  }
0x1ed: {  	_ =	shalt  }

// kernel: kernel.19.cloned.1.call-start
scs
__scs_entry_jumppad:
0x0: {  	(pc) =	sbr.rel $0x88, $3  }
0x1: {  	(tag) =	ssettag $0x0;
	lr =	simm.s32 $0x1  }
0x2: {  	[smem:$0x3F89] =	sst lr;
	_ =	strace $0xD0000000  }
0x3: {  	_ = 	snop  }
0x4: {  	_ = 	snop  }
0x5: {  	_ = 	snop  }
0x6: {  	_ = 	snop  }
0x7: {  	_ = 	snop  }
__scs_overlays_trampoline_lowered:
0x8: {  	[smem:$0x3F98] =	sst s0  }
0x9: {  	[smem:$0x3F99] =	sst s1  }
0xa: {  	[smem:$0x3F9A] =	sst s2  }
0xb: {  	[smem:$0x3F9B] =	sst s3  }
0xc: {  	[smem:$0x3F9C] =	sst s4  }
0xd: {  	[smem:$0x3F9D] =	sst s5  }
0xe: {  	[smem:$0x3F9E] =	sst s6  }
0xf: {  	[smem:$0x3F9F] =	sst s7  }
0x10: {  	[smem:$0x3FA0] =	sst s8  }
0x11: {  	[smem:$0x3FA1] =	sst s9;
	s0 =	simm.s32 @!p0 $0x0  }
0x12: {  	s1 =	sld [smem:$0x3F87];
	s0 =	simm.s32 @p0 $0x1  }
0x13: {  	[smem:$0x3FA2] =	sst s0;
	s0 =	simm.s32 @!p1 $0x0  }
0x14: {  	s2 =	sld [smem:$0x3F86];
	s0 =	simm.s32 @p1 $0x1  }
0x15: {  	[smem:$0x3FA3] =	sst s0;
	s0 =	simm.s32 @!p2 $0x0  }
0x16: {  	s3 =	sld [smem:$0x3FDB];
	s0 =	simm.s32 @p2 $0x1  }
0x17: {  	s4 =	simm.s32 $0x1BF5;
	[smem:$0x3FA5] =	sst s0  }
0x18: {  	s0 =	sld [smem:$0x3F88];
	_ =	swait.ge [sflag:s4], $0x0  }
0x19: {  	s7 =	sld [smem:$0x3F89]  }
0x1a: {  	s8 =	sadd.s32 $0xFFFFE003, lr  }
0x1b: {  	s9 =	sadd.s32 $0xFFFFFEF7, lr;
	s5 =	simm.s32 $0xFFFFFFFF;
	p2 =	slt.u32 s8, $0xFFFFF086  }
0x1c: {  	p1 =	slt.u32 s9, $0xF7A;
	s5 =	simm.s32 @!p2 $0x0  }
0x1d: {  	s5 =	simm.s32 @p1 $0x1;
	p0 =	seq.s32 s7, s2  }
0x1e: {  	s7 =	smul.u32 @!p0 $0xF7A, s2;
	p2 =	seq.s32 @!p0 s5, $0x0  }
0x1f: {  	s9 =	smul.u32 $0xF7A, s1;
	s8 =	simm.s32 @!p0 $0x1BF5;
	p2 =	por !p2, p0  }
0x20: {  	[sflag:s8] =	ssyncset.s32 @!p0 $0xFFFFF086;
	s6 =	sadd.s32 @!p0 s3, s7;
	s7 =	simm.s32 @!p0 $0x108  }
0x21: {  	s3 =	sadd.s32 s3, s9;
	s6 =	sadd.s32 @!p0 $0x88, s6;
	s7 =	simm.s32 @p2 $0x1082  }
0x22: {  	[simem:s7], [sflag:s8] =	dma.local @!p0 [hbm:s6], $0xF7A  }
0x23: {  	s9 =	sor.u32 $0xD0000000, s2;
	s6 =	simm.s32 $0x108;
	_ =	swait.ge @!p0 [sflag:s8], $0x0  }
0x24: {  	s3 =	sadd.s32 $0x88, s3;
	s6 =	simm.s32 @!p1 $0x1082;
	[sflag:s4] =	ssyncset.s32 $0xFFFFF086  }
0x25: {  	[simem:s6], [sflag:s4] =	dma.local [hbm:s3], $0xF7A  }
0x26: {  	[smem:$0x3F89] =	sst s1;
	(tag) =	ssettag s2;
	_ =	strace s9  }
0x27: {  	s1 =	sld [smem:$0x3F99]  }
0x28: {  	s2 =	sld [smem:$0x3F9A]  }
0x29: {  	s4 =	sld [smem:$0x3F9C]  }
0x2a: {  	p0 =	seq.s32 s5, $0x0;
	s5 =	sld [smem:$0x3F9D]  }
0x2b: {  	s6 =	sld [smem:$0x3F9E]  }
0x2c: {  	s7 =	sld [smem:$0x3F9F]  }
0x2d: {  	s3 =	simm.s32 $0x108;
	s8 =	sld [smem:$0x3FA0]  }
0x2e: {  	s3 =	simm.s32 @!p0 $0x1082;
	s9 =	sld [smem:$0x3FA1]  }
0x2f: {  	lr =	sadd.s32 s0, s3;
	s0 =	sld [smem:$0x3F98]  }
0x30: {  	s3 =	sld [smem:$0x3F9B]  }
0x31: {  	[smem:$0x3FA4] =	sst s10  }
0x32: {  	s10 =	sld [smem:$0x3FA2];
	_ =	sdelay $0x3  }
0x33: {  	p0 =	seq.s32 s10, $0x1;
	s10 =	sld [smem:$0x3FA4];
	_ =	sdelay $0x3  }
0x34: {  	[smem:$0x3FA4] =	sst s10  }
0x35: {  	s10 =	sld [smem:$0x3FA3];
	_ =	sdelay $0x3  }
0x36: {  	p1 =	seq.s32 s10, $0x1;
	s10 =	sld [smem:$0x3FA4];
	_ =	sdelay $0x3  }
0x37: {  	[smem:$0x3FA4] =	sst s10  }
0x38: {  	s10 =	sld [smem:$0x3FA5]  }
0x39: {  	_ = 	snop;
	(pc) =	sbr.ind lr, $3  }
0x3a: {  	_ = 	snop  }
0x3b: {  	_ = 	snop  }
0x3c: {  	p2 =	seq.s32 s10, $0x1;
	s10 =	sld [smem:$0x3FA4]  }
0x3d: {  	_ =	shalt  }
0x3e: {  	_ =	shalt  }
0x3f: {  	_ =	shalt  }
0x40: {  	_ =	shalt  }
0x41: {  	_ =	shalt  }
0x42: {  	_ =	shalt  }
0x43: {  	_ =	shalt  }
0x44: {  	_ =	shalt  }
0x45: {  	_ =	shalt  }
0x46: {  	_ =	shalt  }
0x47: {  	_ =	shalt  }
0x48: {  	_ =	shalt  }
0x49: {  	_ =	shalt  }
0x4a: {  	_ =	shalt  }
0x4b: {  	_ =	shalt  }
0x4c: {  	_ =	shalt  }
0x4d: {  	_ =	shalt  }
0x4e: {  	_ =	shalt  }
0x4f: {  	_ =	shalt  }
0x50: {  	_ =	shalt  }
0x51: {  	_ =	shalt  }
0x52: {  	_ =	shalt  }
0x53: {  	_ =	shalt  }
0x54: {  	_ =	shalt  }
0x55: {  	_ =	shalt  }
0x56: {  	_ =	shalt  }
0x57: {  	_ =	shalt  }
0x58: {  	_ =	shalt  }
0x59: {  	_ =	shalt  }
0x5a: {  	_ =	shalt  }
0x5b: {  	_ =	shalt  }
0x5c: {  	_ =	shalt  }
0x5d: {  	_ =	shalt  }
0x5e: {  	_ =	shalt  }
0x5f: {  	_ =	shalt  }
0x60: {  	_ =	shalt  }
0x61: {  	_ =	shalt  }
0x62: {  	_ =	shalt  }
0x63: {  	_ =	shalt  }
0x64: {  	_ =	shalt  }
0x65: {  	_ =	shalt  }
0x66: {  	_ =	shalt  }
0x67: {  	_ =	shalt  }
0x68: {  	_ =	shalt  }
0x69: {  	_ =	shalt  }
0x6a: {  	_ =	shalt  }
0x6b: {  	_ =	shalt  }
0x6c: {  	_ =	shalt  }
0x6d: {  	_ =	shalt  }
0x6e: {  	_ =	shalt  }
0x6f: {  	_ =	shalt  }
0x70: {  	_ =	shalt  }
0x71: {  	_ =	shalt  }
0x72: {  	_ =	shalt  }
0x73: {  	_ =	shalt  }
0x74: {  	_ =	shalt  }
0x75: {  	_ =	shalt  }
0x76: {  	_ =	shalt  }
0x77: {  	_ =	shalt  }
0x78: {  	_ =	shalt  }
0x79: {  	_ =	shalt  }
0x7a: {  	_ =	shalt  }
0x7b: {  	_ =	shalt  }
0x7c: {  	_ =	shalt  }
0x7d: {  	_ =	shalt  }
0x7e: {  	_ =	shalt  }
0x7f: {  	_ =	shalt  }
0x80: {  	_ =	shalt  }
0x81: {  	_ =	shalt  }
0x82: {  	_ =	shalt  }
0x83: {  	_ =	shalt  }
0x84: {  	_ =	shalt  }
0x85: {  	_ =	shalt  }
0x86: {  	_ =	shalt  }
0x87: {  	_ =	shalt  }
.Lfunc_end0:
.L_simem_size_0:
called_computation.2_lowered:
.L_overlay_start_0:
0x88: {  	s2 =	sld [smem:$0x3FD9]  }
0x89: {  	s3 =	sld [smem:$0x3FFE];
	_ =	sdelay $0x1  }
0x8a: {  	s1 =	srdreg.scid  }
0x8b: {  	s0 =	sand.u32 $0x1, s1  }
0x8c: {  	s17 =	sshll.u32 s0, $0xA;
	s2 =	sadd.s32 s3, s2  }
0x8d: {  	s2 =	sadd.s32 s2, s17  }
0x8e: {  	[smem:$0x3FB0] =	sst s2  }
0x8f: {  	_ = 	snop  }
0x90: {  	(tm) =	ssettm $0x1  }
0x91: {  	s18 =	sld [smem:$0x3FFB];
	_ =	sdelay $0x3  }
0x92: {  	_ =	strace s18  }
0x93: {  	s2 =	sld [smem:$0x3FFC];
	_ =	sdelay $0x3  }
0x94: {  	_ =	strace s2  }
0x95: {  	s2 =	sld [smem:$0x3FFD];
	_ =	sdelay $0x3  }
0x96: {  	_ =	strace s2  }
0x97: {  	_ =	strace $0x8FFFFFFF  }
0x98: {  	s19 =	sld [smem:$0x3FDB];
	_ =	sdelay $0x1  }
0x99: {  	s20 =	simm.s32 $_scs_section_size  }
0x9a: {  	s4 =	simm.s32 $_size__tile_overlayer_lowered;
	s5 =	simm.s32 $_tile_overlayer_lowered  }
0x9b: {  	s6 =	simm.s32 $0x1BFF;
	s21 =	sshll.u32 s5, $0x1;
	s3 =	sadd.s32 s20, s19  }
0x9c: {  	s22 =	simm.s32 $0x0;
	s4 =	sshll.u32 s4, $0x1;
	s5 =	sadd.s32 s21, s3  }
0x9d: {  	[timem:s22], [sflag:s6] =	dma.local [hbm:s5], s4  }
0x9e: {  	_ =	swait.ge [sflag:s6], s4  }
0x9f: {  	s4 =	ssub.s32 $0x0, s4;
	[sflag:s6] =	ssyncset.done $0x0  }
0xa0: {  	[sflag:s6] =	ssyncadd.s32 s4;
	_ =	sdelay $0x1  }
0xa1: {  	s23 =	simm.s32 $0x1B8B  }
0xa2: {  	_ =	swait.ge [sflag:s23], $0x1  }
0xa3: {  	[sflag:s23] =	ssyncset.done $0x0  }
0xa4: {  	[sflag:s23] =	ssyncadd.s32 $0xFFFFFFFF  }
0xa5: {  	s4 =	sld [smem:$0x0]  }
0xa6: {  	s5 =	sand.u32 $0xFFFFFFFE, s1  }
0xa7: {  	p0 =	sne.s32 s1, s5  }
0xa8: {  	s5 =	sshll.u32 @p0 s5, $0xE  }
0xa9: {  	s5 =	sadd.s32 @p0 $0x11B8D, s5;
	s6 =	sshll.u32 @p0 s4, $0x11  }
0xaa: {  	s5 =	sor.u32 @p0 s6, s5  }
0xab: {  	[sflag:s5] =	ssyncadd.remote.s32 @p0 $0x1;
	_ =	sdelay $0x1  }
0xac: {  	s5 =	simm.s32 @p0 $0x1B8D  }
0xad: {  	_ =	swait.eq @p0 [sflag:s5], $0x1  }
0xae: {  	[sflag:s5] =	ssyncadd.s32 @p0 $0xFFFFFFFF  }
0xaf: {  	s6 =	sshll.u32 @!p0 s1, $0xE  }
0xb0: {  	s6 =	sor.u32 @!p0 $0x4000, s6;
	s5 =	simm.s32 @!p0 $0x1B8D  }
0xb1: {  	s4 =	sshll.u32 @!p0 s4, $0x11;
	s6 =	sadd.s32 @!p0 $0x11B8D, s6;
	_ =	swait.eq @!p0 [sflag:s5], $0x1  }
0xb2: {  	s4 =	sor.u32 @!p0 s4, s6;
	[sflag:s5] =	ssyncadd.s32 @!p0 $0xFFFFFFFF  }
0xb3: {  	s25 =	simm.s32 $0x1B8E;
	s24 =	sld [smem:$0x3FFE];
	[sflag:s4] =	ssyncadd.remote.s32 @!p0 $0x1  }
0xb4: {  	s26 =	simm.s32 $execute0_lowered;
	[smem:$0x3FD2] =	sst s25  }
0xb5: {  	s5 =	sshll.u32 s26, $0x1;
	_ =	strace $0x80000049;
	[dreg:$0x1] =	wrdreg $0xFFFFFFFF  }
0xb6: {  	s28 =	simm.s32 $_size_execute0_lowered;
	s3 =	sadd.s32 s3, s5;
	[dreg:$0x0] =	wrdreg $0x0  }
0xb7: {  	s5 =	sshll.u32 s28, $0x1;
	[dreg:$0x2] =	wrdreg s3  }
0xb8: {  	[dreg:$0x3] =	wrdreg s5  }
0xb9: {  	[dreg:$0x4] =	wrdreg $0xC0  }
0xba: {  	_ =	task [dreg:s22], $0x5FFFF  }
0xbb: {  	[dreg:$0x1] =	wrdreg $0xFFFFFFFF  }
0xbc: {  	[dreg:$0x0] =	wrdreg $0x60  }
0xbd: {  	[dreg:$0x2] =	wrdreg s24  }
0xbe: {  	[dreg:$0x3] =	wrdreg $0x0  }
0xbf: {  	[dreg:$0x4] =	wrdreg $0xB  }
0xc0: {  	_ =	task.clear_ibuf [dreg:s22], $0x5FFFF;
	_ =	strace $0x90000049  }
0xc1: {  	s29 =	simm.s32 $0xB;
	_ =	strace $0x8000004B  }
0xc2: {  	_ =	swait.ge [sflag:s29], $0x1  }
0xc3: {  	[sflag:s29] =	ssyncadd.s32 $0xFFFFFFFF  }
0xc4: {  	_ =	strace $0x9000004B  }
0xc5: {  	_ =	sfence  }
0xc6: {  	s30 =	sld [smem:$0x0];
	_ =	sdelay $0x2  }
0xc7: {  	s31 =	sshll.u32 s1, $0xD;
	s1 =	sshrl.u32 s1, $0x2  }
0xc8: {  	s4 =	sand.u32 $0x4000, s31;
	s1 =	sadd.s32 s1, s30  }
0xc9: {  	s0 =	sor.u32 s4, s0;
	s1 =	sshll.u32 s1, $0x11  }
0xca: {  	s0 =	sor.u32 s1, s0  }
0xcb: {  	s0 =	sadd.s32 $0x8F2B, s0  }
0xcc: {  	[sflag:s0] =	ssyncadd.remote.s32 $0x1  }
0xcd: {  	_ =	sfence.sel $0xFFFF  }
0xce: {  	[dreg:$0x0] =	wrdreg $0xFFFFFFFF;
	(pc) =	sbr.abs _section_cstart, $3  }
0xcf: {  	[dreg:$0x1] =	wrdreg $0xFFFFFFFF  }
0xd0: {  	_ =	task.clear_ibuf [dreg:s22], $0x2FFFF;
	_ =	strace $0x9FFFFFFF  }
0xd1: {  	(tm) =	ssettm $0x7FFFFFFF  }
tec
execute0_lowered:
.L_overlay_start_1:
0x0: {  	(tag) =	ssettag $0x1  }
0x1: {  	s0 =	srdreg.scid;
	s1 =	rddreg [dreg:$0x0]  }
0x2: {  	s10 =	stileid.u32;
	s2 =	rddreg [dreg:$0x1];
	s3 =	simm.s32 $0x0  }
0x3: {  	s15 =	simm.s32 $0x13900;
	[smem:$0x7FF] =	sst s3;
	s9 =	sadd.s32 $0xE400, s1  }
0x4: {  	s16 =	simm.s32 $0x14100;
	_ =	strace $0x8000004A;
	[dreg:$0x14] =	wrdreg s9  }
0x5: {  	s17 =	simm.s32 $0x13980;
	s18 =	simm.s32 $0x13A00;
	[dreg:$0x5] =	wrdreg s15  }
0x6: {  	s19 =	simm.s32 $0x14180;
	s20 =	simm.s32 $0x14200;
	[dreg:$0x6] =	wrdreg s16  }
0x7: {  	s21 =	simm.s32 $0x13A80;
	s22 =	simm.s32 $0x13B00;
	[dreg:$0x7] =	wrdreg s17  }
0x8: {  	s23 =	simm.s32 $0x14280;
	s24 =	simm.s32 $0x14300;
	[dreg:$0x8] =	wrdreg s18  }
0x9: {  	s25 =	simm.s32 $0x13B80;
	s26 =	simm.s32 $0x13C00;
	[dreg:$0x9] =	wrdreg s19  }
0xa: {  	s28 =	simm.s32 $0x13F00;
	s5 =	smul.u32 $0x2800, s10;
	[dreg:$0xa] =	wrdreg s20  }
0xb: {  	s29 =	simm.s32 $0x14680;
	s11 =	smul.u32 $0x500, s10;
	[dreg:$0xb] =	wrdreg s21  }
0xc: {  	s30 =	simm.s32 $0x14700;
	s8 =	smul.u32 $0x3E80, s10;
	[dreg:$0xc] =	wrdreg s22  }
0xd: {  	s0 =	sand.u32 $0x1, s0;
	s13 =	smul.u32 $0x7D000, s10;
	[dreg:$0xd] =	wrdreg s23  }
0xe: {  	s31 =	simm.s32 $0x13F80;
	s4 =	smul.u32 $0x28000, s0;
	[dreg:$0xe] =	wrdreg s24  }
0xf: {  	p0 =	sgt.u32 s10, $0x9;
	s7 =	smul.u32 $0x27100, s0;
	[dreg:$0xf] =	wrdreg s25  }
0x10: {  	s0 =	ssub.s32 $0x2, s0;
	s15 =	simm.s32 $0x18880;
	[dreg:$0x10] =	wrdreg s26  }
0x11: {  	s16 =	simm.s32 $0x1;
	s17 =	simm.s32 $0x2;
	s18 =	simm.s32 $0x3  }
0x12: {  	s19 =	simm.s32 $0x13D00;
	s20 =	simm.s32 $0x14480;
	s21 =	simm.s32 $0x14500  }
0x13: {  	s22 =	simm.s32 $0x13D80;
	s23 =	simm.s32 $0x13E00;
	s24 =	simm.s32 $0x14580  }
0x14: {  	s25 =	simm.s32 $0x14600;
	s26 =	simm.s32 $0x13E80;
	s12 =	sshrl.u32 s0, $0x1  }
0x15: {  	s4 =	sadd.s32 s4, s5;
	s5 =	sadd.s32 s11, s1;
	s7 =	sadd.s32 s8, s7  }
0x16: {  	s0 =	ssub.s32 s0, s12;
	s6 =	sshrl.u32 s4, $0x3;
	s5 =	sadd.s32 $0x60E00, s5  }
0x17: {  	s4 =	sadd.s32 $0x65E00, s1;
	s0 =	smax.u32 s0, $0x1;
	[dreg:$0x4] =	wrdreg s5  }
0x18: {  	s6 =	sadd.s32 s6, s1;
	[dreg:$0x16] =	wrdreg s0;
	s5 =	simm.s32 $0x14400  }
0x19: {  	s1 =	sadd.s32 s7, s1;
	s7 =	simm.s32 $0x0;
	[dreg:$0x12] =	wrdreg s5  }
0x1a: {  	s14 =	sshrl.u32 s13, $0x2;
	s6 =	sadd.s32 $0xB4000, s6;
	[dreg:$0x19] =	wrdreg s7  }
0x1b: {  	s13 =	simm.s32 $0x7D;
	s1 =	sadd.s32 $0xBE000, s1;
	[dreg:$0x3] =	wrdreg s6  }
0x1c: {  	s11 =	simm.s32 $0x4;
	[dreg:$0x15] =	wrdreg s1;
	s1 =	sshll.u32 @!p0 s10, $0x6  }
0x1d: {  	s6 =	sadd.s32 s14, s2;
	s8 =	sor.u32 @!p0 $0x1C04, s1;
	s1 =	simm.s32 $0x14380  }
0x1e: {  	s9 =	sshrl.u32 @!p0 s6, $0x3;
	s6 =	simm.s32 $0x13C80;
	[dreg:$0x11] =	wrdreg s1  }
0x1f: {  	s12 =	simm.s32 $0x14080;
	s0 =	simm.s32 $0x14780;
	[dreg:$0x13] =	wrdreg s6  }
0x20: {  	s5 =	simm.s32 $0x14800;
	s10 =	simm.s32 $0x13880;
	[dreg:$0x17] =	wrdreg s8  }
0x21: {  	s14 =	simm.s32 $0x14880;
	s1 =	simm.s32 $0x14000;
	[dreg:$0x18] =	wrdreg s9  }
.LBB2_1:
0x22: {  	s6 =	rddreg [dreg:$0x14];
	s7 =	simm.s32 @!p0 $0x4  }
0x23: {  	[spmem:s9], [sflag:s8] =	dma.local @!p0 [hbm:s6], $0x3E80  }
0x24: {  	_ =	swait.ge @!p0 [sflag:s7], $0x3E80  }
0x25: {  	[sflag:s7] =	ssyncset.done @!p0 $0x0  }
0x26: {  	[sflag:s7] =	ssyncadd.s32 @!p0 $0xFFFFC180  }
0x27: {  	[bflag:$0x0] =	sbarrier.arrive $0xFFFF  }
0x28: {  	s6 =	rddreg [dreg:$0x3]  }
0x29: {  	s7 =	sadd.s32 $0x0, s6  }
0x2a: {  	[tilespmem:s10], [sflag:$0x4] =	stream.linear.gather [hbm4b:s7+s3], $0x800, $0x38;
	[tilespmem:$0x1C880] =	vst v63  }
0x2b: {  	_ =	swait.ge [sflag:s11], $0x800  }
0x2c: {  	s8 =	rddreg [dreg:$0x4];
	[sflag:s11] =	ssyncset.done $0x0  }
0x2d: {  	[sflag:s11] =	ssyncadd.s32 $0xFFFFF800;
	s7 =	sadd.s32 $0x0, s8  }
0x2e: {  	[tilespmem:s12], [sflag:$0x4] =	stream.linear.gather [hbm4b:s7+s3], $0x800, $0x38;
	[tilespmem:$0x1C880] =	vst v63  }
0x2f: {  	_ =	swait.ge [sflag:s11], $0x800  }
0x30: {  	[sflag:s11] =	ssyncset.done $0x0  }
0x31: {  	[sflag:s11] =	ssyncadd.s32 $0xFFFFF800  }
0x32: {  	[tilespmem:s14], [sflag:$0x1] =	stream.indirect.gather [hbm4b:s4+s13], $0x80, s10, s13, $0xb8;
	[tilespmem:$0x1C880] =	vst v63  }
0x33: {  	s9 =	rddreg [dreg:$0x5]  }
0x34: {  	[tilespmem:s15], [sflag:$0x1] =	stream.indirect.gather [hbm4b:s4+s13], $0x80, s9, s13, $0xb8;
	[tilespmem:$0x1C880] =	vst v63  }
0x35: {  	_ =	swait.ge [sflag:s16], $0x3E80  }
0x36: {  	[sflag:s16] =	ssyncset.done $0x0  }
0x37: {  	[sflag:s16] =	ssyncadd.s32 $0xFFFFC180  }
0x38: {  	[spmem:s2] =	stream.indirect.scatter.add.f32 [tilespmem:s14], [sflag:$0x2], $0x80, s12, s13, $0xb8;
	[tilespmem:$0x1C880] =	vst v63  }
0x39: {  	_ =	swait.ge [sflag:s16], $0x3E80  }
0x3a: {  	[sflag:s16] =	ssyncset.done $0x0  }
0x3b: {  	s6 =	rddreg [dreg:$0x6];
	[sflag:s16] =	ssyncadd.s32 $0xFFFFC180  }
0x3c: {  	[spmem:s2] =	stream.indirect.scatter.add.f32 [tilespmem:s15], [sflag:$0x3], $0x80, s6, s13, $0xb8;
	[tilespmem:$0x1C880] =	vst v63  }
0x3d: {  	_ =	swait.ge [sflag:s17], $0x3E80  }
0x3e: {  	[sflag:s17] =	ssyncset.done $0x0  }
0x3f: {  	s8 =	rddreg [dreg:$0x7];
	[sflag:s17] =	ssyncadd.s32 $0xFFFFC180  }
0x40: {  	[tilespmem:s14], [sflag:$0x1] =	stream.indirect.gather [hbm4b:s4+s13], $0x80, s8, s13, $0xb8;
	[tilespmem:$0x1C880] =	vst v63  }
0x41: {  	_ =	swait.ge [sflag:s18], $0x3E80  }
0x42: {  	[sflag:s18] =	ssyncset.done $0x0  }
0x43: {  	s9 =	rddreg [dreg:$0x8];
	[sflag:s18] =	ssyncadd.s32 $0xFFFFC180  }
0x44: {  	[tilespmem:s15], [sflag:$0x1] =	stream.indirect.gather [hbm4b:s4+s13], $0x80, s9, s13, $0xb8;
	[tilespmem:$0x1C880] =	vst v63  }
0x45: {  	_ =	swait.ge [sflag:s16], $0x3E80  }
0x46: {  	[sflag:s16] =	ssyncset.done $0x0  }
0x47: {  	s6 =	rddreg [dreg:$0x9];
	[sflag:s16] =	ssyncadd.s32 $0xFFFFC180  }
0x48: {  	[spmem:s2] =	stream.indirect.scatter.add.f32 [tilespmem:s14], [sflag:$0x2], $0x80, s6, s13, $0xb8;
	[tilespmem:$0x1C880] =	vst v63  }
0x49: {  	_ =	swait.ge [sflag:s16], $0x3E80  }
0x4a: {  	[sflag:s16] =	ssyncset.done $0x0  }
0x4b: {  	s8 =	rddreg [dreg:$0xa];
	[sflag:s16] =	ssyncadd.s32 $0xFFFFC180  }
0x4c: {  	[spmem:s2] =	stream.indirect.scatter.add.f32 [tilespmem:s15], [sflag:$0x3], $0x80, s8, s13, $0xb8;
	[tilespmem:$0x1C880] =	vst v63  }
0x4d: {  	_ =	swait.ge [sflag:s17], $0x3E80  }
0x4e: {  	[sflag:s17] =	ssyncset.done $0x0  }
0x4f: {  	[sflag:s17] =	ssyncadd.s32 $0xFFFFC180  }
0x50: {  	_ =	swait.ge [sflag:s18], $0x3E80  }
0x51: {  	[sflag:s18] =	ssyncset.done $0x0  }
0x52: {  	s9 =	rddreg [dreg:$0xb];
	[sflag:s18] =	ssyncadd.s32 $0xFFFFC180  }
0x53: {  	[tilespmem:s14], [sflag:$0x1] =	stream.indirect.gather [hbm4b:s4+s13], $0x80, s9, s13, $0xb8;
	[tilespmem:$0x1C880] =	vst v63  }
0x54: {  	s6 =	rddreg [dreg:$0xc]  }
0x55: {  	[tilespmem:s15], [sflag:$0x1] =	stream.indirect.gather [hbm4b:s4+s13], $0x80, s6, s13, $0xb8;
	[tilespmem:$0x1C880] =	vst v63  }
0x56: {  	_ =	swait.ge [sflag:s16], $0x3E80  }
0x57: {  	[sflag:s16] =	ssyncset.done $0x0  }
0x58: {  	s9 =	rddreg [dreg:$0xd];
	[sflag:s16] =	ssyncadd.s32 $0xFFFFC180  }
0x59: {  	[spmem:s2] =	stream.indirect.scatter.add.f32 [tilespmem:s14], [sflag:$0x2], $0x80, s9, s13, $0xb8;
	[tilespmem:$0x1C880] =	vst v63  }
0x5a: {  	_ =	swait.ge [sflag:s16], $0x3E80  }
0x5b: {  	[sflag:s16] =	ssyncset.done $0x0  }
0x5c: {  	s6 =	rddreg [dreg:$0xe];
	[sflag:s16] =	ssyncadd.s32 $0xFFFFC180  }
0x5d: {  	[spmem:s2] =	stream.indirect.scatter.add.f32 [tilespmem:s15], [sflag:$0x3], $0x80, s6, s13, $0xb8;
	[tilespmem:$0x1C880] =	vst v63  }
0x5e: {  	_ =	swait.ge [sflag:s17], $0x3E80  }
0x5f: {  	[sflag:s17] =	ssyncset.done $0x0  }
0x60: {  	s8 =	rddreg [dreg:$0xf];
	[sflag:s17] =	ssyncadd.s32 $0xFFFFC180  }
0x61: {  	[tilespmem:s14], [sflag:$0x1] =	stream.indirect.gather [hbm4b:s4+s13], $0x80, s8, s13, $0xb8;
	[tilespmem:$0x1C880] =	vst v63  }
0x62: {  	_ =	swait.ge [sflag:s18], $0x3E80  }
0x63: {  	[sflag:s18] =	ssyncset.done $0x0  }
0x64: {  	s9 =	rddreg [dreg:$0x10];
	[sflag:s18] =	ssyncadd.s32 $0xFFFFC180  }
0x65: {  	[tilespmem:s15], [sflag:$0x1] =	stream.indirect.gather [hbm4b:s4+s13], $0x80, s9, s13, $0xb8;
	[tilespmem:$0x1C880] =	vst v63  }
0x66: {  	_ =	swait.ge [sflag:s16], $0x3E80  }
0x67: {  	[sflag:s16] =	ssyncset.done $0x0  }
0x68: {  	s6 =	rddreg [dreg:$0x11];
	[sflag:s16] =	ssyncadd.s32 $0xFFFFC180  }
0x69: {  	[spmem:s2] =	stream.indirect.scatter.add.f32 [tilespmem:s14], [sflag:$0x2], $0x80, s6, s13, $0xb8;
	[tilespmem:$0x1C880] =	vst v63  }
0x6a: {  	_ =	swait.ge [sflag:s16], $0x3E80  }
0x6b: {  	[sflag:s16] =	ssyncset.done $0x0  }
0x6c: {  	s8 =	rddreg [dreg:$0x12];
	[sflag:s16] =	ssyncadd.s32 $0xFFFFC180  }
0x6d: {  	[spmem:s2] =	stream.indirect.scatter.add.f32 [tilespmem:s15], [sflag:$0x3], $0x80, s8, s13, $0xb8;
	[tilespmem:$0x1C880] =	vst v63  }
0x6e: {  	_ =	swait.ge [sflag:s17], $0x3E80  }
0x6f: {  	[sflag:s17] =	ssyncset.done $0x0  }
0x70: {  	[sflag:s17] =	ssyncadd.s32 $0xFFFFC180  }
0x71: {  	_ =	swait.ge [sflag:s18], $0x3E80  }
0x72: {  	[sflag:s18] =	ssyncset.done $0x0  }
0x73: {  	s9 =	rddreg [dreg:$0x13];
	[sflag:s18] =	ssyncadd.s32 $0xFFFFC180  }
0x74: {  	[tilespmem:s14], [sflag:$0x1] =	stream.indirect.gather [hbm4b:s4+s13], $0x80, s9, s13, $0xb8;
	[tilespmem:$0x1C880] =	vst v63  }
0x75: {  	_ = 	snop  }
0x76: {  	[tilespmem:s15], [sflag:$0x1] =	stream.indirect.gather [hbm4b:s4+s13], $0x80, s19, s13, $0xb8;
	[tilespmem:$0x1C880] =	vst v63  }
0x77: {  	_ =	swait.ge [sflag:s16], $0x3E80  }
0x78: {  	[sflag:s16] =	ssyncset.done $0x0  }
0x79: {  	[sflag:s16] =	ssyncadd.s32 $0xFFFFC180  }
0x7a: {  	[spmem:s2] =	stream.indirect.scatter.add.f32 [tilespmem:s14], [sflag:$0x2], $0x80, s20, s13, $0xb8;
	[tilespmem:$0x1C880] =	vst v63  }
0x7b: {  	_ =	swait.ge [sflag:s16], $0x3E80  }
0x7c: {  	[sflag:s16] =	ssyncset.done $0x0  }
0x7d: {  	[sflag:s16] =	ssyncadd.s32 $0xFFFFC180  }
0x7e: {  	[spmem:s2] =	stream.indirect.scatter.add.f32 [tilespmem:s15], [sflag:$0x3], $0x80, s21, s13, $0xb8;
	[tilespmem:$0x1C880] =	vst v63  }
0x7f: {  	_ =	swait.ge [sflag:s17], $0x3E80  }
0x80: {  	[sflag:s17] =	ssyncset.done $0x0  }
0x81: {  	[sflag:s17] =	ssyncadd.s32 $0xFFFFC180  }
0x82: {  	[tilespmem:s14], [sflag:$0x1] =	stream.indirect.gather [hbm4b:s4+s13], $0x80, s22, s13, $0xb8;
	[tilespmem:$0x1C880] =	vst v63  }
0x83: {  	_ =	swait.ge [sflag:s18], $0x3E80  }
0x84: {  	[sflag:s18] =	ssyncset.done $0x0  }
0x85: {  	[sflag:s18] =	ssyncadd.s32 $0xFFFFC180  }
0x86: {  	[tilespmem:s15], [sflag:$0x1] =	stream.indirect.gather [hbm4b:s4+s13], $0x80, s23, s13, $0xb8;
	[tilespmem:$0x1C880] =	vst v63  }
0x87: {  	_ =	swait.ge [sflag:s16], $0x3E80  }
0x88: {  	[sflag:s16] =	ssyncset.done $0x0  }
0x89: {  	[sflag:s16] =	ssyncadd.s32 $0xFFFFC180  }
0x8a: {  	[spmem:s2] =	stream.indirect.scatter.add.f32 [tilespmem:s14], [sflag:$0x2], $0x80, s24, s13, $0xb8;
	[tilespmem:$0x1C880] =	vst v63  }
0x8b: {  	_ =	swait.ge [sflag:s16], $0x3E80  }
0x8c: {  	[sflag:s16] =	ssyncset.done $0x0  }
0x8d: {  	[sflag:s16] =	ssyncadd.s32 $0xFFFFC180  }
0x8e: {  	[spmem:s2] =	stream.indirect.scatter.add.f32 [tilespmem:s15], [sflag:$0x3], $0x80, s25, s13, $0xb8;
	[tilespmem:$0x1C880] =	vst v63  }
0x8f: {  	_ =	swait.ge [sflag:s17], $0x3E80  }
0x90: {  	[sflag:s17] =	ssyncset.done $0x0  }
0x91: {  	[sflag:s17] =	ssyncadd.s32 $0xFFFFC180  }
0x92: {  	_ =	swait.ge [sflag:s18], $0x3E80  }
0x93: {  	[sflag:s18] =	ssyncset.done $0x0  }
0x94: {  	[sflag:s18] =	ssyncadd.s32 $0xFFFFC180  }
0x95: {  	[tilespmem:s14], [sflag:$0x1] =	stream.indirect.gather [hbm4b:s4+s13], $0x80, s26, s13, $0xb8;
	[tilespmem:$0x1C880] =	vst v63  }
0x96: {  	_ = 	snop  }
0x97: {  	[tilespmem:s15], [sflag:$0x1] =	stream.indirect.gather [hbm4b:s4+s13], $0x80, s28, s13, $0xb8;
	[tilespmem:$0x1C880] =	vst v63  }
0x98: {  	_ =	swait.ge [sflag:s16], $0x3E80  }
0x99: {  	[sflag:s16] =	ssyncset.done $0x0  }
0x9a: {  	[sflag:s16] =	ssyncadd.s32 $0xFFFFC180  }
0x9b: {  	[spmem:s2] =	stream.indirect.scatter.add.f32 [tilespmem:s14], [sflag:$0x2], $0x80, s29, s13, $0xb8;
	[tilespmem:$0x1C880] =	vst v63  }
0x9c: {  	_ =	swait.ge [sflag:s16], $0x3E80  }
0x9d: {  	[sflag:s16] =	ssyncset.done $0x0  }
0x9e: {  	[sflag:s16] =	ssyncadd.s32 $0xFFFFC180  }
0x9f: {  	[spmem:s2] =	stream.indirect.scatter.add.f32 [tilespmem:s15], [sflag:$0x3], $0x80, s30, s13, $0xb8;
	[tilespmem:$0x1C880] =	vst v63  }
0xa0: {  	_ =	swait.ge [sflag:s17], $0x3E80  }
0xa1: {  	[sflag:s17] =	ssyncset.done $0x0  }
0xa2: {  	[sflag:s17] =	ssyncadd.s32 $0xFFFFC180  }
0xa3: {  	[tilespmem:s14], [sflag:$0x1] =	stream.indirect.gather [hbm4b:s4+s13], $0x80, s31, s13, $0xb8;
	[tilespmem:$0x1C880] =	vst v63  }
0xa4: {  	_ =	swait.ge [sflag:s18], $0x3E80  }
0xa5: {  	[sflag:s18] =	ssyncset.done $0x0  }
0xa6: {  	[sflag:s18] =	ssyncadd.s32 $0xFFFFC180  }
0xa7: {  	[tilespmem:s15], [sflag:$0x1] =	stream.indirect.gather [hbm4b:s4+s13], $0x80, s1, s13, $0xb8;
	[tilespmem:$0x1C880] =	vst v63  }
0xa8: {  	_ =	swait.ge [sflag:s16], $0x3E80  }
0xa9: {  	[sflag:s16] =	ssyncset.done $0x0  }
0xaa: {  	[sflag:s16] =	ssyncadd.s32 $0xFFFFC180  }
0xab: {  	[spmem:s2] =	stream.indirect.scatter.add.f32 [tilespmem:s14], [sflag:$0x2], $0x80, s0, s13, $0xb8;
	[tilespmem:$0x1C880] =	vst v63  }
0xac: {  	_ =	swait.ge [sflag:s16], $0x3E80  }
0xad: {  	[sflag:s16] =	ssyncset.done $0x0  }
0xae: {  	[sflag:s16] =	ssyncadd.s32 $0xFFFFC180  }
0xaf: {  	[spmem:s2] =	stream.indirect.scatter.add.f32 [tilespmem:s15], [sflag:$0x3], $0x80, s5, s13, $0xb8;
	[tilespmem:$0x1C880] =	vst v63  }
0xb0: {  	_ =	swait.ge [sflag:s17], $0x3E80  }
0xb1: {  	[sflag:s17] =	ssyncset.done $0x0  }
0xb2: {  	[sflag:s17] =	ssyncadd.s32 $0xFFFFC180  }
0xb3: {  	s7 =	simm.s32 $0x100;
	_ =	swait.ge [sflag:s18], $0x3E80  }
0xb4: {  	s8 =	simm.s32 $0x200;
	s9 =	rddreg [dreg:$0x3];
	[sflag:s18] =	ssyncset.done $0x0  }
.LBB2_2:
0xb5: {  	[sflag:s18] =	ssyncadd.s32 $0xFFFFC180;
	s9 =	sadd.s32 s7, s9  }
0xb6: {  	[tilespmem:s10], [sflag:$0x4] =	stream.linear.gather [hbm4b:s9+s3], $0x800, $0x38;
	[tilespmem:$0x1C880] =	vst v63  }
0xb7: {  	_ =	swait.ge [sflag:s11], $0x800  }
0xb8: {  	s9 =	rddreg [dreg:$0x4];
	[sflag:s11] =	ssyncset.done $0x0  }
0xb9: {  	[sflag:s11] =	ssyncadd.s32 $0xFFFFF800;
	s9 =	sadd.s32 s7, s9  }
0xba: {  	[tilespmem:s12], [sflag:$0x4] =	stream.linear.gather [hbm4b:s9+s3], $0x800, $0x38;
	[tilespmem:$0x1C880] =	vst v63  }
0xbb: {  	_ =	swait.ge [sflag:s11], $0x800  }
0xbc: {  	[sflag:s11] =	ssyncset.done $0x0  }
0xbd: {  	[sflag:s11] =	ssyncadd.s32 $0xFFFFF800  }
0xbe: {  	[tilespmem:s14], [sflag:$0x1] =	stream.indirect.gather [hbm4b:s4+s13], $0x80, s10, s13, $0xb8;
	[tilespmem:$0x1C880] =	vst v63  }
0xbf: {  	s9 =	rddreg [dreg:$0x5]  }
0xc0: {  	[tilespmem:s15], [sflag:$0x1] =	stream.indirect.gather [hbm4b:s4+s13], $0x80, s9, s13, $0xb8;
	[tilespmem:$0x1C880] =	vst v63  }
0xc1: {  	_ =	swait.ge [sflag:s16], $0x3E80  }
0xc2: {  	[sflag:s16] =	ssyncset.done $0x0  }
0xc3: {  	[sflag:s16] =	ssyncadd.s32 $0xFFFFC180  }
0xc4: {  	[spmem:s2] =	stream.indirect.scatter.add.f32 [tilespmem:s14], [sflag:$0x2], $0x80, s12, s13, $0xb8;
	[tilespmem:$0x1C880] =	vst v63  }
0xc5: {  	_ =	swait.ge [sflag:s16], $0x3E80  }
0xc6: {  	[sflag:s16] =	ssyncset.done $0x0  }
0xc7: {  	s9 =	rddreg [dreg:$0x6];
	[sflag:s16] =	ssyncadd.s32 $0xFFFFC180  }
0xc8: {  	[spmem:s2] =	stream.indirect.scatter.add.f32 [tilespmem:s15], [sflag:$0x3], $0x80, s9, s13, $0xb8;
	[tilespmem:$0x1C880] =	vst v63  }
0xc9: {  	_ =	swait.ge [sflag:s17], $0x3E80  }
0xca: {  	[sflag:s17] =	ssyncset.done $0x0  }
0xcb: {  	s9 =	rddreg [dreg:$0x7];
	[sflag:s17] =	ssyncadd.s32 $0xFFFFC180  }
0xcc: {  	[tilespmem:s14], [sflag:$0x1] =	stream.indirect.gather [hbm4b:s4+s13], $0x80, s9, s13, $0xb8;
	[tilespmem:$0x1C880] =	vst v63  }
0xcd: {  	_ =	swait.ge [sflag:s18], $0x3E80  }
0xce: {  	[sflag:s18] =	ssyncset.done $0x0  }
0xcf: {  	s9 =	rddreg [dreg:$0x8];
	[sflag:s18] =	ssyncadd.s32 $0xFFFFC180  }
0xd0: {  	[tilespmem:s15], [sflag:$0x1] =	stream.indirect.gather [hbm4b:s4+s13], $0x80, s9, s13, $0xb8;
	[tilespmem:$0x1C880] =	vst v63  }
0xd1: {  	_ =	swait.ge [sflag:s16], $0x3E80  }
0xd2: {  	[sflag:s16] =	ssyncset.done $0x0  }
0xd3: {  	s9 =	rddreg [dreg:$0x9];
	[sflag:s16] =	ssyncadd.s32 $0xFFFFC180  }
0xd4: {  	[spmem:s2] =	stream.indirect.scatter.add.f32 [tilespmem:s14], [sflag:$0x2], $0x80, s9, s13, $0xb8;
	[tilespmem:$0x1C880] =	vst v63  }
0xd5: {  	_ =	swait.ge [sflag:s16], $0x3E80  }
0xd6: {  	[sflag:s16] =	ssyncset.done $0x0  }
0xd7: {  	s9 =	rddreg [dreg:$0xa];
	[sflag:s16] =	ssyncadd.s32 $0xFFFFC180  }
0xd8: {  	[spmem:s2] =	stream.indirect.scatter.add.f32 [tilespmem:s15], [sflag:$0x3], $0x80, s9, s13, $0xb8;
	[tilespmem:$0x1C880] =	vst v63  }
0xd9: {  	_ =	swait.ge [sflag:s17], $0x3E80  }
0xda: {  	[sflag:s17] =	ssyncset.done $0x0  }
0xdb: {  	[sflag:s17] =	ssyncadd.s32 $0xFFFFC180  }
0xdc: {  	_ =	swait.ge [sflag:s18], $0x3E80  }
0xdd: {  	s6 =	smov.u32 s8;
	[sflag:s18] =	ssyncset.done $0x0  }
0xde: {  	s7 =	smov.u32 s6;
	s6 =	rddreg [dreg:$0xb];
	[sflag:s18] =	ssyncadd.s32 $0xFFFFC180  }
0xdf: {  	[tilespmem:s14], [sflag:$0x1] =	stream.indirect.gather [hbm4b:s4+s13], $0x80, s6, s13, $0xb8;
	[tilespmem:$0x1C880] =	vst v63  }
0xe0: {  	s9 =	rddreg [dreg:$0xc]  }
0xe1: {  	[tilespmem:s15], [sflag:$0x1] =	stream.indirect.gather [hbm4b:s4+s13], $0x80, s9, s13, $0xb8;
	[tilespmem:$0x1C880] =	vst v63  }
0xe2: {  	_ =	swait.ge [sflag:s16], $0x3E80  }
0xe3: {  	[sflag:s16] =	ssyncset.done $0x0  }
0xe4: {  	s9 =	rddreg [dreg:$0xd];
	[sflag:s16] =	ssyncadd.s32 $0xFFFFC180  }
0xe5: {  	[spmem:s2] =	stream.indirect.scatter.add.f32 [tilespmem:s14], [sflag:$0x2], $0x80, s9, s13, $0xb8;
	[tilespmem:$0x1C880] =	vst v63  }
0xe6: {  	_ =	swait.ge [sflag:s16], $0x3E80  }
0xe7: {  	[sflag:s16] =	ssyncset.done $0x0  }
0xe8: {  	s9 =	rddreg [dreg:$0xe];
	[sflag:s16] =	ssyncadd.s32 $0xFFFFC180  }
0xe9: {  	[spmem:s2] =	stream.indirect.scatter.add.f32 [tilespmem:s15], [sflag:$0x3], $0x80, s9, s13, $0xb8;
	[tilespmem:$0x1C880] =	vst v63  }
0xea: {  	_ =	swait.ge [sflag:s17], $0x3E80  }
0xeb: {  	[sflag:s17] =	ssyncset.done $0x0  }
0xec: {  	s9 =	rddreg [dreg:$0xf];
	[sflag:s17] =	ssyncadd.s32 $0xFFFFC180  }
0xed: {  	[tilespmem:s14], [sflag:$0x1] =	stream.indirect.gather [hbm4b:s4+s13], $0x80, s9, s13, $0xb8;
	[tilespmem:$0x1C880] =	vst v63  }
0xee: {  	_ =	swait.ge [sflag:s18], $0x3E80  }
0xef: {  	[sflag:s18] =	ssyncset.done $0x0  }
0xf0: {  	s9 =	rddreg [dreg:$0x10];
	[sflag:s18] =	ssyncadd.s32 $0xFFFFC180  }
0xf1: {  	[tilespmem:s15], [sflag:$0x1] =	stream.indirect.gather [hbm4b:s4+s13], $0x80, s9, s13, $0xb8;
	[tilespmem:$0x1C880] =	vst v63  }
0xf2: {  	_ =	swait.ge [sflag:s16], $0x3E80  }
0xf3: {  	[sflag:s16] =	ssyncset.done $0x0  }
0xf4: {  	s9 =	rddreg [dreg:$0x11];
	[sflag:s16] =	ssyncadd.s32 $0xFFFFC180  }
0xf5: {  	[spmem:s2] =	stream.indirect.scatter.add.f32 [tilespmem:s14], [sflag:$0x2], $0x80, s9, s13, $0xb8;
	[tilespmem:$0x1C880] =	vst v63  }
0xf6: {  	_ =	swait.ge [sflag:s16], $0x3E80  }
0xf7: {  	[sflag:s16] =	ssyncset.done $0x0  }
0xf8: {  	s9 =	rddreg [dreg:$0x12];
	[sflag:s16] =	ssyncadd.s32 $0xFFFFC180  }
0xf9: {  	[spmem:s2] =	stream.indirect.scatter.add.f32 [tilespmem:s15], [sflag:$0x3], $0x80, s9, s13, $0xb8;
	[tilespmem:$0x1C880] =	vst v63  }
0xfa: {  	_ =	swait.ge [sflag:s17], $0x3E80  }
0xfb: {  	[sflag:s17] =	ssyncset.done $0x0  }
0xfc: {  	[sflag:s17] =	ssyncadd.s32 $0xFFFFC180  }
0xfd: {  	_ =	swait.ge [sflag:s18], $0x3E80  }
0xfe: {  	[sflag:s18] =	ssyncset.done $0x0  }
0xff: {  	s9 =	rddreg [dreg:$0x13];
	[sflag:s18] =	ssyncadd.s32 $0xFFFFC180  }
0x100: {  	[tilespmem:s14], [sflag:$0x1] =	stream.indirect.gather [hbm4b:s4+s13], $0x80, s9, s13, $0xb8;
	[tilespmem:$0x1C880] =	vst v63  }
0x101: {  	_ = 	snop  }
0x102: {  	[tilespmem:s15], [sflag:$0x1] =	stream.indirect.gather [hbm4b:s4+s13], $0x80, s19, s13, $0xb8;
	[tilespmem:$0x1C880] =	vst v63  }
0x103: {  	_ =	swait.ge [sflag:s16], $0x3E80  }
0x104: {  	[sflag:s16] =	ssyncset.done $0x0  }
0x105: {  	[sflag:s16] =	ssyncadd.s32 $0xFFFFC180  }
0x106: {  	[spmem:s2] =	stream.indirect.scatter.add.f32 [tilespmem:s14], [sflag:$0x2], $0x80, s20, s13, $0xb8;
	[tilespmem:$0x1C880] =	vst v63  }
0x107: {  	_ =	swait.ge [sflag:s16], $0x3E80  }
0x108: {  	[sflag:s16] =	ssyncset.done $0x0  }
0x109: {  	[sflag:s16] =	ssyncadd.s32 $0xFFFFC180  }
0x10a: {  	[spmem:s2] =	stream.indirect.scatter.add.f32 [tilespmem:s15], [sflag:$0x3], $0x80, s21, s13, $0xb8;
	[tilespmem:$0x1C880] =	vst v63  }
0x10b: {  	_ =	swait.ge [sflag:s17], $0x3E80  }
0x10c: {  	[sflag:s17] =	ssyncset.done $0x0  }
0x10d: {  	[sflag:s17] =	ssyncadd.s32 $0xFFFFC180  }
0x10e: {  	[tilespmem:s14], [sflag:$0x1] =	stream.indirect.gather [hbm4b:s4+s13], $0x80, s22, s13, $0xb8;
	[tilespmem:$0x1C880] =	vst v63  }
0x10f: {  	_ =	swait.ge [sflag:s18], $0x3E80  }
0x110: {  	[sflag:s18] =	ssyncset.done $0x0  }
0x111: {  	[sflag:s18] =	ssyncadd.s32 $0xFFFFC180  }
0x112: {  	[tilespmem:s15], [sflag:$0x1] =	stream.indirect.gather [hbm4b:s4+s13], $0x80, s23, s13, $0xb8;
	[tilespmem:$0x1C880] =	vst v63  }
0x113: {  	_ =	swait.ge [sflag:s16], $0x3E80  }
0x114: {  	[sflag:s16] =	ssyncset.done $0x0  }
0x115: {  	[sflag:s16] =	ssyncadd.s32 $0xFFFFC180  }
0x116: {  	[spmem:s2] =	stream.indirect.scatter.add.f32 [tilespmem:s14], [sflag:$0x2], $0x80, s24, s13, $0xb8;
	[tilespmem:$0x1C880] =	vst v63  }
0x117: {  	_ =	swait.ge [sflag:s16], $0x3E80  }
0x118: {  	[sflag:s16] =	ssyncset.done $0x0  }
0x119: {  	[sflag:s16] =	ssyncadd.s32 $0xFFFFC180  }
0x11a: {  	[spmem:s2] =	stream.indirect.scatter.add.f32 [tilespmem:s15], [sflag:$0x3], $0x80, s25, s13, $0xb8;
	[tilespmem:$0x1C880] =	vst v63  }
0x11b: {  	_ =	swait.ge [sflag:s17], $0x3E80  }
0x11c: {  	[sflag:s17] =	ssyncset.done $0x0  }
0x11d: {  	[sflag:s17] =	ssyncadd.s32 $0xFFFFC180  }
0x11e: {  	_ =	swait.ge [sflag:s18], $0x3E80  }
0x11f: {  	[sflag:s18] =	ssyncset.done $0x0  }
0x120: {  	[sflag:s18] =	ssyncadd.s32 $0xFFFFC180  }
0x121: {  	[tilespmem:s14], [sflag:$0x1] =	stream.indirect.gather [hbm4b:s4+s13], $0x80, s26, s13, $0xb8;
	[tilespmem:$0x1C880] =	vst v63  }
0x122: {  	_ = 	snop  }
0x123: {  	[tilespmem:s15], [sflag:$0x1] =	stream.indirect.gather [hbm4b:s4+s13], $0x80, s28, s13, $0xb8;
	[tilespmem:$0x1C880] =	vst v63  }
0x124: {  	_ =	swait.ge [sflag:s16], $0x3E80  }
0x125: {  	[sflag:s16] =	ssyncset.done $0x0  }
0x126: {  	[sflag:s16] =	ssyncadd.s32 $0xFFFFC180  }
0x127: {  	[spmem:s2] =	stream.indirect.scatter.add.f32 [tilespmem:s14], [sflag:$0x2], $0x80, s29, s13, $0xb8;
	[tilespmem:$0x1C880] =	vst v63  }
0x128: {  	_ =	swait.ge [sflag:s16], $0x3E80  }
0x129: {  	[sflag:s16] =	ssyncset.done $0x0  }
0x12a: {  	[sflag:s16] =	ssyncadd.s32 $0xFFFFC180  }
0x12b: {  	[spmem:s2] =	stream.indirect.scatter.add.f32 [tilespmem:s15], [sflag:$0x3], $0x80, s30, s13, $0xb8;
	[tilespmem:$0x1C880] =	vst v63  }
0x12c: {  	_ =	swait.ge [sflag:s17], $0x3E80  }
0x12d: {  	[sflag:s17] =	ssyncset.done $0x0  }
0x12e: {  	[sflag:s17] =	ssyncadd.s32 $0xFFFFC180  }
0x12f: {  	[tilespmem:s14], [sflag:$0x1] =	stream.indirect.gather [hbm4b:s4+s13], $0x80, s31, s13, $0xb8;
	[tilespmem:$0x1C880] =	vst v63  }
0x130: {  	_ =	swait.ge [sflag:s18], $0x3E80  }
0x131: {  	[sflag:s18] =	ssyncset.done $0x0  }
0x132: {  	[sflag:s18] =	ssyncadd.s32 $0xFFFFC180  }
0x133: {  	[tilespmem:s15], [sflag:$0x1] =	stream.indirect.gather [hbm4b:s4+s13], $0x80, s1, s13, $0xb8;
	[tilespmem:$0x1C880] =	vst v63  }
0x134: {  	_ =	swait.ge [sflag:s16], $0x3E80  }
0x135: {  	[sflag:s16] =	ssyncset.done $0x0  }
0x136: {  	[sflag:s16] =	ssyncadd.s32 $0xFFFFC180  }
0x137: {  	[spmem:s2] =	stream.indirect.scatter.add.f32 [tilespmem:s14], [sflag:$0x2], $0x80, s0, s13, $0xb8;
	[tilespmem:$0x1C880] =	vst v63  }
0x138: {  	_ =	swait.ge [sflag:s16], $0x3E80  }
0x139: {  	[sflag:s16] =	ssyncset.done $0x0  }
0x13a: {  	p1 =	sne.s32 s8, $0x400;
	[sflag:s16] =	ssyncadd.s32 $0xFFFFC180  }
0x13b: {  	[spmem:s2] =	stream.indirect.scatter.add.f32 [tilespmem:s15], [sflag:$0x3], $0x80, s5, s13, $0xb8;
	[tilespmem:$0x1C880] =	vst v63  }
.Ltmp0:
0x13c: {  	_ =	swait.ge [sflag:s17], $0x3E80;
	(pc) =	sbr.rel @p1 .LBB2_2-.Ltmp0, $4  }
0x13d: {  	[sflag:s17] =	ssyncset.done $0x0  }
0x13e: {  	[sflag:s17] =	ssyncadd.s32 $0xFFFFC180  }
0x13f: {  	_ =	swait.ge [sflag:s18], $0x3E80  }
0x140: {  	s8 =	sadd.s32 $0x100, s8;
	s9 =	rddreg [dreg:$0x3];
	[sflag:s18] =	ssyncset.done $0x0  }
0x141: {  	[sflag:s18] =	ssyncadd.s32 $0xFFFFC180;
	s6 =	sadd.s32 s7, s9  }
0x142: {  	[tilespmem:s10], [sflag:$0x4] =	stream.linear.gather [hbm4b:s6+s3], $0x800, $0x38;
	[tilespmem:$0x1C880] =	vst v63  }
0x143: {  	_ =	swait.ge [sflag:s11], $0x800  }
0x144: {  	s9 =	rddreg [dreg:$0x4];
	[sflag:s11] =	ssyncset.done $0x0  }
0x145: {  	[sflag:s11] =	ssyncadd.s32 $0xFFFFF800;
	s6 =	sadd.s32 s7, s9  }
0x146: {  	[tilespmem:s12], [sflag:$0x4] =	stream.linear.gather [hbm4b:s6+s3], $0x800, $0x38;
	[tilespmem:$0x1C880] =	vst v63  }
0x147: {  	_ =	swait.ge [sflag:s11], $0x800  }
0x148: {  	[sflag:s11] =	ssyncset.done $0x0  }
0x149: {  	[sflag:s11] =	ssyncadd.s32 $0xFFFFF800  }
0x14a: {  	[tilespmem:s14], [sflag:$0x1] =	stream.indirect.gather [hbm4b:s4+s13], $0x80, s10, s13, $0xb8;
	[tilespmem:$0x1C880] =	vst v63  }
0x14b: {  	s7 =	rddreg [dreg:$0x5]  }
0x14c: {  	[tilespmem:s15], [sflag:$0x1] =	stream.indirect.gather [hbm4b:s4+s13], $0x80, s7, s13, $0xb8;
	[tilespmem:$0x1C880] =	vst v63  }
0x14d: {  	_ =	swait.ge [sflag:s16], $0x3E80  }
0x14e: {  	[sflag:s16] =	ssyncset.done $0x0  }
0x14f: {  	[sflag:s16] =	ssyncadd.s32 $0xFFFFC180  }
0x150: {  	[spmem:s2] =	stream.indirect.scatter.add.f32 [tilespmem:s14], [sflag:$0x2], $0x80, s12, s13, $0xb8;
	[tilespmem:$0x1C880] =	vst v63  }
0x151: {  	_ =	swait.ge [sflag:s16], $0x3E80  }
0x152: {  	[sflag:s16] =	ssyncset.done $0x0  }
0x153: {  	s8 =	rddreg [dreg:$0x6];
	[sflag:s16] =	ssyncadd.s32 $0xFFFFC180  }
0x154: {  	[spmem:s2] =	stream.indirect.scatter.add.f32 [tilespmem:s15], [sflag:$0x3], $0x80, s8, s13, $0xb8;
	[tilespmem:$0x1C880] =	vst v63  }
0x155: {  	_ =	swait.ge [sflag:s17], $0x3E80  }
0x156: {  	[sflag:s17] =	ssyncset.done $0x0  }
0x157: {  	s9 =	rddreg [dreg:$0x7];
	[sflag:s17] =	ssyncadd.s32 $0xFFFFC180  }
0x158: {  	[tilespmem:s14], [sflag:$0x1] =	stream.indirect.gather [hbm4b:s4+s13], $0x80, s9, s13, $0xb8;
	[tilespmem:$0x1C880] =	vst v63  }
0x159: {  	_ =	swait.ge [sflag:s18], $0x3E80  }
0x15a: {  	[sflag:s18] =	ssyncset.done $0x0  }
0x15b: {  	s7 =	rddreg [dreg:$0x8];
	[sflag:s18] =	ssyncadd.s32 $0xFFFFC180  }
0x15c: {  	[tilespmem:s15], [sflag:$0x1] =	stream.indirect.gather [hbm4b:s4+s13], $0x80, s7, s13, $0xb8;
	[tilespmem:$0x1C880] =	vst v63  }
0x15d: {  	_ =	swait.ge [sflag:s16], $0x3E80  }
0x15e: {  	[sflag:s16] =	ssyncset.done $0x0  }
0x15f: {  	s8 =	rddreg [dreg:$0x9];
	[sflag:s16] =	ssyncadd.s32 $0xFFFFC180  }
0x160: {  	[spmem:s2] =	stream.indirect.scatter.add.f32 [tilespmem:s14], [sflag:$0x2], $0x80, s8, s13, $0xb8;
	[tilespmem:$0x1C880] =	vst v63  }
0x161: {  	_ =	swait.ge [sflag:s16], $0x3E80  }
0x162: {  	[sflag:s16] =	ssyncset.done $0x0  }
0x163: {  	s9 =	rddreg [dreg:$0xa];
	[sflag:s16] =	ssyncadd.s32 $0xFFFFC180  }
0x164: {  	[spmem:s2] =	stream.indirect.scatter.add.f32 [tilespmem:s15], [sflag:$0x3], $0x80, s9, s13, $0xb8;
	[tilespmem:$0x1C880] =	vst v63  }
0x165: {  	_ =	swait.ge [sflag:s17], $0x3E80  }
0x166: {  	[sflag:s17] =	ssyncset.done $0x0  }
0x167: {  	[sflag:s17] =	ssyncadd.s32 $0xFFFFC180  }
0x168: {  	_ =	swait.ge [sflag:s18], $0x3E80  }
0x169: {  	[sflag:s18] =	ssyncset.done $0x0  }
0x16a: {  	s7 =	rddreg [dreg:$0xb];
	[sflag:s18] =	ssyncadd.s32 $0xFFFFC180  }
0x16b: {  	[tilespmem:s14], [sflag:$0x1] =	stream.indirect.gather [hbm4b:s4+s13], $0x80, s7, s13, $0xb8;
	[tilespmem:$0x1C880] =	vst v63  }
0x16c: {  	s8 =	rddreg [dreg:$0xc]  }
0x16d: {  	[tilespmem:s15], [sflag:$0x1] =	stream.indirect.gather [hbm4b:s4+s13], $0x80, s8, s13, $0xb8;
	[tilespmem:$0x1C880] =	vst v63  }
0x16e: {  	_ =	swait.ge [sflag:s16], $0x3E80  }
0x16f: {  	[sflag:s16] =	ssyncset.done $0x0  }
0x170: {  	s9 =	rddreg [dreg:$0xd];
	[sflag:s16] =	ssyncadd.s32 $0xFFFFC180  }
0x171: {  	[spmem:s2] =	stream.indirect.scatter.add.f32 [tilespmem:s14], [sflag:$0x2], $0x80, s9, s13, $0xb8;
	[tilespmem:$0x1C880] =	vst v63  }
0x172: {  	_ =	swait.ge [sflag:s16], $0x3E80  }
0x173: {  	[sflag:s16] =	ssyncset.done $0x0  }
0x174: {  	s7 =	rddreg [dreg:$0xe];
	[sflag:s16] =	ssyncadd.s32 $0xFFFFC180  }
0x175: {  	[spmem:s2] =	stream.indirect.scatter.add.f32 [tilespmem:s15], [sflag:$0x3], $0x80, s7, s13, $0xb8;
	[tilespmem:$0x1C880] =	vst v63  }
0x176: {  	_ =	swait.ge [sflag:s17], $0x3E80  }
0x177: {  	[sflag:s17] =	ssyncset.done $0x0  }
0x178: {  	s8 =	rddreg [dreg:$0xf];
	[sflag:s17] =	ssyncadd.s32 $0xFFFFC180  }
0x179: {  	[tilespmem:s14], [sflag:$0x1] =	stream.indirect.gather [hbm4b:s4+s13], $0x80, s8, s13, $0xb8;
	[tilespmem:$0x1C880] =	vst v63  }
0x17a: {  	_ =	swait.ge [sflag:s18], $0x3E80  }
0x17b: {  	[sflag:s18] =	ssyncset.done $0x0  }
0x17c: {  	s9 =	rddreg [dreg:$0x10];
	[sflag:s18] =	ssyncadd.s32 $0xFFFFC180  }
0x17d: {  	[tilespmem:s15], [sflag:$0x1] =	stream.indirect.gather [hbm4b:s4+s13], $0x80, s9, s13, $0xb8;
	[tilespmem:$0x1C880] =	vst v63  }
0x17e: {  	_ =	swait.ge [sflag:s16], $0x3E80  }
0x17f: {  	[sflag:s16] =	ssyncset.done $0x0  }
0x180: {  	s7 =	rddreg [dreg:$0x11];
	[sflag:s16] =	ssyncadd.s32 $0xFFFFC180  }
0x181: {  	[spmem:s2] =	stream.indirect.scatter.add.f32 [tilespmem:s14], [sflag:$0x2], $0x80, s7, s13, $0xb8;
	[tilespmem:$0x1C880] =	vst v63  }
0x182: {  	_ =	swait.ge [sflag:s16], $0x3E80  }
0x183: {  	[sflag:s16] =	ssyncset.done $0x0  }
0x184: {  	s8 =	rddreg [dreg:$0x12];
	[sflag:s16] =	ssyncadd.s32 $0xFFFFC180  }
0x185: {  	[spmem:s2] =	stream.indirect.scatter.add.f32 [tilespmem:s15], [sflag:$0x3], $0x80, s8, s13, $0xb8;
	[tilespmem:$0x1C880] =	vst v63  }
0x186: {  	_ =	swait.ge [sflag:s17], $0x3E80  }
0x187: {  	[sflag:s17] =	ssyncset.done $0x0  }
0x188: {  	[sflag:s17] =	ssyncadd.s32 $0xFFFFC180  }
0x189: {  	_ =	swait.ge [sflag:s18], $0x3E80  }
0x18a: {  	[sflag:s18] =	ssyncset.done $0x0  }
0x18b: {  	s9 =	rddreg [dreg:$0x13];
	[sflag:s18] =	ssyncadd.s32 $0xFFFFC180  }
0x18c: {  	[tilespmem:s14], [sflag:$0x1] =	stream.indirect.gather [hbm4b:s4+s13], $0x80, s9, s13, $0xb8;
	[tilespmem:$0x1C880] =	vst v63  }
0x18d: {  	_ = 	snop  }
0x18e: {  	[tilespmem:s15], [sflag:$0x1] =	stream.indirect.gather [hbm4b:s4+s13], $0x80, s19, s13, $0xb8;
	[tilespmem:$0x1C880] =	vst v63  }
0x18f: {  	_ =	swait.ge [sflag:s16], $0x3E80  }
0x190: {  	[sflag:s16] =	ssyncset.done $0x0  }
0x191: {  	[sflag:s16] =	ssyncadd.s32 $0xFFFFC180  }
0x192: {  	[spmem:s2] =	stream.indirect.scatter.add.f32 [tilespmem:s14], [sflag:$0x2], $0x80, s20, s13, $0xb8;
	[tilespmem:$0x1C880] =	vst v63  }
0x193: {  	_ =	swait.ge [sflag:s16], $0x3E80  }
0x194: {  	[sflag:s16] =	ssyncset.done $0x0  }
0x195: {  	[sflag:s16] =	ssyncadd.s32 $0xFFFFC180  }
0x196: {  	[spmem:s2] =	stream.indirect.scatter.add.f32 [tilespmem:s15], [sflag:$0x3], $0x80, s21, s13, $0xb8;
	[tilespmem:$0x1C880] =	vst v63  }
0x197: {  	_ =	swait.ge [sflag:s17], $0x3E80  }
0x198: {  	[sflag:s17] =	ssyncset.done $0x0  }
0x199: {  	[sflag:s17] =	ssyncadd.s32 $0xFFFFC180  }
0x19a: {  	[tilespmem:s14], [sflag:$0x1] =	stream.indirect.gather [hbm4b:s4+s13], $0x80, s22, s13, $0xb8;
	[tilespmem:$0x1C880] =	vst v63  }
0x19b: {  	_ =	swait.ge [sflag:s18], $0x3E80  }
0x19c: {  	[sflag:s18] =	ssyncset.done $0x0  }
0x19d: {  	[sflag:s18] =	ssyncadd.s32 $0xFFFFC180  }
0x19e: {  	[tilespmem:s15], [sflag:$0x1] =	stream.indirect.gather [hbm4b:s4+s13], $0x80, s23, s13, $0xb8;
	[tilespmem:$0x1C880] =	vst v63  }
0x19f: {  	_ =	swait.ge [sflag:s16], $0x3E80  }
0x1a0: {  	[sflag:s16] =	ssyncset.done $0x0  }
0x1a1: {  	[sflag:s16] =	ssyncadd.s32 $0xFFFFC180  }
0x1a2: {  	[spmem:s2] =	stream.indirect.scatter.add.f32 [tilespmem:s14], [sflag:$0x2], $0x80, s24, s13, $0xb8;
	[tilespmem:$0x1C880] =	vst v63  }
0x1a3: {  	_ =	swait.ge [sflag:s16], $0x3E80  }
0x1a4: {  	[sflag:s16] =	ssyncset.done $0x0  }
0x1a5: {  	[sflag:s16] =	ssyncadd.s32 $0xFFFFC180  }
0x1a6: {  	[spmem:s2] =	stream.indirect.scatter.add.f32 [tilespmem:s15], [sflag:$0x3], $0x80, s25, s13, $0xb8;
	[tilespmem:$0x1C880] =	vst v63  }
0x1a7: {  	_ =	swait.ge [sflag:s17], $0x3E80  }
0x1a8: {  	[sflag:s17] =	ssyncset.done $0x0  }
0x1a9: {  	[sflag:s17] =	ssyncadd.s32 $0xFFFFC180  }
0x1aa: {  	_ =	swait.ge [sflag:s18], $0x3E80  }
0x1ab: {  	[sflag:s18] =	ssyncset.done $0x0  }
0x1ac: {  	[sflag:s18] =	ssyncadd.s32 $0xFFFFC180  }
0x1ad: {  	[tilespmem:s14], [sflag:$0x1] =	stream.indirect.gather [hbm4b:s4+s13], $0x80, s26, s13, $0xb8;
	[tilespmem:$0x1C880] =	vst v63  }
0x1ae: {  	_ = 	snop  }
0x1af: {  	[tilespmem:s15], [sflag:$0x1] =	stream.indirect.gather [hbm4b:s4+s13], $0x80, s28, s13, $0xb8;
	[tilespmem:$0x1C880] =	vst v63  }
0x1b0: {  	_ =	swait.ge [sflag:s16], $0x3E80  }
0x1b1: {  	[sflag:s16] =	ssyncset.done $0x0  }
0x1b2: {  	[sflag:s16] =	ssyncadd.s32 $0xFFFFC180  }
0x1b3: {  	[spmem:s2] =	stream.indirect.scatter.add.f32 [tilespmem:s14], [sflag:$0x2], $0x80, s29, s13, $0xb8;
	[tilespmem:$0x1C880] =	vst v63  }
0x1b4: {  	_ =	swait.ge [sflag:s16], $0x3E80  }
0x1b5: {  	[sflag:s16] =	ssyncset.done $0x0  }
0x1b6: {  	[sflag:s16] =	ssyncadd.s32 $0xFFFFC180  }
0x1b7: {  	[spmem:s2] =	stream.indirect.scatter.add.f32 [tilespmem:s15], [sflag:$0x3], $0x80, s30, s13, $0xb8;
	[tilespmem:$0x1C880] =	vst v63  }
0x1b8: {  	_ =	swait.ge [sflag:s17], $0x3E80  }
0x1b9: {  	[sflag:s17] =	ssyncset.done $0x0  }
0x1ba: {  	[sflag:s17] =	ssyncadd.s32 $0xFFFFC180  }
0x1bb: {  	[tilespmem:s14], [sflag:$0x1] =	stream.indirect.gather [hbm4b:s4+s13], $0x80, s31, s13, $0xb8;
	[tilespmem:$0x1C880] =	vst v63  }
0x1bc: {  	_ =	swait.ge [sflag:s18], $0x3E80  }
0x1bd: {  	[sflag:s18] =	ssyncset.done $0x0  }
0x1be: {  	[sflag:s18] =	ssyncadd.s32 $0xFFFFC180  }
0x1bf: {  	[tilespmem:s15], [sflag:$0x1] =	stream.indirect.gather [hbm4b:s4+s13], $0x80, s1, s13, $0xb8;
	[tilespmem:$0x1C880] =	vst v63  }
0x1c0: {  	_ =	swait.ge [sflag:s16], $0x3E80  }
0x1c1: {  	[sflag:s16] =	ssyncset.done $0x0  }
0x1c2: {  	[sflag:s16] =	ssyncadd.s32 $0xFFFFC180  }
0x1c3: {  	[spmem:s2] =	stream.indirect.scatter.add.f32 [tilespmem:s14], [sflag:$0x2], $0x80, s0, s13, $0xb8;
	[tilespmem:$0x1C880] =	vst v63  }
0x1c4: {  	_ =	swait.ge [sflag:s16], $0x3E80  }
0x1c5: {  	[sflag:s16] =	ssyncset.done $0x0  }
0x1c6: {  	[sflag:s16] =	ssyncadd.s32 $0xFFFFC180  }
0x1c7: {  	[spmem:s2] =	stream.indirect.scatter.add.f32 [tilespmem:s15], [sflag:$0x3], $0x80, s5, s13, $0xb8;
	[tilespmem:$0x1C880] =	vst v63  }
0x1c8: {  	_ =	swait.ge [sflag:s17], $0x3E80  }
0x1c9: {  	[sflag:s17] =	ssyncset.done $0x0  }
0x1ca: {  	[sflag:s17] =	ssyncadd.s32 $0xFFFFC180  }
0x1cb: {  	_ =	swait.ge [sflag:s18], $0x3E80  }
0x1cc: {  	[sflag:s18] =	ssyncset.done $0x0  }
0x1cd: {  	[sflag:s18] =	ssyncadd.s32 $0xFFFFC180  }
0x1ce: {  	[bflag:$0x0] =	sbarrier.arrive $0xFFFF  }
0x1cf: {  	s6 =	rddreg [dreg:$0x15]  }
0x1d0: {  	s8 =	rddreg [dreg:$0x17]  }
0x1d1: {  	s7 =	simm.s32 @!p0 $0x4;
	s9 =	rddreg [dreg:$0x18]  }
0x1d2: {  	[hbm:s6], [sflag:s8] =	dma.local @!p0 [spmem:s9], $0x3E80  }
0x1d3: {  	_ =	swait.ge @!p0 [sflag:s7], $0x3E80  }
0x1d4: {  	s6 =	rddreg [dreg:$0x19]  }
0x1d5: {  	[sflag:s7] =	ssyncset.done @!p0 $0x0;
	s7 =	rddreg [dreg:$0x16];
	s6 =	sadd.s32 $0x1, s6  }
0x1d6: {  	p1 =	sne.s32 s6, s7  }
.Ltmp1:
0x1d7: {  	_ = 	snop;
	(pc) =	sbr.rel @p1 .LBB2_1-.Ltmp1, $3  }
0x1d8: {  	_ =	sdelay $0x1  }
0x1d9: {  	[dreg:$0x19] =	wrdreg s6;
	s6 =	simm.s32 @!p0 $0x4  }
0x1da: {  	[sflag:s6] =	ssyncadd.s32 @!p0 $0xFFFFC180  }
0x1db: {  	_ =	sfence.sel $0x180000  }
0x1dc: {  	[bflag:$0x0] =	sbarrier.arrive $0xFFFF  }
0x1dd: {  	_ =	strace $0x9000004A  }
0x1de: {  	s0 =	stileid.u32;
	[bflag:$0x2] =	sbarrier.arrive $0xFFFF  }
0x1df: {  	p0 =	sne.s32 s0, $0x0;
	s0 =	rddreg [dreg:$0x2]  }
0x1e0: {  	s0 =	sadd.s32 @!p0 $0x100000, s0  }
0x1e1: {  	[sflag:s0] =	ssyncadd.tile.s32 @!p0 $0x1;
	_ =	shalt  }
.Lfunc_end2:
_tile_overlayer_lowered:
.L_overlay_start_2:
0x1e2: {  	(tag) =	ssettag $0x2  }
0x1e3: {  	s0 =	rddreg [dreg:$0x0];
	s2 =	stileid.u32  }
0x1e4: {  	s1 =	rddreg [dreg:$0x1];
	p0 =	sne.s32 s2, $0x0  }
0x1e5: {  	s3 =	rddreg [dreg:$0x2];
	[bflag:$0x3] =	sbarrier.arrive $0xFFFF;
	s2 =	simm.s32 @!p0 $0x1C04  }
0x1e6: {  	[timem:s3], [sflag:s2] =	dma.local @!p0 [hbm:s0], s1  }
0x1e7: {  	s0 =	simm.s32 @!p0 $0x4  }
0x1e8: {  	_ =	swait.ge @!p0 [sflag:s0], s1  }
0x1e9: {  	s1 =	ssub.s32 @!p0 $0x0, s1;
	[sflag:s0] =	ssyncset.done @!p0 $0x0  }
0x1ea: {  	[sflag:s0] =	ssyncadd.s32 @!p0 s1  }
0x1eb: {  	[bflag:$0x3] =	sbarrier.arrive $0xFFFF  }
0x1ec: {  	_ =	shalt  }

// kernel: kernel.22.cloned.1.call-start
scs
__scs_entry_jumppad:
0x0: {  	(pc) =	sbr.rel $0x88, $3  }
0x1: {  	(tag) =	ssettag $0x0;
	lr =	simm.s32 $0x1  }
0x2: {  	[smem:$0x3F89] =	sst lr;
	_ =	strace $0xD0000000  }
0x3: {  	_ = 	snop  }
0x4: {  	_ = 	snop  }
0x5: {  	_ = 	snop  }
0x6: {  	_ = 	snop  }
0x7: {  	_ = 	snop  }
__scs_overlays_trampoline_lowered:
0x8: {  	[smem:$0x3F98] =	sst s0  }
0x9: {  	[smem:$0x3F99] =	sst s1  }
0xa: {  	[smem:$0x3F9A] =	sst s2  }
0xb: {  	[smem:$0x3F9B] =	sst s3  }
0xc: {  	[smem:$0x3F9C] =	sst s4  }
0xd: {  	[smem:$0x3F9D] =	sst s5  }
0xe: {  	[smem:$0x3F9E] =	sst s6  }
0xf: {  	[smem:$0x3F9F] =	sst s7  }
0x10: {  	[smem:$0x3FA0] =	sst s8  }
0x11: {  	[smem:$0x3FA1] =	sst s9;
	s0 =	simm.s32 @!p0 $0x0  }
0x12: {  	s1 =	sld [smem:$0x3F87];
	s0 =	simm.s32 @p0 $0x1  }
0x13: {  	[smem:$0x3FA2] =	sst s0;
	s0 =	simm.s32 @!p1 $0x0  }
0x14: {  	s2 =	sld [smem:$0x3F86];
	s0 =	simm.s32 @p1 $0x1  }
0x15: {  	[smem:$0x3FA3] =	sst s0;
	s0 =	simm.s32 @!p2 $0x0  }
0x16: {  	s3 =	sld [smem:$0x3FDB];
	s0 =	simm.s32 @p2 $0x1  }
0x17: {  	s4 =	simm.s32 $0x1BF5;
	[smem:$0x3FA5] =	sst s0  }
0x18: {  	s0 =	sld [smem:$0x3F88];
	_ =	swait.ge [sflag:s4], $0x0  }
0x19: {  	s7 =	sld [smem:$0x3F89]  }
0x1a: {  	s8 =	sadd.s32 $0xFFFFE003, lr  }
0x1b: {  	s9 =	sadd.s32 $0xFFFFFEF7, lr;
	s5 =	simm.s32 $0xFFFFFFFF;
	p2 =	slt.u32 s8, $0xFFFFF086  }
0x1c: {  	p1 =	slt.u32 s9, $0xF7A;
	s5 =	simm.s32 @!p2 $0x0  }
0x1d: {  	s5 =	simm.s32 @p1 $0x1;
	p0 =	seq.s32 s7, s2  }
0x1e: {  	s7 =	smul.u32 @!p0 $0xF7A, s2;
	p2 =	seq.s32 @!p0 s5, $0x0  }
0x1f: {  	s9 =	smul.u32 $0xF7A, s1;
	s8 =	simm.s32 @!p0 $0x1BF5;
	p2 =	por !p2, p0  }
0x20: {  	[sflag:s8] =	ssyncset.s32 @!p0 $0xFFFFF086;
	s6 =	sadd.s32 @!p0 s3, s7;
	s7 =	simm.s32 @!p0 $0x108  }
0x21: {  	s3 =	sadd.s32 s3, s9;
	s6 =	sadd.s32 @!p0 $0x88, s6;
	s7 =	simm.s32 @p2 $0x1082  }
0x22: {  	[simem:s7], [sflag:s8] =	dma.local @!p0 [hbm:s6], $0xF7A  }
0x23: {  	s9 =	sor.u32 $0xD0000000, s2;
	s6 =	simm.s32 $0x108;
	_ =	swait.ge @!p0 [sflag:s8], $0x0  }
0x24: {  	s3 =	sadd.s32 $0x88, s3;
	s6 =	simm.s32 @!p1 $0x1082;
	[sflag:s4] =	ssyncset.s32 $0xFFFFF086  }
0x25: {  	[simem:s6], [sflag:s4] =	dma.local [hbm:s3], $0xF7A  }
0x26: {  	[smem:$0x3F89] =	sst s1;
	(tag) =	ssettag s2;
	_ =	strace s9  }
0x27: {  	s1 =	sld [smem:$0x3F99]  }
0x28: {  	s2 =	sld [smem:$0x3F9A]  }
0x29: {  	s4 =	sld [smem:$0x3F9C]  }
0x2a: {  	p0 =	seq.s32 s5, $0x0;
	s5 =	sld [smem:$0x3F9D]  }
0x2b: {  	s6 =	sld [smem:$0x3F9E]  }
0x2c: {  	s7 =	sld [smem:$0x3F9F]  }
0x2d: {  	s3 =	simm.s32 $0x108;
	s8 =	sld [smem:$0x3FA0]  }
0x2e: {  	s3 =	simm.s32 @!p0 $0x1082;
	s9 =	sld [smem:$0x3FA1]  }
0x2f: {  	lr =	sadd.s32 s0, s3;
	s0 =	sld [smem:$0x3F98]  }
0x30: {  	s3 =	sld [smem:$0x3F9B]  }
0x31: {  	[smem:$0x3FA4] =	sst s10  }
0x32: {  	s10 =	sld [smem:$0x3FA2];
	_ =	sdelay $0x3  }
0x33: {  	p0 =	seq.s32 s10, $0x1;
	s10 =	sld [smem:$0x3FA4];
	_ =	sdelay $0x3  }
0x34: {  	[smem:$0x3FA4] =	sst s10  }
0x35: {  	s10 =	sld [smem:$0x3FA3];
	_ =	sdelay $0x3  }
0x36: {  	p1 =	seq.s32 s10, $0x1;
	s10 =	sld [smem:$0x3FA4];
	_ =	sdelay $0x3  }
0x37: {  	[smem:$0x3FA4] =	sst s10  }
0x38: {  	s10 =	sld [smem:$0x3FA5]  }
0x39: {  	_ = 	snop;
	(pc) =	sbr.ind lr, $3  }
0x3a: {  	_ = 	snop  }
0x3b: {  	_ = 	snop  }
0x3c: {  	p2 =	seq.s32 s10, $0x1;
	s10 =	sld [smem:$0x3FA4]  }
0x3d: {  	_ =	shalt  }
0x3e: {  	_ =	shalt  }
0x3f: {  	_ =	shalt  }
0x40: {  	_ =	shalt  }
0x41: {  	_ =	shalt  }
0x42: {  	_ =	shalt  }
0x43: {  	_ =	shalt  }
0x44: {  	_ =	shalt  }
0x45: {  	_ =	shalt  }
0x46: {  	_ =	shalt  }
0x47: {  	_ =	shalt  }
0x48: {  	_ =	shalt  }
0x49: {  	_ =	shalt  }
0x4a: {  	_ =	shalt  }
0x4b: {  	_ =	shalt  }
0x4c: {  	_ =	shalt  }
0x4d: {  	_ =	shalt  }
0x4e: {  	_ =	shalt  }
0x4f: {  	_ =	shalt  }
0x50: {  	_ =	shalt  }
0x51: {  	_ =	shalt  }
0x52: {  	_ =	shalt  }
0x53: {  	_ =	shalt  }
0x54: {  	_ =	shalt  }
0x55: {  	_ =	shalt  }
0x56: {  	_ =	shalt  }
0x57: {  	_ =	shalt  }
0x58: {  	_ =	shalt  }
0x59: {  	_ =	shalt  }
0x5a: {  	_ =	shalt  }
0x5b: {  	_ =	shalt  }
0x5c: {  	_ =	shalt  }
0x5d: {  	_ =	shalt  }
0x5e: {  	_ =	shalt  }
0x5f: {  	_ =	shalt  }
0x60: {  	_ =	shalt  }
0x61: {  	_ =	shalt  }
0x62: {  	_ =	shalt  }
0x63: {  	_ =	shalt  }
0x64: {  	_ =	shalt  }
0x65: {  	_ =	shalt  }
0x66: {  	_ =	shalt  }
0x67: {  	_ =	shalt  }
0x68: {  	_ =	shalt  }
0x69: {  	_ =	shalt  }
0x6a: {  	_ =	shalt  }
0x6b: {  	_ =	shalt  }
0x6c: {  	_ =	shalt  }
0x6d: {  	_ =	shalt  }
0x6e: {  	_ =	shalt  }
0x6f: {  	_ =	shalt  }
0x70: {  	_ =	shalt  }
0x71: {  	_ =	shalt  }
0x72: {  	_ =	shalt  }
0x73: {  	_ =	shalt  }
0x74: {  	_ =	shalt  }
0x75: {  	_ =	shalt  }
0x76: {  	_ =	shalt  }
0x77: {  	_ =	shalt  }
0x78: {  	_ =	shalt  }
0x79: {  	_ =	shalt  }
0x7a: {  	_ =	shalt  }
0x7b: {  	_ =	shalt  }
0x7c: {  	_ =	shalt  }
0x7d: {  	_ =	shalt  }
0x7e: {  	_ =	shalt  }
0x7f: {  	_ =	shalt  }
0x80: {  	_ =	shalt  }
0x81: {  	_ =	shalt  }
0x82: {  	_ =	shalt  }
0x83: {  	_ =	shalt  }
0x84: {  	_ =	shalt  }
0x85: {  	_ =	shalt  }
0x86: {  	_ =	shalt  }
0x87: {  	_ =	shalt  }
.Lfunc_end0:
.L_simem_size_0:
called_computation.3_lowered:
.L_overlay_start_0:
0x88: {  	s2 =	sld [smem:$0x3FD9]  }
0x89: {  	s3 =	sld [smem:$0x3FFE];
	_ =	sdelay $0x1  }
0x8a: {  	s1 =	srdreg.scid  }
0x8b: {  	s0 =	sand.u32 $0x1, s1  }
0x8c: {  	s17 =	sshll.u32 s0, $0xA;
	s2 =	sadd.s32 s3, s2  }
0x8d: {  	s2 =	sadd.s32 s2, s17  }
0x8e: {  	[smem:$0x3FB0] =	sst s2  }
0x8f: {  	_ = 	snop  }
0x90: {  	(tm) =	ssettm $0x1  }
0x91: {  	s18 =	sld [smem:$0x3FFB];
	_ =	sdelay $0x3  }
0x92: {  	_ =	strace s18  }
0x93: {  	s2 =	sld [smem:$0x3FFC];
	_ =	sdelay $0x3  }
0x94: {  	_ =	strace s2  }
0x95: {  	s2 =	sld [smem:$0x3FFD];
	_ =	sdelay $0x3  }
0x96: {  	_ =	strace s2  }
0x97: {  	_ =	strace $0x8FFFFFFF  }
0x98: {  	s19 =	sld [smem:$0x3FDB];
	_ =	sdelay $0x1  }
0x99: {  	s20 =	simm.s32 $_scs_section_size  }
0x9a: {  	s4 =	simm.s32 $_size__tile_overlayer_lowered;
	s5 =	simm.s32 $_tile_overlayer_lowered  }
0x9b: {  	s6 =	simm.s32 $0x1BFF;
	s21 =	sshll.u32 s5, $0x1;
	s3 =	sadd.s32 s20, s19  }
0x9c: {  	s22 =	simm.s32 $0x0;
	s4 =	sshll.u32 s4, $0x1;
	s5 =	sadd.s32 s21, s3  }
0x9d: {  	[timem:s22], [sflag:s6] =	dma.local [hbm:s5], s4  }
0x9e: {  	_ =	swait.ge [sflag:s6], s4  }
0x9f: {  	s4 =	ssub.s32 $0x0, s4;
	[sflag:s6] =	ssyncset.done $0x0  }
0xa0: {  	[sflag:s6] =	ssyncadd.s32 s4;
	_ =	sdelay $0x1  }
0xa1: {  	s23 =	simm.s32 $0x1B8B  }
0xa2: {  	_ =	swait.ge [sflag:s23], $0x1  }
0xa3: {  	[sflag:s23] =	ssyncset.done $0x0  }
0xa4: {  	[sflag:s23] =	ssyncadd.s32 $0xFFFFFFFF  }
0xa5: {  	s4 =	sld [smem:$0x0]  }
0xa6: {  	s5 =	sand.u32 $0xFFFFFFFE, s1  }
0xa7: {  	p0 =	sne.s32 s1, s5  }
0xa8: {  	s5 =	sshll.u32 @p0 s5, $0xE  }
0xa9: {  	s5 =	sadd.s32 @p0 $0x11B8D, s5;
	s6 =	sshll.u32 @p0 s4, $0x11  }
0xaa: {  	s5 =	sor.u32 @p0 s6, s5  }
0xab: {  	[sflag:s5] =	ssyncadd.remote.s32 @p0 $0x1;
	_ =	sdelay $0x1  }
0xac: {  	s5 =	simm.s32 @p0 $0x1B8D  }
0xad: {  	_ =	swait.eq @p0 [sflag:s5], $0x1  }
0xae: {  	[sflag:s5] =	ssyncadd.s32 @p0 $0xFFFFFFFF  }
0xaf: {  	s6 =	sshll.u32 @!p0 s1, $0xE  }
0xb0: {  	s6 =	sor.u32 @!p0 $0x4000, s6;
	s5 =	simm.s32 @!p0 $0x1B8D  }
0xb1: {  	s4 =	sshll.u32 @!p0 s4, $0x11;
	s6 =	sadd.s32 @!p0 $0x11B8D, s6;
	_ =	swait.eq @!p0 [sflag:s5], $0x1  }
0xb2: {  	s4 =	sor.u32 @!p0 s4, s6;
	[sflag:s5] =	ssyncadd.s32 @!p0 $0xFFFFFFFF  }
0xb3: {  	s25 =	simm.s32 $0x1B8E;
	s24 =	sld [smem:$0x3FFE];
	[sflag:s4] =	ssyncadd.remote.s32 @!p0 $0x1  }
0xb4: {  	s26 =	simm.s32 $execute0_lowered;
	[smem:$0x3FD2] =	sst s25  }
0xb5: {  	s5 =	sshll.u32 s26, $0x1;
	_ =	strace $0x8000004F;
	[dreg:$0x1] =	wrdreg $0xFFFFFFFF  }
0xb6: {  	s28 =	simm.s32 $_size_execute0_lowered;
	s3 =	sadd.s32 s3, s5;
	[dreg:$0x0] =	wrdreg $0x0  }
0xb7: {  	s5 =	sshll.u32 s28, $0x1;
	[dreg:$0x2] =	wrdreg s3  }
0xb8: {  	[dreg:$0x3] =	wrdreg s5  }
0xb9: {  	[dreg:$0x4] =	wrdreg $0xC0  }
0xba: {  	_ =	task [dreg:s22], $0x5FFFF  }
0xbb: {  	[dreg:$0x1] =	wrdreg $0xFFFFFFFF  }
0xbc: {  	[dreg:$0x0] =	wrdreg $0x60  }
0xbd: {  	[dreg:$0x2] =	wrdreg s24  }
0xbe: {  	[dreg:$0x3] =	wrdreg $0x0  }
0xbf: {  	[dreg:$0x4] =	wrdreg $0xA  }
0xc0: {  	_ =	task.clear_ibuf [dreg:s22], $0x5FFFF;
	_ =	strace $0x9000004F  }
0xc1: {  	s29 =	simm.s32 $0xA;
	_ =	strace $0x80000051  }
0xc2: {  	_ =	swait.ge [sflag:s29], $0x1  }
0xc3: {  	[sflag:s29] =	ssyncadd.s32 $0xFFFFFFFF  }
0xc4: {  	_ =	strace $0x90000051  }
0xc5: {  	_ =	sfence  }
0xc6: {  	s30 =	sld [smem:$0x0];
	_ =	sdelay $0x2  }
0xc7: {  	s31 =	sshll.u32 s1, $0xD;
	s1 =	sshrl.u32 s1, $0x2  }
0xc8: {  	s4 =	sand.u32 $0x4000, s31;
	s1 =	sadd.s32 s1, s30  }
0xc9: {  	s0 =	sor.u32 s4, s0;
	s1 =	sshll.u32 s1, $0x11  }
0xca: {  	s0 =	sor.u32 s1, s0  }
0xcb: {  	s0 =	sadd.s32 $0x8F2B, s0  }
0xcc: {  	[sflag:s0] =	ssyncadd.remote.s32 $0x1  }
0xcd: {  	_ =	sfence.sel $0xFFFF  }
0xce: {  	[dreg:$0x0] =	wrdreg $0xFFFFFFFF;
	(pc) =	sbr.abs _section_cstart, $3  }
0xcf: {  	[dreg:$0x1] =	wrdreg $0xFFFFFFFF  }
0xd0: {  	_ =	task.clear_ibuf [dreg:s22], $0x2FFFF;
	_ =	strace $0x9FFFFFFF  }
0xd1: {  	(tm) =	ssettm $0x7FFFFFFF  }
tec
execute0_lowered:
.L_overlay_start_1:
0x0: {  	(tag) =	ssettag $0x1  }
0x1: {  	s0 =	srdreg.scid;
	s1 =	rddreg [dreg:$0x0]  }
0x2: {  	s10 =	stileid.u32;
	s2 =	rddreg [dreg:$0x1];
	s3 =	simm.s32 $0x0  }
0x3: {  	s15 =	simm.s32 $0x13900;
	[smem:$0x7FF] =	sst s3;
	s9 =	sadd.s32 $0xE400, s1  }
0x4: {  	s16 =	simm.s32 $0x14100;
	_ =	strace $0x80000050;
	[dreg:$0x14] =	wrdreg s9  }
0x5: {  	s17 =	simm.s32 $0x13980;
	s18 =	simm.s32 $0x13A00;
	[dreg:$0x5] =	wrdreg s15  }
0x6: {  	s19 =	simm.s32 $0x14180;
	s20 =	simm.s32 $0x14200;
	[dreg:$0x6] =	wrdreg s16  }
0x7: {  	s21 =	simm.s32 $0x13A80;
	s22 =	simm.s32 $0x13B00;
	[dreg:$0x7] =	wrdreg s17  }
0x8: {  	s23 =	simm.s32 $0x14280;
	s24 =	simm.s32 $0x14300;
	[dreg:$0x8] =	wrdreg s18  }
0x9: {  	s25 =	simm.s32 $0x13B80;
	s26 =	simm.s32 $0x13C00;
	[dreg:$0x9] =	wrdreg s19  }
0xa: {  	s28 =	simm.s32 $0x13F00;
	s5 =	smul.u32 $0x2800, s10;
	[dreg:$0xa] =	wrdreg s20  }
0xb: {  	s29 =	simm.s32 $0x14680;
	s11 =	smul.u32 $0x500, s10;
	[dreg:$0xb] =	wrdreg s21  }
0xc: {  	s30 =	simm.s32 $0x14700;
	s8 =	smul.u32 $0x3E80, s10;
	[dreg:$0xc] =	wrdreg s22  }
0xd: {  	s0 =	sand.u32 $0x1, s0;
	s13 =	smul.u32 $0x7D000, s10;
	[dreg:$0xd] =	wrdreg s23  }
0xe: {  	s31 =	simm.s32 $0x13F80;
	s4 =	smul.u32 $0x28000, s0;
	[dreg:$0xe] =	wrdreg s24  }
0xf: {  	p0 =	sgt.u32 s10, $0x9;
	s7 =	smul.u32 $0x27100, s0;
	[dreg:$0xf] =	wrdreg s25  }
0x10: {  	s0 =	ssub.s32 $0x2, s0;
	s15 =	simm.s32 $0x18880;
	[dreg:$0x10] =	wrdreg s26  }
0x11: {  	s16 =	simm.s32 $0x1;
	s17 =	simm.s32 $0x2;
	s18 =	simm.s32 $0x3  }
0x12: {  	s19 =	simm.s32 $0x13D00;
	s20 =	simm.s32 $0x14480;
	s21 =	simm.s32 $0x14500  }
0x13: {  	s22 =	simm.s32 $0x13D80;
	s23 =	simm.s32 $0x13E00;
	s24 =	simm.s32 $0x14580  }
0x14: {  	s25 =	simm.s32 $0x14600;
	s26 =	simm.s32 $0x13E80;
	s12 =	sshrl.u32 s0, $0x1  }
0x15: {  	s4 =	sadd.s32 s4, s5;
	s5 =	sadd.s32 s11, s1;
	s7 =	sadd.s32 s8, s7  }
0x16: {  	s0 =	ssub.s32 s0, s12;
	s6 =	sshrl.u32 s4, $0x3;
	s5 =	sadd.s32 $0x10C200, s5  }
0x17: {  	s4 =	sadd.s32 $0x65E00, s1;
	s0 =	smax.u32 s0, $0x1;
	[dreg:$0x4] =	wrdreg s5  }
0x18: {  	s6 =	sadd.s32 s6, s1;
	[dreg:$0x16] =	wrdreg s0;
	s5 =	simm.s32 $0x14400  }
0x19: {  	s1 =	sadd.s32 s7, s1;
	s7 =	simm.s32 $0x0;
	[dreg:$0x12] =	wrdreg s5  }
0x1a: {  	s14 =	sshrl.u32 s13, $0x2;
	s6 =	sadd.s32 $0x15F400, s6;
	[dreg:$0x19] =	wrdreg s7  }
0x1b: {  	s13 =	simm.s32 $0x7D;
	s1 =	sadd.s32 $0x111200, s1;
	[dreg:$0x3] =	wrdreg s6  }
0x1c: {  	s11 =	simm.s32 $0x4;
	[dreg:$0x15] =	wrdreg s1;
	s1 =	sshll.u32 @!p0 s10, $0x6  }
0x1d: {  	s6 =	sadd.s32 s14, s2;
	s8 =	sor.u32 @!p0 $0x1C04, s1;
	s1 =	simm.s32 $0x14380  }
0x1e: {  	s9 =	sshrl.u32 @!p0 s6, $0x3;
	s6 =	simm.s32 $0x13C80;
	[dreg:$0x11] =	wrdreg s1  }
0x1f: {  	s12 =	simm.s32 $0x14080;
	s0 =	simm.s32 $0x14780;
	[dreg:$0x13] =	wrdreg s6  }
0x20: {  	s5 =	simm.s32 $0x14800;
	s10 =	simm.s32 $0x13880;
	[dreg:$0x17] =	wrdreg s8  }
0x21: {  	s14 =	simm.s32 $0x14880;
	s1 =	simm.s32 $0x14000;
	[dreg:$0x18] =	wrdreg s9  }
.LBB2_1:
0x22: {  	s6 =	rddreg [dreg:$0x14];
	s7 =	simm.s32 @!p0 $0x4  }
0x23: {  	[spmem:s9], [sflag:s8] =	dma.local @!p0 [hbm:s6], $0x3E80  }
0x24: {  	_ =	swait.ge @!p0 [sflag:s7], $0x3E80  }
0x25: {  	[sflag:s7] =	ssyncset.done @!p0 $0x0  }
0x26: {  	[sflag:s7] =	ssyncadd.s32 @!p0 $0xFFFFC180  }
0x27: {  	[bflag:$0x0] =	sbarrier.arrive $0xFFFF  }
0x28: {  	s6 =	rddreg [dreg:$0x3]  }
0x29: {  	s7 =	sadd.s32 $0x0, s6  }
0x2a: {  	[tilespmem:s10], [sflag:$0x4] =	stream.linear.gather [hbm4b:s7+s3], $0x800, $0x38;
	[tilespmem:$0x1C880] =	vst v63  }
0x2b: {  	_ =	swait.ge [sflag:s11], $0x800  }
0x2c: {  	s8 =	rddreg [dreg:$0x4];
	[sflag:s11] =	ssyncset.done $0x0  }
0x2d: {  	[sflag:s11] =	ssyncadd.s32 $0xFFFFF800;
	s7 =	sadd.s32 $0x0, s8  }
0x2e: {  	[tilespmem:s12], [sflag:$0x4] =	stream.linear.gather [hbm4b:s7+s3], $0x800, $0x38;
	[tilespmem:$0x1C880] =	vst v63  }
0x2f: {  	_ =	swait.ge [sflag:s11], $0x800  }
0x30: {  	[sflag:s11] =	ssyncset.done $0x0  }
0x31: {  	[sflag:s11] =	ssyncadd.s32 $0xFFFFF800  }
0x32: {  	[tilespmem:s14], [sflag:$0x1] =	stream.indirect.gather [hbm4b:s4+s13], $0x80, s10, s13, $0xb8;
	[tilespmem:$0x1C880] =	vst v63  }
0x33: {  	s9 =	rddreg [dreg:$0x5]  }
0x34: {  	[tilespmem:s15], [sflag:$0x1] =	stream.indirect.gather [hbm4b:s4+s13], $0x80, s9, s13, $0xb8;
	[tilespmem:$0x1C880] =	vst v63  }
0x35: {  	_ =	swait.ge [sflag:s16], $0x3E80  }
0x36: {  	[sflag:s16] =	ssyncset.done $0x0  }
0x37: {  	[sflag:s16] =	ssyncadd.s32 $0xFFFFC180  }
0x38: {  	[spmem:s2] =	stream.indirect.scatter.add.f32 [tilespmem:s14], [sflag:$0x2], $0x80, s12, s13, $0xb8;
	[tilespmem:$0x1C880] =	vst v63  }
0x39: {  	_ =	swait.ge [sflag:s16], $0x3E80  }
0x3a: {  	[sflag:s16] =	ssyncset.done $0x0  }
0x3b: {  	s6 =	rddreg [dreg:$0x6];
	[sflag:s16] =	ssyncadd.s32 $0xFFFFC180  }
0x3c: {  	[spmem:s2] =	stream.indirect.scatter.add.f32 [tilespmem:s15], [sflag:$0x3], $0x80, s6, s13, $0xb8;
	[tilespmem:$0x1C880] =	vst v63  }
0x3d: {  	_ =	swait.ge [sflag:s17], $0x3E80  }
0x3e: {  	[sflag:s17] =	ssyncset.done $0x0  }
0x3f: {  	s8 =	rddreg [dreg:$0x7];
	[sflag:s17] =	ssyncadd.s32 $0xFFFFC180  }
0x40: {  	[tilespmem:s14], [sflag:$0x1] =	stream.indirect.gather [hbm4b:s4+s13], $0x80, s8, s13, $0xb8;
	[tilespmem:$0x1C880] =	vst v63  }
0x41: {  	_ =	swait.ge [sflag:s18], $0x3E80  }
0x42: {  	[sflag:s18] =	ssyncset.done $0x0  }
0x43: {  	s9 =	rddreg [dreg:$0x8];
	[sflag:s18] =	ssyncadd.s32 $0xFFFFC180  }
0x44: {  	[tilespmem:s15], [sflag:$0x1] =	stream.indirect.gather [hbm4b:s4+s13], $0x80, s9, s13, $0xb8;
	[tilespmem:$0x1C880] =	vst v63  }
0x45: {  	_ =	swait.ge [sflag:s16], $0x3E80  }
0x46: {  	[sflag:s16] =	ssyncset.done $0x0  }
0x47: {  	s6 =	rddreg [dreg:$0x9];
	[sflag:s16] =	ssyncadd.s32 $0xFFFFC180  }
0x48: {  	[spmem:s2] =	stream.indirect.scatter.add.f32 [tilespmem:s14], [sflag:$0x2], $0x80, s6, s13, $0xb8;
	[tilespmem:$0x1C880] =	vst v63  }
0x49: {  	_ =	swait.ge [sflag:s16], $0x3E80  }
0x4a: {  	[sflag:s16] =	ssyncset.done $0x0  }
0x4b: {  	s8 =	rddreg [dreg:$0xa];
	[sflag:s16] =	ssyncadd.s32 $0xFFFFC180  }
0x4c: {  	[spmem:s2] =	stream.indirect.scatter.add.f32 [tilespmem:s15], [sflag:$0x3], $0x80, s8, s13, $0xb8;
	[tilespmem:$0x1C880] =	vst v63  }
0x4d: {  	_ =	swait.ge [sflag:s17], $0x3E80  }
0x4e: {  	[sflag:s17] =	ssyncset.done $0x0  }
0x4f: {  	[sflag:s17] =	ssyncadd.s32 $0xFFFFC180  }
0x50: {  	_ =	swait.ge [sflag:s18], $0x3E80  }
0x51: {  	[sflag:s18] =	ssyncset.done $0x0  }
0x52: {  	s9 =	rddreg [dreg:$0xb];
	[sflag:s18] =	ssyncadd.s32 $0xFFFFC180  }
0x53: {  	[tilespmem:s14], [sflag:$0x1] =	stream.indirect.gather [hbm4b:s4+s13], $0x80, s9, s13, $0xb8;
	[tilespmem:$0x1C880] =	vst v63  }
0x54: {  	s6 =	rddreg [dreg:$0xc]  }
0x55: {  	[tilespmem:s15], [sflag:$0x1] =	stream.indirect.gather [hbm4b:s4+s13], $0x80, s6, s13, $0xb8;
	[tilespmem:$0x1C880] =	vst v63  }
0x56: {  	_ =	swait.ge [sflag:s16], $0x3E80  }
0x57: {  	[sflag:s16] =	ssyncset.done $0x0  }
0x58: {  	s9 =	rddreg [dreg:$0xd];
	[sflag:s16] =	ssyncadd.s32 $0xFFFFC180  }
0x59: {  	[spmem:s2] =	stream.indirect.scatter.add.f32 [tilespmem:s14], [sflag:$0x2], $0x80, s9, s13, $0xb8;
	[tilespmem:$0x1C880] =	vst v63  }
0x5a: {  	_ =	swait.ge [sflag:s16], $0x3E80  }
0x5b: {  	[sflag:s16] =	ssyncset.done $0x0  }
0x5c: {  	s6 =	rddreg [dreg:$0xe];
	[sflag:s16] =	ssyncadd.s32 $0xFFFFC180  }
0x5d: {  	[spmem:s2] =	stream.indirect.scatter.add.f32 [tilespmem:s15], [sflag:$0x3], $0x80, s6, s13, $0xb8;
	[tilespmem:$0x1C880] =	vst v63  }
0x5e: {  	_ =	swait.ge [sflag:s17], $0x3E80  }
0x5f: {  	[sflag:s17] =	ssyncset.done $0x0  }
0x60: {  	s8 =	rddreg [dreg:$0xf];
	[sflag:s17] =	ssyncadd.s32 $0xFFFFC180  }
0x61: {  	[tilespmem:s14], [sflag:$0x1] =	stream.indirect.gather [hbm4b:s4+s13], $0x80, s8, s13, $0xb8;
	[tilespmem:$0x1C880] =	vst v63  }
0x62: {  	_ =	swait.ge [sflag:s18], $0x3E80  }
0x63: {  	[sflag:s18] =	ssyncset.done $0x0  }
0x64: {  	s9 =	rddreg [dreg:$0x10];
	[sflag:s18] =	ssyncadd.s32 $0xFFFFC180  }
0x65: {  	[tilespmem:s15], [sflag:$0x1] =	stream.indirect.gather [hbm4b:s4+s13], $0x80, s9, s13, $0xb8;
	[tilespmem:$0x1C880] =	vst v63  }
0x66: {  	_ =	swait.ge [sflag:s16], $0x3E80  }
0x67: {  	[sflag:s16] =	ssyncset.done $0x0  }
0x68: {  	s6 =	rddreg [dreg:$0x11];
	[sflag:s16] =	ssyncadd.s32 $0xFFFFC180  }
0x69: {  	[spmem:s2] =	stream.indirect.scatter.add.f32 [tilespmem:s14], [sflag:$0x2], $0x80, s6, s13, $0xb8;
	[tilespmem:$0x1C880] =	vst v63  }
0x6a: {  	_ =	swait.ge [sflag:s16], $0x3E80  }
0x6b: {  	[sflag:s16] =	ssyncset.done $0x0  }
0x6c: {  	s8 =	rddreg [dreg:$0x12];
	[sflag:s16] =	ssyncadd.s32 $0xFFFFC180  }
0x6d: {  	[spmem:s2] =	stream.indirect.scatter.add.f32 [tilespmem:s15], [sflag:$0x3], $0x80, s8, s13, $0xb8;
	[tilespmem:$0x1C880] =	vst v63  }
0x6e: {  	_ =	swait.ge [sflag:s17], $0x3E80  }
0x6f: {  	[sflag:s17] =	ssyncset.done $0x0  }
0x70: {  	[sflag:s17] =	ssyncadd.s32 $0xFFFFC180  }
0x71: {  	_ =	swait.ge [sflag:s18], $0x3E80  }
0x72: {  	[sflag:s18] =	ssyncset.done $0x0  }
0x73: {  	s9 =	rddreg [dreg:$0x13];
	[sflag:s18] =	ssyncadd.s32 $0xFFFFC180  }
0x74: {  	[tilespmem:s14], [sflag:$0x1] =	stream.indirect.gather [hbm4b:s4+s13], $0x80, s9, s13, $0xb8;
	[tilespmem:$0x1C880] =	vst v63  }
0x75: {  	_ = 	snop  }
0x76: {  	[tilespmem:s15], [sflag:$0x1] =	stream.indirect.gather [hbm4b:s4+s13], $0x80, s19, s13, $0xb8;
	[tilespmem:$0x1C880] =	vst v63  }
0x77: {  	_ =	swait.ge [sflag:s16], $0x3E80  }
0x78: {  	[sflag:s16] =	ssyncset.done $0x0  }
0x79: {  	[sflag:s16] =	ssyncadd.s32 $0xFFFFC180  }
0x7a: {  	[spmem:s2] =	stream.indirect.scatter.add.f32 [tilespmem:s14], [sflag:$0x2], $0x80, s20, s13, $0xb8;
	[tilespmem:$0x1C880] =	vst v63  }
0x7b: {  	_ =	swait.ge [sflag:s16], $0x3E80  }
0x7c: {  	[sflag:s16] =	ssyncset.done $0x0  }
0x7d: {  	[sflag:s16] =	ssyncadd.s32 $0xFFFFC180  }
0x7e: {  	[spmem:s2] =	stream.indirect.scatter.add.f32 [tilespmem:s15], [sflag:$0x3], $0x80, s21, s13, $0xb8;
	[tilespmem:$0x1C880] =	vst v63  }
0x7f: {  	_ =	swait.ge [sflag:s17], $0x3E80  }
0x80: {  	[sflag:s17] =	ssyncset.done $0x0  }
0x81: {  	[sflag:s17] =	ssyncadd.s32 $0xFFFFC180  }
0x82: {  	[tilespmem:s14], [sflag:$0x1] =	stream.indirect.gather [hbm4b:s4+s13], $0x80, s22, s13, $0xb8;
	[tilespmem:$0x1C880] =	vst v63  }
0x83: {  	_ =	swait.ge [sflag:s18], $0x3E80  }
0x84: {  	[sflag:s18] =	ssyncset.done $0x0  }
0x85: {  	[sflag:s18] =	ssyncadd.s32 $0xFFFFC180  }
0x86: {  	[tilespmem:s15], [sflag:$0x1] =	stream.indirect.gather [hbm4b:s4+s13], $0x80, s23, s13, $0xb8;
	[tilespmem:$0x1C880] =	vst v63  }
0x87: {  	_ =	swait.ge [sflag:s16], $0x3E80  }
0x88: {  	[sflag:s16] =	ssyncset.done $0x0  }
0x89: {  	[sflag:s16] =	ssyncadd.s32 $0xFFFFC180  }
0x8a: {  	[spmem:s2] =	stream.indirect.scatter.add.f32 [tilespmem:s14], [sflag:$0x2], $0x80, s24, s13, $0xb8;
	[tilespmem:$0x1C880] =	vst v63  }
0x8b: {  	_ =	swait.ge [sflag:s16], $0x3E80  }
0x8c: {  	[sflag:s16] =	ssyncset.done $0x0  }
0x8d: {  	[sflag:s16] =	ssyncadd.s32 $0xFFFFC180  }
0x8e: {  	[spmem:s2] =	stream.indirect.scatter.add.f32 [tilespmem:s15], [sflag:$0x3], $0x80, s25, s13, $0xb8;
	[tilespmem:$0x1C880] =	vst v63  }
0x8f: {  	_ =	swait.ge [sflag:s17], $0x3E80  }
0x90: {  	[sflag:s17] =	ssyncset.done $0x0  }
0x91: {  	[sflag:s17] =	ssyncadd.s32 $0xFFFFC180  }
0x92: {  	_ =	swait.ge [sflag:s18], $0x3E80  }
0x93: {  	[sflag:s18] =	ssyncset.done $0x0  }
0x94: {  	[sflag:s18] =	ssyncadd.s32 $0xFFFFC180  }
0x95: {  	[tilespmem:s14], [sflag:$0x1] =	stream.indirect.gather [hbm4b:s4+s13], $0x80, s26, s13, $0xb8;
	[tilespmem:$0x1C880] =	vst v63  }
0x96: {  	_ = 	snop  }
0x97: {  	[tilespmem:s15], [sflag:$0x1] =	stream.indirect.gather [hbm4b:s4+s13], $0x80, s28, s13, $0xb8;
	[tilespmem:$0x1C880] =	vst v63  }
0x98: {  	_ =	swait.ge [sflag:s16], $0x3E80  }
0x99: {  	[sflag:s16] =	ssyncset.done $0x0  }
0x9a: {  	[sflag:s16] =	ssyncadd.s32 $0xFFFFC180  }
0x9b: {  	[spmem:s2] =	stream.indirect.scatter.add.f32 [tilespmem:s14], [sflag:$0x2], $0x80, s29, s13, $0xb8;
	[tilespmem:$0x1C880] =	vst v63  }
0x9c: {  	_ =	swait.ge [sflag:s16], $0x3E80  }
0x9d: {  	[sflag:s16] =	ssyncset.done $0x0  }
0x9e: {  	[sflag:s16] =	ssyncadd.s32 $0xFFFFC180  }
0x9f: {  	[spmem:s2] =	stream.indirect.scatter.add.f32 [tilespmem:s15], [sflag:$0x3], $0x80, s30, s13, $0xb8;
	[tilespmem:$0x1C880] =	vst v63  }
0xa0: {  	_ =	swait.ge [sflag:s17], $0x3E80  }
0xa1: {  	[sflag:s17] =	ssyncset.done $0x0  }
0xa2: {  	[sflag:s17] =	ssyncadd.s32 $0xFFFFC180  }
0xa3: {  	[tilespmem:s14], [sflag:$0x1] =	stream.indirect.gather [hbm4b:s4+s13], $0x80, s31, s13, $0xb8;
	[tilespmem:$0x1C880] =	vst v63  }
0xa4: {  	_ =	swait.ge [sflag:s18], $0x3E80  }
0xa5: {  	[sflag:s18] =	ssyncset.done $0x0  }
0xa6: {  	[sflag:s18] =	ssyncadd.s32 $0xFFFFC180  }
0xa7: {  	[tilespmem:s15], [sflag:$0x1] =	stream.indirect.gather [hbm4b:s4+s13], $0x80, s1, s13, $0xb8;
	[tilespmem:$0x1C880] =	vst v63  }
0xa8: {  	_ =	swait.ge [sflag:s16], $0x3E80  }
0xa9: {  	[sflag:s16] =	ssyncset.done $0x0  }
0xaa: {  	[sflag:s16] =	ssyncadd.s32 $0xFFFFC180  }
0xab: {  	[spmem:s2] =	stream.indirect.scatter.add.f32 [tilespmem:s14], [sflag:$0x2], $0x80, s0, s13, $0xb8;
	[tilespmem:$0x1C880] =	vst v63  }
0xac: {  	_ =	swait.ge [sflag:s16], $0x3E80  }
0xad: {  	[sflag:s16] =	ssyncset.done $0x0  }
0xae: {  	[sflag:s16] =	ssyncadd.s32 $0xFFFFC180  }
0xaf: {  	[spmem:s2] =	stream.indirect.scatter.add.f32 [tilespmem:s15], [sflag:$0x3], $0x80, s5, s13, $0xb8;
	[tilespmem:$0x1C880] =	vst v63  }
0xb0: {  	_ =	swait.ge [sflag:s17], $0x3E80  }
0xb1: {  	[sflag:s17] =	ssyncset.done $0x0  }
0xb2: {  	[sflag:s17] =	ssyncadd.s32 $0xFFFFC180  }
0xb3: {  	s7 =	simm.s32 $0x100;
	_ =	swait.ge [sflag:s18], $0x3E80  }
0xb4: {  	s8 =	simm.s32 $0x200;
	s9 =	rddreg [dreg:$0x3];
	[sflag:s18] =	ssyncset.done $0x0  }
.LBB2_2:
0xb5: {  	[sflag:s18] =	ssyncadd.s32 $0xFFFFC180;
	s9 =	sadd.s32 s7, s9  }
0xb6: {  	[tilespmem:s10], [sflag:$0x4] =	stream.linear.gather [hbm4b:s9+s3], $0x800, $0x38;
	[tilespmem:$0x1C880] =	vst v63  }
0xb7: {  	_ =	swait.ge [sflag:s11], $0x800  }
0xb8: {  	s9 =	rddreg [dreg:$0x4];
	[sflag:s11] =	ssyncset.done $0x0  }
0xb9: {  	[sflag:s11] =	ssyncadd.s32 $0xFFFFF800;
	s9 =	sadd.s32 s7, s9  }
0xba: {  	[tilespmem:s12], [sflag:$0x4] =	stream.linear.gather [hbm4b:s9+s3], $0x800, $0x38;
	[tilespmem:$0x1C880] =	vst v63  }
0xbb: {  	_ =	swait.ge [sflag:s11], $0x800  }
0xbc: {  	[sflag:s11] =	ssyncset.done $0x0  }
0xbd: {  	[sflag:s11] =	ssyncadd.s32 $0xFFFFF800  }
0xbe: {  	[tilespmem:s14], [sflag:$0x1] =	stream.indirect.gather [hbm4b:s4+s13], $0x80, s10, s13, $0xb8;
	[tilespmem:$0x1C880] =	vst v63  }
0xbf: {  	s9 =	rddreg [dreg:$0x5]  }
0xc0: {  	[tilespmem:s15], [sflag:$0x1] =	stream.indirect.gather [hbm4b:s4+s13], $0x80, s9, s13, $0xb8;
	[tilespmem:$0x1C880] =	vst v63  }
0xc1: {  	_ =	swait.ge [sflag:s16], $0x3E80  }
0xc2: {  	[sflag:s16] =	ssyncset.done $0x0  }
0xc3: {  	[sflag:s16] =	ssyncadd.s32 $0xFFFFC180  }
0xc4: {  	[spmem:s2] =	stream.indirect.scatter.add.f32 [tilespmem:s14], [sflag:$0x2], $0x80, s12, s13, $0xb8;
	[tilespmem:$0x1C880] =	vst v63  }
0xc5: {  	_ =	swait.ge [sflag:s16], $0x3E80  }
0xc6: {  	[sflag:s16] =	ssyncset.done $0x0  }
0xc7: {  	s9 =	rddreg [dreg:$0x6];
	[sflag:s16] =	ssyncadd.s32 $0xFFFFC180  }
0xc8: {  	[spmem:s2] =	stream.indirect.scatter.add.f32 [tilespmem:s15], [sflag:$0x3], $0x80, s9, s13, $0xb8;
	[tilespmem:$0x1C880] =	vst v63  }
0xc9: {  	_ =	swait.ge [sflag:s17], $0x3E80  }
0xca: {  	[sflag:s17] =	ssyncset.done $0x0  }
0xcb: {  	s9 =	rddreg [dreg:$0x7];
	[sflag:s17] =	ssyncadd.s32 $0xFFFFC180  }
0xcc: {  	[tilespmem:s14], [sflag:$0x1] =	stream.indirect.gather [hbm4b:s4+s13], $0x80, s9, s13, $0xb8;
	[tilespmem:$0x1C880] =	vst v63  }
0xcd: {  	_ =	swait.ge [sflag:s18], $0x3E80  }
0xce: {  	[sflag:s18] =	ssyncset.done $0x0  }
0xcf: {  	s9 =	rddreg [dreg:$0x8];
	[sflag:s18] =	ssyncadd.s32 $0xFFFFC180  }
0xd0: {  	[tilespmem:s15], [sflag:$0x1] =	stream.indirect.gather [hbm4b:s4+s13], $0x80, s9, s13, $0xb8;
	[tilespmem:$0x1C880] =	vst v63  }
0xd1: {  	_ =	swait.ge [sflag:s16], $0x3E80  }
0xd2: {  	[sflag:s16] =	ssyncset.done $0x0  }
0xd3: {  	s9 =	rddreg [dreg:$0x9];
	[sflag:s16] =	ssyncadd.s32 $0xFFFFC180  }
0xd4: {  	[spmem:s2] =	stream.indirect.scatter.add.f32 [tilespmem:s14], [sflag:$0x2], $0x80, s9, s13, $0xb8;
	[tilespmem:$0x1C880] =	vst v63  }
0xd5: {  	_ =	swait.ge [sflag:s16], $0x3E80  }
0xd6: {  	[sflag:s16] =	ssyncset.done $0x0  }
0xd7: {  	s9 =	rddreg [dreg:$0xa];
	[sflag:s16] =	ssyncadd.s32 $0xFFFFC180  }
0xd8: {  	[spmem:s2] =	stream.indirect.scatter.add.f32 [tilespmem:s15], [sflag:$0x3], $0x80, s9, s13, $0xb8;
	[tilespmem:$0x1C880] =	vst v63  }
0xd9: {  	_ =	swait.ge [sflag:s17], $0x3E80  }
0xda: {  	[sflag:s17] =	ssyncset.done $0x0  }
0xdb: {  	[sflag:s17] =	ssyncadd.s32 $0xFFFFC180  }
0xdc: {  	_ =	swait.ge [sflag:s18], $0x3E80  }
0xdd: {  	s6 =	smov.u32 s8;
	[sflag:s18] =	ssyncset.done $0x0  }
0xde: {  	s7 =	smov.u32 s6;
	s6 =	rddreg [dreg:$0xb];
	[sflag:s18] =	ssyncadd.s32 $0xFFFFC180  }
0xdf: {  	[tilespmem:s14], [sflag:$0x1] =	stream.indirect.gather [hbm4b:s4+s13], $0x80, s6, s13, $0xb8;
	[tilespmem:$0x1C880] =	vst v63  }
0xe0: {  	s9 =	rddreg [dreg:$0xc]  }
0xe1: {  	[tilespmem:s15], [sflag:$0x1] =	stream.indirect.gather [hbm4b:s4+s13], $0x80, s9, s13, $0xb8;
	[tilespmem:$0x1C880] =	vst v63  }
0xe2: {  	_ =	swait.ge [sflag:s16], $0x3E80  }
0xe3: {  	[sflag:s16] =	ssyncset.done $0x0  }
0xe4: {  	s9 =	rddreg [dreg:$0xd];
	[sflag:s16] =	ssyncadd.s32 $0xFFFFC180  }
0xe5: {  	[spmem:s2] =	stream.indirect.scatter.add.f32 [tilespmem:s14], [sflag:$0x2], $0x80, s9, s13, $0xb8;
	[tilespmem:$0x1C880] =	vst v63  }
0xe6: {  	_ =	swait.ge [sflag:s16], $0x3E80  }
0xe7: {  	[sflag:s16] =	ssyncset.done $0x0  }
0xe8: {  	s9 =	rddreg [dreg:$0xe];
	[sflag:s16] =	ssyncadd.s32 $0xFFFFC180  }
0xe9: {  	[spmem:s2] =	stream.indirect.scatter.add.f32 [tilespmem:s15], [sflag:$0x3], $0x80, s9, s13, $0xb8;
	[tilespmem:$0x1C880] =	vst v63  }
0xea: {  	_ =	swait.ge [sflag:s17], $0x3E80  }
0xeb: {  	[sflag:s17] =	ssyncset.done $0x0  }
0xec: {  	s9 =	rddreg [dreg:$0xf];
	[sflag:s17] =	ssyncadd.s32 $0xFFFFC180  }
0xed: {  	[tilespmem:s14], [sflag:$0x1] =	stream.indirect.gather [hbm4b:s4+s13], $0x80, s9, s13, $0xb8;
	[tilespmem:$0x1C880] =	vst v63  }
0xee: {  	_ =	swait.ge [sflag:s18], $0x3E80  }
0xef: {  	[sflag:s18] =	ssyncset.done $0x0  }
0xf0: {  	s9 =	rddreg [dreg:$0x10];
	[sflag:s18] =	ssyncadd.s32 $0xFFFFC180  }
0xf1: {  	[tilespmem:s15], [sflag:$0x1] =	stream.indirect.gather [hbm4b:s4+s13], $0x80, s9, s13, $0xb8;
	[tilespmem:$0x1C880] =	vst v63  }
0xf2: {  	_ =	swait.ge [sflag:s16], $0x3E80  }
0xf3: {  	[sflag:s16] =	ssyncset.done $0x0  }
0xf4: {  	s9 =	rddreg [dreg:$0x11];
	[sflag:s16] =	ssyncadd.s32 $0xFFFFC180  }
0xf5: {  	[spmem:s2] =	stream.indirect.scatter.add.f32 [tilespmem:s14], [sflag:$0x2], $0x80, s9, s13, $0xb8;
	[tilespmem:$0x1C880] =	vst v63  }
0xf6: {  	_ =	swait.ge [sflag:s16], $0x3E80  }
0xf7: {  	[sflag:s16] =	ssyncset.done $0x0  }
0xf8: {  	s9 =	rddreg [dreg:$0x12];
	[sflag:s16] =	ssyncadd.s32 $0xFFFFC180  }
0xf9: {  	[spmem:s2] =	stream.indirect.scatter.add.f32 [tilespmem:s15], [sflag:$0x3], $0x80, s9, s13, $0xb8;
	[tilespmem:$0x1C880] =	vst v63  }
0xfa: {  	_ =	swait.ge [sflag:s17], $0x3E80  }
0xfb: {  	[sflag:s17] =	ssyncset.done $0x0  }
0xfc: {  	[sflag:s17] =	ssyncadd.s32 $0xFFFFC180  }
0xfd: {  	_ =	swait.ge [sflag:s18], $0x3E80  }
0xfe: {  	[sflag:s18] =	ssyncset.done $0x0  }
0xff: {  	s9 =	rddreg [dreg:$0x13];
	[sflag:s18] =	ssyncadd.s32 $0xFFFFC180  }
0x100: {  	[tilespmem:s14], [sflag:$0x1] =	stream.indirect.gather [hbm4b:s4+s13], $0x80, s9, s13, $0xb8;
	[tilespmem:$0x1C880] =	vst v63  }
0x101: {  	_ = 	snop  }
0x102: {  	[tilespmem:s15], [sflag:$0x1] =	stream.indirect.gather [hbm4b:s4+s13], $0x80, s19, s13, $0xb8;
	[tilespmem:$0x1C880] =	vst v63  }
0x103: {  	_ =	swait.ge [sflag:s16], $0x3E80  }
0x104: {  	[sflag:s16] =	ssyncset.done $0x0  }
0x105: {  	[sflag:s16] =	ssyncadd.s32 $0xFFFFC180  }
0x106: {  	[spmem:s2] =	stream.indirect.scatter.add.f32 [tilespmem:s14], [sflag:$0x2], $0x80, s20, s13, $0xb8;
	[tilespmem:$0x1C880] =	vst v63  }
0x107: {  	_ =	swait.ge [sflag:s16], $0x3E80  }
0x108: {  	[sflag:s16] =	ssyncset.done $0x0  }
0x109: {  	[sflag:s16] =	ssyncadd.s32 $0xFFFFC180  }
0x10a: {  	[spmem:s2] =	stream.indirect.scatter.add.f32 [tilespmem:s15], [sflag:$0x3], $0x80, s21, s13, $0xb8;
	[tilespmem:$0x1C880] =	vst v63  }
0x10b: {  	_ =	swait.ge [sflag:s17], $0x3E80  }
0x10c: {  	[sflag:s17] =	ssyncset.done $0x0  }
0x10d: {  	[sflag:s17] =	ssyncadd.s32 $0xFFFFC180  }
0x10e: {  	[tilespmem:s14], [sflag:$0x1] =	stream.indirect.gather [hbm4b:s4+s13], $0x80, s22, s13, $0xb8;
	[tilespmem:$0x1C880] =	vst v63  }
0x10f: {  	_ =	swait.ge [sflag:s18], $0x3E80  }
0x110: {  	[sflag:s18] =	ssyncset.done $0x0  }
0x111: {  	[sflag:s18] =	ssyncadd.s32 $0xFFFFC180  }
0x112: {  	[tilespmem:s15], [sflag:$0x1] =	stream.indirect.gather [hbm4b:s4+s13], $0x80, s23, s13, $0xb8;
	[tilespmem:$0x1C880] =	vst v63  }
0x113: {  	_ =	swait.ge [sflag:s16], $0x3E80  }
0x114: {  	[sflag:s16] =	ssyncset.done $0x0  }
0x115: {  	[sflag:s16] =	ssyncadd.s32 $0xFFFFC180  }
0x116: {  	[spmem:s2] =	stream.indirect.scatter.add.f32 [tilespmem:s14], [sflag:$0x2], $0x80, s24, s13, $0xb8;
	[tilespmem:$0x1C880] =	vst v63  }
0x117: {  	_ =	swait.ge [sflag:s16], $0x3E80  }
0x118: {  	[sflag:s16] =	ssyncset.done $0x0  }
0x119: {  	[sflag:s16] =	ssyncadd.s32 $0xFFFFC180  }
0x11a: {  	[spmem:s2] =	stream.indirect.scatter.add.f32 [tilespmem:s15], [sflag:$0x3], $0x80, s25, s13, $0xb8;
	[tilespmem:$0x1C880] =	vst v63  }
0x11b: {  	_ =	swait.ge [sflag:s17], $0x3E80  }
0x11c: {  	[sflag:s17] =	ssyncset.done $0x0  }
0x11d: {  	[sflag:s17] =	ssyncadd.s32 $0xFFFFC180  }
0x11e: {  	_ =	swait.ge [sflag:s18], $0x3E80  }
0x11f: {  	[sflag:s18] =	ssyncset.done $0x0  }
0x120: {  	[sflag:s18] =	ssyncadd.s32 $0xFFFFC180  }
0x121: {  	[tilespmem:s14], [sflag:$0x1] =	stream.indirect.gather [hbm4b:s4+s13], $0x80, s26, s13, $0xb8;
	[tilespmem:$0x1C880] =	vst v63  }
0x122: {  	_ = 	snop  }
0x123: {  	[tilespmem:s15], [sflag:$0x1] =	stream.indirect.gather [hbm4b:s4+s13], $0x80, s28, s13, $0xb8;
	[tilespmem:$0x1C880] =	vst v63  }
0x124: {  	_ =	swait.ge [sflag:s16], $0x3E80  }
0x125: {  	[sflag:s16] =	ssyncset.done $0x0  }
0x126: {  	[sflag:s16] =	ssyncadd.s32 $0xFFFFC180  }
0x127: {  	[spmem:s2] =	stream.indirect.scatter.add.f32 [tilespmem:s14], [sflag:$0x2], $0x80, s29, s13, $0xb8;
	[tilespmem:$0x1C880] =	vst v63  }
0x128: {  	_ =	swait.ge [sflag:s16], $0x3E80  }
0x129: {  	[sflag:s16] =	ssyncset.done $0x0  }
0x12a: {  	[sflag:s16] =	ssyncadd.s32 $0xFFFFC180  }
0x12b: {  	[spmem:s2] =	stream.indirect.scatter.add.f32 [tilespmem:s15], [sflag:$0x3], $0x80, s30, s13, $0xb8;
	[tilespmem:$0x1C880] =	vst v63  }
0x12c: {  	_ =	swait.ge [sflag:s17], $0x3E80  }
0x12d: {  	[sflag:s17] =	ssyncset.done $0x0  }
0x12e: {  	[sflag:s17] =	ssyncadd.s32 $0xFFFFC180  }
0x12f: {  	[tilespmem:s14], [sflag:$0x1] =	stream.indirect.gather [hbm4b:s4+s13], $0x80, s31, s13, $0xb8;
	[tilespmem:$0x1C880] =	vst v63  }
0x130: {  	_ =	swait.ge [sflag:s18], $0x3E80  }
0x131: {  	[sflag:s18] =	ssyncset.done $0x0  }
0x132: {  	[sflag:s18] =	ssyncadd.s32 $0xFFFFC180  }
0x133: {  	[tilespmem:s15], [sflag:$0x1] =	stream.indirect.gather [hbm4b:s4+s13], $0x80, s1, s13, $0xb8;
	[tilespmem:$0x1C880] =	vst v63  }
0x134: {  	_ =	swait.ge [sflag:s16], $0x3E80  }
0x135: {  	[sflag:s16] =	ssyncset.done $0x0  }
0x136: {  	[sflag:s16] =	ssyncadd.s32 $0xFFFFC180  }
0x137: {  	[spmem:s2] =	stream.indirect.scatter.add.f32 [tilespmem:s14], [sflag:$0x2], $0x80, s0, s13, $0xb8;
	[tilespmem:$0x1C880] =	vst v63  }
0x138: {  	_ =	swait.ge [sflag:s16], $0x3E80  }
0x139: {  	[sflag:s16] =	ssyncset.done $0x0  }
0x13a: {  	p1 =	sne.s32 s8, $0x400;
	[sflag:s16] =	ssyncadd.s32 $0xFFFFC180  }
0x13b: {  	[spmem:s2] =	stream.indirect.scatter.add.f32 [tilespmem:s15], [sflag:$0x3], $0x80, s5, s13, $0xb8;
	[tilespmem:$0x1C880] =	vst v63  }
.Ltmp0:
0x13c: {  	_ =	swait.ge [sflag:s17], $0x3E80;
	(pc) =	sbr.rel @p1 .LBB2_2-.Ltmp0, $4  }
0x13d: {  	[sflag:s17] =	ssyncset.done $0x0  }
0x13e: {  	[sflag:s17] =	ssyncadd.s32 $0xFFFFC180  }
0x13f: {  	_ =	swait.ge [sflag:s18], $0x3E80  }
0x140: {  	s8 =	sadd.s32 $0x100, s8;
	s9 =	rddreg [dreg:$0x3];
	[sflag:s18] =	ssyncset.done $0x0  }
0x141: {  	[sflag:s18] =	ssyncadd.s32 $0xFFFFC180;
	s6 =	sadd.s32 s7, s9  }
0x142: {  	[tilespmem:s10], [sflag:$0x4] =	stream.linear.gather [hbm4b:s6+s3], $0x800, $0x38;
	[tilespmem:$0x1C880] =	vst v63  }
0x143: {  	_ =	swait.ge [sflag:s11], $0x800  }
0x144: {  	s9 =	rddreg [dreg:$0x4];
	[sflag:s11] =	ssyncset.done $0x0  }
0x145: {  	[sflag:s11] =	ssyncadd.s32 $0xFFFFF800;
	s6 =	sadd.s32 s7, s9  }
0x146: {  	[tilespmem:s12], [sflag:$0x4] =	stream.linear.gather [hbm4b:s6+s3], $0x800, $0x38;
	[tilespmem:$0x1C880] =	vst v63  }
0x147: {  	_ =	swait.ge [sflag:s11], $0x800  }
0x148: {  	[sflag:s11] =	ssyncset.done $0x0  }
0x149: {  	[sflag:s11] =	ssyncadd.s32 $0xFFFFF800  }
0x14a: {  	[tilespmem:s14], [sflag:$0x1] =	stream.indirect.gather [hbm4b:s4+s13], $0x80, s10, s13, $0xb8;
	[tilespmem:$0x1C880] =	vst v63  }
0x14b: {  	s7 =	rddreg [dreg:$0x5]  }
0x14c: {  	[tilespmem:s15], [sflag:$0x1] =	stream.indirect.gather [hbm4b:s4+s13], $0x80, s7, s13, $0xb8;
	[tilespmem:$0x1C880] =	vst v63  }
0x14d: {  	_ =	swait.ge [sflag:s16], $0x3E80  }
0x14e: {  	[sflag:s16] =	ssyncset.done $0x0  }
0x14f: {  	[sflag:s16] =	ssyncadd.s32 $0xFFFFC180  }
0x150: {  	[spmem:s2] =	stream.indirect.scatter.add.f32 [tilespmem:s14], [sflag:$0x2], $0x80, s12, s13, $0xb8;
	[tilespmem:$0x1C880] =	vst v63  }
0x151: {  	_ =	swait.ge [sflag:s16], $0x3E80  }
0x152: {  	[sflag:s16] =	ssyncset.done $0x0  }
0x153: {  	s8 =	rddreg [dreg:$0x6];
	[sflag:s16] =	ssyncadd.s32 $0xFFFFC180  }
0x154: {  	[spmem:s2] =	stream.indirect.scatter.add.f32 [tilespmem:s15], [sflag:$0x3], $0x80, s8, s13, $0xb8;
	[tilespmem:$0x1C880] =	vst v63  }
0x155: {  	_ =	swait.ge [sflag:s17], $0x3E80  }
0x156: {  	[sflag:s17] =	ssyncset.done $0x0  }
0x157: {  	s9 =	rddreg [dreg:$0x7];
	[sflag:s17] =	ssyncadd.s32 $0xFFFFC180  }
0x158: {  	[tilespmem:s14], [sflag:$0x1] =	stream.indirect.gather [hbm4b:s4+s13], $0x80, s9, s13, $0xb8;
	[tilespmem:$0x1C880] =	vst v63  }
0x159: {  	_ =	swait.ge [sflag:s18], $0x3E80  }
0x15a: {  	[sflag:s18] =	ssyncset.done $0x0  }
0x15b: {  	s7 =	rddreg [dreg:$0x8];
	[sflag:s18] =	ssyncadd.s32 $0xFFFFC180  }
0x15c: {  	[tilespmem:s15], [sflag:$0x1] =	stream.indirect.gather [hbm4b:s4+s13], $0x80, s7, s13, $0xb8;
	[tilespmem:$0x1C880] =	vst v63  }
0x15d: {  	_ =	swait.ge [sflag:s16], $0x3E80  }
0x15e: {  	[sflag:s16] =	ssyncset.done $0x0  }
0x15f: {  	s8 =	rddreg [dreg:$0x9];
	[sflag:s16] =	ssyncadd.s32 $0xFFFFC180  }
0x160: {  	[spmem:s2] =	stream.indirect.scatter.add.f32 [tilespmem:s14], [sflag:$0x2], $0x80, s8, s13, $0xb8;
	[tilespmem:$0x1C880] =	vst v63  }
0x161: {  	_ =	swait.ge [sflag:s16], $0x3E80  }
0x162: {  	[sflag:s16] =	ssyncset.done $0x0  }
0x163: {  	s9 =	rddreg [dreg:$0xa];
	[sflag:s16] =	ssyncadd.s32 $0xFFFFC180  }
0x164: {  	[spmem:s2] =	stream.indirect.scatter.add.f32 [tilespmem:s15], [sflag:$0x3], $0x80, s9, s13, $0xb8;
	[tilespmem:$0x1C880] =	vst v63  }
0x165: {  	_ =	swait.ge [sflag:s17], $0x3E80  }
0x166: {  	[sflag:s17] =	ssyncset.done $0x0  }
0x167: {  	[sflag:s17] =	ssyncadd.s32 $0xFFFFC180  }
0x168: {  	_ =	swait.ge [sflag:s18], $0x3E80  }
0x169: {  	[sflag:s18] =	ssyncset.done $0x0  }
0x16a: {  	s7 =	rddreg [dreg:$0xb];
	[sflag:s18] =	ssyncadd.s32 $0xFFFFC180  }
0x16b: {  	[tilespmem:s14], [sflag:$0x1] =	stream.indirect.gather [hbm4b:s4+s13], $0x80, s7, s13, $0xb8;
	[tilespmem:$0x1C880] =	vst v63  }
0x16c: {  	s8 =	rddreg [dreg:$0xc]  }
0x16d: {  	[tilespmem:s15], [sflag:$0x1] =	stream.indirect.gather [hbm4b:s4+s13], $0x80, s8, s13, $0xb8;
	[tilespmem:$0x1C880] =	vst v63  }
0x16e: {  	_ =	swait.ge [sflag:s16], $0x3E80  }
0x16f: {  	[sflag:s16] =	ssyncset.done $0x0  }
0x170: {  	s9 =	rddreg [dreg:$0xd];
	[sflag:s16] =	ssyncadd.s32 $0xFFFFC180  }
0x171: {  	[spmem:s2] =	stream.indirect.scatter.add.f32 [tilespmem:s14], [sflag:$0x2], $0x80, s9, s13, $0xb8;
	[tilespmem:$0x1C880] =	vst v63  }
0x172: {  	_ =	swait.ge [sflag:s16], $0x3E80  }
0x173: {  	[sflag:s16] =	ssyncset.done $0x0  }
0x174: {  	s7 =	rddreg [dreg:$0xe];
	[sflag:s16] =	ssyncadd.s32 $0xFFFFC180  }
0x175: {  	[spmem:s2] =	stream.indirect.scatter.add.f32 [tilespmem:s15], [sflag:$0x3], $0x80, s7, s13, $0xb8;
	[tilespmem:$0x1C880] =	vst v63  }
0x176: {  	_ =	swait.ge [sflag:s17], $0x3E80  }
0x177: {  	[sflag:s17] =	ssyncset.done $0x0  }
0x178: {  	s8 =	rddreg [dreg:$0xf];
	[sflag:s17] =	ssyncadd.s32 $0xFFFFC180  }
0x179: {  	[tilespmem:s14], [sflag:$0x1] =	stream.indirect.gather [hbm4b:s4+s13], $0x80, s8, s13, $0xb8;
	[tilespmem:$0x1C880] =	vst v63  }
0x17a: {  	_ =	swait.ge [sflag:s18], $0x3E80  }
0x17b: {  	[sflag:s18] =	ssyncset.done $0x0  }
0x17c: {  	s9 =	rddreg [dreg:$0x10];
	[sflag:s18] =	ssyncadd.s32 $0xFFFFC180  }
0x17d: {  	[tilespmem:s15], [sflag:$0x1] =	stream.indirect.gather [hbm4b:s4+s13], $0x80, s9, s13, $0xb8;
	[tilespmem:$0x1C880] =	vst v63  }
0x17e: {  	_ =	swait.ge [sflag:s16], $0x3E80  }
0x17f: {  	[sflag:s16] =	ssyncset.done $0x0  }
0x180: {  	s7 =	rddreg [dreg:$0x11];
	[sflag:s16] =	ssyncadd.s32 $0xFFFFC180  }
0x181: {  	[spmem:s2] =	stream.indirect.scatter.add.f32 [tilespmem:s14], [sflag:$0x2], $0x80, s7, s13, $0xb8;
	[tilespmem:$0x1C880] =	vst v63  }
0x182: {  	_ =	swait.ge [sflag:s16], $0x3E80  }
0x183: {  	[sflag:s16] =	ssyncset.done $0x0  }
0x184: {  	s8 =	rddreg [dreg:$0x12];
	[sflag:s16] =	ssyncadd.s32 $0xFFFFC180  }
0x185: {  	[spmem:s2] =	stream.indirect.scatter.add.f32 [tilespmem:s15], [sflag:$0x3], $0x80, s8, s13, $0xb8;
	[tilespmem:$0x1C880] =	vst v63  }
0x186: {  	_ =	swait.ge [sflag:s17], $0x3E80  }
0x187: {  	[sflag:s17] =	ssyncset.done $0x0  }
0x188: {  	[sflag:s17] =	ssyncadd.s32 $0xFFFFC180  }
0x189: {  	_ =	swait.ge [sflag:s18], $0x3E80  }
0x18a: {  	[sflag:s18] =	ssyncset.done $0x0  }
0x18b: {  	s9 =	rddreg [dreg:$0x13];
	[sflag:s18] =	ssyncadd.s32 $0xFFFFC180  }
0x18c: {  	[tilespmem:s14], [sflag:$0x1] =	stream.indirect.gather [hbm4b:s4+s13], $0x80, s9, s13, $0xb8;
	[tilespmem:$0x1C880] =	vst v63  }
0x18d: {  	_ = 	snop  }
0x18e: {  	[tilespmem:s15], [sflag:$0x1] =	stream.indirect.gather [hbm4b:s4+s13], $0x80, s19, s13, $0xb8;
	[tilespmem:$0x1C880] =	vst v63  }
0x18f: {  	_ =	swait.ge [sflag:s16], $0x3E80  }
0x190: {  	[sflag:s16] =	ssyncset.done $0x0  }
0x191: {  	[sflag:s16] =	ssyncadd.s32 $0xFFFFC180  }
0x192: {  	[spmem:s2] =	stream.indirect.scatter.add.f32 [tilespmem:s14], [sflag:$0x2], $0x80, s20, s13, $0xb8;
	[tilespmem:$0x1C880] =	vst v63  }
0x193: {  	_ =	swait.ge [sflag:s16], $0x3E80  }
0x194: {  	[sflag:s16] =	ssyncset.done $0x0  }
0x195: {  	[sflag:s16] =	ssyncadd.s32 $0xFFFFC180  }
0x196: {  	[spmem:s2] =	stream.indirect.scatter.add.f32 [tilespmem:s15], [sflag:$0x3], $0x80, s21, s13, $0xb8;
	[tilespmem:$0x1C880] =	vst v63  }
0x197: {  	_ =	swait.ge [sflag:s17], $0x3E80  }
0x198: {  	[sflag:s17] =	ssyncset.done $0x0  }
0x199: {  	[sflag:s17] =	ssyncadd.s32 $0xFFFFC180  }
0x19a: {  	[tilespmem:s14], [sflag:$0x1] =	stream.indirect.gather [hbm4b:s4+s13], $0x80, s22, s13, $0xb8;
	[tilespmem:$0x1C880] =	vst v63  }
0x19b: {  	_ =	swait.ge [sflag:s18], $0x3E80  }
0x19c: {  	[sflag:s18] =	ssyncset.done $0x0  }
0x19d: {  	[sflag:s18] =	ssyncadd.s32 $0xFFFFC180  }
0x19e: {  	[tilespmem:s15], [sflag:$0x1] =	stream.indirect.gather [hbm4b:s4+s13], $0x80, s23, s13, $0xb8;
	[tilespmem:$0x1C880] =	vst v63  }
0x19f: {  	_ =	swait.ge [sflag:s16], $0x3E80  }
0x1a0: {  	[sflag:s16] =	ssyncset.done $0x0  }
0x1a1: {  	[sflag:s16] =	ssyncadd.s32 $0xFFFFC180  }
0x1a2: {  	[spmem:s2] =	stream.indirect.scatter.add.f32 [tilespmem:s14], [sflag:$0x2], $0x80, s24, s13, $0xb8;
	[tilespmem:$0x1C880] =	vst v63  }
0x1a3: {  	_ =	swait.ge [sflag:s16], $0x3E80  }
0x1a4: {  	[sflag:s16] =	ssyncset.done $0x0  }
0x1a5: {  	[sflag:s16] =	ssyncadd.s32 $0xFFFFC180  }
0x1a6: {  	[spmem:s2] =	stream.indirect.scatter.add.f32 [tilespmem:s15], [sflag:$0x3], $0x80, s25, s13, $0xb8;
	[tilespmem:$0x1C880] =	vst v63  }
0x1a7: {  	_ =	swait.ge [sflag:s17], $0x3E80  }
0x1a8: {  	[sflag:s17] =	ssyncset.done $0x0  }
0x1a9: {  	[sflag:s17] =	ssyncadd.s32 $0xFFFFC180  }
0x1aa: {  	_ =	swait.ge [sflag:s18], $0x3E80  }
0x1ab: {  	[sflag:s18] =	ssyncset.done $0x0  }
0x1ac: {  	[sflag:s18] =	ssyncadd.s32 $0xFFFFC180  }
0x1ad: {  	[tilespmem:s14], [sflag:$0x1] =	stream.indirect.gather [hbm4b:s4+s13], $0x80, s26, s13, $0xb8;
	[tilespmem:$0x1C880] =	vst v63  }
0x1ae: {  	_ = 	snop  }
0x1af: {  	[tilespmem:s15], [sflag:$0x1] =	stream.indirect.gather [hbm4b:s4+s13], $0x80, s28, s13, $0xb8;
	[tilespmem:$0x1C880] =	vst v63  }
0x1b0: {  	_ =	swait.ge [sflag:s16], $0x3E80  }
0x1b1: {  	[sflag:s16] =	ssyncset.done $0x0  }
0x1b2: {  	[sflag:s16] =	ssyncadd.s32 $0xFFFFC180  }
0x1b3: {  	[spmem:s2] =	stream.indirect.scatter.add.f32 [tilespmem:s14], [sflag:$0x2], $0x80, s29, s13, $0xb8;
	[tilespmem:$0x1C880] =	vst v63  }
0x1b4: {  	_ =	swait.ge [sflag:s16], $0x3E80  }
0x1b5: {  	[sflag:s16] =	ssyncset.done $0x0  }
0x1b6: {  	[sflag:s16] =	ssyncadd.s32 $0xFFFFC180  }
0x1b7: {  	[spmem:s2] =	stream.indirect.scatter.add.f32 [tilespmem:s15], [sflag:$0x3], $0x80, s30, s13, $0xb8;
	[tilespmem:$0x1C880] =	vst v63  }
0x1b8: {  	_ =	swait.ge [sflag:s17], $0x3E80  }
0x1b9: {  	[sflag:s17] =	ssyncset.done $0x0  }
0x1ba: {  	[sflag:s17] =	ssyncadd.s32 $0xFFFFC180  }
0x1bb: {  	[tilespmem:s14], [sflag:$0x1] =	stream.indirect.gather [hbm4b:s4+s13], $0x80, s31, s13, $0xb8;
	[tilespmem:$0x1C880] =	vst v63  }
0x1bc: {  	_ =	swait.ge [sflag:s18], $0x3E80  }
0x1bd: {  	[sflag:s18] =	ssyncset.done $0x0  }
0x1be: {  	[sflag:s18] =	ssyncadd.s32 $0xFFFFC180  }
0x1bf: {  	[tilespmem:s15], [sflag:$0x1] =	stream.indirect.gather [hbm4b:s4+s13], $0x80, s1, s13, $0xb8;
	[tilespmem:$0x1C880] =	vst v63  }
0x1c0: {  	_ =	swait.ge [sflag:s16], $0x3E80  }
0x1c1: {  	[sflag:s16] =	ssyncset.done $0x0  }
0x1c2: {  	[sflag:s16] =	ssyncadd.s32 $0xFFFFC180  }
0x1c3: {  	[spmem:s2] =	stream.indirect.scatter.add.f32 [tilespmem:s14], [sflag:$0x2], $0x80, s0, s13, $0xb8;
	[tilespmem:$0x1C880] =	vst v63  }
0x1c4: {  	_ =	swait.ge [sflag:s16], $0x3E80  }
0x1c5: {  	[sflag:s16] =	ssyncset.done $0x0  }
0x1c6: {  	[sflag:s16] =	ssyncadd.s32 $0xFFFFC180  }
0x1c7: {  	[spmem:s2] =	stream.indirect.scatter.add.f32 [tilespmem:s15], [sflag:$0x3], $0x80, s5, s13, $0xb8;
	[tilespmem:$0x1C880] =	vst v63  }
0x1c8: {  	_ =	swait.ge [sflag:s17], $0x3E80  }
0x1c9: {  	[sflag:s17] =	ssyncset.done $0x0  }
0x1ca: {  	[sflag:s17] =	ssyncadd.s32 $0xFFFFC180  }
0x1cb: {  	_ =	swait.ge [sflag:s18], $0x3E80  }
0x1cc: {  	[sflag:s18] =	ssyncset.done $0x0  }
0x1cd: {  	[sflag:s18] =	ssyncadd.s32 $0xFFFFC180  }
0x1ce: {  	[bflag:$0x0] =	sbarrier.arrive $0xFFFF  }
0x1cf: {  	s6 =	rddreg [dreg:$0x15]  }
0x1d0: {  	s8 =	rddreg [dreg:$0x17]  }
0x1d1: {  	s7 =	simm.s32 @!p0 $0x4;
	s9 =	rddreg [dreg:$0x18]  }
0x1d2: {  	[hbm:s6], [sflag:s8] =	dma.local @!p0 [spmem:s9], $0x3E80  }
0x1d3: {  	_ =	swait.ge @!p0 [sflag:s7], $0x3E80  }
0x1d4: {  	s6 =	rddreg [dreg:$0x19]  }
0x1d5: {  	[sflag:s7] =	ssyncset.done @!p0 $0x0;
	s7 =	rddreg [dreg:$0x16];
	s6 =	sadd.s32 $0x1, s6  }
0x1d6: {  	p1 =	sne.s32 s6, s7  }
.Ltmp1:
0x1d7: {  	_ = 	snop;
	(pc) =	sbr.rel @p1 .LBB2_1-.Ltmp1, $3  }
0x1d8: {  	_ =	sdelay $0x1  }
0x1d9: {  	[dreg:$0x19] =	wrdreg s6;
	s6 =	simm.s32 @!p0 $0x4  }
0x1da: {  	[sflag:s6] =	ssyncadd.s32 @!p0 $0xFFFFC180  }
0x1db: {  	_ =	sfence.sel $0x180000  }
0x1dc: {  	[bflag:$0x0] =	sbarrier.arrive $0xFFFF  }
0x1dd: {  	_ =	strace $0x90000050  }
0x1de: {  	s0 =	stileid.u32;
	[bflag:$0x2] =	sbarrier.arrive $0xFFFF  }
0x1df: {  	p0 =	sne.s32 s0, $0x0;
	s0 =	rddreg [dreg:$0x2]  }
0x1e0: {  	s0 =	sadd.s32 @!p0 $0x100000, s0  }
0x1e1: {  	[sflag:s0] =	ssyncadd.tile.s32 @!p0 $0x1;
	_ =	shalt  }
.Lfunc_end2:
_tile_overlayer_lowered:
.L_overlay_start_2:
0x1e2: {  	(tag) =	ssettag $0x2  }
0x1e3: {  	s0 =	rddreg [dreg:$0x0];
	s2 =	stileid.u32  }
0x1e4: {  	s1 =	rddreg [dreg:$0x1];
	p0 =	sne.s32 s2, $0x0  }
0x1e5: {  	s3 =	rddreg [dreg:$0x2];
	[bflag:$0x3] =	sbarrier.arrive $0xFFFF;
	s2 =	simm.s32 @!p0 $0x1C04  }
0x1e6: {  	[timem:s3], [sflag:s2] =	dma.local @!p0 [hbm:s0], s1  }
0x1e7: {  	s0 =	simm.s32 @!p0 $0x4  }
0x1e8: {  	_ =	swait.ge @!p0 [sflag:s0], s1  }
0x1e9: {  	s1 =	ssub.s32 @!p0 $0x0, s1;
	[sflag:s0] =	ssyncset.done @!p0 $0x0  }
0x1ea: {  	[sflag:s0] =	ssyncadd.s32 @!p0 s1  }
0x1eb: {  	[bflag:$0x3] =	sbarrier.arrive $0xFFFF  }
0x1ec: {  	_ =	shalt  }

// kernel: kernel.25.cloned.1.call-start
scs
__scs_entry_jumppad:
0x0: {  	(pc) =	sbr.rel $0x88, $3  }
0x1: {  	(tag) =	ssettag $0x0;
	lr =	simm.s32 $0x1  }
0x2: {  	[smem:$0x3F89] =	sst lr;
	_ =	strace $0xD0000000  }
0x3: {  	_ = 	snop  }
0x4: {  	_ = 	snop  }
0x5: {  	_ = 	snop  }
0x6: {  	_ = 	snop  }
0x7: {  	_ = 	snop  }
__scs_overlays_trampoline_lowered:
0x8: {  	[smem:$0x3F98] =	sst s0  }
0x9: {  	[smem:$0x3F99] =	sst s1  }
0xa: {  	[smem:$0x3F9A] =	sst s2  }
0xb: {  	[smem:$0x3F9B] =	sst s3  }
0xc: {  	[smem:$0x3F9C] =	sst s4  }
0xd: {  	[smem:$0x3F9D] =	sst s5  }
0xe: {  	[smem:$0x3F9E] =	sst s6  }
0xf: {  	[smem:$0x3F9F] =	sst s7  }
0x10: {  	[smem:$0x3FA0] =	sst s8  }
0x11: {  	[smem:$0x3FA1] =	sst s9;
	s0 =	simm.s32 @!p0 $0x0  }
0x12: {  	s1 =	sld [smem:$0x3F87];
	s0 =	simm.s32 @p0 $0x1  }
0x13: {  	[smem:$0x3FA2] =	sst s0;
	s0 =	simm.s32 @!p1 $0x0  }
0x14: {  	s2 =	sld [smem:$0x3F86];
	s0 =	simm.s32 @p1 $0x1  }
0x15: {  	[smem:$0x3FA3] =	sst s0;
	s0 =	simm.s32 @!p2 $0x0  }
0x16: {  	s3 =	sld [smem:$0x3FDB];
	s0 =	simm.s32 @p2 $0x1  }
0x17: {  	s4 =	simm.s32 $0x1BF5;
	[smem:$0x3FA5] =	sst s0  }
0x18: {  	s0 =	sld [smem:$0x3F88];
	_ =	swait.ge [sflag:s4], $0x0  }
0x19: {  	s7 =	sld [smem:$0x3F89]  }
0x1a: {  	s8 =	sadd.s32 $0xFFFFE003, lr  }
0x1b: {  	s9 =	sadd.s32 $0xFFFFFEF7, lr;
	s5 =	simm.s32 $0xFFFFFFFF;
	p2 =	slt.u32 s8, $0xFFFFF086  }
0x1c: {  	p1 =	slt.u32 s9, $0xF7A;
	s5 =	simm.s32 @!p2 $0x0  }
0x1d: {  	s5 =	simm.s32 @p1 $0x1;
	p0 =	seq.s32 s7, s2  }
0x1e: {  	s7 =	smul.u32 @!p0 $0xF7A, s2;
	p2 =	seq.s32 @!p0 s5, $0x0  }
0x1f: {  	s9 =	smul.u32 $0xF7A, s1;
	s8 =	simm.s32 @!p0 $0x1BF5;
	p2 =	por !p2, p0  }
0x20: {  	[sflag:s8] =	ssyncset.s32 @!p0 $0xFFFFF086;
	s6 =	sadd.s32 @!p0 s3, s7;
	s7 =	simm.s32 @!p0 $0x108  }
0x21: {  	s3 =	sadd.s32 s3, s9;
	s6 =	sadd.s32 @!p0 $0x88, s6;
	s7 =	simm.s32 @p2 $0x1082  }
0x22: {  	[simem:s7], [sflag:s8] =	dma.local @!p0 [hbm:s6], $0xF7A  }
0x23: {  	s9 =	sor.u32 $0xD0000000, s2;
	s6 =	simm.s32 $0x108;
	_ =	swait.ge @!p0 [sflag:s8], $0x0  }
0x24: {  	s3 =	sadd.s32 $0x88, s3;
	s6 =	simm.s32 @!p1 $0x1082;
	[sflag:s4] =	ssyncset.s32 $0xFFFFF086  }
0x25: {  	[simem:s6], [sflag:s4] =	dma.local [hbm:s3], $0xF7A  }
0x26: {  	[smem:$0x3F89] =	sst s1;
	(tag) =	ssettag s2;
	_ =	strace s9  }
0x27: {  	s1 =	sld [smem:$0x3F99]  }
0x28: {  	s2 =	sld [smem:$0x3F9A]  }
0x29: {  	s4 =	sld [smem:$0x3F9C]  }
0x2a: {  	p0 =	seq.s32 s5, $0x0;
	s5 =	sld [smem:$0x3F9D]  }
0x2b: {  	s6 =	sld [smem:$0x3F9E]  }
0x2c: {  	s7 =	sld [smem:$0x3F9F]  }
0x2d: {  	s3 =	simm.s32 $0x108;
	s8 =	sld [smem:$0x3FA0]  }
0x2e: {  	s3 =	simm.s32 @!p0 $0x1082;
	s9 =	sld [smem:$0x3FA1]  }
0x2f: {  	lr =	sadd.s32 s0, s3;
	s0 =	sld [smem:$0x3F98]  }
0x30: {  	s3 =	sld [smem:$0x3F9B]  }
0x31: {  	[smem:$0x3FA4] =	sst s10  }
0x32: {  	s10 =	sld [smem:$0x3FA2];
	_ =	sdelay $0x3  }
0x33: {  	p0 =	seq.s32 s10, $0x1;
	s10 =	sld [smem:$0x3FA4];
	_ =	sdelay $0x3  }
0x34: {  	[smem:$0x3FA4] =	sst s10  }
0x35: {  	s10 =	sld [smem:$0x3FA3];
	_ =	sdelay $0x3  }
0x36: {  	p1 =	seq.s32 s10, $0x1;
	s10 =	sld [smem:$0x3FA4];
	_ =	sdelay $0x3  }
0x37: {  	[smem:$0x3FA4] =	sst s10  }
0x38: {  	s10 =	sld [smem:$0x3FA5]  }
0x39: {  	_ = 	snop;
	(pc) =	sbr.ind lr, $3  }
0x3a: {  	_ = 	snop  }
0x3b: {  	_ = 	snop  }
0x3c: {  	p2 =	seq.s32 s10, $0x1;
	s10 =	sld [smem:$0x3FA4]  }
0x3d: {  	_ =	shalt  }
0x3e: {  	_ =	shalt  }
0x3f: {  	_ =	shalt  }
0x40: {  	_ =	shalt  }
0x41: {  	_ =	shalt  }
0x42: {  	_ =	shalt  }
0x43: {  	_ =	shalt  }
0x44: {  	_ =	shalt  }
0x45: {  	_ =	shalt  }
0x46: {  	_ =	shalt  }
0x47: {  	_ =	shalt  }
0x48: {  	_ =	shalt  }
0x49: {  	_ =	shalt  }
0x4a: {  	_ =	shalt  }
0x4b: {  	_ =	shalt  }
0x4c: {  	_ =	shalt  }
0x4d: {  	_ =	shalt  }
0x4e: {  	_ =	shalt  }
0x4f: {  	_ =	shalt  }
0x50: {  	_ =	shalt  }
0x51: {  	_ =	shalt  }
0x52: {  	_ =	shalt  }
0x53: {  	_ =	shalt  }
0x54: {  	_ =	shalt  }
0x55: {  	_ =	shalt  }
0x56: {  	_ =	shalt  }
0x57: {  	_ =	shalt  }
0x58: {  	_ =	shalt  }
0x59: {  	_ =	shalt  }
0x5a: {  	_ =	shalt  }
0x5b: {  	_ =	shalt  }
0x5c: {  	_ =	shalt  }
0x5d: {  	_ =	shalt  }
0x5e: {  	_ =	shalt  }
0x5f: {  	_ =	shalt  }
0x60: {  	_ =	shalt  }
0x61: {  	_ =	shalt  }
0x62: {  	_ =	shalt  }
0x63: {  	_ =	shalt  }
0x64: {  	_ =	shalt  }
0x65: {  	_ =	shalt  }
0x66: {  	_ =	shalt  }
0x67: {  	_ =	shalt  }
0x68: {  	_ =	shalt  }
0x69: {  	_ =	shalt  }
0x6a: {  	_ =	shalt  }
0x6b: {  	_ =	shalt  }
0x6c: {  	_ =	shalt  }
0x6d: {  	_ =	shalt  }
0x6e: {  	_ =	shalt  }
0x6f: {  	_ =	shalt  }
0x70: {  	_ =	shalt  }
0x71: {  	_ =	shalt  }
0x72: {  	_ =	shalt  }
0x73: {  	_ =	shalt  }
0x74: {  	_ =	shalt  }
0x75: {  	_ =	shalt  }
0x76: {  	_ =	shalt  }
0x77: {  	_ =	shalt  }
0x78: {  	_ =	shalt  }
0x79: {  	_ =	shalt  }
0x7a: {  	_ =	shalt  }
0x7b: {  	_ =	shalt  }
0x7c: {  	_ =	shalt  }
0x7d: {  	_ =	shalt  }
0x7e: {  	_ =	shalt  }
0x7f: {  	_ =	shalt  }
0x80: {  	_ =	shalt  }
0x81: {  	_ =	shalt  }
0x82: {  	_ =	shalt  }
0x83: {  	_ =	shalt  }
0x84: {  	_ =	shalt  }
0x85: {  	_ =	shalt  }
0x86: {  	_ =	shalt  }
0x87: {  	_ =	shalt  }
.Lfunc_end0:
.L_simem_size_0:
called_computation.4_lowered:
.L_overlay_start_0:
0x88: {  	s2 =	sld [smem:$0x3FD9]  }
0x89: {  	s3 =	sld [smem:$0x3FFE];
	_ =	sdelay $0x1  }
0x8a: {  	s1 =	srdreg.scid  }
0x8b: {  	s0 =	sand.u32 $0x1, s1  }
0x8c: {  	s17 =	sshll.u32 s0, $0xA;
	s2 =	sadd.s32 s3, s2  }
0x8d: {  	s2 =	sadd.s32 s2, s17  }
0x8e: {  	[smem:$0x3FB0] =	sst s2  }
0x8f: {  	_ = 	snop  }
0x90: {  	(tm) =	ssettm $0x1  }
0x91: {  	s18 =	sld [smem:$0x3FFB];
	_ =	sdelay $0x3  }
0x92: {  	_ =	strace s18  }
0x93: {  	s2 =	sld [smem:$0x3FFC];
	_ =	sdelay $0x3  }
0x94: {  	_ =	strace s2  }
0x95: {  	s2 =	sld [smem:$0x3FFD];
	_ =	sdelay $0x3  }
0x96: {  	_ =	strace s2  }
0x97: {  	_ =	strace $0x8FFFFFFF  }
0x98: {  	s19 =	sld [smem:$0x3FDB];
	_ =	sdelay $0x1  }
0x99: {  	s20 =	simm.s32 $_scs_section_size  }
0x9a: {  	s4 =	simm.s32 $_size__tile_overlayer_lowered;
	s5 =	simm.s32 $_tile_overlayer_lowered  }
0x9b: {  	s6 =	simm.s32 $0x1BFF;
	s21 =	sshll.u32 s5, $0x1;
	s3 =	sadd.s32 s20, s19  }
0x9c: {  	s22 =	simm.s32 $0x0;
	s4 =	sshll.u32 s4, $0x1;
	s5 =	sadd.s32 s21, s3  }
0x9d: {  	[timem:s22], [sflag:s6] =	dma.local [hbm:s5], s4  }
0x9e: {  	_ =	swait.ge [sflag:s6], s4  }
0x9f: {  	s4 =	ssub.s32 $0x0, s4;
	[sflag:s6] =	ssyncset.done $0x0  }
0xa0: {  	[sflag:s6] =	ssyncadd.s32 s4;
	_ =	sdelay $0x1  }
0xa1: {  	s23 =	simm.s32 $0x1B8B  }
0xa2: {  	_ =	swait.ge [sflag:s23], $0x1  }
0xa3: {  	[sflag:s23] =	ssyncset.done $0x0  }
0xa4: {  	[sflag:s23] =	ssyncadd.s32 $0xFFFFFFFF  }
0xa5: {  	s4 =	sld [smem:$0x0]  }
0xa6: {  	s5 =	sand.u32 $0xFFFFFFFE, s1  }
0xa7: {  	p0 =	sne.s32 s1, s5  }
0xa8: {  	s5 =	sshll.u32 @p0 s5, $0xE  }
0xa9: {  	s5 =	sadd.s32 @p0 $0x11B8D, s5;
	s6 =	sshll.u32 @p0 s4, $0x11  }
0xaa: {  	s5 =	sor.u32 @p0 s6, s5  }
0xab: {  	[sflag:s5] =	ssyncadd.remote.s32 @p0 $0x1;
	_ =	sdelay $0x1  }
0xac: {  	s5 =	simm.s32 @p0 $0x1B8D  }
0xad: {  	_ =	swait.eq @p0 [sflag:s5], $0x1  }
0xae: {  	[sflag:s5] =	ssyncadd.s32 @p0 $0xFFFFFFFF  }
0xaf: {  	s6 =	sshll.u32 @!p0 s1, $0xE  }
0xb0: {  	s6 =	sor.u32 @!p0 $0x4000, s6;
	s5 =	simm.s32 @!p0 $0x1B8D  }
0xb1: {  	s4 =	sshll.u32 @!p0 s4, $0x11;
	s6 =	sadd.s32 @!p0 $0x11B8D, s6;
	_ =	swait.eq @!p0 [sflag:s5], $0x1  }
0xb2: {  	s4 =	sor.u32 @!p0 s4, s6;
	[sflag:s5] =	ssyncadd.s32 @!p0 $0xFFFFFFFF  }
0xb3: {  	s25 =	simm.s32 $0x1B8E;
	s24 =	sld [smem:$0x3FFE];
	[sflag:s4] =	ssyncadd.remote.s32 @!p0 $0x1  }
0xb4: {  	s26 =	simm.s32 $execute0_lowered;
	[smem:$0x3FD2] =	sst s25  }
0xb5: {  	s5 =	sshll.u32 s26, $0x1;
	_ =	strace $0x80000052;
	[dreg:$0x1] =	wrdreg $0xFFFFFFFF  }
0xb6: {  	s28 =	simm.s32 $_size_execute0_lowered;
	s3 =	sadd.s32 s3, s5;
	[dreg:$0x0] =	wrdreg $0x0  }
0xb7: {  	s5 =	sshll.u32 s28, $0x1;
	[dreg:$0x2] =	wrdreg s3  }
0xb8: {  	[dreg:$0x3] =	wrdreg s5  }
0xb9: {  	[dreg:$0x4] =	wrdreg $0xC0  }
0xba: {  	_ =	task [dreg:s22], $0x5FFFF  }
0xbb: {  	[dreg:$0x1] =	wrdreg $0xFFFFFFFF  }
0xbc: {  	[dreg:$0x0] =	wrdreg $0x60  }
0xbd: {  	[dreg:$0x2] =	wrdreg s24  }
0xbe: {  	[dreg:$0x3] =	wrdreg $0x0  }
0xbf: {  	[dreg:$0x4] =	wrdreg $0x9  }
0xc0: {  	_ =	task.clear_ibuf [dreg:s22], $0x5FFFF;
	_ =	strace $0x90000052  }
0xc1: {  	s29 =	simm.s32 $0x9;
	_ =	strace $0x80000054  }
0xc2: {  	_ =	swait.ge [sflag:s29], $0x1  }
0xc3: {  	[sflag:s29] =	ssyncadd.s32 $0xFFFFFFFF  }
0xc4: {  	_ =	strace $0x90000054  }
0xc5: {  	_ =	sfence  }
0xc6: {  	s30 =	sld [smem:$0x0];
	_ =	sdelay $0x2  }
0xc7: {  	s31 =	sshll.u32 s1, $0xD;
	s1 =	sshrl.u32 s1, $0x2  }
0xc8: {  	s4 =	sand.u32 $0x4000, s31;
	s1 =	sadd.s32 s1, s30  }
0xc9: {  	s0 =	sor.u32 s4, s0;
	s1 =	sshll.u32 s1, $0x11  }
0xca: {  	s0 =	sor.u32 s1, s0  }
0xcb: {  	s0 =	sadd.s32 $0x8F2B, s0  }
0xcc: {  	[sflag:s0] =	ssyncadd.remote.s32 $0x1  }
0xcd: {  	_ =	sfence.sel $0xFFFF  }
0xce: {  	[dreg:$0x0] =	wrdreg $0xFFFFFFFF;
	(pc) =	sbr.abs _section_cstart, $3  }
0xcf: {  	[dreg:$0x1] =	wrdreg $0xFFFFFFFF  }
0xd0: {  	_ =	task.clear_ibuf [dreg:s22], $0x2FFFF;
	_ =	strace $0x9FFFFFFF  }
0xd1: {  	(tm) =	ssettm $0x7FFFFFFF  }
tec
execute0_lowered:
.L_overlay_start_1:
0x0: {  	(tag) =	ssettag $0x1  }
0x1: {  	s0 =	srdreg.scid;
	s1 =	rddreg [dreg:$0x0]  }
0x2: {  	s10 =	stileid.u32;
	s2 =	rddreg [dreg:$0x1];
	s3 =	simm.s32 $0x0  }
0x3: {  	s15 =	simm.s32 $0x13900;
	[smem:$0x7FF] =	sst s3;
	s9 =	sadd.s32 $0xE400, s1  }
0x4: {  	s16 =	simm.s32 $0x14100;
	_ =	strace $0x80000053;
	[dreg:$0x14] =	wrdreg s9  }
0x5: {  	s17 =	simm.s32 $0x13980;
	s18 =	simm.s32 $0x13A00;
	[dreg:$0x5] =	wrdreg s15  }
0x6: {  	s19 =	simm.s32 $0x14180;
	s20 =	simm.s32 $0x14200;
	[dreg:$0x6] =	wrdreg s16  }
0x7: {  	s21 =	simm.s32 $0x13A80;
	s22 =	simm.s32 $0x13B00;
	[dreg:$0x7] =	wrdreg s17  }
0x8: {  	s23 =	simm.s32 $0x14280;
	s24 =	simm.s32 $0x14300;
	[dreg:$0x8] =	wrdreg s18  }
0x9: {  	s25 =	simm.s32 $0x13B80;
	s26 =	simm.s32 $0x13C00;
	[dreg:$0x9] =	wrdreg s19  }
0xa: {  	s28 =	simm.s32 $0x13F00;
	s5 =	smul.u32 $0x2800, s10;
	[dreg:$0xa] =	wrdreg s20  }
0xb: {  	s29 =	simm.s32 $0x14680;
	s11 =	smul.u32 $0x500, s10;
	[dreg:$0xb] =	wrdreg s21  }
0xc: {  	s30 =	simm.s32 $0x14700;
	s8 =	smul.u32 $0x3E80, s10;
	[dreg:$0xc] =	wrdreg s22  }
0xd: {  	s0 =	sand.u32 $0x1, s0;
	s13 =	smul.u32 $0x7D000, s10;
	[dreg:$0xd] =	wrdreg s23  }
0xe: {  	s31 =	simm.s32 $0x13F80;
	s4 =	smul.u32 $0x28000, s0;
	[dreg:$0xe] =	wrdreg s24  }
0xf: {  	p0 =	sgt.u32 s10, $0x9;
	s7 =	smul.u32 $0x27100, s0;
	[dreg:$0xf] =	wrdreg s25  }
0x10: {  	s0 =	ssub.s32 $0x2, s0;
	s15 =	simm.s32 $0x18880;
	[dreg:$0x10] =	wrdreg s26  }
0x11: {  	s16 =	simm.s32 $0x1;
	s17 =	simm.s32 $0x2;
	s18 =	simm.s32 $0x3  }
0x12: {  	s19 =	simm.s32 $0x13D00;
	s20 =	simm.s32 $0x14480;
	s21 =	simm.s32 $0x14500  }
0x13: {  	s22 =	simm.s32 $0x13D80;
	s23 =	simm.s32 $0x13E00;
	s24 =	simm.s32 $0x14580  }
0x14: {  	s25 =	simm.s32 $0x14600;
	s26 =	simm.s32 $0x13E80;
	s12 =	sshrl.u32 s0, $0x1  }
0x15: {  	s4 =	sadd.s32 s4, s5;
	s5 =	sadd.s32 s11, s1;
	s7 =	sadd.s32 s8, s7  }
0x16: {  	s0 =	ssub.s32 s0, s12;
	s6 =	sshrl.u32 s4, $0x3;
	s5 =	sadd.s32 $0x60E00, s5  }
0x17: {  	s4 =	sadd.s32 $0x12400, s1;
	s0 =	smax.u32 s0, $0x1;
	[dreg:$0x4] =	wrdreg s5  }
0x18: {  	s6 =	sadd.s32 s6, s1;
	[dreg:$0x16] =	wrdreg s0;
	s5 =	simm.s32 $0x14400  }
0x19: {  	s1 =	sadd.s32 s7, s1;
	s7 =	simm.s32 $0x0;
	[dreg:$0x12] =	wrdreg s5  }
0x1a: {  	s14 =	sshrl.u32 s13, $0x2;
	s6 =	sadd.s32 $0xB4000, s6;
	[dreg:$0x19] =	wrdreg s7  }
0x1b: {  	s13 =	simm.s32 $0x7D;
	s1 =	sadd.s32 $0x169400, s1;
	[dreg:$0x3] =	wrdreg s6  }
0x1c: {  	s11 =	simm.s32 $0x4;
	[dreg:$0x15] =	wrdreg s1;
	s1 =	sshll.u32 @!p0 s10, $0x6  }
0x1d: {  	s6 =	sadd.s32 s14, s2;
	s8 =	sor.u32 @!p0 $0x1C04, s1;
	s1 =	simm.s32 $0x14380  }
0x1e: {  	s9 =	sshrl.u32 @!p0 s6, $0x3;
	s6 =	simm.s32 $0x13C80;
	[dreg:$0x11] =	wrdreg s1  }
0x1f: {  	s12 =	simm.s32 $0x14080;
	s0 =	simm.s32 $0x14780;
	[dreg:$0x13] =	wrdreg s6  }
0x20: {  	s5 =	simm.s32 $0x14800;
	s10 =	simm.s32 $0x13880;
	[dreg:$0x17] =	wrdreg s8  }
0x21: {  	s14 =	simm.s32 $0x14880;
	s1 =	simm.s32 $0x14000;
	[dreg:$0x18] =	wrdreg s9  }
.LBB2_1:
0x22: {  	s6 =	rddreg [dreg:$0x14];
	s7 =	simm.s32 @!p0 $0x4  }
0x23: {  	[spmem:s9], [sflag:s8] =	dma.local @!p0 [hbm:s6], $0x3E80  }
0x24: {  	_ =	swait.ge @!p0 [sflag:s7], $0x3E80  }
0x25: {  	[sflag:s7] =	ssyncset.done @!p0 $0x0  }
0x26: {  	[sflag:s7] =	ssyncadd.s32 @!p0 $0xFFFFC180  }
0x27: {  	[bflag:$0x0] =	sbarrier.arrive $0xFFFF  }
0x28: {  	s6 =	rddreg [dreg:$0x3]  }
0x29: {  	s7 =	sadd.s32 $0x0, s6  }
0x2a: {  	[tilespmem:s10], [sflag:$0x4] =	stream.linear.gather [hbm4b:s7+s3], $0x800, $0x38;
	[tilespmem:$0x1C880] =	vst v63  }
0x2b: {  	_ =	swait.ge [sflag:s11], $0x800  }
0x2c: {  	s8 =	rddreg [dreg:$0x4];
	[sflag:s11] =	ssyncset.done $0x0  }
0x2d: {  	[sflag:s11] =	ssyncadd.s32 $0xFFFFF800;
	s7 =	sadd.s32 $0x0, s8  }
0x2e: {  	[tilespmem:s12], [sflag:$0x4] =	stream.linear.gather [hbm4b:s7+s3], $0x800, $0x38;
	[tilespmem:$0x1C880] =	vst v63  }
0x2f: {  	_ =	swait.ge [sflag:s11], $0x800  }
0x30: {  	[sflag:s11] =	ssyncset.done $0x0  }
0x31: {  	[sflag:s11] =	ssyncadd.s32 $0xFFFFF800  }
0x32: {  	[tilespmem:s14], [sflag:$0x1] =	stream.indirect.gather [hbm4b:s4+s13], $0x80, s10, s13, $0xb8;
	[tilespmem:$0x1C880] =	vst v63  }
0x33: {  	s9 =	rddreg [dreg:$0x5]  }
0x34: {  	[tilespmem:s15], [sflag:$0x1] =	stream.indirect.gather [hbm4b:s4+s13], $0x80, s9, s13, $0xb8;
	[tilespmem:$0x1C880] =	vst v63  }
0x35: {  	_ =	swait.ge [sflag:s16], $0x3E80  }
0x36: {  	[sflag:s16] =	ssyncset.done $0x0  }
0x37: {  	[sflag:s16] =	ssyncadd.s32 $0xFFFFC180  }
0x38: {  	[spmem:s2] =	stream.indirect.scatter.add.f32 [tilespmem:s14], [sflag:$0x2], $0x80, s12, s13, $0xb8;
	[tilespmem:$0x1C880] =	vst v63  }
0x39: {  	_ =	swait.ge [sflag:s16], $0x3E80  }
0x3a: {  	[sflag:s16] =	ssyncset.done $0x0  }
0x3b: {  	s6 =	rddreg [dreg:$0x6];
	[sflag:s16] =	ssyncadd.s32 $0xFFFFC180  }
0x3c: {  	[spmem:s2] =	stream.indirect.scatter.add.f32 [tilespmem:s15], [sflag:$0x3], $0x80, s6, s13, $0xb8;
	[tilespmem:$0x1C880] =	vst v63  }
0x3d: {  	_ =	swait.ge [sflag:s17], $0x3E80  }
0x3e: {  	[sflag:s17] =	ssyncset.done $0x0  }
0x3f: {  	s8 =	rddreg [dreg:$0x7];
	[sflag:s17] =	ssyncadd.s32 $0xFFFFC180  }
0x40: {  	[tilespmem:s14], [sflag:$0x1] =	stream.indirect.gather [hbm4b:s4+s13], $0x80, s8, s13, $0xb8;
	[tilespmem:$0x1C880] =	vst v63  }
0x41: {  	_ =	swait.ge [sflag:s18], $0x3E80  }
0x42: {  	[sflag:s18] =	ssyncset.done $0x0  }
0x43: {  	s9 =	rddreg [dreg:$0x8];
	[sflag:s18] =	ssyncadd.s32 $0xFFFFC180  }
0x44: {  	[tilespmem:s15], [sflag:$0x1] =	stream.indirect.gather [hbm4b:s4+s13], $0x80, s9, s13, $0xb8;
	[tilespmem:$0x1C880] =	vst v63  }
0x45: {  	_ =	swait.ge [sflag:s16], $0x3E80  }
0x46: {  	[sflag:s16] =	ssyncset.done $0x0  }
0x47: {  	s6 =	rddreg [dreg:$0x9];
	[sflag:s16] =	ssyncadd.s32 $0xFFFFC180  }
0x48: {  	[spmem:s2] =	stream.indirect.scatter.add.f32 [tilespmem:s14], [sflag:$0x2], $0x80, s6, s13, $0xb8;
	[tilespmem:$0x1C880] =	vst v63  }
0x49: {  	_ =	swait.ge [sflag:s16], $0x3E80  }
0x4a: {  	[sflag:s16] =	ssyncset.done $0x0  }
0x4b: {  	s8 =	rddreg [dreg:$0xa];
	[sflag:s16] =	ssyncadd.s32 $0xFFFFC180  }
0x4c: {  	[spmem:s2] =	stream.indirect.scatter.add.f32 [tilespmem:s15], [sflag:$0x3], $0x80, s8, s13, $0xb8;
	[tilespmem:$0x1C880] =	vst v63  }
0x4d: {  	_ =	swait.ge [sflag:s17], $0x3E80  }
0x4e: {  	[sflag:s17] =	ssyncset.done $0x0  }
0x4f: {  	[sflag:s17] =	ssyncadd.s32 $0xFFFFC180  }
0x50: {  	_ =	swait.ge [sflag:s18], $0x3E80  }
0x51: {  	[sflag:s18] =	ssyncset.done $0x0  }
0x52: {  	s9 =	rddreg [dreg:$0xb];
	[sflag:s18] =	ssyncadd.s32 $0xFFFFC180  }
0x53: {  	[tilespmem:s14], [sflag:$0x1] =	stream.indirect.gather [hbm4b:s4+s13], $0x80, s9, s13, $0xb8;
	[tilespmem:$0x1C880] =	vst v63  }
0x54: {  	s6 =	rddreg [dreg:$0xc]  }
0x55: {  	[tilespmem:s15], [sflag:$0x1] =	stream.indirect.gather [hbm4b:s4+s13], $0x80, s6, s13, $0xb8;
	[tilespmem:$0x1C880] =	vst v63  }
0x56: {  	_ =	swait.ge [sflag:s16], $0x3E80  }
0x57: {  	[sflag:s16] =	ssyncset.done $0x0  }
0x58: {  	s9 =	rddreg [dreg:$0xd];
	[sflag:s16] =	ssyncadd.s32 $0xFFFFC180  }
0x59: {  	[spmem:s2] =	stream.indirect.scatter.add.f32 [tilespmem:s14], [sflag:$0x2], $0x80, s9, s13, $0xb8;
	[tilespmem:$0x1C880] =	vst v63  }
0x5a: {  	_ =	swait.ge [sflag:s16], $0x3E80  }
0x5b: {  	[sflag:s16] =	ssyncset.done $0x0  }
0x5c: {  	s6 =	rddreg [dreg:$0xe];
	[sflag:s16] =	ssyncadd.s32 $0xFFFFC180  }
0x5d: {  	[spmem:s2] =	stream.indirect.scatter.add.f32 [tilespmem:s15], [sflag:$0x3], $0x80, s6, s13, $0xb8;
	[tilespmem:$0x1C880] =	vst v63  }
0x5e: {  	_ =	swait.ge [sflag:s17], $0x3E80  }
0x5f: {  	[sflag:s17] =	ssyncset.done $0x0  }
0x60: {  	s8 =	rddreg [dreg:$0xf];
	[sflag:s17] =	ssyncadd.s32 $0xFFFFC180  }
0x61: {  	[tilespmem:s14], [sflag:$0x1] =	stream.indirect.gather [hbm4b:s4+s13], $0x80, s8, s13, $0xb8;
	[tilespmem:$0x1C880] =	vst v63  }
0x62: {  	_ =	swait.ge [sflag:s18], $0x3E80  }
0x63: {  	[sflag:s18] =	ssyncset.done $0x0  }
0x64: {  	s9 =	rddreg [dreg:$0x10];
	[sflag:s18] =	ssyncadd.s32 $0xFFFFC180  }
0x65: {  	[tilespmem:s15], [sflag:$0x1] =	stream.indirect.gather [hbm4b:s4+s13], $0x80, s9, s13, $0xb8;
	[tilespmem:$0x1C880] =	vst v63  }
0x66: {  	_ =	swait.ge [sflag:s16], $0x3E80  }
0x67: {  	[sflag:s16] =	ssyncset.done $0x0  }
0x68: {  	s6 =	rddreg [dreg:$0x11];
	[sflag:s16] =	ssyncadd.s32 $0xFFFFC180  }
0x69: {  	[spmem:s2] =	stream.indirect.scatter.add.f32 [tilespmem:s14], [sflag:$0x2], $0x80, s6, s13, $0xb8;
	[tilespmem:$0x1C880] =	vst v63  }
0x6a: {  	_ =	swait.ge [sflag:s16], $0x3E80  }
0x6b: {  	[sflag:s16] =	ssyncset.done $0x0  }
0x6c: {  	s8 =	rddreg [dreg:$0x12];
	[sflag:s16] =	ssyncadd.s32 $0xFFFFC180  }
0x6d: {  	[spmem:s2] =	stream.indirect.scatter.add.f32 [tilespmem:s15], [sflag:$0x3], $0x80, s8, s13, $0xb8;
	[tilespmem:$0x1C880] =	vst v63  }
0x6e: {  	_ =	swait.ge [sflag:s17], $0x3E80  }
0x6f: {  	[sflag:s17] =	ssyncset.done $0x0  }
0x70: {  	[sflag:s17] =	ssyncadd.s32 $0xFFFFC180  }
0x71: {  	_ =	swait.ge [sflag:s18], $0x3E80  }
0x72: {  	[sflag:s18] =	ssyncset.done $0x0  }
0x73: {  	s9 =	rddreg [dreg:$0x13];
	[sflag:s18] =	ssyncadd.s32 $0xFFFFC180  }
0x74: {  	[tilespmem:s14], [sflag:$0x1] =	stream.indirect.gather [hbm4b:s4+s13], $0x80, s9, s13, $0xb8;
	[tilespmem:$0x1C880] =	vst v63  }
0x75: {  	_ = 	snop  }
0x76: {  	[tilespmem:s15], [sflag:$0x1] =	stream.indirect.gather [hbm4b:s4+s13], $0x80, s19, s13, $0xb8;
	[tilespmem:$0x1C880] =	vst v63  }
0x77: {  	_ =	swait.ge [sflag:s16], $0x3E80  }
0x78: {  	[sflag:s16] =	ssyncset.done $0x0  }
0x79: {  	[sflag:s16] =	ssyncadd.s32 $0xFFFFC180  }
0x7a: {  	[spmem:s2] =	stream.indirect.scatter.add.f32 [tilespmem:s14], [sflag:$0x2], $0x80, s20, s13, $0xb8;
	[tilespmem:$0x1C880] =	vst v63  }
0x7b: {  	_ =	swait.ge [sflag:s16], $0x3E80  }
0x7c: {  	[sflag:s16] =	ssyncset.done $0x0  }
0x7d: {  	[sflag:s16] =	ssyncadd.s32 $0xFFFFC180  }
0x7e: {  	[spmem:s2] =	stream.indirect.scatter.add.f32 [tilespmem:s15], [sflag:$0x3], $0x80, s21, s13, $0xb8;
	[tilespmem:$0x1C880] =	vst v63  }
0x7f: {  	_ =	swait.ge [sflag:s17], $0x3E80  }
0x80: {  	[sflag:s17] =	ssyncset.done $0x0  }
0x81: {  	[sflag:s17] =	ssyncadd.s32 $0xFFFFC180  }
0x82: {  	[tilespmem:s14], [sflag:$0x1] =	stream.indirect.gather [hbm4b:s4+s13], $0x80, s22, s13, $0xb8;
	[tilespmem:$0x1C880] =	vst v63  }
0x83: {  	_ =	swait.ge [sflag:s18], $0x3E80  }
0x84: {  	[sflag:s18] =	ssyncset.done $0x0  }
0x85: {  	[sflag:s18] =	ssyncadd.s32 $0xFFFFC180  }
0x86: {  	[tilespmem:s15], [sflag:$0x1] =	stream.indirect.gather [hbm4b:s4+s13], $0x80, s23, s13, $0xb8;
	[tilespmem:$0x1C880] =	vst v63  }
0x87: {  	_ =	swait.ge [sflag:s16], $0x3E80  }
0x88: {  	[sflag:s16] =	ssyncset.done $0x0  }
0x89: {  	[sflag:s16] =	ssyncadd.s32 $0xFFFFC180  }
0x8a: {  	[spmem:s2] =	stream.indirect.scatter.add.f32 [tilespmem:s14], [sflag:$0x2], $0x80, s24, s13, $0xb8;
	[tilespmem:$0x1C880] =	vst v63  }
0x8b: {  	_ =	swait.ge [sflag:s16], $0x3E80  }
0x8c: {  	[sflag:s16] =	ssyncset.done $0x0  }
0x8d: {  	[sflag:s16] =	ssyncadd.s32 $0xFFFFC180  }
0x8e: {  	[spmem:s2] =	stream.indirect.scatter.add.f32 [tilespmem:s15], [sflag:$0x3], $0x80, s25, s13, $0xb8;
	[tilespmem:$0x1C880] =	vst v63  }
0x8f: {  	_ =	swait.ge [sflag:s17], $0x3E80  }
0x90: {  	[sflag:s17] =	ssyncset.done $0x0  }
0x91: {  	[sflag:s17] =	ssyncadd.s32 $0xFFFFC180  }
0x92: {  	_ =	swait.ge [sflag:s18], $0x3E80  }
0x93: {  	[sflag:s18] =	ssyncset.done $0x0  }
0x94: {  	[sflag:s18] =	ssyncadd.s32 $0xFFFFC180  }
0x95: {  	[tilespmem:s14], [sflag:$0x1] =	stream.indirect.gather [hbm4b:s4+s13], $0x80, s26, s13, $0xb8;
	[tilespmem:$0x1C880] =	vst v63  }
0x96: {  	_ = 	snop  }
0x97: {  	[tilespmem:s15], [sflag:$0x1] =	stream.indirect.gather [hbm4b:s4+s13], $0x80, s28, s13, $0xb8;
	[tilespmem:$0x1C880] =	vst v63  }
0x98: {  	_ =	swait.ge [sflag:s16], $0x3E80  }
0x99: {  	[sflag:s16] =	ssyncset.done $0x0  }
0x9a: {  	[sflag:s16] =	ssyncadd.s32 $0xFFFFC180  }
0x9b: {  	[spmem:s2] =	stream.indirect.scatter.add.f32 [tilespmem:s14], [sflag:$0x2], $0x80, s29, s13, $0xb8;
	[tilespmem:$0x1C880] =	vst v63  }
0x9c: {  	_ =	swait.ge [sflag:s16], $0x3E80  }
0x9d: {  	[sflag:s16] =	ssyncset.done $0x0  }
0x9e: {  	[sflag:s16] =	ssyncadd.s32 $0xFFFFC180  }
0x9f: {  	[spmem:s2] =	stream.indirect.scatter.add.f32 [tilespmem:s15], [sflag:$0x3], $0x80, s30, s13, $0xb8;
	[tilespmem:$0x1C880] =	vst v63  }
0xa0: {  	_ =	swait.ge [sflag:s17], $0x3E80  }
0xa1: {  	[sflag:s17] =	ssyncset.done $0x0  }
0xa2: {  	[sflag:s17] =	ssyncadd.s32 $0xFFFFC180  }
0xa3: {  	[tilespmem:s14], [sflag:$0x1] =	stream.indirect.gather [hbm4b:s4+s13], $0x80, s31, s13, $0xb8;
	[tilespmem:$0x1C880] =	vst v63  }
0xa4: {  	_ =	swait.ge [sflag:s18], $0x3E80  }
0xa5: {  	[sflag:s18] =	ssyncset.done $0x0  }
0xa6: {  	[sflag:s18] =	ssyncadd.s32 $0xFFFFC180  }
0xa7: {  	[tilespmem:s15], [sflag:$0x1] =	stream.indirect.gather [hbm4b:s4+s13], $0x80, s1, s13, $0xb8;
	[tilespmem:$0x1C880] =	vst v63  }
0xa8: {  	_ =	swait.ge [sflag:s16], $0x3E80  }
0xa9: {  	[sflag:s16] =	ssyncset.done $0x0  }
0xaa: {  	[sflag:s16] =	ssyncadd.s32 $0xFFFFC180  }
0xab: {  	[spmem:s2] =	stream.indirect.scatter.add.f32 [tilespmem:s14], [sflag:$0x2], $0x80, s0, s13, $0xb8;
	[tilespmem:$0x1C880] =	vst v63  }
0xac: {  	_ =	swait.ge [sflag:s16], $0x3E80  }
0xad: {  	[sflag:s16] =	ssyncset.done $0x0  }
0xae: {  	[sflag:s16] =	ssyncadd.s32 $0xFFFFC180  }
0xaf: {  	[spmem:s2] =	stream.indirect.scatter.add.f32 [tilespmem:s15], [sflag:$0x3], $0x80, s5, s13, $0xb8;
	[tilespmem:$0x1C880] =	vst v63  }
0xb0: {  	_ =	swait.ge [sflag:s17], $0x3E80  }
0xb1: {  	[sflag:s17] =	ssyncset.done $0x0  }
0xb2: {  	[sflag:s17] =	ssyncadd.s32 $0xFFFFC180  }
0xb3: {  	s7 =	simm.s32 $0x100;
	_ =	swait.ge [sflag:s18], $0x3E80  }
0xb4: {  	s8 =	simm.s32 $0x200;
	s9 =	rddreg [dreg:$0x3];
	[sflag:s18] =	ssyncset.done $0x0  }
.LBB2_2:
0xb5: {  	[sflag:s18] =	ssyncadd.s32 $0xFFFFC180;
	s9 =	sadd.s32 s7, s9  }
0xb6: {  	[tilespmem:s10], [sflag:$0x4] =	stream.linear.gather [hbm4b:s9+s3], $0x800, $0x38;
	[tilespmem:$0x1C880] =	vst v63  }
0xb7: {  	_ =	swait.ge [sflag:s11], $0x800  }
0xb8: {  	s9 =	rddreg [dreg:$0x4];
	[sflag:s11] =	ssyncset.done $0x0  }
0xb9: {  	[sflag:s11] =	ssyncadd.s32 $0xFFFFF800;
	s9 =	sadd.s32 s7, s9  }
0xba: {  	[tilespmem:s12], [sflag:$0x4] =	stream.linear.gather [hbm4b:s9+s3], $0x800, $0x38;
	[tilespmem:$0x1C880] =	vst v63  }
0xbb: {  	_ =	swait.ge [sflag:s11], $0x800  }
0xbc: {  	[sflag:s11] =	ssyncset.done $0x0  }
0xbd: {  	[sflag:s11] =	ssyncadd.s32 $0xFFFFF800  }
0xbe: {  	[tilespmem:s14], [sflag:$0x1] =	stream.indirect.gather [hbm4b:s4+s13], $0x80, s10, s13, $0xb8;
	[tilespmem:$0x1C880] =	vst v63  }
0xbf: {  	s9 =	rddreg [dreg:$0x5]  }
0xc0: {  	[tilespmem:s15], [sflag:$0x1] =	stream.indirect.gather [hbm4b:s4+s13], $0x80, s9, s13, $0xb8;
	[tilespmem:$0x1C880] =	vst v63  }
0xc1: {  	_ =	swait.ge [sflag:s16], $0x3E80  }
0xc2: {  	[sflag:s16] =	ssyncset.done $0x0  }
0xc3: {  	[sflag:s16] =	ssyncadd.s32 $0xFFFFC180  }
0xc4: {  	[spmem:s2] =	stream.indirect.scatter.add.f32 [tilespmem:s14], [sflag:$0x2], $0x80, s12, s13, $0xb8;
	[tilespmem:$0x1C880] =	vst v63  }
0xc5: {  	_ =	swait.ge [sflag:s16], $0x3E80  }
0xc6: {  	[sflag:s16] =	ssyncset.done $0x0  }
0xc7: {  	s9 =	rddreg [dreg:$0x6];
	[sflag:s16] =	ssyncadd.s32 $0xFFFFC180  }
0xc8: {  	[spmem:s2] =	stream.indirect.scatter.add.f32 [tilespmem:s15], [sflag:$0x3], $0x80, s9, s13, $0xb8;
	[tilespmem:$0x1C880] =	vst v63  }
0xc9: {  	_ =	swait.ge [sflag:s17], $0x3E80  }
0xca: {  	[sflag:s17] =	ssyncset.done $0x0  }
0xcb: {  	s9 =	rddreg [dreg:$0x7];
	[sflag:s17] =	ssyncadd.s32 $0xFFFFC180  }
0xcc: {  	[tilespmem:s14], [sflag:$0x1] =	stream.indirect.gather [hbm4b:s4+s13], $0x80, s9, s13, $0xb8;
	[tilespmem:$0x1C880] =	vst v63  }
0xcd: {  	_ =	swait.ge [sflag:s18], $0x3E80  }
0xce: {  	[sflag:s18] =	ssyncset.done $0x0  }
0xcf: {  	s9 =	rddreg [dreg:$0x8];
	[sflag:s18] =	ssyncadd.s32 $0xFFFFC180  }
0xd0: {  	[tilespmem:s15], [sflag:$0x1] =	stream.indirect.gather [hbm4b:s4+s13], $0x80, s9, s13, $0xb8;
	[tilespmem:$0x1C880] =	vst v63  }
0xd1: {  	_ =	swait.ge [sflag:s16], $0x3E80  }
0xd2: {  	[sflag:s16] =	ssyncset.done $0x0  }
0xd3: {  	s9 =	rddreg [dreg:$0x9];
	[sflag:s16] =	ssyncadd.s32 $0xFFFFC180  }
0xd4: {  	[spmem:s2] =	stream.indirect.scatter.add.f32 [tilespmem:s14], [sflag:$0x2], $0x80, s9, s13, $0xb8;
	[tilespmem:$0x1C880] =	vst v63  }
0xd5: {  	_ =	swait.ge [sflag:s16], $0x3E80  }
0xd6: {  	[sflag:s16] =	ssyncset.done $0x0  }
0xd7: {  	s9 =	rddreg [dreg:$0xa];
	[sflag:s16] =	ssyncadd.s32 $0xFFFFC180  }
0xd8: {  	[spmem:s2] =	stream.indirect.scatter.add.f32 [tilespmem:s15], [sflag:$0x3], $0x80, s9, s13, $0xb8;
	[tilespmem:$0x1C880] =	vst v63  }
0xd9: {  	_ =	swait.ge [sflag:s17], $0x3E80  }
0xda: {  	[sflag:s17] =	ssyncset.done $0x0  }
0xdb: {  	[sflag:s17] =	ssyncadd.s32 $0xFFFFC180  }
0xdc: {  	_ =	swait.ge [sflag:s18], $0x3E80  }
0xdd: {  	s6 =	smov.u32 s8;
	[sflag:s18] =	ssyncset.done $0x0  }
0xde: {  	s7 =	smov.u32 s6;
	s6 =	rddreg [dreg:$0xb];
	[sflag:s18] =	ssyncadd.s32 $0xFFFFC180  }
0xdf: {  	[tilespmem:s14], [sflag:$0x1] =	stream.indirect.gather [hbm4b:s4+s13], $0x80, s6, s13, $0xb8;
	[tilespmem:$0x1C880] =	vst v63  }
0xe0: {  	s9 =	rddreg [dreg:$0xc]  }
0xe1: {  	[tilespmem:s15], [sflag:$0x1] =	stream.indirect.gather [hbm4b:s4+s13], $0x80, s9, s13, $0xb8;
	[tilespmem:$0x1C880] =	vst v63  }
0xe2: {  	_ =	swait.ge [sflag:s16], $0x3E80  }
0xe3: {  	[sflag:s16] =	ssyncset.done $0x0  }
0xe4: {  	s9 =	rddreg [dreg:$0xd];
	[sflag:s16] =	ssyncadd.s32 $0xFFFFC180  }
0xe5: {  	[spmem:s2] =	stream.indirect.scatter.add.f32 [tilespmem:s14], [sflag:$0x2], $0x80, s9, s13, $0xb8;
	[tilespmem:$0x1C880] =	vst v63  }
0xe6: {  	_ =	swait.ge [sflag:s16], $0x3E80  }
0xe7: {  	[sflag:s16] =	ssyncset.done $0x0  }
0xe8: {  	s9 =	rddreg [dreg:$0xe];
	[sflag:s16] =	ssyncadd.s32 $0xFFFFC180  }
0xe9: {  	[spmem:s2] =	stream.indirect.scatter.add.f32 [tilespmem:s15], [sflag:$0x3], $0x80, s9, s13, $0xb8;
	[tilespmem:$0x1C880] =	vst v63  }
0xea: {  	_ =	swait.ge [sflag:s17], $0x3E80  }
0xeb: {  	[sflag:s17] =	ssyncset.done $0x0  }
0xec: {  	s9 =	rddreg [dreg:$0xf];
	[sflag:s17] =	ssyncadd.s32 $0xFFFFC180  }
0xed: {  	[tilespmem:s14], [sflag:$0x1] =	stream.indirect.gather [hbm4b:s4+s13], $0x80, s9, s13, $0xb8;
	[tilespmem:$0x1C880] =	vst v63  }
0xee: {  	_ =	swait.ge [sflag:s18], $0x3E80  }
0xef: {  	[sflag:s18] =	ssyncset.done $0x0  }
0xf0: {  	s9 =	rddreg [dreg:$0x10];
	[sflag:s18] =	ssyncadd.s32 $0xFFFFC180  }
0xf1: {  	[tilespmem:s15], [sflag:$0x1] =	stream.indirect.gather [hbm4b:s4+s13], $0x80, s9, s13, $0xb8;
	[tilespmem:$0x1C880] =	vst v63  }
0xf2: {  	_ =	swait.ge [sflag:s16], $0x3E80  }
0xf3: {  	[sflag:s16] =	ssyncset.done $0x0  }
0xf4: {  	s9 =	rddreg [dreg:$0x11];
	[sflag:s16] =	ssyncadd.s32 $0xFFFFC180  }
0xf5: {  	[spmem:s2] =	stream.indirect.scatter.add.f32 [tilespmem:s14], [sflag:$0x2], $0x80, s9, s13, $0xb8;
	[tilespmem:$0x1C880] =	vst v63  }
0xf6: {  	_ =	swait.ge [sflag:s16], $0x3E80  }
0xf7: {  	[sflag:s16] =	ssyncset.done $0x0  }
0xf8: {  	s9 =	rddreg [dreg:$0x12];
	[sflag:s16] =	ssyncadd.s32 $0xFFFFC180  }
0xf9: {  	[spmem:s2] =	stream.indirect.scatter.add.f32 [tilespmem:s15], [sflag:$0x3], $0x80, s9, s13, $0xb8;
	[tilespmem:$0x1C880] =	vst v63  }
0xfa: {  	_ =	swait.ge [sflag:s17], $0x3E80  }
0xfb: {  	[sflag:s17] =	ssyncset.done $0x0  }
0xfc: {  	[sflag:s17] =	ssyncadd.s32 $0xFFFFC180  }
0xfd: {  	_ =	swait.ge [sflag:s18], $0x3E80  }
0xfe: {  	[sflag:s18] =	ssyncset.done $0x0  }
0xff: {  	s9 =	rddreg [dreg:$0x13];
	[sflag:s18] =	ssyncadd.s32 $0xFFFFC180  }
0x100: {  	[tilespmem:s14], [sflag:$0x1] =	stream.indirect.gather [hbm4b:s4+s13], $0x80, s9, s13, $0xb8;
	[tilespmem:$0x1C880] =	vst v63  }
0x101: {  	_ = 	snop  }
0x102: {  	[tilespmem:s15], [sflag:$0x1] =	stream.indirect.gather [hbm4b:s4+s13], $0x80, s19, s13, $0xb8;
	[tilespmem:$0x1C880] =	vst v63  }
0x103: {  	_ =	swait.ge [sflag:s16], $0x3E80  }
0x104: {  	[sflag:s16] =	ssyncset.done $0x0  }
0x105: {  	[sflag:s16] =	ssyncadd.s32 $0xFFFFC180  }
0x106: {  	[spmem:s2] =	stream.indirect.scatter.add.f32 [tilespmem:s14], [sflag:$0x2], $0x80, s20, s13, $0xb8;
	[tilespmem:$0x1C880] =	vst v63  }
0x107: {  	_ =	swait.ge [sflag:s16], $0x3E80  }
0x108: {  	[sflag:s16] =	ssyncset.done $0x0  }
0x109: {  	[sflag:s16] =	ssyncadd.s32 $0xFFFFC180  }
0x10a: {  	[spmem:s2] =	stream.indirect.scatter.add.f32 [tilespmem:s15], [sflag:$0x3], $0x80, s21, s13, $0xb8;
	[tilespmem:$0x1C880] =	vst v63  }
0x10b: {  	_ =	swait.ge [sflag:s17], $0x3E80  }
0x10c: {  	[sflag:s17] =	ssyncset.done $0x0  }
0x10d: {  	[sflag:s17] =	ssyncadd.s32 $0xFFFFC180  }
0x10e: {  	[tilespmem:s14], [sflag:$0x1] =	stream.indirect.gather [hbm4b:s4+s13], $0x80, s22, s13, $0xb8;
	[tilespmem:$0x1C880] =	vst v63  }
0x10f: {  	_ =	swait.ge [sflag:s18], $0x3E80  }
0x110: {  	[sflag:s18] =	ssyncset.done $0x0  }
0x111: {  	[sflag:s18] =	ssyncadd.s32 $0xFFFFC180  }
0x112: {  	[tilespmem:s15], [sflag:$0x1] =	stream.indirect.gather [hbm4b:s4+s13], $0x80, s23, s13, $0xb8;
	[tilespmem:$0x1C880] =	vst v63  }
0x113: {  	_ =	swait.ge [sflag:s16], $0x3E80  }
0x114: {  	[sflag:s16] =	ssyncset.done $0x0  }
0x115: {  	[sflag:s16] =	ssyncadd.s32 $0xFFFFC180  }
0x116: {  	[spmem:s2] =	stream.indirect.scatter.add.f32 [tilespmem:s14], [sflag:$0x2], $0x80, s24, s13, $0xb8;
	[tilespmem:$0x1C880] =	vst v63  }
0x117: {  	_ =	swait.ge [sflag:s16], $0x3E80  }
0x118: {  	[sflag:s16] =	ssyncset.done $0x0  }
0x119: {  	[sflag:s16] =	ssyncadd.s32 $0xFFFFC180  }
0x11a: {  	[spmem:s2] =	stream.indirect.scatter.add.f32 [tilespmem:s15], [sflag:$0x3], $0x80, s25, s13, $0xb8;
	[tilespmem:$0x1C880] =	vst v63  }
0x11b: {  	_ =	swait.ge [sflag:s17], $0x3E80  }
0x11c: {  	[sflag:s17] =	ssyncset.done $0x0  }
0x11d: {  	[sflag:s17] =	ssyncadd.s32 $0xFFFFC180  }
0x11e: {  	_ =	swait.ge [sflag:s18], $0x3E80  }
0x11f: {  	[sflag:s18] =	ssyncset.done $0x0  }
0x120: {  	[sflag:s18] =	ssyncadd.s32 $0xFFFFC180  }
0x121: {  	[tilespmem:s14], [sflag:$0x1] =	stream.indirect.gather [hbm4b:s4+s13], $0x80, s26, s13, $0xb8;
	[tilespmem:$0x1C880] =	vst v63  }
0x122: {  	_ = 	snop  }
0x123: {  	[tilespmem:s15], [sflag:$0x1] =	stream.indirect.gather [hbm4b:s4+s13], $0x80, s28, s13, $0xb8;
	[tilespmem:$0x1C880] =	vst v63  }
0x124: {  	_ =	swait.ge [sflag:s16], $0x3E80  }
0x125: {  	[sflag:s16] =	ssyncset.done $0x0  }
0x126: {  	[sflag:s16] =	ssyncadd.s32 $0xFFFFC180  }
0x127: {  	[spmem:s2] =	stream.indirect.scatter.add.f32 [tilespmem:s14], [sflag:$0x2], $0x80, s29, s13, $0xb8;
	[tilespmem:$0x1C880] =	vst v63  }
0x128: {  	_ =	swait.ge [sflag:s16], $0x3E80  }
0x129: {  	[sflag:s16] =	ssyncset.done $0x0  }
0x12a: {  	[sflag:s16] =	ssyncadd.s32 $0xFFFFC180  }
0x12b: {  	[spmem:s2] =	stream.indirect.scatter.add.f32 [tilespmem:s15], [sflag:$0x3], $0x80, s30, s13, $0xb8;
	[tilespmem:$0x1C880] =	vst v63  }
0x12c: {  	_ =	swait.ge [sflag:s17], $0x3E80  }
0x12d: {  	[sflag:s17] =	ssyncset.done $0x0  }
0x12e: {  	[sflag:s17] =	ssyncadd.s32 $0xFFFFC180  }
0x12f: {  	[tilespmem:s14], [sflag:$0x1] =	stream.indirect.gather [hbm4b:s4+s13], $0x80, s31, s13, $0xb8;
	[tilespmem:$0x1C880] =	vst v63  }
0x130: {  	_ =	swait.ge [sflag:s18], $0x3E80  }
0x131: {  	[sflag:s18] =	ssyncset.done $0x0  }
0x132: {  	[sflag:s18] =	ssyncadd.s32 $0xFFFFC180  }
0x133: {  	[tilespmem:s15], [sflag:$0x1] =	stream.indirect.gather [hbm4b:s4+s13], $0x80, s1, s13, $0xb8;
	[tilespmem:$0x1C880] =	vst v63  }
0x134: {  	_ =	swait.ge [sflag:s16], $0x3E80  }
0x135: {  	[sflag:s16] =	ssyncset.done $0x0  }
0x136: {  	[sflag:s16] =	ssyncadd.s32 $0xFFFFC180  }
0x137: {  	[spmem:s2] =	stream.indirect.scatter.add.f32 [tilespmem:s14], [sflag:$0x2], $0x80, s0, s13, $0xb8;
	[tilespmem:$0x1C880] =	vst v63  }
0x138: {  	_ =	swait.ge [sflag:s16], $0x3E80  }
0x139: {  	[sflag:s16] =	ssyncset.done $0x0  }
0x13a: {  	p1 =	sne.s32 s8, $0x400;
	[sflag:s16] =	ssyncadd.s32 $0xFFFFC180  }
0x13b: {  	[spmem:s2] =	stream.indirect.scatter.add.f32 [tilespmem:s15], [sflag:$0x3], $0x80, s5, s13, $0xb8;
	[tilespmem:$0x1C880] =	vst v63  }
.Ltmp0:
0x13c: {  	_ =	swait.ge [sflag:s17], $0x3E80;
	(pc) =	sbr.rel @p1 .LBB2_2-.Ltmp0, $4  }
0x13d: {  	[sflag:s17] =	ssyncset.done $0x0  }
0x13e: {  	[sflag:s17] =	ssyncadd.s32 $0xFFFFC180  }
0x13f: {  	_ =	swait.ge [sflag:s18], $0x3E80  }
0x140: {  	s8 =	sadd.s32 $0x100, s8;
	s9 =	rddreg [dreg:$0x3];
	[sflag:s18] =	ssyncset.done $0x0  }
0x141: {  	[sflag:s18] =	ssyncadd.s32 $0xFFFFC180;
	s6 =	sadd.s32 s7, s9  }
0x142: {  	[tilespmem:s10], [sflag:$0x4] =	stream.linear.gather [hbm4b:s6+s3], $0x800, $0x38;
	[tilespmem:$0x1C880] =	vst v63  }
0x143: {  	_ =	swait.ge [sflag:s11], $0x800  }
0x144: {  	s9 =	rddreg [dreg:$0x4];
	[sflag:s11] =	ssyncset.done $0x0  }
0x145: {  	[sflag:s11] =	ssyncadd.s32 $0xFFFFF800;
	s6 =	sadd.s32 s7, s9  }
0x146: {  	[tilespmem:s12], [sflag:$0x4] =	stream.linear.gather [hbm4b:s6+s3], $0x800, $0x38;
	[tilespmem:$0x1C880] =	vst v63  }
0x147: {  	_ =	swait.ge [sflag:s11], $0x800  }
0x148: {  	[sflag:s11] =	ssyncset.done $0x0  }
0x149: {  	[sflag:s11] =	ssyncadd.s32 $0xFFFFF800  }
0x14a: {  	[tilespmem:s14], [sflag:$0x1] =	stream.indirect.gather [hbm4b:s4+s13], $0x80, s10, s13, $0xb8;
	[tilespmem:$0x1C880] =	vst v63  }
0x14b: {  	s7 =	rddreg [dreg:$0x5]  }
0x14c: {  	[tilespmem:s15], [sflag:$0x1] =	stream.indirect.gather [hbm4b:s4+s13], $0x80, s7, s13, $0xb8;
	[tilespmem:$0x1C880] =	vst v63  }
0x14d: {  	_ =	swait.ge [sflag:s16], $0x3E80  }
0x14e: {  	[sflag:s16] =	ssyncset.done $0x0  }
0x14f: {  	[sflag:s16] =	ssyncadd.s32 $0xFFFFC180  }
0x150: {  	[spmem:s2] =	stream.indirect.scatter.add.f32 [tilespmem:s14], [sflag:$0x2], $0x80, s12, s13, $0xb8;
	[tilespmem:$0x1C880] =	vst v63  }
0x151: {  	_ =	swait.ge [sflag:s16], $0x3E80  }
0x152: {  	[sflag:s16] =	ssyncset.done $0x0  }
0x153: {  	s8 =	rddreg [dreg:$0x6];
	[sflag:s16] =	ssyncadd.s32 $0xFFFFC180  }
0x154: {  	[spmem:s2] =	stream.indirect.scatter.add.f32 [tilespmem:s15], [sflag:$0x3], $0x80, s8, s13, $0xb8;
	[tilespmem:$0x1C880] =	vst v63  }
0x155: {  	_ =	swait.ge [sflag:s17], $0x3E80  }
0x156: {  	[sflag:s17] =	ssyncset.done $0x0  }
0x157: {  	s9 =	rddreg [dreg:$0x7];
	[sflag:s17] =	ssyncadd.s32 $0xFFFFC180  }
0x158: {  	[tilespmem:s14], [sflag:$0x1] =	stream.indirect.gather [hbm4b:s4+s13], $0x80, s9, s13, $0xb8;
	[tilespmem:$0x1C880] =	vst v63  }
0x159: {  	_ =	swait.ge [sflag:s18], $0x3E80  }
0x15a: {  	[sflag:s18] =	ssyncset.done $0x0  }
0x15b: {  	s7 =	rddreg [dreg:$0x8];
	[sflag:s18] =	ssyncadd.s32 $0xFFFFC180  }
0x15c: {  	[tilespmem:s15], [sflag:$0x1] =	stream.indirect.gather [hbm4b:s4+s13], $0x80, s7, s13, $0xb8;
	[tilespmem:$0x1C880] =	vst v63  }
0x15d: {  	_ =	swait.ge [sflag:s16], $0x3E80  }
0x15e: {  	[sflag:s16] =	ssyncset.done $0x0  }
0x15f: {  	s8 =	rddreg [dreg:$0x9];
	[sflag:s16] =	ssyncadd.s32 $0xFFFFC180  }
0x160: {  	[spmem:s2] =	stream.indirect.scatter.add.f32 [tilespmem:s14], [sflag:$0x2], $0x80, s8, s13, $0xb8;
	[tilespmem:$0x1C880] =	vst v63  }
0x161: {  	_ =	swait.ge [sflag:s16], $0x3E80  }
0x162: {  	[sflag:s16] =	ssyncset.done $0x0  }
0x163: {  	s9 =	rddreg [dreg:$0xa];
	[sflag:s16] =	ssyncadd.s32 $0xFFFFC180  }
0x164: {  	[spmem:s2] =	stream.indirect.scatter.add.f32 [tilespmem:s15], [sflag:$0x3], $0x80, s9, s13, $0xb8;
	[tilespmem:$0x1C880] =	vst v63  }
0x165: {  	_ =	swait.ge [sflag:s17], $0x3E80  }
0x166: {  	[sflag:s17] =	ssyncset.done $0x0  }
0x167: {  	[sflag:s17] =	ssyncadd.s32 $0xFFFFC180  }
0x168: {  	_ =	swait.ge [sflag:s18], $0x3E80  }
0x169: {  	[sflag:s18] =	ssyncset.done $0x0  }
0x16a: {  	s7 =	rddreg [dreg:$0xb];
	[sflag:s18] =	ssyncadd.s32 $0xFFFFC180  }
0x16b: {  	[tilespmem:s14], [sflag:$0x1] =	stream.indirect.gather [hbm4b:s4+s13], $0x80, s7, s13, $0xb8;
	[tilespmem:$0x1C880] =	vst v63  }
0x16c: {  	s8 =	rddreg [dreg:$0xc]  }
0x16d: {  	[tilespmem:s15], [sflag:$0x1] =	stream.indirect.gather [hbm4b:s4+s13], $0x80, s8, s13, $0xb8;
	[tilespmem:$0x1C880] =	vst v63  }
0x16e: {  	_ =	swait.ge [sflag:s16], $0x3E80  }
0x16f: {  	[sflag:s16] =	ssyncset.done $0x0  }
0x170: {  	s9 =	rddreg [dreg:$0xd];
	[sflag:s16] =	ssyncadd.s32 $0xFFFFC180  }
0x171: {  	[spmem:s2] =	stream.indirect.scatter.add.f32 [tilespmem:s14], [sflag:$0x2], $0x80, s9, s13, $0xb8;
	[tilespmem:$0x1C880] =	vst v63  }
0x172: {  	_ =	swait.ge [sflag:s16], $0x3E80  }
0x173: {  	[sflag:s16] =	ssyncset.done $0x0  }
0x174: {  	s7 =	rddreg [dreg:$0xe];
	[sflag:s16] =	ssyncadd.s32 $0xFFFFC180  }
0x175: {  	[spmem:s2] =	stream.indirect.scatter.add.f32 [tilespmem:s15], [sflag:$0x3], $0x80, s7, s13, $0xb8;
	[tilespmem:$0x1C880] =	vst v63  }
0x176: {  	_ =	swait.ge [sflag:s17], $0x3E80  }
0x177: {  	[sflag:s17] =	ssyncset.done $0x0  }
0x178: {  	s8 =	rddreg [dreg:$0xf];
	[sflag:s17] =	ssyncadd.s32 $0xFFFFC180  }
0x179: {  	[tilespmem:s14], [sflag:$0x1] =	stream.indirect.gather [hbm4b:s4+s13], $0x80, s8, s13, $0xb8;
	[tilespmem:$0x1C880] =	vst v63  }
0x17a: {  	_ =	swait.ge [sflag:s18], $0x3E80  }
0x17b: {  	[sflag:s18] =	ssyncset.done $0x0  }
0x17c: {  	s9 =	rddreg [dreg:$0x10];
	[sflag:s18] =	ssyncadd.s32 $0xFFFFC180  }
0x17d: {  	[tilespmem:s15], [sflag:$0x1] =	stream.indirect.gather [hbm4b:s4+s13], $0x80, s9, s13, $0xb8;
	[tilespmem:$0x1C880] =	vst v63  }
0x17e: {  	_ =	swait.ge [sflag:s16], $0x3E80  }
0x17f: {  	[sflag:s16] =	ssyncset.done $0x0  }
0x180: {  	s7 =	rddreg [dreg:$0x11];
	[sflag:s16] =	ssyncadd.s32 $0xFFFFC180  }
0x181: {  	[spmem:s2] =	stream.indirect.scatter.add.f32 [tilespmem:s14], [sflag:$0x2], $0x80, s7, s13, $0xb8;
	[tilespmem:$0x1C880] =	vst v63  }
0x182: {  	_ =	swait.ge [sflag:s16], $0x3E80  }
0x183: {  	[sflag:s16] =	ssyncset.done $0x0  }
0x184: {  	s8 =	rddreg [dreg:$0x12];
	[sflag:s16] =	ssyncadd.s32 $0xFFFFC180  }
0x185: {  	[spmem:s2] =	stream.indirect.scatter.add.f32 [tilespmem:s15], [sflag:$0x3], $0x80, s8, s13, $0xb8;
	[tilespmem:$0x1C880] =	vst v63  }
0x186: {  	_ =	swait.ge [sflag:s17], $0x3E80  }
0x187: {  	[sflag:s17] =	ssyncset.done $0x0  }
0x188: {  	[sflag:s17] =	ssyncadd.s32 $0xFFFFC180  }
0x189: {  	_ =	swait.ge [sflag:s18], $0x3E80  }
0x18a: {  	[sflag:s18] =	ssyncset.done $0x0  }
0x18b: {  	s9 =	rddreg [dreg:$0x13];
	[sflag:s18] =	ssyncadd.s32 $0xFFFFC180  }
0x18c: {  	[tilespmem:s14], [sflag:$0x1] =	stream.indirect.gather [hbm4b:s4+s13], $0x80, s9, s13, $0xb8;
	[tilespmem:$0x1C880] =	vst v63  }
0x18d: {  	_ = 	snop  }
0x18e: {  	[tilespmem:s15], [sflag:$0x1] =	stream.indirect.gather [hbm4b:s4+s13], $0x80, s19, s13, $0xb8;
	[tilespmem:$0x1C880] =	vst v63  }
0x18f: {  	_ =	swait.ge [sflag:s16], $0x3E80  }
0x190: {  	[sflag:s16] =	ssyncset.done $0x0  }
0x191: {  	[sflag:s16] =	ssyncadd.s32 $0xFFFFC180  }
0x192: {  	[spmem:s2] =	stream.indirect.scatter.add.f32 [tilespmem:s14], [sflag:$0x2], $0x80, s20, s13, $0xb8;
	[tilespmem:$0x1C880] =	vst v63  }
0x193: {  	_ =	swait.ge [sflag:s16], $0x3E80  }
0x194: {  	[sflag:s16] =	ssyncset.done $0x0  }
0x195: {  	[sflag:s16] =	ssyncadd.s32 $0xFFFFC180  }
0x196: {  	[spmem:s2] =	stream.indirect.scatter.add.f32 [tilespmem:s15], [sflag:$0x3], $0x80, s21, s13, $0xb8;
	[tilespmem:$0x1C880] =	vst v63  }
0x197: {  	_ =	swait.ge [sflag:s17], $0x3E80  }
0x198: {  	[sflag:s17] =	ssyncset.done $0x0  }
0x199: {  	[sflag:s17] =	ssyncadd.s32 $0xFFFFC180  }
0x19a: {  	[tilespmem:s14], [sflag:$0x1] =	stream.indirect.gather [hbm4b:s4+s13], $0x80, s22, s13, $0xb8;
	[tilespmem:$0x1C880] =	vst v63  }
0x19b: {  	_ =	swait.ge [sflag:s18], $0x3E80  }
0x19c: {  	[sflag:s18] =	ssyncset.done $0x0  }
0x19d: {  	[sflag:s18] =	ssyncadd.s32 $0xFFFFC180  }
0x19e: {  	[tilespmem:s15], [sflag:$0x1] =	stream.indirect.gather [hbm4b:s4+s13], $0x80, s23, s13, $0xb8;
	[tilespmem:$0x1C880] =	vst v63  }
0x19f: {  	_ =	swait.ge [sflag:s16], $0x3E80  }
0x1a0: {  	[sflag:s16] =	ssyncset.done $0x0  }
0x1a1: {  	[sflag:s16] =	ssyncadd.s32 $0xFFFFC180  }
0x1a2: {  	[spmem:s2] =	stream.indirect.scatter.add.f32 [tilespmem:s14], [sflag:$0x2], $0x80, s24, s13, $0xb8;
	[tilespmem:$0x1C880] =	vst v63  }
0x1a3: {  	_ =	swait.ge [sflag:s16], $0x3E80  }
0x1a4: {  	[sflag:s16] =	ssyncset.done $0x0  }
0x1a5: {  	[sflag:s16] =	ssyncadd.s32 $0xFFFFC180  }
0x1a6: {  	[spmem:s2] =	stream.indirect.scatter.add.f32 [tilespmem:s15], [sflag:$0x3], $0x80, s25, s13, $0xb8;
	[tilespmem:$0x1C880] =	vst v63  }
0x1a7: {  	_ =	swait.ge [sflag:s17], $0x3E80  }
0x1a8: {  	[sflag:s17] =	ssyncset.done $0x0  }
0x1a9: {  	[sflag:s17] =	ssyncadd.s32 $0xFFFFC180  }
0x1aa: {  	_ =	swait.ge [sflag:s18], $0x3E80  }
0x1ab: {  	[sflag:s18] =	ssyncset.done $0x0  }
0x1ac: {  	[sflag:s18] =	ssyncadd.s32 $0xFFFFC180  }
0x1ad: {  	[tilespmem:s14], [sflag:$0x1] =	stream.indirect.gather [hbm4b:s4+s13], $0x80, s26, s13, $0xb8;
	[tilespmem:$0x1C880] =	vst v63  }
0x1ae: {  	_ = 	snop  }
0x1af: {  	[tilespmem:s15], [sflag:$0x1] =	stream.indirect.gather [hbm4b:s4+s13], $0x80, s28, s13, $0xb8;
	[tilespmem:$0x1C880] =	vst v63  }
0x1b0: {  	_ =	swait.ge [sflag:s16], $0x3E80  }
0x1b1: {  	[sflag:s16] =	ssyncset.done $0x0  }
0x1b2: {  	[sflag:s16] =	ssyncadd.s32 $0xFFFFC180  }
0x1b3: {  	[spmem:s2] =	stream.indirect.scatter.add.f32 [tilespmem:s14], [sflag:$0x2], $0x80, s29, s13, $0xb8;
	[tilespmem:$0x1C880] =	vst v63  }
0x1b4: {  	_ =	swait.ge [sflag:s16], $0x3E80  }
0x1b5: {  	[sflag:s16] =	ssyncset.done $0x0  }
0x1b6: {  	[sflag:s16] =	ssyncadd.s32 $0xFFFFC180  }
0x1b7: {  	[spmem:s2] =	stream.indirect.scatter.add.f32 [tilespmem:s15], [sflag:$0x3], $0x80, s30, s13, $0xb8;
	[tilespmem:$0x1C880] =	vst v63  }
0x1b8: {  	_ =	swait.ge [sflag:s17], $0x3E80  }
0x1b9: {  	[sflag:s17] =	ssyncset.done $0x0  }
0x1ba: {  	[sflag:s17] =	ssyncadd.s32 $0xFFFFC180  }
0x1bb: {  	[tilespmem:s14], [sflag:$0x1] =	stream.indirect.gather [hbm4b:s4+s13], $0x80, s31, s13, $0xb8;
	[tilespmem:$0x1C880] =	vst v63  }
0x1bc: {  	_ =	swait.ge [sflag:s18], $0x3E80  }
0x1bd: {  	[sflag:s18] =	ssyncset.done $0x0  }
0x1be: {  	[sflag:s18] =	ssyncadd.s32 $0xFFFFC180  }
0x1bf: {  	[tilespmem:s15], [sflag:$0x1] =	stream.indirect.gather [hbm4b:s4+s13], $0x80, s1, s13, $0xb8;
	[tilespmem:$0x1C880] =	vst v63  }
0x1c0: {  	_ =	swait.ge [sflag:s16], $0x3E80  }
0x1c1: {  	[sflag:s16] =	ssyncset.done $0x0  }
0x1c2: {  	[sflag:s16] =	ssyncadd.s32 $0xFFFFC180  }
0x1c3: {  	[spmem:s2] =	stream.indirect.scatter.add.f32 [tilespmem:s14], [sflag:$0x2], $0x80, s0, s13, $0xb8;
	[tilespmem:$0x1C880] =	vst v63  }
0x1c4: {  	_ =	swait.ge [sflag:s16], $0x3E80  }
0x1c5: {  	[sflag:s16] =	ssyncset.done $0x0  }
0x1c6: {  	[sflag:s16] =	ssyncadd.s32 $0xFFFFC180  }
0x1c7: {  	[spmem:s2] =	stream.indirect.scatter.add.f32 [tilespmem:s15], [sflag:$0x3], $0x80, s5, s13, $0xb8;
	[tilespmem:$0x1C880] =	vst v63  }
0x1c8: {  	_ =	swait.ge [sflag:s17], $0x3E80  }
0x1c9: {  	[sflag:s17] =	ssyncset.done $0x0  }
0x1ca: {  	[sflag:s17] =	ssyncadd.s32 $0xFFFFC180  }
0x1cb: {  	_ =	swait.ge [sflag:s18], $0x3E80  }
0x1cc: {  	[sflag:s18] =	ssyncset.done $0x0  }
0x1cd: {  	[sflag:s18] =	ssyncadd.s32 $0xFFFFC180  }
0x1ce: {  	[bflag:$0x0] =	sbarrier.arrive $0xFFFF  }
0x1cf: {  	s6 =	rddreg [dreg:$0x15]  }
0x1d0: {  	s8 =	rddreg [dreg:$0x17]  }
0x1d1: {  	s7 =	simm.s32 @!p0 $0x4;
	s9 =	rddreg [dreg:$0x18]  }
0x1d2: {  	[hbm:s6], [sflag:s8] =	dma.local @!p0 [spmem:s9], $0x3E80  }
0x1d3: {  	_ =	swait.ge @!p0 [sflag:s7], $0x3E80  }
0x1d4: {  	s6 =	rddreg [dreg:$0x19]  }
0x1d5: {  	[sflag:s7] =	ssyncset.done @!p0 $0x0;
	s7 =	rddreg [dreg:$0x16];
	s6 =	sadd.s32 $0x1, s6  }
0x1d6: {  	p1 =	sne.s32 s6, s7  }
.Ltmp1:
0x1d7: {  	_ = 	snop;
	(pc) =	sbr.rel @p1 .LBB2_1-.Ltmp1, $3  }
0x1d8: {  	_ =	sdelay $0x1  }
0x1d9: {  	[dreg:$0x19] =	wrdreg s6;
	s6 =	simm.s32 @!p0 $0x4  }
0x1da: {  	[sflag:s6] =	ssyncadd.s32 @!p0 $0xFFFFC180  }
0x1db: {  	_ =	sfence.sel $0x180000  }
0x1dc: {  	[bflag:$0x0] =	sbarrier.arrive $0xFFFF  }
0x1dd: {  	_ =	strace $0x90000053  }
0x1de: {  	s0 =	stileid.u32;
	[bflag:$0x2] =	sbarrier.arrive $0xFFFF  }
0x1df: {  	p0 =	sne.s32 s0, $0x0;
	s0 =	rddreg [dreg:$0x2]  }
0x1e0: {  	s0 =	sadd.s32 @!p0 $0x100000, s0  }
0x1e1: {  	[sflag:s0] =	ssyncadd.tile.s32 @!p0 $0x1;
	_ =	shalt  }
.Lfunc_end2:
_tile_overlayer_lowered:
.L_overlay_start_2:
0x1e2: {  	(tag) =	ssettag $0x2  }
0x1e3: {  	s0 =	rddreg [dreg:$0x0];
	s2 =	stileid.u32  }
0x1e4: {  	s1 =	rddreg [dreg:$0x1];
	p0 =	sne.s32 s2, $0x0  }
0x1e5: {  	s3 =	rddreg [dreg:$0x2];
	[bflag:$0x3] =	sbarrier.arrive $0xFFFF;
	s2 =	simm.s32 @!p0 $0x1C04  }
0x1e6: {  	[timem:s3], [sflag:s2] =	dma.local @!p0 [hbm:s0], s1  }
0x1e7: {  	s0 =	simm.s32 @!p0 $0x4  }
0x1e8: {  	_ =	swait.ge @!p0 [sflag:s0], s1  }
0x1e9: {  	s1 =	ssub.s32 @!p0 $0x0, s1;
	[sflag:s0] =	ssyncset.done @!p0 $0x0  }
0x1ea: {  	[sflag:s0] =	ssyncadd.s32 @!p0 s1  }
0x1eb: {  	[bflag:$0x3] =	sbarrier.arrive $0xFFFF  }
0x1ec: {  	_ =	shalt  }

</sc_bundles>
